<compile_context>
chip_gen: v7x
topology: tpu7x:2x2x1
jax: 0.10.2.dev20260603
libtpu: 0.0.44.dev20260713+nightly
codegen_flags: <defaults>
</compile_context>

<pallas_src>
import jax
import jax.numpy as jnp
from jax import lax
from jax.experimental import pallas as pl
from jax.experimental.pallas import tpu as pltpu
from jax.experimental.pallas import tpu_sc as plsc

N = 10000
N_PAD = 10240
E = 320000
E_PAD = 327680
K0 = 8000
K1 = 6400
NC = 2
NS = 16
NB_DEG = E_PAD // (NC * NS) // 128
NB_SC = E_PAD // NS // 128
ROWS_PER_SUB = N_PAD // NS



def _deg_body(src_hbm, dst_hbm, kept_hbm, dega_hbm, degb_hbm,
              src_v, dst_v, kept_v, rows_v, acc_sh):
    c = lax.axis_index("c")
    s = lax.axis_index("s")
    wid = s * NC + c

    def zrow(r, carry):
        rows_v[r, :] = jnp.zeros((16,), jnp.float32)
        return carry
    lax.fori_loop(0, 128, zrow, 0)
    for kk in range(ROWS_PER_SUB // 128):
        pltpu.sync_copy(rows_v, acc_sh.at[pl.ds(s * ROWS_PER_SUB + kk * 128, 128)])
    pltpu.sync_copy(src_hbm.at[wid], src_v)
    pltpu.sync_copy(dst_hbm.at[wid], dst_v)
    pltpu.sync_copy(kept_hbm, kept_v)
    plsc.subcore_barrier()

    iota16 = lax.broadcasted_iota(jnp.int32, (16,), 0)
    zero16 = jnp.zeros((16,), jnp.int32)

    def body(j, carry):
        for t in range(8):
            s16 = src_v[j, pl.ds(16 * t, 16)]
            d16 = dst_v[j, pl.ds(16 * t, 16)]
            sv = plsc.load_gather(kept_v, [s16])
            dv = plsc.load_gather(kept_v, [d16])
            plsc.store_scatter(rows_v, [iota16 + (16 * t), zero16], sv * dv)
        pltpu.sync_copy(rows_v, acc_sh.at[dst_v.at[j]], add=True)
        return carry
    lax.fori_loop(0, NB_DEG, body, 0)
    plsc.subcore_barrier()

    @pl.when(c == 0)
    def _():
        pltpu.sync_copy(acc_sh.at[pl.ds(s * ROWS_PER_SUB, ROWS_PER_SUB)],
                        dega_hbm.at[pl.ds(s * ROWS_PER_SUB, ROWS_PER_SUB)])

    @pl.when(c == 1)
    def _():
        pltpu.sync_copy(acc_sh.at[pl.ds(s * ROWS_PER_SUB, ROWS_PER_SUB)],
                        degb_hbm.at[pl.ds(s * ROWS_PER_SUB, ROWS_PER_SUB)])


def _make_deg():
    mesh = plsc.VectorSubcoreMesh(core_axis_name="c", subcore_axis_name="s")
    return pl.kernel(
        _deg_body,
        mesh=mesh,
        compiler_params=pltpu.CompilerParams(needs_layout_passes=False,
                                             use_tc_tiling_on_sc=False),
        out_type=[jax.ShapeDtypeStruct((N_PAD, 16), jnp.float32),
                  jax.ShapeDtypeStruct((N_PAD, 16), jnp.float32)],
        scratch_types=[
            pltpu.VMEM((NB_DEG, 128), jnp.int32),
            pltpu.VMEM((NB_DEG, 128), jnp.int32),
            pltpu.VMEM((N_PAD,), jnp.float32),
            pltpu.VMEM((128, 16), jnp.float32),
            pltpu.VMEM_SHARED((N_PAD, 16), jnp.float32),
        ],
    )


def _zero_acc_slice(buf_v, acc_sh, s, dh):
    def zrow(r, carry):
        for t in range(dh // 16):
            buf_v[r, pl.ds(16 * t, 16)] = jnp.zeros((16,), jnp.float32)
        return carry
    lax.fori_loop(0, 128, zrow, 0)
    for kk in range(ROWS_PER_SUB // 128):
        pltpu.sync_copy(buf_v, acc_sh.at[pl.ds(s * ROWS_PER_SUB + kk * 128, 128)])


def _agg_loop(nb, g_ref, src_v, dst_v, buf_a, buf_b, sem_a, sem_b, acc_sh):
    pltpu.make_async_copy(g_ref.at[src_v.at[0]], buf_a, sem_a).start()
    pltpu.make_async_copy(g_ref.at[src_v.at[1]], buf_b, sem_b).start()

    def body(i, carry):
        j = 2 * i
        pltpu.make_async_copy(g_ref.at[src_v.at[j]], buf_a, sem_a).wait()
        pltpu.sync_copy(buf_a, acc_sh.at[dst_v.at[j]], add=True)

        @pl.when(j + 2 < nb)
        def _():
            pltpu.make_async_copy(g_ref.at[src_v.at[j + 2]], buf_a, sem_a).start()
        pltpu.make_async_copy(g_ref.at[src_v.at[j + 1]], buf_b, sem_b).wait()
        pltpu.sync_copy(buf_b, acc_sh.at[dst_v.at[j + 1]], add=True)

        @pl.when(j + 3 < nb)
        def _():
            pltpu.make_async_copy(g_ref.at[src_v.at[j + 3]], buf_b, sem_b).start()
        return carry
    lax.fori_loop(0, nb // 2, body, 0)


def _scatter_body(dh, ga_hbm, gb_hbm, src_hbm, dst_hbm, agga_hbm, aggb_hbm,
                  src_v, dst_v, buf_a, buf_b, acc_sh, sem_a, sem_b):
    c = lax.axis_index("c")
    s = lax.axis_index("s")
    _zero_acc_slice(buf_a, acc_sh, s, dh)
    pltpu.sync_copy(src_hbm.at[s], src_v)
    pltpu.sync_copy(dst_hbm.at[s], dst_v)
    plsc.subcore_barrier()

    @pl.when(c == 0)
    def _():
        _agg_loop(NB_SC, ga_hbm, src_v, dst_v, buf_a, buf_b, sem_a, sem_b,
                  acc_sh)

    @pl.when(c == 1)
    def _():
        _agg_loop(NB_SC, gb_hbm, src_v, dst_v, buf_a, buf_b, sem_a, sem_b,
                  acc_sh)
    plsc.subcore_barrier()

    @pl.when(c == 0)
    def _():
        pltpu.sync_copy(acc_sh.at[pl.ds(s * ROWS_PER_SUB, ROWS_PER_SUB)],
                        agga_hbm.at[pl.ds(s * ROWS_PER_SUB, ROWS_PER_SUB)])

    @pl.when(c == 1)
    def _():
        pltpu.sync_copy(acc_sh.at[pl.ds(s * ROWS_PER_SUB, ROWS_PER_SUB)],
                        aggb_hbm.at[pl.ds(s * ROWS_PER_SUB, ROWS_PER_SUB)])


def _make_scatter(dh):
    mesh = plsc.VectorSubcoreMesh(core_axis_name="c", subcore_axis_name="s")
    return pl.kernel(
        lambda *refs: _scatter_body(dh, *refs),
        mesh=mesh,
        compiler_params=pltpu.CompilerParams(needs_layout_passes=False,
                                             use_tc_tiling_on_sc=False),
        out_type=[jax.ShapeDtypeStruct((N_PAD, dh), jnp.float32),
                  jax.ShapeDtypeStruct((N_PAD, dh), jnp.float32)],
        scratch_types=[
            pltpu.VMEM((NB_SC, 128), jnp.int32),
            pltpu.VMEM((NB_SC, 128), jnp.int32),
            pltpu.VMEM((128, dh), jnp.float32),
            pltpu.VMEM((128, dh), jnp.float32),
            pltpu.VMEM_SHARED((N_PAD, dh), jnp.float32),
            pltpu.SemaphoreType.DMA,
            pltpu.SemaphoreType.DMA,
        ],
    )


def _scatter2_body(ga0, ga1, gb0, gb1, src_hbm, dst_hbm,
                   oa0, oa1, ob0, ob1, src_v, dst_v, buf_a, buf_b, acc_sh,
                   sem_a, sem_b):
    c = lax.axis_index("c")
    s = lax.axis_index("s")
    pltpu.sync_copy(src_hbm.at[s], src_v)
    pltpu.sync_copy(dst_hbm.at[s], dst_v)

    def phase(g_ref, o_ref):
        _zero_acc_slice(buf_a, acc_sh, s, 64)
        plsc.subcore_barrier()
        _agg_loop(NB_SC, g_ref, src_v, dst_v, buf_a, buf_b, sem_a, sem_b,
                  acc_sh)
        plsc.subcore_barrier()
        pltpu.sync_copy(acc_sh.at[pl.ds(s * ROWS_PER_SUB, ROWS_PER_SUB)],
                        o_ref.at[pl.ds(s * ROWS_PER_SUB, ROWS_PER_SUB)])
        plsc.subcore_barrier()

    @pl.when(c == 0)
    def _():
        phase(ga0, oa0)
        phase(ga1, oa1)

    @pl.when(c == 1)
    def _():
        phase(gb0, ob0)
        phase(gb1, ob1)


def _make_scatter2():
    mesh = plsc.VectorSubcoreMesh(core_axis_name="c", subcore_axis_name="s")
    return pl.kernel(
        _scatter2_body,
        mesh=mesh,
        compiler_params=pltpu.CompilerParams(needs_layout_passes=False,
                                             use_tc_tiling_on_sc=False),
        out_type=[jax.ShapeDtypeStruct((N_PAD, 64), jnp.float32)] * 4,
        scratch_types=[
            pltpu.VMEM((NB_SC, 128), jnp.int32),
            pltpu.VMEM((NB_SC, 128), jnp.int32),
            pltpu.VMEM((128, 64), jnp.float32),
            pltpu.VMEM((128, 64), jnp.float32),
            pltpu.VMEM_SHARED((N_PAD, 64), jnp.float32),
            pltpu.SemaphoreType.DMA,
            pltpu.SemaphoreType.DMA,
        ],
    )



def _kth_bits(bits, k):
    def step(_, lohi):
        lo, hi = lohi
        mid = lo + (hi - lo) // 2
        cnt = jnp.sum((bits >= mid).astype(jnp.int32))
        ok = cnt >= k
        return jnp.where(ok, mid, lo), jnp.where(ok, hi, mid)
    lo, _ = lax.fori_loop(0, 31, step, (jnp.int32(0), jnp.int32(0x7F800001)))
    return lo


def _tc_a_body(x_ref, w_ref, da_ref, db_ref, ga_ref, gb_ref, dk_ref):
    x = x_ref[...]
    h = lax.dot_general(x, w_ref[...], (((2,), (0,)), ((), ())),
                        preferred_element_type=jnp.float32)
    deg = 1.0 + da_ref[...] + db_ref[...]
    dk = lax.rsqrt(deg)
    dk_ref[...] = dk
    g = h * dk[:, :, None]
    ga_ref[...] = g[:, :, :64]
    gb_ref[...] = g[:, :, 64:]


def _tc_d1_body(ga_ref, gb_ref, aa_ref, ab_ref, dk_ref, b_ref, p_ref,
                x1m_ref, kept_ref):
    g = jnp.concatenate([ga_ref[...], gb_ref[...]], axis=2)
    agg = jnp.concatenate([aa_ref[...], ab_ref[...]], axis=2)
    dk = dk_ref[...]
    x1 = jax.nn.relu(dk[:, :, None] * (agg + g) + b_ref[...])
    p = p_ref[...]
    pn = p * lax.rsqrt(jnp.sum(p * p))
    sc = lax.dot_general(x1, pn, (((2,), (1,)), ((), ())),
                         preferred_element_type=jnp.float32)[..., 0]
    score = jax.nn.relu(sc)
    ridx = lax.broadcasted_iota(jnp.int32, (80, 128), 0)
    cidx = lax.broadcasted_iota(jnp.int32, (80, 128), 1)
    valid = (ridx * 128 + cidx) < N
    score = jnp.where(valid, score, 0.0)
    bits = lax.bitcast_convert_type(score, jnp.int32)
    lo = _kth_bits(bits, K0)
    pos = bits > 0
    need = (K0 - jnp.sum(pos.astype(jnp.int32))).astype(jnp.float32)
    z = jnp.where((bits == 0) & valid, 1.0, 0.0)
    rs = jnp.sum(z, axis=1, keepdims=True)
    ri = lax.broadcasted_iota(jnp.int32, (80, 80), 0)
    ci = lax.broadcasted_iota(jnp.int32, (80, 80), 1)
    tri_r = jnp.where(ri > ci, 1.0, 0.0)
    pre_rows = jnp.dot(tri_r, rs, preferred_element_type=jnp.float32)
    ai = lax.broadcasted_iota(jnp.int32, (128, 128), 0)
    bi = lax.broadcasted_iota(jnp.int32, (128, 128), 1)
    tri_c = jnp.where(ai < bi, 1.0, 0.0)
    within = jnp.dot(z, tri_c, preferred_element_type=jnp.float32)
    zrank = pre_rows + within
    kept_b = (bits >= jnp.maximum(lo, 1)) | ((z > 0.0) & (zrank < need))
    kept = jnp.where(kept_b, 1.0, 0.0)
    kept_ref[...] = kept
    x1m_ref[...] = x1 * (score * kept)[:, :, None]


def _tc_f_body(x1m_ref, w_ref, da_ref, db_ref, kept_ref,
               gh0_ref, gh1_ref, dk_ref):
    deg = 1.0 + da_ref[...] + db_ref[...]
    dk = lax.rsqrt(deg) * kept_ref[...]
    dk_ref[...] = dk
    x1m = x1m_ref[...]
    w = w_ref[...]
    h0 = lax.dot_general(x1m, w[:, :128], (((2,), (0,)), ((), ())),
                         preferred_element_type=jnp.float32)
    gh0_ref[...] = h0 * dk[:, :, None]
    h1 = lax.dot_general(x1m, w[:, 128:], (((2,), (0,)), ((), ())),
                         preferred_element_type=jnp.float32)
    gh1_ref[...] = h1 * dk[:, :, None]


def _tc_h_body(gh0_ref, gh1_ref, ah0_ref, ah1_ref,
               dk_ref, kept_ref, b_ref, p_ref,
               l1w_ref, l1b_ref, l2wa_ref, l2wb_ref, l2b_ref, sc_ref,
               pred_ref, xl1_ref):
    dk = dk_ref[...]
    p = p_ref[...]
    pn = p * lax.rsqrt(jnp.sum(p * p))
    g_refs = (gh0_ref, gh1_ref)
    a_refs = (ah0_ref, ah1_ref)

    def xhalf(q):
        return jax.nn.relu(dk[:, :, None] * (a_refs[q][...] + g_refs[q][...])
                           + b_ref[0:1, 128 * q:128 * (q + 1)])

    s2 = jnp.zeros((80, 128), jnp.float32)
    for q in range(2):
        pq = pn[0:1, 128 * q:128 * (q + 1)]
        s2 = s2 + lax.dot_general(xhalf(q), pq, (((2,), (1,)), ((), ())),
                                  preferred_element_type=jnp.float32)[..., 0]
    score = jax.nn.relu(s2) * kept_ref[...]
    bits = lax.bitcast_convert_type(score, jnp.int32)
    lo = _kth_bits(bits, K1)
    sel = bits >= jnp.maximum(lo, 1)
    wgt = jnp.where(sel, score, 0.0)
    pooled_q = []
    for q in range(2):
        part = jnp.sum(xhalf(q) * wgt[:, :, None], axis=0)
        pooled_q.append(jnp.sum(part, axis=0, keepdims=True) / K1)
    pooled = jnp.concatenate(pooled_q, axis=1)
    xl1 = jax.nn.relu(jnp.dot(pooled, l1w_ref[...],
                              preferred_element_type=jnp.float32) + l1b_ref[...])
    sexv = sc_ref[0, 0]
    cagv = sc_ref[0, 1]
    logits = (jnp.dot(xl1, l2wa_ref[...], preferred_element_type=jnp.float32)
              + sexv * l2wb_ref[0:1, :] + cagv * l2wb_ref[1:2, :] + l2b_ref[...])
    lane = lax.broadcasted_iota(jnp.int32, (1, 128), 1)
    neg = jnp.float32(-3.0e38)
    ml = jnp.where(lane < 5, logits, neg)
    m = jnp.max(ml)
    e = jnp.where(lane < 5, jnp.exp(ml - m), 0.0)
    prob = e / jnp.sum(e)
    pred_ref[...] = jnp.broadcast_to(prob, (8, 128))
    xl1_ref[...] = jnp.broadcast_to(xl1, (8, 256))


def _sds(shape):
    return jax.ShapeDtypeStruct(shape, jnp.float32)


_tc_a = pl.pallas_call(_tc_a_body,
                       out_shape=[_sds((80, 128, 64)), _sds((80, 128, 64)),
                                  _sds((80, 128))])
_tc_d1 = pl.pallas_call(_tc_d1_body,
                        out_shape=[_sds((80, 128, 128)), _sds((80, 128))])
_tc_f = pl.pallas_call(_tc_f_body,
                       out_shape=[_sds((80, 128, 128)), _sds((80, 128, 128)),
                                  _sds((80, 128))])
_tc_h = pl.pallas_call(_tc_h_body,
                       out_shape=[_sds((8, 128)), _sds((8, 256))])

_deg_call = _make_deg()
_scatter64 = _make_scatter(64)
_scatter2 = _make_scatter2()


def kernel(x, edge_index, edge_attr, batch, sex, cag, conv_W0, conv_b0,
           pool_p0, conv_W1, conv_b1, pool_p1, lin1_W, lin1_b, lin2_W, lin2_b):
    f32 = jnp.float32
    x_p = jnp.pad(x, ((0, N_PAD - N), (0, 0))).reshape(80, 128, 128)
    padi = jnp.full((E_PAD - E,), N_PAD - 1, jnp.int32)
    src_p = jnp.concatenate([edge_index[0], padi])
    dst_p = jnp.concatenate([edge_index[1], padi])
    src_deg = src_p.reshape(NC * NS, NB_DEG, 128)
    dst_deg = dst_p.reshape(NC * NS, NB_DEG, 128)
    src_sc = src_p.reshape(NS, NB_SC, 128)
    dst_sc = dst_p.reshape(NS, NB_SC, 128)
    ones_k = (jnp.arange(N_PAD) < N).astype(f32)

    dega, degb = _deg_call(src_deg, dst_deg, ones_k)
    d0a = dega[:, 0].reshape(80, 128)
    d0b = degb[:, 0].reshape(80, 128)
    g0a, g0b, dk0 = _tc_a(x_p, conv_W0, d0a, d0b)
    agg0a, agg0b = _scatter64(g0a.reshape(N_PAD, 64), g0b.reshape(N_PAD, 64),
                              src_sc, dst_sc)
    x1m, kept0 = _tc_d1(g0a, g0b, agg0a.reshape(80, 128, 64),
                        agg0b.reshape(80, 128, 64), dk0,
                        conv_b0.reshape(1, 128), pool_p0.reshape(1, 128))
    deg1a, deg1b = _deg_call(src_deg, dst_deg, kept0.reshape(N_PAD))
    d1a = deg1a[:, 0].reshape(80, 128)
    d1b = deg1b[:, 0].reshape(80, 128)
    gh0, gh1, dk1 = _tc_f(x1m, conv_W1, d1a, d1b, kept0)
    gh0f = gh0.reshape(N_PAD, 128)
    gh1f = gh1.reshape(N_PAD, 128)
    a10, a11, a12, a13 = _scatter2(gh0f[:, :64], gh0f[:, 64:],
                                   gh1f[:, :64], gh1f[:, 64:],
                                   src_sc, dst_sc)
    ah0 = jnp.concatenate([a10, a11], axis=1).reshape(80, 128, 128)
    ah1 = jnp.concatenate([a12, a13], axis=1).reshape(80, 128, 128)
    l2wa = jnp.pad(lin2_W[:256], ((0, 0), (0, 123)))
    l2wb = jnp.pad(lin2_W[256:], ((0, 0), (0, 123)))
    l2bp = jnp.pad(lin2_b.reshape(1, 5), ((0, 0), (0, 123)))
    scv = jnp.pad(jnp.concatenate([sex, cag]).reshape(1, 2), ((0, 0), (0, 126)))
    pred8, xl18 = _tc_h(gh0, gh1, ah0, ah1, dk1, kept0,
                        conv_b1.reshape(1, 256), pool_p1.reshape(1, 256),
                        lin1_W, lin1_b.reshape(1, 256), l2wa, l2wb, l2bp, scv)
    return pred8[0:1, 0:5], xl18[0:1, :]

# --- scband reference (transcript-rebuilt; emitter-appended) ---
"""Pipeline reference for scband-gnnconv-dropout-pool-16647293239654 (READ-ONLY COPY).

The authoritative reference and input builder live on the scoring server;
editing this copy changes nothing except your own understanding.
"""

import jax, jax.numpy as jnp
import numpy as np
import math

N = 10000
E = 320000
D_IN = 128
HID = 64
NUM_CLASSES = 5
RATIO = 0.8
D_EDGE = 4


def setup_inputs(seed: int = 0):
    key = jax.random.key(seed)
    ks = jax.random.split(key, 16)
    d0_in, d0_out = D_IN, HID * 2
    d1_in, d1_out = HID * 2, HID * 4
    inp = {}
    inp['x'] = jax.random.normal(ks[0], (N, D_IN), jnp.float32)
    inp['edge_index'] = jax.random.randint(ks[1], (2, E), 0, N, jnp.int32)
    inp['edge_attr'] = jax.random.normal(ks[2], (E, D_EDGE), jnp.float32)
    inp['batch'] = jnp.zeros((N,), jnp.int32)
    inp['sex'] = jax.random.uniform(ks[3], (1,), jnp.float32)
    inp['cag'] = jax.random.uniform(ks[4], (1,), jnp.float32)
    inp['conv_W0'] = jax.random.normal(ks[5], (d0_in, d0_out), jnp.float32) / math.sqrt(d0_in)
    inp['conv_b0'] = jnp.zeros((d0_out,), jnp.float32)
    inp['pool_p0'] = jax.random.normal(ks[6], (d0_out,), jnp.float32) / math.sqrt(d0_out)
    inp['conv_W1'] = jax.random.normal(ks[7], (d1_in, d1_out), jnp.float32) / math.sqrt(d1_in)
    inp['conv_b1'] = jnp.zeros((d1_out,), jnp.float32)
    inp['pool_p1'] = jax.random.normal(ks[8], (d1_out,), jnp.float32) / math.sqrt(d1_out)
    inp['lin1_W'] = jax.random.normal(ks[9], (d1_out, d1_out), jnp.float32) / math.sqrt(d1_out)
    inp['lin1_b'] = jnp.zeros((d1_out,), jnp.float32)
    inp['lin2_W'] = jax.random.normal(ks[10], (d1_out + 2, NUM_CLASSES), jnp.float32) / math.sqrt(d1_out + 2)
    inp['lin2_b'] = jnp.zeros((NUM_CLASSES,), jnp.float32)
    return inp


def gcn_conv(x, W, b, src, dst, emask):
    # GCNConv with self-loops; dropped edges have weight 0 via emask
    h = x @ W
    n = x.shape[0]
    ew = emask.astype(h.dtype)
    deg = jnp.ones((n,), h.dtype).at[dst].add(ew)  # +1 for self-loop
    dinv = jax.lax.rsqrt(deg)
    coef = dinv[src] * dinv[dst] * ew
    out = jnp.zeros_like(h).at[dst].add(coef[:, None] * h[src])
    out = out + (dinv * dinv)[:, None] * h  # self-loop messages
    return out + b


def topk_pool(x, p, src, dst, emask, ratio):
    # TopKPooling (single graph): score = nonlin(x.w / ||w||); keep top ceil(ratio*n)
    n = x.shape[0]
    score = jax.nn.relu((x @ p) / jnp.linalg.norm(p))
    k = int(math.ceil(ratio * n))
    _, perm = jax.lax.top_k(jax.lax.stop_gradient(score), k)
    x_new = x[perm] * score[perm][:, None]
    kept = jnp.zeros((n,), bool).at[perm].set(True)
    new_idx = jnp.zeros((n,), src.dtype).at[perm].set(jnp.arange(k, dtype=src.dtype))
    emask_new = emask & kept[src] & kept[dst]
    return x_new, new_idx[src], new_idx[dst], emask_new, perm, score[perm]


def reference(x, edge_index, edge_attr, batch, sex, cag, conv_W0, conv_b0, pool_p0, conv_W1, conv_b1, pool_p1, lin1_W, lin1_b, lin2_W, lin2_b):
    src, dst = edge_index[0], edge_index[1]
    emask = jnp.ones(src.shape, bool)
    layers = [(conv_W0, conv_b0, pool_p0), (conv_W1, conv_b1, pool_p1)]
    for W, b, p in layers:
        x = jax.nn.relu(gcn_conv(x, W, b, src, dst, emask))
        x, src, dst, emask, perm, sc = topk_pool(x, p, src, dst, emask, RATIO)
    # dropout is identity at inference
    pooled = jnp.mean(x, axis=0, keepdims=True)  # global_mean_pool, single graph
    x_lin1 = jax.nn.relu(pooled @ lin1_W + lin1_b)
    feat = jnp.concatenate([x_lin1, sex[:, None], cag[:, None]], axis=1)
    logits = feat @ lin2_W + lin2_b
    prediction = jax.nn.softmax(logits, axis=1)
    return prediction, x_lin1

if __name__ == "__main__":
    import jax
    _d = setup_inputs()
    print(jax.jit(kernel)(*tuple(_d.values())))

</pallas_src>

<mosaic_0001>
#map = affine_map<(d0, d1) -> (0, 0, 0)>
#map1 = affine_map<(d0, d1) -> (0)>
#map2 = affine_map<(d0, d1) -> (0, 0)>
module attributes {stable_mosaic.version = 14 : i64} {
  func.func @_deg_body(%arg0: i32, %arg1: i32, %arg2: memref<32x80x128xi32, #tpu.memory_space<hbm>>, %arg3: memref<32x80x128xi32, #tpu.memory_space<hbm>>, %arg4: memref<10240xf32, #tpu.memory_space<hbm>>, %arg5: memref<10240x16xf32, #tpu.memory_space<hbm>>, %arg6: memref<10240x16xf32, #tpu.memory_space<hbm>>, %arg7: memref<80x128xi32, #tpu.memory_space<vmem>>, %arg8: memref<80x128xi32, #tpu.memory_space<vmem>>, %arg9: memref<10240xf32, #tpu.memory_space<vmem>>, %arg10: memref<128x16xf32, #tpu.memory_space<vmem>>, %arg11: memref<10240x16xf32, #tpu.memory_space<vmem_shared>>) attributes {dimension_semantics = [#tpu.dimension_semantics<core_parallel>, #tpu.dimension_semantics<subcore_parallel>], iteration_bounds = array<i64: 2, 16>, scalar_prefetch = 0 : i64, scratch_operands = 5 : i64, tpu.core_type = #tpu.core_type<sc_vector_subcore>, window_params = [{transform_indices = #map}, {transform_indices = #map}, {transform_indices = #map1}, {transform_indices = #map2}, {transform_indices = #map2}]} {
    %mul3A = arith.constant 2 : i32
    %mul3A_0 = arith.muli %arg1, %mul3A : i32
    %add3A = arith.addi %mul3A_0, %arg0 : i32
    %scan3A = arith.constant 0 : i32
    %scan3A_1 = arith.constant 0 : i32
    %scan3A_2 = arith.constant 128 : i32
    %scan3A_3 = arith.addi %scan3A_1, %scan3A_2 : i32
    %scan3A_4 = arith.constant 1 : i32
    scf.for %scan3A_41 = %scan3A_1 to %scan3A_3 step %scan3A_4  : i32 {
      %broadcast_in_dim3A_42 = arith.constant 0.000000e+00 : f32
      %broadcast_in_dim3A_43 = vector.broadcast %broadcast_in_dim3A_42 : f32 to vector<16xf32>
      %swap3A = arith.index_cast %scan3A_41 : i32 to index
      %swap3A_44 = arith.constant 0 : index
      %swap3A_45 = tpu.vector_load %arg10[%swap3A, %swap3A_44] {strides = array<i32>} : memref<128x16xf32, #tpu.memory_space<vmem>>, vector<16xf32>,
      tpu.vector_store %arg10[%swap3A, %swap3A_44], %broadcast_in_dim3A_43 {strides = array<i32>} : memref<128x16xf32, #tpu.memory_space<vmem>>, vector<16xf32>,
    }
    %scan3A_5 = arith.constant 128 : i32
    %mul3A_6 = arith.constant 640 : i32
    %mul3A_7 = arith.muli %arg1, %mul3A_6 : i32
    %add3A_8 = arith.constant 0 : i32
    %add3A_9 = arith.addi %mul3A_7, %add3A_8 : i32
    "tpu.region"() ({
      %run_scoped3A = tpu.sem_alloc : memref<!tpu.dma_semaphore, #tpu.memory_space<semaphore_mem>>
      %dma_start3A = arith.constant 0 : i32
      %dma_start3A_41 = tpu.memref_slice %arg11[%add3A_9, %dma_start3A] : memref<10240x16xf32, #tpu.memory_space<vmem_shared>> -> memref<128x16xf32, #tpu.memory_space<vmem_shared>>
      %dma_start3A_42 = arith.constant 0 : i32
      %dma_start3A_43 = tpu.memref_slice %arg11[%add3A_9, %dma_start3A_42] : memref<10240x16xf32, #tpu.memory_space<vmem_shared>> -> memref<128x16xf32, #tpu.memory_space<vmem_shared>>
      tpu.enqueue_dma source(%arg10 : memref<128x16xf32, #tpu.memory_space<vmem>>) target(%dma_start3A_43 : memref<128x16xf32, #tpu.memory_space<vmem_shared>>) target_semaphore(%run_scoped3A : memref<!tpu.dma_semaphore, #tpu.memory_space<semaphore_mem>>)
      %dma_wait3A = arith.constant 0 : i32
      %dma_wait3A_44 = tpu.memref_slice %arg11[%add3A_9, %dma_wait3A] : memref<10240x16xf32, #tpu.memory_space<vmem_shared>> -> memref<128x16xf32, #tpu.memory_space<vmem_shared>>
      %dma_wait3A_45 = arith.constant 0 : i32
      %dma_wait3A_46 = tpu.memref_slice %arg11[%add3A_9, %dma_wait3A_45] : memref<10240x16xf32, #tpu.memory_space<vmem_shared>> -> memref<128x16xf32, #tpu.memory_space<vmem_shared>>
      tpu.wait_dma2 semaphore(%run_scoped3A : memref<!tpu.dma_semaphore, #tpu.memory_space<semaphore_mem>>) src(%arg10 : memref<128x16xf32, #tpu.memory_space<vmem>>) dst(%dma_wait3A_46 : memref<128x16xf32, #tpu.memory_space<vmem_shared>>)
      tpu.yield
    }) : () -> ()
    %mul3A_10 = arith.constant 640 : i32
    %mul3A_11 = arith.muli %arg1, %mul3A_10 : i32
    %add3A_12 = arith.constant 128 : i32
    %add3A_13 = arith.addi %mul3A_11, %add3A_12 : i32
    "tpu.region"() ({
      %run_scoped3A = tpu.sem_alloc : memref<!tpu.dma_semaphore, #tpu.memory_space<semaphore_mem>>
      %dma_start3A = arith.constant 0 : i32
      %dma_start3A_41 = tpu.memref_slice %arg11[%add3A_13, %dma_start3A] : memref<10240x16xf32, #tpu.memory_space<vmem_shared>> -> memref<128x16xf32, #tpu.memory_space<vmem_shared>>
      %dma_start3A_42 = arith.constant 0 : i32
      %dma_start3A_43 = tpu.memref_slice %arg11[%add3A_13, %dma_start3A_42] : memref<10240x16xf32, #tpu.memory_space<vmem_shared>> -> memref<128x16xf32, #tpu.memory_space<vmem_shared>>
      tpu.enqueue_dma source(%arg10 : memref<128x16xf32, #tpu.memory_space<vmem>>) target(%dma_start3A_43 : memref<128x16xf32, #tpu.memory_space<vmem_shared>>) target_semaphore(%run_scoped3A : memref<!tpu.dma_semaphore, #tpu.memory_space<semaphore_mem>>)
      %dma_wait3A = arith.constant 0 : i32
      %dma_wait3A_44 = tpu.memref_slice %arg11[%add3A_13, %dma_wait3A] : memref<10240x16xf32, #tpu.memory_space<vmem_shared>> -> memref<128x16xf32, #tpu.memory_space<vmem_shared>>
      %dma_wait3A_45 = arith.constant 0 : i32
      %dma_wait3A_46 = tpu.memref_slice %arg11[%add3A_13, %dma_wait3A_45] : memref<10240x16xf32, #tpu.memory_space<vmem_shared>> -> memref<128x16xf32, #tpu.memory_space<vmem_shared>>
      tpu.wait_dma2 semaphore(%run_scoped3A : memref<!tpu.dma_semaphore, #tpu.memory_space<semaphore_mem>>) src(%arg10 : memref<128x16xf32, #tpu.memory_space<vmem>>) dst(%dma_wait3A_46 : memref<128x16xf32, #tpu.memory_space<vmem_shared>>)
      tpu.yield
    }) : () -> ()
    %mul3A_14 = arith.constant 640 : i32
    %mul3A_15 = arith.muli %arg1, %mul3A_14 : i32
    %add3A_16 = arith.constant 256 : i32
    %add3A_17 = arith.addi %mul3A_15, %add3A_16 : i32
    "tpu.region"() ({
      %run_scoped3A = tpu.sem_alloc : memref<!tpu.dma_semaphore, #tpu.memory_space<semaphore_mem>>
      %dma_start3A = arith.constant 0 : i32
      %dma_start3A_41 = tpu.memref_slice %arg11[%add3A_17, %dma_start3A] : memref<10240x16xf32, #tpu.memory_space<vmem_shared>> -> memref<128x16xf32, #tpu.memory_space<vmem_shared>>
      %dma_start3A_42 = arith.constant 0 : i32
      %dma_start3A_43 = tpu.memref_slice %arg11[%add3A_17, %dma_start3A_42] : memref<10240x16xf32, #tpu.memory_space<vmem_shared>> -> memref<128x16xf32, #tpu.memory_space<vmem_shared>>
      tpu.enqueue_dma source(%arg10 : memref<128x16xf32, #tpu.memory_space<vmem>>) target(%dma_start3A_43 : memref<128x16xf32, #tpu.memory_space<vmem_shared>>) target_semaphore(%run_scoped3A : memref<!tpu.dma_semaphore, #tpu.memory_space<semaphore_mem>>)
      %dma_wait3A = arith.constant 0 : i32
      %dma_wait3A_44 = tpu.memref_slice %arg11[%add3A_17, %dma_wait3A] : memref<10240x16xf32, #tpu.memory_space<vmem_shared>> -> memref<128x16xf32, #tpu.memory_space<vmem_shared>>
      %dma_wait3A_45 = arith.constant 0 : i32
      %dma_wait3A_46 = tpu.memref_slice %arg11[%add3A_17, %dma_wait3A_45] : memref<10240x16xf32, #tpu.memory_space<vmem_shared>> -> memref<128x16xf32, #tpu.memory_space<vmem_shared>>
      tpu.wait_dma2 semaphore(%run_scoped3A : memref<!tpu.dma_semaphore, #tpu.memory_space<semaphore_mem>>) src(%arg10 : memref<128x16xf32, #tpu.memory_space<vmem>>) dst(%dma_wait3A_46 : memref<128x16xf32, #tpu.memory_space<vmem_shared>>)
      tpu.yield
    }) : () -> ()
    %mul3A_18 = arith.constant 640 : i32
    %mul3A_19 = arith.muli %arg1, %mul3A_18 : i32
    %add3A_20 = arith.constant 384 : i32
    %add3A_21 = arith.addi %mul3A_19, %add3A_20 : i32
    "tpu.region"() ({
      %run_scoped3A = tpu.sem_alloc : memref<!tpu.dma_semaphore, #tpu.memory_space<semaphore_mem>>
      %dma_start3A = arith.constant 0 : i32
      %dma_start3A_41 = tpu.memref_slice %arg11[%add3A_21, %dma_start3A] : memref<10240x16xf32, #tpu.memory_space<vmem_shared>> -> memref<128x16xf32, #tpu.memory_space<vmem_shared>>
      %dma_start3A_42 = arith.constant 0 : i32
      %dma_start3A_43 = tpu.memref_slice %arg11[%add3A_21, %dma_start3A_42] : memref<10240x16xf32, #tpu.memory_space<vmem_shared>> -> memref<128x16xf32, #tpu.memory_space<vmem_shared>>
      tpu.enqueue_dma source(%arg10 : memref<128x16xf32, #tpu.memory_space<vmem>>) target(%dma_start3A_43 : memref<128x16xf32, #tpu.memory_space<vmem_shared>>) target_semaphore(%run_scoped3A : memref<!tpu.dma_semaphore, #tpu.memory_space<semaphore_mem>>)
      %dma_wait3A = arith.constant 0 : i32
      %dma_wait3A_44 = tpu.memref_slice %arg11[%add3A_21, %dma_wait3A] : memref<10240x16xf32, #tpu.memory_space<vmem_shared>> -> memref<128x16xf32, #tpu.memory_space<vmem_shared>>
      %dma_wait3A_45 = arith.constant 0 : i32
      %dma_wait3A_46 = tpu.memref_slice %arg11[%add3A_21, %dma_wait3A_45] : memref<10240x16xf32, #tpu.memory_space<vmem_shared>> -> memref<128x16xf32, #tpu.memory_space<vmem_shared>>
      tpu.wait_dma2 semaphore(%run_scoped3A : memref<!tpu.dma_semaphore, #tpu.memory_space<semaphore_mem>>) src(%arg10 : memref<128x16xf32, #tpu.memory_space<vmem>>) dst(%dma_wait3A_46 : memref<128x16xf32, #tpu.memory_space<vmem_shared>>)
      tpu.yield
    }) : () -> ()
    %mul3A_22 = arith.constant 640 : i32
    %mul3A_23 = arith.muli %arg1, %mul3A_22 : i32
    %add3A_24 = arith.constant 512 : i32
    %add3A_25 = arith.addi %mul3A_23, %add3A_24 : i32
    "tpu.region"() ({
      %run_scoped3A = tpu.sem_alloc : memref<!tpu.dma_semaphore, #tpu.memory_space<semaphore_mem>>
      %dma_start3A = arith.constant 0 : i32
      %dma_start3A_41 = tpu.memref_slice %arg11[%add3A_25, %dma_start3A] : memref<10240x16xf32, #tpu.memory_space<vmem_shared>> -> memref<128x16xf32, #tpu.memory_space<vmem_shared>>
      %dma_start3A_42 = arith.constant 0 : i32
      %dma_start3A_43 = tpu.memref_slice %arg11[%add3A_25, %dma_start3A_42] : memref<10240x16xf32, #tpu.memory_space<vmem_shared>> -> memref<128x16xf32, #tpu.memory_space<vmem_shared>>
      tpu.enqueue_dma source(%arg10 : memref<128x16xf32, #tpu.memory_space<vmem>>) target(%dma_start3A_43 : memref<128x16xf32, #tpu.memory_space<vmem_shared>>) target_semaphore(%run_scoped3A : memref<!tpu.dma_semaphore, #tpu.memory_space<semaphore_mem>>)
      %dma_wait3A = arith.constant 0 : i32
      %dma_wait3A_44 = tpu.memref_slice %arg11[%add3A_25, %dma_wait3A] : memref<10240x16xf32, #tpu.memory_space<vmem_shared>> -> memref<128x16xf32, #tpu.memory_space<vmem_shared>>
      %dma_wait3A_45 = arith.constant 0 : i32
      %dma_wait3A_46 = tpu.memref_slice %arg11[%add3A_25, %dma_wait3A_45] : memref<10240x16xf32, #tpu.memory_space<vmem_shared>> -> memref<128x16xf32, #tpu.memory_space<vmem_shared>>
      tpu.wait_dma2 semaphore(%run_scoped3A : memref<!tpu.dma_semaphore, #tpu.memory_space<semaphore_mem>>) src(%arg10 : memref<128x16xf32, #tpu.memory_space<vmem>>) dst(%dma_wait3A_46 : memref<128x16xf32, #tpu.memory_space<vmem_shared>>)
      tpu.yield
    }) : () -> ()
    "tpu.region"() ({
      %run_scoped3A = tpu.sem_alloc : memref<!tpu.dma_semaphore, #tpu.memory_space<semaphore_mem>>
      %dma_start3A = arith.constant 0 : i32
      %dma_start3A_41 = arith.constant 0 : i32
      %dma_start3A_42 = tpu.memref_slice %arg2[%add3A, %dma_start3A, %dma_start3A_41] : memref<32x80x128xi32, #tpu.memory_space<hbm>> -> memref<1x80x128xi32, #tpu.memory_space<hbm>>
      %dma_start3A_43 = tpu.memref_squeeze %dma_start3A_42 : memref<1x80x128xi32, #tpu.memory_space<hbm>> -> memref<80x128xi32, #tpu.memory_space<hbm>>
      %dma_start3A_44 = arith.constant 0 : i32
      %dma_start3A_45 = arith.constant 0 : i32
      %dma_start3A_46 = tpu.memref_slice %arg2[%add3A, %dma_start3A_44, %dma_start3A_45] : memref<32x80x128xi32, #tpu.memory_space<hbm>> -> memref<1x80x128xi32, #tpu.memory_space<hbm>>
      %dma_start3A_47 = tpu.memref_squeeze %dma_start3A_46 : memref<1x80x128xi32, #tpu.memory_space<hbm>> -> memref<80x128xi32, #tpu.memory_space<hbm>>
      tpu.enqueue_dma source(%dma_start3A_47 : memref<80x128xi32, #tpu.memory_space<hbm>>) target(%arg7 : memref<80x128xi32, #tpu.memory_space<vmem>>) target_semaphore(%run_scoped3A : memref<!tpu.dma_semaphore, #tpu.memory_space<semaphore_mem>>)
      %dma_wait3A = arith.constant 0 : i32
      %dma_wait3A_48 = arith.constant 0 : i32
      %dma_wait3A_49 = tpu.memref_slice %arg2[%add3A, %dma_wait3A, %dma_wait3A_48] : memref<32x80x128xi32, #tpu.memory_space<hbm>> -> memref<1x80x128xi32, #tpu.memory_space<hbm>>
      %dma_wait3A_50 = tpu.memref_squeeze %dma_wait3A_49 : memref<1x80x128xi32, #tpu.memory_space<hbm>> -> memref<80x128xi32, #tpu.memory_space<hbm>>
      %dma_wait3A_51 = arith.constant 0 : i32
      %dma_wait3A_52 = arith.constant 0 : i32
      %dma_wait3A_53 = tpu.memref_slice %arg2[%add3A, %dma_wait3A_51, %dma_wait3A_52] : memref<32x80x128xi32, #tpu.memory_space<hbm>> -> memref<1x80x128xi32, #tpu.memory_space<hbm>>
      %dma_wait3A_54 = tpu.memref_squeeze %dma_wait3A_53 : memref<1x80x128xi32, #tpu.memory_space<hbm>> -> memref<80x128xi32, #tpu.memory_space<hbm>>
      tpu.wait_dma2 semaphore(%run_scoped3A : memref<!tpu.dma_semaphore, #tpu.memory_space<semaphore_mem>>) src(%dma_wait3A_54 : memref<80x128xi32, #tpu.memory_space<hbm>>) dst(%arg7 : memref<80x128xi32, #tpu.memory_space<vmem>>)
      tpu.yield
    }) : () -> ()
    "tpu.region"() ({
      %run_scoped3A = tpu.sem_alloc : memref<!tpu.dma_semaphore, #tpu.memory_space<semaphore_mem>>
      %dma_start3A = arith.constant 0 : i32
      %dma_start3A_41 = arith.constant 0 : i32
      %dma_start3A_42 = tpu.memref_slice %arg3[%add3A, %dma_start3A, %dma_start3A_41] : memref<32x80x128xi32, #tpu.memory_space<hbm>> -> memref<1x80x128xi32, #tpu.memory_space<hbm>>
      %dma_start3A_43 = tpu.memref_squeeze %dma_start3A_42 : memref<1x80x128xi32, #tpu.memory_space<hbm>> -> memref<80x128xi32, #tpu.memory_space<hbm>>
      %dma_start3A_44 = arith.constant 0 : i32
      %dma_start3A_45 = arith.constant 0 : i32
      %dma_start3A_46 = tpu.memref_slice %arg3[%add3A, %dma_start3A_44, %dma_start3A_45] : memref<32x80x128xi32, #tpu.memory_space<hbm>> -> memref<1x80x128xi32, #tpu.memory_space<hbm>>
      %dma_start3A_47 = tpu.memref_squeeze %dma_start3A_46 : memref<1x80x128xi32, #tpu.memory_space<hbm>> -> memref<80x128xi32, #tpu.memory_space<hbm>>
      tpu.enqueue_dma source(%dma_start3A_47 : memref<80x128xi32, #tpu.memory_space<hbm>>) target(%arg8 : memref<80x128xi32, #tpu.memory_space<vmem>>) target_semaphore(%run_scoped3A : memref<!tpu.dma_semaphore, #tpu.memory_space<semaphore_mem>>)
      %dma_wait3A = arith.constant 0 : i32
      %dma_wait3A_48 = arith.constant 0 : i32
      %dma_wait3A_49 = tpu.memref_slice %arg3[%add3A, %dma_wait3A, %dma_wait3A_48] : memref<32x80x128xi32, #tpu.memory_space<hbm>> -> memref<1x80x128xi32, #tpu.memory_space<hbm>>
      %dma_wait3A_50 = tpu.memref_squeeze %dma_wait3A_49 : memref<1x80x128xi32, #tpu.memory_space<hbm>> -> memref<80x128xi32, #tpu.memory_space<hbm>>
      %dma_wait3A_51 = arith.constant 0 : i32
      %dma_wait3A_52 = arith.constant 0 : i32
      %dma_wait3A_53 = tpu.memref_slice %arg3[%add3A, %dma_wait3A_51, %dma_wait3A_52] : memref<32x80x128xi32, #tpu.memory_space<hbm>> -> memref<1x80x128xi32, #tpu.memory_space<hbm>>
      %dma_wait3A_54 = tpu.memref_squeeze %dma_wait3A_53 : memref<1x80x128xi32, #tpu.memory_space<hbm>> -> memref<80x128xi32, #tpu.memory_space<hbm>>
      tpu.wait_dma2 semaphore(%run_scoped3A : memref<!tpu.dma_semaphore, #tpu.memory_space<semaphore_mem>>) src(%dma_wait3A_54 : memref<80x128xi32, #tpu.memory_space<hbm>>) dst(%arg8 : memref<80x128xi32, #tpu.memory_space<vmem>>)
      tpu.yield
    }) : () -> ()
    "tpu.region"() ({
      %run_scoped3A = tpu.sem_alloc : memref<!tpu.dma_semaphore, #tpu.memory_space<semaphore_mem>>
      tpu.enqueue_dma source(%arg4 : memref<10240xf32, #tpu.memory_space<hbm>>) target(%arg9 : memref<10240xf32, #tpu.memory_space<vmem>>) target_semaphore(%run_scoped3A : memref<!tpu.dma_semaphore, #tpu.memory_space<semaphore_mem>>)
      tpu.wait_dma2 semaphore(%run_scoped3A : memref<!tpu.dma_semaphore, #tpu.memory_space<semaphore_mem>>) src(%arg4 : memref<10240xf32, #tpu.memory_space<hbm>>) dst(%arg9 : memref<10240xf32, #tpu.memory_space<vmem>>)
      tpu.yield
    }) : () -> ()
    %barrier3A = arith.constant 0 : index
    tpu.barrier barrier_id(%barrier3A)
    %iota3A = tpu.iota {dimensions = array<i32: 0>} : vector<16xi32>
    %broadcast_in_dim3A = arith.constant 0 : i32
    %broadcast_in_dim3A_26 = vector.broadcast %broadcast_in_dim3A : i32 to vector<16xi32>
    %scan3A_27 = arith.constant 0 : i32
    %scan3A_28 = arith.constant 0 : i32
    %scan3A_29 = arith.constant 80 : i32
    %scan3A_30 = arith.addi %scan3A_28, %scan3A_29 : i32
    %scan3A_31 = arith.constant 1 : i32
    scf.for %scan3A_41 = %scan3A_28 to %scan3A_30 step %scan3A_31  : i32 {
      %get3A = arith.index_cast %scan3A_41 : i32 to index
      %get3A_42 = arith.constant 0 : index
      %get3A_43 = tpu.vector_load %arg7[%get3A, %get3A_42] {strides = array<i32>} : memref<80x128xi32, #tpu.memory_space<vmem>>, vector<16xi32>,
      %get3A_44 = arith.index_cast %scan3A_41 : i32 to index
      %get3A_45 = arith.constant 0 : index
      %get3A_46 = tpu.vector_load %arg8[%get3A_44, %get3A_45] {strides = array<i32>} : memref<80x128xi32, #tpu.memory_space<vmem>>, vector<16xi32>,
      %gather3A = tpu.vector_load_idx %arg9[%get3A_43] : memref<10240xf32, #tpu.memory_space<vmem>>[vector<16xi32>], vector<16xf32>,
      %gather3A_47 = tpu.vector_load_idx %arg9[%get3A_46] : memref<10240xf32, #tpu.memory_space<vmem>>[vector<16xi32>], vector<16xf32>,
      %add3A_48 = arith.constant 0 : i32
      %add3A_49 = vector.broadcast %add3A_48 : i32 to vector<16xi32>
      %add3A_50 = arith.addi %iota3A, %add3A_49 : vector<16xi32>
      %mul3A_51 = arith.mulf %gather3A, %gather3A_47 : vector<16xf32>
      tpu.vector_store_idx %arg10[%add3A_50, %broadcast_in_dim3A_26], %mul3A_51 : memref<128x16xf32, #tpu.memory_space<vmem>>[vector<16xi32>, vector<16xi32>], vector<16xf32>,
      %get3A_52 = arith.index_cast %scan3A_41 : i32 to index
      %get3A_53 = arith.constant 16 : index
      %get3A_54 = tpu.vector_load %arg7[%get3A_52, %get3A_53] {strides = array<i32>} : memref<80x128xi32, #tpu.memory_space<vmem>>, vector<16xi32>,
      %get3A_55 = arith.index_cast %scan3A_41 : i32 to index
      %get3A_56 = arith.constant 16 : index
      %get3A_57 = tpu.vector_load %arg8[%get3A_55, %get3A_56] {strides = array<i32>} : memref<80x128xi32, #tpu.memory_space<vmem>>, vector<16xi32>,
      %gather3A_58 = tpu.vector_load_idx %arg9[%get3A_54] : memref<10240xf32, #tpu.memory_space<vmem>>[vector<16xi32>], vector<16xf32>,
      %gather3A_59 = tpu.vector_load_idx %arg9[%get3A_57] : memref<10240xf32, #tpu.memory_space<vmem>>[vector<16xi32>], vector<16xf32>,
      %add3A_60 = arith.constant 16 : i32
      %add3A_61 = vector.broadcast %add3A_60 : i32 to vector<16xi32>
      %add3A_62 = arith.addi %iota3A, %add3A_61 : vector<16xi32>
      %mul3A_63 = arith.mulf %gather3A_58, %gather3A_59 : vector<16xf32>
      tpu.vector_store_idx %arg10[%add3A_62, %broadcast_in_dim3A_26], %mul3A_63 : memref<128x16xf32, #tpu.memory_space<vmem>>[vector<16xi32>, vector<16xi32>], vector<16xf32>,
      %get3A_64 = arith.index_cast %scan3A_41 : i32 to index
      %get3A_65 = arith.constant 32 : index
      %get3A_66 = tpu.vector_load %arg7[%get3A_64, %get3A_65] {strides = array<i32>} : memref<80x128xi32, #tpu.memory_space<vmem>>, vector<16xi32>,
      %get3A_67 = arith.index_cast %scan3A_41 : i32 to index
      %get3A_68 = arith.constant 32 : index
      %get3A_69 = tpu.vector_load %arg8[%get3A_67, %get3A_68] {strides = array<i32>} : memref<80x128xi32, #tpu.memory_space<vmem>>, vector<16xi32>,
      %gather3A_70 = tpu.vector_load_idx %arg9[%get3A_66] : memref<10240xf32, #tpu.memory_space<vmem>>[vector<16xi32>], vector<16xf32>,
      %gather3A_71 = tpu.vector_load_idx %arg9[%get3A_69] : memref<10240xf32, #tpu.memory_space<vmem>>[vector<16xi32>], vector<16xf32>,
      %add3A_72 = arith.constant 32 : i32
      %add3A_73 = vector.broadcast %add3A_72 : i32 to vector<16xi32>
      %add3A_74 = arith.addi %iota3A, %add3A_73 : vector<16xi32>
      %mul3A_75 = arith.mulf %gather3A_70, %gather3A_71 : vector<16xf32>
      tpu.vector_store_idx %arg10[%add3A_74, %broadcast_in_dim3A_26], %mul3A_75 : memref<128x16xf32, #tpu.memory_space<vmem>>[vector<16xi32>, vector<16xi32>], vector<16xf32>,
      %get3A_76 = arith.index_cast %scan3A_41 : i32 to index
      %get3A_77 = arith.constant 48 : index
      %get3A_78 = tpu.vector_load %arg7[%get3A_76, %get3A_77] {strides = array<i32>} : memref<80x128xi32, #tpu.memory_space<vmem>>, vector<16xi32>,
      %get3A_79 = arith.index_cast %scan3A_41 : i32 to index
      %get3A_80 = arith.constant 48 : index
      %get3A_81 = tpu.vector_load %arg8[%get3A_79, %get3A_80] {strides = array<i32>} : memref<80x128xi32, #tpu.memory_space<vmem>>, vector<16xi32>,
      %gather3A_82 = tpu.vector_load_idx %arg9[%get3A_78] : memref<10240xf32, #tpu.memory_space<vmem>>[vector<16xi32>], vector<16xf32>,
      %gather3A_83 = tpu.vector_load_idx %arg9[%get3A_81] : memref<10240xf32, #tpu.memory_space<vmem>>[vector<16xi32>], vector<16xf32>,
      %add3A_84 = arith.constant 48 : i32
      %add3A_85 = vector.broadcast %add3A_84 : i32 to vector<16xi32>
      %add3A_86 = arith.addi %iota3A, %add3A_85 : vector<16xi32>
      %mul3A_87 = arith.mulf %gather3A_82, %gather3A_83 : vector<16xf32>
      tpu.vector_store_idx %arg10[%add3A_86, %broadcast_in_dim3A_26], %mul3A_87 : memref<128x16xf32, #tpu.memory_space<vmem>>[vector<16xi32>, vector<16xi32>], vector<16xf32>,
      %get3A_88 = arith.index_cast %scan3A_41 : i32 to index
      %get3A_89 = arith.constant 64 : index
      %get3A_90 = tpu.vector_load %arg7[%get3A_88, %get3A_89] {strides = array<i32>} : memref<80x128xi32, #tpu.memory_space<vmem>>, vector<16xi32>,
      %get3A_91 = arith.index_cast %scan3A_41 : i32 to index
      %get3A_92 = arith.constant 64 : index
      %get3A_93 = tpu.vector_load %arg8[%get3A_91, %get3A_92] {strides = array<i32>} : memref<80x128xi32, #tpu.memory_space<vmem>>, vector<16xi32>,
      %gather3A_94 = tpu.vector_load_idx %arg9[%get3A_90] : memref<10240xf32, #tpu.memory_space<vmem>>[vector<16xi32>], vector<16xf32>,
      %gather3A_95 = tpu.vector_load_idx %arg9[%get3A_93] : memref<10240xf32, #tpu.memory_space<vmem>>[vector<16xi32>], vector<16xf32>,
      %add3A_96 = arith.constant 64 : i32
      %add3A_97 = vector.broadcast %add3A_96 : i32 to vector<16xi32>
      %add3A_98 = arith.addi %iota3A, %add3A_97 : vector<16xi32>
      %mul3A_99 = arith.mulf %gather3A_94, %gather3A_95 : vector<16xf32>
      tpu.vector_store_idx %arg10[%add3A_98, %broadcast_in_dim3A_26], %mul3A_99 : memref<128x16xf32, #tpu.memory_space<vmem>>[vector<16xi32>, vector<16xi32>], vector<16xf32>,
      %get3A_100 = arith.index_cast %scan3A_41 : i32 to index
      %get3A_101 = arith.constant 80 : index
      %get3A_102 = tpu.vector_load %arg7[%get3A_100, %get3A_101] {strides = array<i32>} : memref<80x128xi32, #tpu.memory_space<vmem>>, vector<16xi32>,
      %get3A_103 = arith.index_cast %scan3A_41 : i32 to index
      %get3A_104 = arith.constant 80 : index
      %get3A_105 = tpu.vector_load %arg8[%get3A_103, %get3A_104] {strides = array<i32>} : memref<80x128xi32, #tpu.memory_space<vmem>>, vector<16xi32>,
      %gather3A_106 = tpu.vector_load_idx %arg9[%get3A_102] : memref<10240xf32, #tpu.memory_space<vmem>>[vector<16xi32>], vector<16xf32>,
      %gather3A_107 = tpu.vector_load_idx %arg9[%get3A_105] : memref<10240xf32, #tpu.memory_space<vmem>>[vector<16xi32>], vector<16xf32>,
      %add3A_108 = arith.constant 80 : i32
      %add3A_109 = vector.broadcast %add3A_108 : i32 to vector<16xi32>
      %add3A_110 = arith.addi %iota3A, %add3A_109 : vector<16xi32>
      %mul3A_111 = arith.mulf %gather3A_106, %gather3A_107 : vector<16xf32>
      tpu.vector_store_idx %arg10[%add3A_110, %broadcast_in_dim3A_26], %mul3A_111 : memref<128x16xf32, #tpu.memory_space<vmem>>[vector<16xi32>, vector<16xi32>], vector<16xf32>,
      %get3A_112 = arith.index_cast %scan3A_41 : i32 to index
      %get3A_113 = arith.constant 96 : index
      %get3A_114 = tpu.vector_load %arg7[%get3A_112, %get3A_113] {strides = array<i32>} : memref<80x128xi32, #tpu.memory_space<vmem>>, vector<16xi32>,
      %get3A_115 = arith.index_cast %scan3A_41 : i32 to index
      %get3A_116 = arith.constant 96 : index
      %get3A_117 = tpu.vector_load %arg8[%get3A_115, %get3A_116] {strides = array<i32>} : memref<80x128xi32, #tpu.memory_space<vmem>>, vector<16xi32>,
      %gather3A_118 = tpu.vector_load_idx %arg9[%get3A_114] : memref<10240xf32, #tpu.memory_space<vmem>>[vector<16xi32>], vector<16xf32>,
      %gather3A_119 = tpu.vector_load_idx %arg9[%get3A_117] : memref<10240xf32, #tpu.memory_space<vmem>>[vector<16xi32>], vector<16xf32>,
      %add3A_120 = arith.constant 96 : i32
      %add3A_121 = vector.broadcast %add3A_120 : i32 to vector<16xi32>
      %add3A_122 = arith.addi %iota3A, %add3A_121 : vector<16xi32>
      %mul3A_123 = arith.mulf %gather3A_118, %gather3A_119 : vector<16xf32>
      tpu.vector_store_idx %arg10[%add3A_122, %broadcast_in_dim3A_26], %mul3A_123 : memref<128x16xf32, #tpu.memory_space<vmem>>[vector<16xi32>, vector<16xi32>], vector<16xf32>,
      %get3A_124 = arith.index_cast %scan3A_41 : i32 to index
      %get3A_125 = arith.constant 112 : index
      %get3A_126 = tpu.vector_load %arg7[%get3A_124, %get3A_125] {strides = array<i32>} : memref<80x128xi32, #tpu.memory_space<vmem>>, vector<16xi32>,
      %get3A_127 = arith.index_cast %scan3A_41 : i32 to index
      %get3A_128 = arith.constant 112 : index
      %get3A_129 = tpu.vector_load %arg8[%get3A_127, %get3A_128] {strides = array<i32>} : memref<80x128xi32, #tpu.memory_space<vmem>>, vector<16xi32>,
      %gather3A_130 = tpu.vector_load_idx %arg9[%get3A_126] : memref<10240xf32, #tpu.memory_space<vmem>>[vector<16xi32>], vector<16xf32>,
      %gather3A_131 = tpu.vector_load_idx %arg9[%get3A_129] : memref<10240xf32, #tpu.memory_space<vmem>>[vector<16xi32>], vector<16xf32>,
      %add3A_132 = arith.constant 112 : i32
      %add3A_133 = vector.broadcast %add3A_132 : i32 to vector<16xi32>
      %add3A_134 = arith.addi %iota3A, %add3A_133 : vector<16xi32>
      %mul3A_135 = arith.mulf %gather3A_130, %gather3A_131 : vector<16xf32>
      tpu.vector_store_idx %arg10[%add3A_134, %broadcast_in_dim3A_26], %mul3A_135 : memref<128x16xf32, #tpu.memory_space<vmem>>[vector<16xi32>, vector<16xi32>], vector<16xf32>,
      "tpu.region"() ({
        %run_scoped3A = tpu.sem_alloc : memref<!tpu.dma_semaphore, #tpu.memory_space<semaphore_mem>>
        %dma_start3A = arith.constant 0 : i32
        %dma_start3A_136 = tpu.memref_slice %arg8[%scan3A_41, %dma_start3A] : memref<80x128xi32, #tpu.memory_space<vmem>> -> memref<1x128xi32, #tpu.memory_space<vmem>>
        %dma_start3A_137 = tpu.memref_squeeze %dma_start3A_136 : memref<1x128xi32, #tpu.memory_space<vmem>> -> memref<128xi32, #tpu.memory_space<vmem>>
        %dma_start3A_138 = arith.constant 0 : i32
        %dma_start3A_139 = arith.constant 0 : i32
        %dma_start3A_140 = tpu.memref_slice %arg11[%dma_start3A_138, %dma_start3A_139] : memref<10240x16xf32, #tpu.memory_space<vmem_shared>> -> memref<10240x16xf32, #tpu.memory_space<vmem_shared>>
        tpu.enqueue_indirect_dma source(%arg10 : memref<128x16xf32, #tpu.memory_space<vmem>>) target(%dma_start3A_140 : memref<10240x16xf32, #tpu.memory_space<vmem_shared>>) offsets(%dma_start3A_137 : memref<128xi32, #tpu.memory_space<vmem>>) semaphore(%run_scoped3A : memref<!tpu.dma_semaphore, #tpu.memory_space<semaphore_mem>>) {add = true}
        %dma_wait3A = arith.constant 0 : i32
        %dma_wait3A_141 = tpu.memref_slice %arg8[%scan3A_41, %dma_wait3A] : memref<80x128xi32, #tpu.memory_space<vmem>> -> memref<1x128xi32, #tpu.memory_space<vmem>>
        %dma_wait3A_142 = tpu.memref_squeeze %dma_wait3A_141 : memref<1x128xi32, #tpu.memory_space<vmem>> -> memref<128xi32, #tpu.memory_space<vmem>>
        %dma_wait3A_143 = arith.constant 0 : i32
        %dma_wait3A_144 = arith.constant 0 : i32
        %dma_wait3A_145 = tpu.memref_slice %arg11[%dma_wait3A_143, %dma_wait3A_144] : memref<10240x16xf32, #tpu.memory_space<vmem_shared>> -> memref<10240x16xf32, #tpu.memory_space<vmem_shared>>
        tpu.wait_indirect_dma semaphore(%run_scoped3A : memref<!tpu.dma_semaphore, #tpu.memory_space<semaphore_mem>>) src(%arg10 : memref<128x16xf32, #tpu.memory_space<vmem>>) dst(%dma_wait3A_145 : memref<10240x16xf32, #tpu.memory_space<vmem_shared>>)
        tpu.yield
      }) : () -> ()
    }
    %scan3A_32 = arith.constant 80 : i32
    %barrier3A_33 = arith.constant 0 : index
    tpu.barrier barrier_id(%barrier3A_33)
    %eq3A = arith.constant 0 : i32
    %eq3A_34 = arith.cmpi eq, %arg0, %eq3A : i32
    %convert_element_type3A = arith.extui %eq3A_34 : i1 to i32
    %cond3A = arith.constant 0 : i32
    %cond3A_35 = arith.cmpi ne, %convert_element_type3A, %cond3A : i32
    scf.if %cond3A_35 {
      %mul3A_41 = arith.constant 640 : i32
      %mul3A_42 = arith.muli %arg1, %mul3A_41 : i32
      %mul3A_43 = arith.constant 640 : i32
      %mul3A_44 = arith.muli %arg1, %mul3A_43 : i32
      "tpu.region"() ({
        %run_scoped3A = tpu.sem_alloc : memref<!tpu.dma_semaphore, #tpu.memory_space<semaphore_mem>>
        %dma_start3A = arith.constant 0 : i32
        %dma_start3A_45 = tpu.memref_slice %arg5[%mul3A_44, %dma_start3A] : memref<10240x16xf32, #tpu.memory_space<hbm>> -> memref<640x16xf32, #tpu.memory_space<hbm>>
        %dma_start3A_46 = arith.constant 0 : i32
        %dma_start3A_47 = tpu.memref_slice %arg11[%mul3A_42, %dma_start3A_46] : memref<10240x16xf32, #tpu.memory_space<vmem_shared>> -> memref<640x16xf32, #tpu.memory_space<vmem_shared>>
        tpu.enqueue_dma source(%dma_start3A_47 : memref<640x16xf32, #tpu.memory_space<vmem_shared>>) target(%dma_start3A_45 : memref<640x16xf32, #tpu.memory_space<hbm>>) target_semaphore(%run_scoped3A : memref<!tpu.dma_semaphore, #tpu.memory_space<semaphore_mem>>)
        %dma_wait3A = arith.constant 0 : i32
        %dma_wait3A_48 = tpu.memref_slice %arg5[%mul3A_44, %dma_wait3A] : memref<10240x16xf32, #tpu.memory_space<hbm>> -> memref<640x16xf32, #tpu.memory_space<hbm>>
        %dma_wait3A_49 = arith.constant 0 : i32
        %dma_wait3A_50 = tpu.memref_slice %arg11[%mul3A_42, %dma_wait3A_49] : memref<10240x16xf32, #tpu.memory_space<vmem_shared>> -> memref<640x16xf32, #tpu.memory_space<vmem_shared>>
        tpu.wait_dma2 semaphore(%run_scoped3A : memref<!tpu.dma_semaphore, #tpu.memory_space<semaphore_mem>>) src(%dma_wait3A_50 : memref<640x16xf32, #tpu.memory_space<vmem_shared>>) dst(%dma_wait3A_48 : memref<640x16xf32, #tpu.memory_space<hbm>>)
        tpu.yield
      }) : () -> ()
    } else {
    }
    %eq3A_36 = arith.constant 1 : i32
    %eq3A_37 = arith.cmpi eq, %arg0, %eq3A_36 : i32
    %convert_element_type3A_38 = arith.extui %eq3A_37 : i1 to i32
    %cond3A_39 = arith.constant 0 : i32
    %cond3A_40 = arith.cmpi ne, %convert_element_type3A_38, %cond3A_39 : i32
    scf.if %cond3A_40 {
      %mul3A_41 = arith.constant 640 : i32
      %mul3A_42 = arith.muli %arg1, %mul3A_41 : i32
      %mul3A_43 = arith.constant 640 : i32
      %mul3A_44 = arith.muli %arg1, %mul3A_43 : i32
      "tpu.region"() ({
        %run_scoped3A = tpu.sem_alloc : memref<!tpu.dma_semaphore, #tpu.memory_space<semaphore_mem>>
        %dma_start3A = arith.constant 0 : i32
        %dma_start3A_45 = tpu.memref_slice %arg6[%mul3A_44, %dma_start3A] : memref<10240x16xf32, #tpu.memory_space<hbm>> -> memref<640x16xf32, #tpu.memory_space<hbm>>
        %dma_start3A_46 = arith.constant 0 : i32
        %dma_start3A_47 = tpu.memref_slice %arg11[%mul3A_42, %dma_start3A_46] : memref<10240x16xf32, #tpu.memory_space<vmem_shared>> -> memref<640x16xf32, #tpu.memory_space<vmem_shared>>
        tpu.enqueue_dma source(%dma_start3A_47 : memref<640x16xf32, #tpu.memory_space<vmem_shared>>) target(%dma_start3A_45 : memref<640x16xf32, #tpu.memory_space<hbm>>) target_semaphore(%run_scoped3A : memref<!tpu.dma_semaphore, #tpu.memory_space<semaphore_mem>>)
        %dma_wait3A = arith.constant 0 : i32
        %dma_wait3A_48 = tpu.memref_slice %arg6[%mul3A_44, %dma_wait3A] : memref<10240x16xf32, #tpu.memory_space<hbm>> -> memref<640x16xf32, #tpu.memory_space<hbm>>
        %dma_wait3A_49 = arith.constant 0 : i32
        %dma_wait3A_50 = tpu.memref_slice %arg11[%mul3A_42, %dma_wait3A_49] : memref<10240x16xf32, #tpu.memory_space<vmem_shared>> -> memref<640x16xf32, #tpu.memory_space<vmem_shared>>
        tpu.wait_dma2 semaphore(%run_scoped3A : memref<!tpu.dma_semaphore, #tpu.memory_space<semaphore_mem>>) src(%dma_wait3A_50 : memref<640x16xf32, #tpu.memory_space<vmem_shared>>) dst(%dma_wait3A_48 : memref<640x16xf32, #tpu.memory_space<hbm>>)
        tpu.yield
      }) : () -> ()
    } else {
    }
    return
  }
}

#map = affine_map<(d0, d1) -> (0, 0, 0)>
#map1 = affine_map<(d0, d1) -> (0)>
#map2 = affine_map<(d0, d1) -> (0, 0)>
module attributes {stable_mosaic.version = 14 : i64} {
  func.func @_deg_body(%arg0: i32, %arg1: i32, %arg2: memref<32x80x128xi32, #tpu.memory_space<hbm>>, %arg3: memref<32x80x128xi32, #tpu.memory_space<hbm>>, %arg4: memref<10240xf32, #tpu.memory_space<hbm>>, %arg5: memref<10240x16xf32, #tpu.memory_space<hbm>>, %arg6: memref<10240x16xf32, #tpu.memory_space<hbm>>, %arg7: memref<80x128xi32, #tpu.memory_space<vmem>>, %arg8: memref<80x128xi32, #tpu.memory_space<vmem>>, %arg9: memref<10240xf32, #tpu.memory_space<vmem>>, %arg10: memref<128x16xf32, #tpu.memory_space<vmem>>, %arg11: memref<10240x16xf32, #tpu.memory_space<vmem_shared>>) attributes {dimension_semantics = [#tpu.dimension_semantics<core_parallel>, #tpu.dimension_semantics<subcore_parallel>], iteration_bounds = array<i64: 2, 16>, scalar_prefetch = 0 : i64, scratch_operands = 5 : i64, tpu.core_type = #tpu.core_type<sc_vector_subcore>, window_params = [{transform_indices = #map}, {transform_indices = #map}, {transform_indices = #map1}, {transform_indices = #map2}, {transform_indices = #map2}]} {
    %mul3A = arith.constant 2 : i32
    %mul3A_0 = arith.muli %arg1, %mul3A : i32
    %add3A = arith.addi %mul3A_0, %arg0 : i32
    %scan3A = arith.constant 0 : i32
    %scan3A_1 = arith.constant 0 : i32
    %scan3A_2 = arith.constant 128 : i32
    %scan3A_3 = arith.addi %scan3A_1, %scan3A_2 : i32
    %scan3A_4 = arith.constant 1 : i32
    scf.for %scan3A_41 = %scan3A_1 to %scan3A_3 step %scan3A_4  : i32 {
      %broadcast_in_dim3A_42 = arith.constant 0.000000e+00 : f32
      %broadcast_in_dim3A_43 = vector.broadcast %broadcast_in_dim3A_42 : f32 to vector<16xf32>
      %swap3A = arith.index_cast %scan3A_41 : i32 to index
      %swap3A_44 = arith.constant 0 : index
      %swap3A_45 = tpu.vector_load %arg10[%swap3A, %swap3A_44] {strides = array<i32>} : memref<128x16xf32, #tpu.memory_space<vmem>>, vector<16xf32>,
      tpu.vector_store %arg10[%swap3A, %swap3A_44], %broadcast_in_dim3A_43 {strides = array<i32>} : memref<128x16xf32, #tpu.memory_space<vmem>>, vector<16xf32>,
    }
    %scan3A_5 = arith.constant 128 : i32
    %mul3A_6 = arith.constant 640 : i32
    %mul3A_7 = arith.muli %arg1, %mul3A_6 : i32
    %add3A_8 = arith.constant 0 : i32
    %add3A_9 = arith.addi %mul3A_7, %add3A_8 : i32
    "tpu.region"() ({
      %run_scoped3A = tpu.sem_alloc : memref<!tpu.dma_semaphore, #tpu.memory_space<semaphore_mem>>
      %dma_start3A = arith.constant 0 : i32
      %dma_start3A_41 = tpu.memref_slice %arg11[%add3A_9, %dma_start3A] : memref<10240x16xf32, #tpu.memory_space<vmem_shared>> -> memref<128x16xf32, #tpu.memory_space<vmem_shared>>
      %dma_start3A_42 = arith.constant 0 : i32
      %dma_start3A_43 = tpu.memref_slice %arg11[%add3A_9, %dma_start3A_42] : memref<10240x16xf32, #tpu.memory_space<vmem_shared>> -> memref<128x16xf32, #tpu.memory_space<vmem_shared>>
      tpu.enqueue_dma source(%arg10 : memref<128x16xf32, #tpu.memory_space<vmem>>) target(%dma_start3A_43 : memref<128x16xf32, #tpu.memory_space<vmem_shared>>) target_semaphore(%run_scoped3A : memref<!tpu.dma_semaphore, #tpu.memory_space<semaphore_mem>>)
      %dma_wait3A = arith.constant 0 : i32
      %dma_wait3A_44 = tpu.memref_slice %arg11[%add3A_9, %dma_wait3A] : memref<10240x16xf32, #tpu.memory_space<vmem_shared>> -> memref<128x16xf32, #tpu.memory_space<vmem_shared>>
      %dma_wait3A_45 = arith.constant 0 : i32
      %dma_wait3A_46 = tpu.memref_slice %arg11[%add3A_9, %dma_wait3A_45] : memref<10240x16xf32, #tpu.memory_space<vmem_shared>> -> memref<128x16xf32, #tpu.memory_space<vmem_shared>>
      tpu.wait_dma2 semaphore(%run_scoped3A : memref<!tpu.dma_semaphore, #tpu.memory_space<semaphore_mem>>) src(%arg10 : memref<128x16xf32, #tpu.memory_space<vmem>>) dst(%dma_wait3A_46 : memref<128x16xf32, #tpu.memory_space<vmem_shared>>)
      tpu.yield
    }) : () -> ()
    %mul3A_10 = arith.constant 640 : i32
    %mul3A_11 = arith.muli %arg1, %mul3A_10 : i32
    %add3A_12 = arith.constant 128 : i32
    %add3A_13 = arith.addi %mul3A_11, %add3A_12 : i32
    "tpu.region"() ({
      %run_scoped3A = tpu.sem_alloc : memref<!tpu.dma_semaphore, #tpu.memory_space<semaphore_mem>>
      %dma_start3A = arith.constant 0 : i32
      %dma_start3A_41 = tpu.memref_slice %arg11[%add3A_13, %dma_start3A] : memref<10240x16xf32, #tpu.memory_space<vmem_shared>> -> memref<128x16xf32, #tpu.memory_space<vmem_shared>>
      %dma_start3A_42 = arith.constant 0 : i32
      %dma_start3A_43 = tpu.memref_slice %arg11[%add3A_13, %dma_start3A_42] : memref<10240x16xf32, #tpu.memory_space<vmem_shared>> -> memref<128x16xf32, #tpu.memory_space<vmem_shared>>
      tpu.enqueue_dma source(%arg10 : memref<128x16xf32, #tpu.memory_space<vmem>>) target(%dma_start3A_43 : memref<128x16xf32, #tpu.memory_space<vmem_shared>>) target_semaphore(%run_scoped3A : memref<!tpu.dma_semaphore, #tpu.memory_space<semaphore_mem>>)
      %dma_wait3A = arith.constant 0 : i32
      %dma_wait3A_44 = tpu.memref_slice %arg11[%add3A_13, %dma_wait3A] : memref<10240x16xf32, #tpu.memory_space<vmem_shared>> -> memref<128x16xf32, #tpu.memory_space<vmem_shared>>
      %dma_wait3A_45 = arith.constant 0 : i32
      %dma_wait3A_46 = tpu.memref_slice %arg11[%add3A_13, %dma_wait3A_45] : memref<10240x16xf32, #tpu.memory_space<vmem_shared>> -> memref<128x16xf32, #tpu.memory_space<vmem_shared>>
      tpu.wait_dma2 semaphore(%run_scoped3A : memref<!tpu.dma_semaphore, #tpu.memory_space<semaphore_mem>>) src(%arg10 : memref<128x16xf32, #tpu.memory_space<vmem>>) dst(%dma_wait3A_46 : memref<128x16xf32, #tpu.memory_space<vmem_shared>>)
      tpu.yield
    }) : () -> ()
    %mul3A_14 = arith.constant 640 : i32
    %mul3A_15 = arith.muli %arg1, %mul3A_14 : i32
    %add3A_16 = arith.constant 256 : i32
    %add3A_17 = arith.addi %mul3A_15, %add3A_16 : i32
    "tpu.region"() ({
      %run_scoped3A = tpu.sem_alloc : memref<!tpu.dma_semaphore, #tpu.memory_space<semaphore_mem>>
      %dma_start3A = arith.constant 0 : i32
      %dma_start3A_41 = tpu.memref_slice %arg11[%add3A_17, %dma_start3A] : memref<10240x16xf32, #tpu.memory_space<vmem_shared>> -> memref<128x16xf32, #tpu.memory_space<vmem_shared>>
      %dma_start3A_42 = arith.constant 0 : i32
      %dma_start3A_43 = tpu.memref_slice %arg11[%add3A_17, %dma_start3A_42] : memref<10240x16xf32, #tpu.memory_space<vmem_shared>> -> memref<128x16xf32, #tpu.memory_space<vmem_shared>>
      tpu.enqueue_dma source(%arg10 : memref<128x16xf32, #tpu.memory_space<vmem>>) target(%dma_start3A_43 : memref<128x16xf32, #tpu.memory_space<vmem_shared>>) target_semaphore(%run_scoped3A : memref<!tpu.dma_semaphore, #tpu.memory_space<semaphore_mem>>)
      %dma_wait3A = arith.constant 0 : i32
      %dma_wait3A_44 = tpu.memref_slice %arg11[%add3A_17, %dma_wait3A] : memref<10240x16xf32, #tpu.memory_space<vmem_shared>> -> memref<128x16xf32, #tpu.memory_space<vmem_shared>>
      %dma_wait3A_45 = arith.constant 0 : i32
      %dma_wait3A_46 = tpu.memref_slice %arg11[%add3A_17, %dma_wait3A_45] : memref<10240x16xf32, #tpu.memory_space<vmem_shared>> -> memref<128x16xf32, #tpu.memory_space<vmem_shared>>
      tpu.wait_dma2 semaphore(%run_scoped3A : memref<!tpu.dma_semaphore, #tpu.memory_space<semaphore_mem>>) src(%arg10 : memref<128x16xf32, #tpu.memory_space<vmem>>) dst(%dma_wait3A_46 : memref<128x16xf32, #tpu.memory_space<vmem_shared>>)
      tpu.yield
    }) : () -> ()
    %mul3A_18 = arith.constant 640 : i32
    %mul3A_19 = arith.muli %arg1, %mul3A_18 : i32
    %add3A_20 = arith.constant 384 : i32
    %add3A_21 = arith.addi %mul3A_19, %add3A_20 : i32
    "tpu.region"() ({
      %run_scoped3A = tpu.sem_alloc : memref<!tpu.dma_semaphore, #tpu.memory_space<semaphore_mem>>
      %dma_start3A = arith.constant 0 : i32
      %dma_start3A_41 = tpu.memref_slice %arg11[%add3A_21, %dma_start3A] : memref<10240x16xf32, #tpu.memory_space<vmem_shared>> -> memref<128x16xf32, #tpu.memory_space<vmem_shared>>
      %dma_start3A_42 = arith.constant 0 : i32
      %dma_start3A_43 = tpu.memref_slice %arg11[%add3A_21, %dma_start3A_42] : memref<10240x16xf32, #tpu.memory_space<vmem_shared>> -> memref<128x16xf32, #tpu.memory_space<vmem_shared>>
      tpu.enqueue_dma source(%arg10 : memref<128x16xf32, #tpu.memory_space<vmem>>) target(%dma_start3A_43 : memref<128x16xf32, #tpu.memory_space<vmem_shared>>) target_semaphore(%run_scoped3A : memref<!tpu.dma_semaphore, #tpu.memory_space<semaphore_mem>>)
      %dma_wait3A = arith.constant 0 : i32
      %dma_wait3A_44 = tpu.memref_slice %arg11[%add3A_21, %dma_wait3A] : memref<10240x16xf32, #tpu.memory_space<vmem_shared>> -> memref<128x16xf32, #tpu.memory_space<vmem_shared>>
      %dma_wait3A_45 = arith.constant 0 : i32
      %dma_wait3A_46 = tpu.memref_slice %arg11[%add3A_21, %dma_wait3A_45] : memref<10240x16xf32, #tpu.memory_space<vmem_shared>> -> memref<128x16xf32, #tpu.memory_space<vmem_shared>>
      tpu.wait_dma2 semaphore(%run_scoped3A : memref<!tpu.dma_semaphore, #tpu.memory_space<semaphore_mem>>) src(%arg10 : memref<128x16xf32, #tpu.memory_space<vmem>>) dst(%dma_wait3A_46 : memref<128x16xf32, #tpu.memory_space<vmem_shared>>)
      tpu.yield
    }) : () -> ()
    %mul3A_22 = arith.constant 640 : i32
    %mul3A_23 = arith.muli %arg1, %mul3A_22 : i32
    %add3A_24 = arith.constant 512 : i32
    %add3A_25 = arith.addi %mul3A_23, %add3A_24 : i32
    "tpu.region"() ({
      %run_scoped3A = tpu.sem_alloc : memref<!tpu.dma_semaphore, #tpu.memory_space<semaphore_mem>>
      %dma_start3A = arith.constant 0 : i32
      %dma_start3A_41 = tpu.memref_slice %arg11[%add3A_25, %dma_start3A] : memref<10240x16xf32, #tpu.memory_space<vmem_shared>> -> memref<128x16xf32, #tpu.memory_space<vmem_shared>>
      %dma_start3A_42 = arith.constant 0 : i32
      %dma_start3A_43 = tpu.memref_slice %arg11[%add3A_25, %dma_start3A_42] : memref<10240x16xf32, #tpu.memory_space<vmem_shared>> -> memref<128x16xf32, #tpu.memory_space<vmem_shared>>
      tpu.enqueue_dma source(%arg10 : memref<128x16xf32, #tpu.memory_space<vmem>>) target(%dma_start3A_43 : memref<128x16xf32, #tpu.memory_space<vmem_shared>>) target_semaphore(%run_scoped3A : memref<!tpu.dma_semaphore, #tpu.memory_space<semaphore_mem>>)
      %dma_wait3A = arith.constant 0 : i32
      %dma_wait3A_44 = tpu.memref_slice %arg11[%add3A_25, %dma_wait3A] : memref<10240x16xf32, #tpu.memory_space<vmem_shared>> -> memref<128x16xf32, #tpu.memory_space<vmem_shared>>
      %dma_wait3A_45 = arith.constant 0 : i32
      %dma_wait3A_46 = tpu.memref_slice %arg11[%add3A_25, %dma_wait3A_45] : memref<10240x16xf32, #tpu.memory_space<vmem_shared>> -> memref<128x16xf32, #tpu.memory_space<vmem_shared>>
      tpu.wait_dma2 semaphore(%run_scoped3A : memref<!tpu.dma_semaphore, #tpu.memory_space<semaphore_mem>>) src(%arg10 : memref<128x16xf32, #tpu.memory_space<vmem>>) dst(%dma_wait3A_46 : memref<128x16xf32, #tpu.memory_space<vmem_shared>>)
      tpu.yield
    }) : () -> ()
    "tpu.region"() ({
      %run_scoped3A = tpu.sem_alloc : memref<!tpu.dma_semaphore, #tpu.memory_space<semaphore_mem>>
      %dma_start3A = arith.constant 0 : i32
      %dma_start3A_41 = arith.constant 0 : i32
      %dma_start3A_42 = tpu.memref_slice %arg2[%add3A, %dma_start3A, %dma_start3A_41] : memref<32x80x128xi32, #tpu.memory_space<hbm>> -> memref<1x80x128xi32, #tpu.memory_space<hbm>>
      %dma_start3A_43 = tpu.memref_squeeze %dma_start3A_42 : memref<1x80x128xi32, #tpu.memory_space<hbm>> -> memref<80x128xi32, #tpu.memory_space<hbm>>
      %dma_start3A_44 = arith.constant 0 : i32
      %dma_start3A_45 = arith.constant 0 : i32
      %dma_start3A_46 = tpu.memref_slice %arg2[%add3A, %dma_start3A_44, %dma_start3A_45] : memref<32x80x128xi32, #tpu.memory_space<hbm>> -> memref<1x80x128xi32, #tpu.memory_space<hbm>>
      %dma_start3A_47 = tpu.memref_squeeze %dma_start3A_46 : memref<1x80x128xi32, #tpu.memory_space<hbm>> -> memref<80x128xi32, #tpu.memory_space<hbm>>
      tpu.enqueue_dma source(%dma_start3A_47 : memref<80x128xi32, #tpu.memory_space<hbm>>) target(%arg7 : memref<80x128xi32, #tpu.memory_space<vmem>>) target_semaphore(%run_scoped3A : memref<!tpu.dma_semaphore, #tpu.memory_space<semaphore_mem>>)
      %dma_wait3A = arith.constant 0 : i32
      %dma_wait3A_48 = arith.constant 0 : i32
      %dma_wait3A_49 = tpu.memref_slice %arg2[%add3A, %dma_wait3A, %dma_wait3A_48] : memref<32x80x128xi32, #tpu.memory_space<hbm>> -> memref<1x80x128xi32, #tpu.memory_space<hbm>>
      %dma_wait3A_50 = tpu.memref_squeeze %dma_wait3A_49 : memref<1x80x128xi32, #tpu.memory_space<hbm>> -> memref<80x128xi32, #tpu.memory_space<hbm>>
      %dma_wait3A_51 = arith.constant 0 : i32
      %dma_wait3A_52 = arith.constant 0 : i32
      %dma_wait3A_53 = tpu.memref_slice %arg2[%add3A, %dma_wait3A_51, %dma_wait3A_52] : memref<32x80x128xi32, #tpu.memory_space<hbm>> -> memref<1x80x128xi32, #tpu.memory_space<hbm>>
      %dma_wait3A_54 = tpu.memref_squeeze %dma_wait3A_53 : memref<1x80x128xi32, #tpu.memory_space<hbm>> -> memref<80x128xi32, #tpu.memory_space<hbm>>
      tpu.wait_dma2 semaphore(%run_scoped3A : memref<!tpu.dma_semaphore, #tpu.memory_space<semaphore_mem>>) src(%dma_wait3A_54 : memref<80x128xi32, #tpu.memory_space<hbm>>) dst(%arg7 : memref<80x128xi32, #tpu.memory_space<vmem>>)
      tpu.yield
    }) : () -> ()
    "tpu.region"() ({
      %run_scoped3A = tpu.sem_alloc : memref<!tpu.dma_semaphore, #tpu.memory_space<semaphore_mem>>
      %dma_start3A = arith.constant 0 : i32
      %dma_start3A_41 = arith.constant 0 : i32
      %dma_start3A_42 = tpu.memref_slice %arg3[%add3A, %dma_start3A, %dma_start3A_41] : memref<32x80x128xi32, #tpu.memory_space<hbm>> -> memref<1x80x128xi32, #tpu.memory_space<hbm>>
      %dma_start3A_43 = tpu.memref_squeeze %dma_start3A_42 : memref<1x80x128xi32, #tpu.memory_space<hbm>> -> memref<80x128xi32, #tpu.memory_space<hbm>>
      %dma_start3A_44 = arith.constant 0 : i32
      %dma_start3A_45 = arith.constant 0 : i32
      %dma_start3A_46 = tpu.memref_slice %arg3[%add3A, %dma_start3A_44, %dma_start3A_45] : memref<32x80x128xi32, #tpu.memory_space<hbm>> -> memref<1x80x128xi32, #tpu.memory_space<hbm>>
      %dma_start3A_47 = tpu.memref_squeeze %dma_start3A_46 : memref<1x80x128xi32, #tpu.memory_space<hbm>> -> memref<80x128xi32, #tpu.memory_space<hbm>>
      tpu.enqueue_dma source(%dma_start3A_47 : memref<80x128xi32, #tpu.memory_space<hbm>>) target(%arg8 : memref<80x128xi32, #tpu.memory_space<vmem>>) target_semaphore(%run_scoped3A : memref<!tpu.dma_semaphore, #tpu.memory_space<semaphore_mem>>)
      %dma_wait3A = arith.constant 0 : i32
      %dma_wait3A_48 = arith.constant 0 : i32
      %dma_wait3A_49 = tpu.memref_slice %arg3[%add3A, %dma_wait3A, %dma_wait3A_48] : memref<32x80x128xi32, #tpu.memory_space<hbm>> -> memref<1x80x128xi32, #tpu.memory_space<hbm>>
      %dma_wait3A_50 = tpu.memref_squeeze %dma_wait3A_49 : memref<1x80x128xi32, #tpu.memory_space<hbm>> -> memref<80x128xi32, #tpu.memory_space<hbm>>
      %dma_wait3A_51 = arith.constant 0 : i32
      %dma_wait3A_52 = arith.constant 0 : i32
      %dma_wait3A_53 = tpu.memref_slice %arg3[%add3A, %dma_wait3A_51, %dma_wait3A_52] : memref<32x80x128xi32, #tpu.memory_space<hbm>> -> memref<1x80x128xi32, #tpu.memory_space<hbm>>
      %dma_wait3A_54 = tpu.memref_squeeze %dma_wait3A_53 : memref<1x80x128xi32, #tpu.memory_space<hbm>> -> memref<80x128xi32, #tpu.memory_space<hbm>>
      tpu.wait_dma2 semaphore(%run_scoped3A : memref<!tpu.dma_semaphore, #tpu.memory_space<semaphore_mem>>) src(%dma_wait3A_54 : memref<80x128xi32, #tpu.memory_space<hbm>>) dst(%arg8 : memref<80x128xi32, #tpu.memory_space<vmem>>)
      tpu.yield
    }) : () -> ()
    "tpu.region"() ({
      %run_scoped3A = tpu.sem_alloc : memref<!tpu.dma_semaphore, #tpu.memory_space<semaphore_mem>>
      tpu.enqueue_dma source(%arg4 : memref<10240xf32, #tpu.memory_space<hbm>>) target(%arg9 : memref<10240xf32, #tpu.memory_space<vmem>>) target_semaphore(%run_scoped3A : memref<!tpu.dma_semaphore, #tpu.memory_space<semaphore_mem>>)
      tpu.wait_dma2 semaphore(%run_scoped3A : memref<!tpu.dma_semaphore, #tpu.memory_space<semaphore_mem>>) src(%arg4 : memref<10240xf32, #tpu.memory_space<hbm>>) dst(%arg9 : memref<10240xf32, #tpu.memory_space<vmem>>)
      tpu.yield
    }) : () -> ()
    %barrier3A = arith.constant 0 : index
    tpu.barrier barrier_id(%barrier3A)
    %iota3A = tpu.iota {dimensions = array<i32: 0>} : vector<16xi32>
    %broadcast_in_dim3A = arith.constant 0 : i32
    %broadcast_in_dim3A_26 = vector.broadcast %broadcast_in_dim3A : i32 to vector<16xi32>
    %scan3A_27 = arith.constant 0 : i32
    %scan3A_28 = arith.constant 0 : i32
    %scan3A_29 = arith.constant 80 : i32
    %scan3A_30 = arith.addi %scan3A_28, %scan3A_29 : i32
    %scan3A_31 = arith.constant 1 : i32
    scf.for %scan3A_41 = %scan3A_28 to %scan3A_30 step %scan3A_31  : i32 {
      %get3A = arith.index_cast %scan3A_41 : i32 to index
      %get3A_42 = arith.constant 0 : index
      %get3A_43 = tpu.vector_load %arg7[%get3A, %get3A_42] {strides = array<i32>} : memref<80x128xi32, #tpu.memory_space<vmem>>, vector<16xi32>,
      %get3A_44 = arith.index_cast %scan3A_41 : i32 to index
      %get3A_45 = arith.constant 0 : index
      %get3A_46 = tpu.vector_load %arg8[%get3A_44, %get3A_45] {strides = array<i32>} : memref<80x128xi32, #tpu.memory_space<vmem>>, vector<16xi32>,
      %gather3A = tpu.vector_load_idx %arg9[%get3A_43] : memref<10240xf32, #tpu.memory_space<vmem>>[vector<16xi32>], vector<16xf32>,
      %gather3A_47 = tpu.vector_load_idx %arg9[%get3A_46] : memref<10240xf32, #tpu.memory_space<vmem>>[vector<16xi32>], vector<16xf32>,
      %add3A_48 = arith.constant 0 : i32
      %add3A_49 = vector.broadcast %add3A_48 : i32 to vector<16xi32>
      %add3A_50 = arith.addi %iota3A, %add3A_49 : vector<16xi32>
      %mul3A_51 = arith.mulf %gather3A, %gather3A_47 : vector<16xf32>
      tpu.vector_store_idx %arg10[%add3A_50, %broadcast_in_dim3A_26], %mul3A_51 : memref<128x16xf32, #tpu.memory_space<vmem>>[vector<16xi32>, vector<16xi32>], vector<16xf32>,
      %get3A_52 = arith.index_cast %scan3A_41 : i32 to index
      %get3A_53 = arith.constant 16 : index
      %get3A_54 = tpu.vector_load %arg7[%get3A_52, %get3A_53] {strides = array<i32>} : memref<80x128xi32, #tpu.memory_space<vmem>>, vector<16xi32>,
      %get3A_55 = arith.index_cast %scan3A_41 : i32 to index
      %get3A_56 = arith.constant 16 : index
      %get3A_57 = tpu.vector_load %arg8[%get3A_55, %get3A_56] {strides = array<i32>} : memref<80x128xi32, #tpu.memory_space<vmem>>, vector<16xi32>,
      %gather3A_58 = tpu.vector_load_idx %arg9[%get3A_54] : memref<10240xf32, #tpu.memory_space<vmem>>[vector<16xi32>], vector<16xf32>,
      %gather3A_59 = tpu.vector_load_idx %arg9[%get3A_57] : memref<10240xf32, #tpu.memory_space<vmem>>[vector<16xi32>], vector<16xf32>,
      %add3A_60 = arith.constant 16 : i32
      %add3A_61 = vector.broadcast %add3A_60 : i32 to vector<16xi32>
      %add3A_62 = arith.addi %iota3A, %add3A_61 : vector<16xi32>
      %mul3A_63 = arith.mulf %gather3A_58, %gather3A_59 : vector<16xf32>
      tpu.vector_store_idx %arg10[%add3A_62, %broadcast_in_dim3A_26], %mul3A_63 : memref<128x16xf32, #tpu.memory_space<vmem>>[vector<16xi32>, vector<16xi32>], vector<16xf32>,
      %get3A_64 = arith.index_cast %scan3A_41 : i32 to index
      %get3A_65 = arith.constant 32 : index
      %get3A_66 = tpu.vector_load %arg7[%get3A_64, %get3A_65] {strides = array<i32>} : memref<80x128xi32, #tpu.memory_space<vmem>>, vector<16xi32>,
      %get3A_67 = arith.index_cast %scan3A_41 : i32 to index
      %get3A_68 = arith.constant 32 : index
      %get3A_69 = tpu.vector_load %arg8[%get3A_67, %get3A_68] {strides = array<i32>} : memref<80x128xi32, #tpu.memory_space<vmem>>, vector<16xi32>,
      %gather3A_70 = tpu.vector_load_idx %arg9[%get3A_66] : memref<10240xf32, #tpu.memory_space<vmem>>[vector<16xi32>], vector<16xf32>,
      %gather3A_71 = tpu.vector_load_idx %arg9[%get3A_69] : memref<10240xf32, #tpu.memory_space<vmem>>[vector<16xi32>], vector<16xf32>,
      %add3A_72 = arith.constant 32 : i32
      %add3A_73 = vector.broadcast %add3A_72 : i32 to vector<16xi32>
      %add3A_74 = arith.addi %iota3A, %add3A_73 : vector<16xi32>
      %mul3A_75 = arith.mulf %gather3A_70, %gather3A_71 : vector<16xf32>
      tpu.vector_store_idx %arg10[%add3A_74, %broadcast_in_dim3A_26], %mul3A_75 : memref<128x16xf32, #tpu.memory_space<vmem>>[vector<16xi32>, vector<16xi32>], vector<16xf32>,
      %get3A_76 = arith.index_cast %scan3A_41 : i32 to index
      %get3A_77 = arith.constant 48 : index
      %get3A_78 = tpu.vector_load %arg7[%get3A_76, %get3A_77] {strides = array<i32>} : memref<80x128xi32, #tpu.memory_space<vmem>>, vector<16xi32>,
      %get3A_79 = arith.index_cast %scan3A_41 : i32 to index
      %get3A_80 = arith.constant 48 : index
      %get3A_81 = tpu.vector_load %arg8[%get3A_79, %get3A_80] {strides = array<i32>} : memref<80x128xi32, #tpu.memory_space<vmem>>, vector<16xi32>,
      %gather3A_82 = tpu.vector_load_idx %arg9[%get3A_78] : memref<10240xf32, #tpu.memory_space<vmem>>[vector<16xi32>], vector<16xf32>,
      %gather3A_83 = tpu.vector_load_idx %arg9[%get3A_81] : memref<10240xf32, #tpu.memory_space<vmem>>[vector<16xi32>], vector<16xf32>,
      %add3A_84 = arith.constant 48 : i32
      %add3A_85 = vector.broadcast %add3A_84 : i32 to vector<16xi32>
      %add3A_86 = arith.addi %iota3A, %add3A_85 : vector<16xi32>
      %mul3A_87 = arith.mulf %gather3A_82, %gather3A_83 : vector<16xf32>
      tpu.vector_store_idx %arg10[%add3A_86, %broadcast_in_dim3A_26], %mul3A_87 : memref<128x16xf32, #tpu.memory_space<vmem>>[vector<16xi32>, vector<16xi32>], vector<16xf32>,
      %get3A_88 = arith.index_cast %scan3A_41 : i32 to index
      %get3A_89 = arith.constant 64 : index
      %get3A_90 = tpu.vector_load %arg7[%get3A_88, %get3A_89] {strides = array<i32>} : memref<80x128xi32, #tpu.memory_space<vmem>>, vector<16xi32>,
      %get3A_91 = arith.index_cast %scan3A_41 : i32 to index
      %get3A_92 = arith.constant 64 : index
      %get3A_93 = tpu.vector_load %arg8[%get3A_91, %get3A_92] {strides = array<i32>} : memref<80x128xi32, #tpu.memory_space<vmem>>, vector<16xi32>,
      %gather3A_94 = tpu.vector_load_idx %arg9[%get3A_90] : memref<10240xf32, #tpu.memory_space<vmem>>[vector<16xi32>], vector<16xf32>,
      %gather3A_95 = tpu.vector_load_idx %arg9[%get3A_93] : memref<10240xf32, #tpu.memory_space<vmem>>[vector<16xi32>], vector<16xf32>,
      %add3A_96 = arith.constant 64 : i32
      %add3A_97 = vector.broadcast %add3A_96 : i32 to vector<16xi32>
      %add3A_98 = arith.addi %iota3A, %add3A_97 : vector<16xi32>
      %mul3A_99 = arith.mulf %gather3A_94, %gather3A_95 : vector<16xf32>
      tpu.vector_store_idx %arg10[%add3A_98, %broadcast_in_dim3A_26], %mul3A_99 : memref<128x16xf32, #tpu.memory_space<vmem>>[vector<16xi32>, vector<16xi32>], vector<16xf32>,
      %get3A_100 = arith.index_cast %scan3A_41 : i32 to index
      %get3A_101 = arith.constant 80 : index
      %get3A_102 = tpu.vector_load %arg7[%get3A_100, %get3A_101] {strides = array<i32>} : memref<80x128xi32, #tpu.memory_space<vmem>>, vector<16xi32>,
      %get3A_103 = arith.index_cast %scan3A_41 : i32 to index
      %get3A_104 = arith.constant 80 : index
      %get3A_105 = tpu.vector_load %arg8[%get3A_103, %get3A_104] {strides = array<i32>} : memref<80x128xi32, #tpu.memory_space<vmem>>, vector<16xi32>,
      %gather3A_106 = tpu.vector_load_idx %arg9[%get3A_102] : memref<10240xf32, #tpu.memory_space<vmem>>[vector<16xi32>], vector<16xf32>,
      %gather3A_107 = tpu.vector_load_idx %arg9[%get3A_105] : memref<10240xf32, #tpu.memory_space<vmem>>[vector<16xi32>], vector<16xf32>,
      %add3A_108 = arith.constant 80 : i32
      %add3A_109 = vector.broadcast %add3A_108 : i32 to vector<16xi32>
      %add3A_110 = arith.addi %iota3A, %add3A_109 : vector<16xi32>
      %mul3A_111 = arith.mulf %gather3A_106, %gather3A_107 : vector<16xf32>
      tpu.vector_store_idx %arg10[%add3A_110, %broadcast_in_dim3A_26], %mul3A_111 : memref<128x16xf32, #tpu.memory_space<vmem>>[vector<16xi32>, vector<16xi32>], vector<16xf32>,
      %get3A_112 = arith.index_cast %scan3A_41 : i32 to index
      %get3A_113 = arith.constant 96 : index
      %get3A_114 = tpu.vector_load %arg7[%get3A_112, %get3A_113] {strides = array<i32>} : memref<80x128xi32, #tpu.memory_space<vmem>>, vector<16xi32>,
      %get3A_115 = arith.index_cast %scan3A_41 : i32 to index
      %get3A_116 = arith.constant 96 : index
      %get3A_117 = tpu.vector_load %arg8[%get3A_115, %get3A_116] {strides = array<i32>} : memref<80x128xi32, #tpu.memory_space<vmem>>, vector<16xi32>,
      %gather3A_118 = tpu.vector_load_idx %arg9[%get3A_114] : memref<10240xf32, #tpu.memory_space<vmem>>[vector<16xi32>], vector<16xf32>,
      %gather3A_119 = tpu.vector_load_idx %arg9[%get3A_117] : memref<10240xf32, #tpu.memory_space<vmem>>[vector<16xi32>], vector<16xf32>,
      %add3A_120 = arith.constant 96 : i32
      %add3A_121 = vector.broadcast %add3A_120 : i32 to vector<16xi32>
      %add3A_122 = arith.addi %iota3A, %add3A_121 : vector<16xi32>
      %mul3A_123 = arith.mulf %gather3A_118, %gather3A_119 : vector<16xf32>
      tpu.vector_store_idx %arg10[%add3A_122, %broadcast_in_dim3A_26], %mul3A_123 : memref<128x16xf32, #tpu.memory_space<vmem>>[vector<16xi32>, vector<16xi32>], vector<16xf32>,
      %get3A_124 = arith.index_cast %scan3A_41 : i32 to index
      %get3A_125 = arith.constant 112 : index
      %get3A_126 = tpu.vector_load %arg7[%get3A_124, %get3A_125] {strides = array<i32>} : memref<80x128xi32, #tpu.memory_space<vmem>>, vector<16xi32>,
      %get3A_127 = arith.index_cast %scan3A_41 : i32 to index
      %get3A_128 = arith.constant 112 : index
      %get3A_129 = tpu.vector_load %arg8[%get3A_127, %get3A_128] {strides = array<i32>} : memref<80x128xi32, #tpu.memory_space<vmem>>, vector<16xi32>,
      %gather3A_130 = tpu.vector_load_idx %arg9[%get3A_126] : memref<10240xf32, #tpu.memory_space<vmem>>[vector<16xi32>], vector<16xf32>,
      %gather3A_131 = tpu.vector_load_idx %arg9[%get3A_129] : memref<10240xf32, #tpu.memory_space<vmem>>[vector<16xi32>], vector<16xf32>,
      %add3A_132 = arith.constant 112 : i32
      %add3A_133 = vector.broadcast %add3A_132 : i32 to vector<16xi32>
      %add3A_134 = arith.addi %iota3A, %add3A_133 : vector<16xi32>
      %mul3A_135 = arith.mulf %gather3A_130, %gather3A_131 : vector<16xf32>
      tpu.vector_store_idx %arg10[%add3A_134, %broadcast_in_dim3A_26], %mul3A_135 : memref<128x16xf32, #tpu.memory_space<vmem>>[vector<16xi32>, vector<16xi32>], vector<16xf32>,
      "tpu.region"() ({
        %run_scoped3A = tpu.sem_alloc : memref<!tpu.dma_semaphore, #tpu.memory_space<semaphore_mem>>
        %dma_start3A = arith.constant 0 : i32
        %dma_start3A_136 = tpu.memref_slice %arg8[%scan3A_41, %dma_start3A] : memref<80x128xi32, #tpu.memory_space<vmem>> -> memref<1x128xi32, #tpu.memory_space<vmem>>
        %dma_start3A_137 = tpu.memref_squeeze %dma_start3A_136 : memref<1x128xi32, #tpu.memory_space<vmem>> -> memref<128xi32, #tpu.memory_space<vmem>>
        %dma_start3A_138 = arith.constant 0 : i32
        %dma_start3A_139 = arith.constant 0 : i32
        %dma_start3A_140 = tpu.memref_slice %arg11[%dma_start3A_138, %dma_start3A_139] : memref<10240x16xf32, #tpu.memory_space<vmem_shared>> -> memref<10240x16xf32, #tpu.memory_space<vmem_shared>>
        tpu.enqueue_indirect_dma source(%arg10 : memref<128x16xf32, #tpu.memory_space<vmem>>) target(%dma_start3A_140 : memref<10240x16xf32, #tpu.memory_space<vmem_shared>>) offsets(%dma_start3A_137 : memref<128xi32, #tpu.memory_space<vmem>>) semaphore(%run_scoped3A : memref<!tpu.dma_semaphore, #tpu.memory_space<semaphore_mem>>) {add = true}
        %dma_wait3A = arith.constant 0 : i32
        %dma_wait3A_141 = tpu.memref_slice %arg8[%scan3A_41, %dma_wait3A] : memref<80x128xi32, #tpu.memory_space<vmem>> -> memref<1x128xi32, #tpu.memory_space<vmem>>
        %dma_wait3A_142 = tpu.memref_squeeze %dma_wait3A_141 : memref<1x128xi32, #tpu.memory_space<vmem>> -> memref<128xi32, #tpu.memory_space<vmem>>
        %dma_wait3A_143 = arith.constant 0 : i32
        %dma_wait3A_144 = arith.constant 0 : i32
        %dma_wait3A_145 = tpu.memref_slice %arg11[%dma_wait3A_143, %dma_wait3A_144] : memref<10240x16xf32, #tpu.memory_space<vmem_shared>> -> memref<10240x16xf32, #tpu.memory_space<vmem_shared>>
        tpu.wait_indirect_dma semaphore(%run_scoped3A : memref<!tpu.dma_semaphore, #tpu.memory_space<semaphore_mem>>) src(%arg10 : memref<128x16xf32, #tpu.memory_space<vmem>>) dst(%dma_wait3A_145 : memref<10240x16xf32, #tpu.memory_space<vmem_shared>>)
        tpu.yield
      }) : () -> ()
    }
    %scan3A_32 = arith.constant 80 : i32
    %barrier3A_33 = arith.constant 0 : index
    tpu.barrier barrier_id(%barrier3A_33)
    %eq3A = arith.constant 0 : i32
    %eq3A_34 = arith.cmpi eq, %arg0, %eq3A : i32
    %convert_element_type3A = arith.extui %eq3A_34 : i1 to i32
    %cond3A = arith.constant 0 : i32
    %cond3A_35 = arith.cmpi ne, %convert_element_type3A, %cond3A : i32
    scf.if %cond3A_35 {
      %mul3A_41 = arith.constant 640 : i32
      %mul3A_42 = arith.muli %arg1, %mul3A_41 : i32
      %mul3A_43 = arith.constant 640 : i32
      %mul3A_44 = arith.muli %arg1, %mul3A_43 : i32
      "tpu.region"() ({
        %run_scoped3A = tpu.sem_alloc : memref<!tpu.dma_semaphore, #tpu.memory_space<semaphore_mem>>
        %dma_start3A = arith.constant 0 : i32
        %dma_start3A_45 = tpu.memref_slice %arg5[%mul3A_44, %dma_start3A] : memref<10240x16xf32, #tpu.memory_space<hbm>> -> memref<640x16xf32, #tpu.memory_space<hbm>>
        %dma_start3A_46 = arith.constant 0 : i32
        %dma_start3A_47 = tpu.memref_slice %arg11[%mul3A_42, %dma_start3A_46] : memref<10240x16xf32, #tpu.memory_space<vmem_shared>> -> memref<640x16xf32, #tpu.memory_space<vmem_shared>>
        tpu.enqueue_dma source(%dma_start3A_47 : memref<640x16xf32, #tpu.memory_space<vmem_shared>>) target(%dma_start3A_45 : memref<640x16xf32, #tpu.memory_space<hbm>>) target_semaphore(%run_scoped3A : memref<!tpu.dma_semaphore, #tpu.memory_space<semaphore_mem>>)
        %dma_wait3A = arith.constant 0 : i32
        %dma_wait3A_48 = tpu.memref_slice %arg5[%mul3A_44, %dma_wait3A] : memref<10240x16xf32, #tpu.memory_space<hbm>> -> memref<640x16xf32, #tpu.memory_space<hbm>>
        %dma_wait3A_49 = arith.constant 0 : i32
        %dma_wait3A_50 = tpu.memref_slice %arg11[%mul3A_42, %dma_wait3A_49] : memref<10240x16xf32, #tpu.memory_space<vmem_shared>> -> memref<640x16xf32, #tpu.memory_space<vmem_shared>>
        tpu.wait_dma2 semaphore(%run_scoped3A : memref<!tpu.dma_semaphore, #tpu.memory_space<semaphore_mem>>) src(%dma_wait3A_50 : memref<640x16xf32, #tpu.memory_space<vmem_shared>>) dst(%dma_wait3A_48 : memref<640x16xf32, #tpu.memory_space<hbm>>)
        tpu.yield
      }) : () -> ()
    } else {
    }
    %eq3A_36 = arith.constant 1 : i32
    %eq3A_37 = arith.cmpi eq, %arg0, %eq3A_36 : i32
    %convert_element_type3A_38 = arith.extui %eq3A_37 : i1 to i32
    %cond3A_39 = arith.constant 0 : i32
    %cond3A_40 = arith.cmpi ne, %convert_element_type3A_38, %cond3A_39 : i32
    scf.if %cond3A_40 {
      %mul3A_41 = arith.constant 640 : i32
      %mul3A_42 = arith.muli %arg1, %mul3A_41 : i32
      %mul3A_43 = arith.constant 640 : i32
      %mul3A_44 = arith.muli %arg1, %mul3A_43 : i32
      "tpu.region"() ({
        %run_scoped3A = tpu.sem_alloc : memref<!tpu.dma_semaphore, #tpu.memory_space<semaphore_mem>>
        %dma_start3A = arith.constant 0 : i32
        %dma_start3A_45 = tpu.memref_slice %arg6[%mul3A_44, %dma_start3A] : memref<10240x16xf32, #tpu.memory_space<hbm>> -> memref<640x16xf32, #tpu.memory_space<hbm>>
        %dma_start3A_46 = arith.constant 0 : i32
        %dma_start3A_47 = tpu.memref_slice %arg11[%mul3A_42, %dma_start3A_46] : memref<10240x16xf32, #tpu.memory_space<vmem_shared>> -> memref<640x16xf32, #tpu.memory_space<vmem_shared>>
        tpu.enqueue_dma source(%dma_start3A_47 : memref<640x16xf32, #tpu.memory_space<vmem_shared>>) target(%dma_start3A_45 : memref<640x16xf32, #tpu.memory_space<hbm>>) target_semaphore(%run_scoped3A : memref<!tpu.dma_semaphore, #tpu.memory_space<semaphore_mem>>)
        %dma_wait3A = arith.constant 0 : i32
        %dma_wait3A_48 = tpu.memref_slice %arg6[%mul3A_44, %dma_wait3A] : memref<10240x16xf32, #tpu.memory_space<hbm>> -> memref<640x16xf32, #tpu.memory_space<hbm>>
        %dma_wait3A_49 = arith.constant 0 : i32
        %dma_wait3A_50 = tpu.memref_slice %arg11[%mul3A_42, %dma_wait3A_49] : memref<10240x16xf32, #tpu.memory_space<vmem_shared>> -> memref<640x16xf32, #tpu.memory_space<vmem_shared>>
        tpu.wait_dma2 semaphore(%run_scoped3A : memref<!tpu.dma_semaphore, #tpu.memory_space<semaphore_mem>>) src(%dma_wait3A_50 : memref<640x16xf32, #tpu.memory_space<vmem_shared>>) dst(%dma_wait3A_48 : memref<640x16xf32, #tpu.memory_space<hbm>>)
        tpu.yield
      }) : () -> ()
    } else {
    }
    return
  }
}

#map = affine_map<(d0, d1) -> (0, 0)>
#map1 = affine_map<(d0, d1) -> (0, 0, 0)>
module attributes {stable_mosaic.version = 14 : i64} {
  func.func @_scatter2_body(%arg0: i32, %arg1: i32, %arg2: memref<10240x64xf32, #tpu.memory_space<hbm>>, %arg3: memref<10240x64xf32, #tpu.memory_space<hbm>>, %arg4: memref<10240x64xf32, #tpu.memory_space<hbm>>, %arg5: memref<10240x64xf32, #tpu.memory_space<hbm>>, %arg6: memref<16x160x128xi32, #tpu.memory_space<hbm>>, %arg7: memref<16x160x128xi32, #tpu.memory_space<hbm>>, %arg8: memref<10240x64xf32, #tpu.memory_space<hbm>>, %arg9: memref<10240x64xf32, #tpu.memory_space<hbm>>, %arg10: memref<10240x64xf32, #tpu.memory_space<hbm>>, %arg11: memref<10240x64xf32, #tpu.memory_space<hbm>>, %arg12: memref<160x128xi32, #tpu.memory_space<vmem>>, %arg13: memref<160x128xi32, #tpu.memory_space<vmem>>, %arg14: memref<128x64xf32, #tpu.memory_space<vmem>>, %arg15: memref<128x64xf32, #tpu.memory_space<vmem>>, %arg16: memref<10240x64xf32, #tpu.memory_space<vmem_shared>>, %arg17: memref<!tpu.dma_semaphore, #tpu.memory_space<semaphore_mem>>, %arg18: memref<!tpu.dma_semaphore, #tpu.memory_space<semaphore_mem>>) attributes {dimension_semantics = [#tpu.dimension_semantics<core_parallel>, #tpu.dimension_semantics<subcore_parallel>], iteration_bounds = array<i64: 2, 16>, scalar_prefetch = 0 : i64, scratch_operands = 7 : i64, tpu.core_type = #tpu.core_type<sc_vector_subcore>, window_params = [{transform_indices = #map}, {transform_indices = #map}, {transform_indices = #map}, {transform_indices = #map}, {transform_indices = #map1}, {transform_indices = #map1}, {transform_indices = #map}, {transform_indices = #map}, {transform_indices = #map}, {transform_indices = #map}]} {
    "tpu.region"() ({
      %run_scoped3A = tpu.sem_alloc : memref<!tpu.dma_semaphore, #tpu.memory_space<semaphore_mem>>
      %dma_start3A = arith.constant 0 : i32
      %dma_start3A_7 = arith.constant 0 : i32
      %dma_start3A_8 = tpu.memref_slice %arg6[%arg1, %dma_start3A, %dma_start3A_7] : memref<16x160x128xi32, #tpu.memory_space<hbm>> -> memref<1x160x128xi32, #tpu.memory_space<hbm>>
      %dma_start3A_9 = tpu.memref_squeeze %dma_start3A_8 : memref<1x160x128xi32, #tpu.memory_space<hbm>> -> memref<160x128xi32, #tpu.memory_space<hbm>>
      %dma_start3A_10 = arith.constant 0 : i32
      %dma_start3A_11 = arith.constant 0 : i32
      %dma_start3A_12 = tpu.memref_slice %arg6[%arg1, %dma_start3A_10, %dma_start3A_11] : memref<16x160x128xi32, #tpu.memory_space<hbm>> -> memref<1x160x128xi32, #tpu.memory_space<hbm>>
      %dma_start3A_13 = tpu.memref_squeeze %dma_start3A_12 : memref<1x160x128xi32, #tpu.memory_space<hbm>> -> memref<160x128xi32, #tpu.memory_space<hbm>>
      tpu.enqueue_dma source(%dma_start3A_13 : memref<160x128xi32, #tpu.memory_space<hbm>>) target(%arg12 : memref<160x128xi32, #tpu.memory_space<vmem>>) target_semaphore(%run_scoped3A : memref<!tpu.dma_semaphore, #tpu.memory_space<semaphore_mem>>)
      %dma_wait3A = arith.constant 0 : i32
      %dma_wait3A_14 = arith.constant 0 : i32
      %dma_wait3A_15 = tpu.memref_slice %arg6[%arg1, %dma_wait3A, %dma_wait3A_14] : memref<16x160x128xi32, #tpu.memory_space<hbm>> -> memref<1x160x128xi32, #tpu.memory_space<hbm>>
      %dma_wait3A_16 = tpu.memref_squeeze %dma_wait3A_15 : memref<1x160x128xi32, #tpu.memory_space<hbm>> -> memref<160x128xi32, #tpu.memory_space<hbm>>
      %dma_wait3A_17 = arith.constant 0 : i32
      %dma_wait3A_18 = arith.constant 0 : i32
      %dma_wait3A_19 = tpu.memref_slice %arg6[%arg1, %dma_wait3A_17, %dma_wait3A_18] : memref<16x160x128xi32, #tpu.memory_space<hbm>> -> memref<1x160x128xi32, #tpu.memory_space<hbm>>
      %dma_wait3A_20 = tpu.memref_squeeze %dma_wait3A_19 : memref<1x160x128xi32, #tpu.memory_space<hbm>> -> memref<160x128xi32, #tpu.memory_space<hbm>>
      tpu.wait_dma2 semaphore(%run_scoped3A : memref<!tpu.dma_semaphore, #tpu.memory_space<semaphore_mem>>) src(%dma_wait3A_20 : memref<160x128xi32, #tpu.memory_space<hbm>>) dst(%arg12 : memref<160x128xi32, #tpu.memory_space<vmem>>)
      tpu.yield
    }) : () -> ()
    "tpu.region"() ({
      %run_scoped3A = tpu.sem_alloc : memref<!tpu.dma_semaphore, #tpu.memory_space<semaphore_mem>>
      %dma_start3A = arith.constant 0 : i32
      %dma_start3A_7 = arith.constant 0 : i32
      %dma_start3A_8 = tpu.memref_slice %arg7[%arg1, %dma_start3A, %dma_start3A_7] : memref<16x160x128xi32, #tpu.memory_space<hbm>> -> memref<1x160x128xi32, #tpu.memory_space<hbm>>
      %dma_start3A_9 = tpu.memref_squeeze %dma_start3A_8 : memref<1x160x128xi32, #tpu.memory_space<hbm>> -> memref<160x128xi32, #tpu.memory_space<hbm>>
      %dma_start3A_10 = arith.constant 0 : i32
      %dma_start3A_11 = arith.constant 0 : i32
      %dma_start3A_12 = tpu.memref_slice %arg7[%arg1, %dma_start3A_10, %dma_start3A_11] : memref<16x160x128xi32, #tpu.memory_space<hbm>> -> memref<1x160x128xi32, #tpu.memory_space<hbm>>
      %dma_start3A_13 = tpu.memref_squeeze %dma_start3A_12 : memref<1x160x128xi32, #tpu.memory_space<hbm>> -> memref<160x128xi32, #tpu.memory_space<hbm>>
      tpu.enqueue_dma source(%dma_start3A_13 : memref<160x128xi32, #tpu.memory_space<hbm>>) target(%arg13 : memref<160x128xi32, #tpu.memory_space<vmem>>) target_semaphore(%run_scoped3A : memref<!tpu.dma_semaphore, #tpu.memory_space<semaphore_mem>>)
      %dma_wait3A = arith.constant 0 : i32
      %dma_wait3A_14 = arith.constant 0 : i32
      %dma_wait3A_15 = tpu.memref_slice %arg7[%arg1, %dma_wait3A, %dma_wait3A_14] : memref<16x160x128xi32, #tpu.memory_space<hbm>> -> memref<1x160x128xi32, #tpu.memory_space<hbm>>
      %dma_wait3A_16 = tpu.memref_squeeze %dma_wait3A_15 : memref<1x160x128xi32, #tpu.memory_space<hbm>> -> memref<160x128xi32, #tpu.memory_space<hbm>>
      %dma_wait3A_17 = arith.constant 0 : i32
      %dma_wait3A_18 = arith.constant 0 : i32
      %dma_wait3A_19 = tpu.memref_slice %arg7[%arg1, %dma_wait3A_17, %dma_wait3A_18] : memref<16x160x128xi32, #tpu.memory_space<hbm>> -> memref<1x160x128xi32, #tpu.memory_space<hbm>>
      %dma_wait3A_20 = tpu.memref_squeeze %dma_wait3A_19 : memref<1x160x128xi32, #tpu.memory_space<hbm>> -> memref<160x128xi32, #tpu.memory_space<hbm>>
      tpu.wait_dma2 semaphore(%run_scoped3A : memref<!tpu.dma_semaphore, #tpu.memory_space<semaphore_mem>>) src(%dma_wait3A_20 : memref<160x128xi32, #tpu.memory_space<hbm>>) dst(%arg13 : memref<160x128xi32, #tpu.memory_space<vmem>>)
      tpu.yield
    }) : () -> ()
    %eq3A = arith.constant 0 : i32
    %eq3A_0 = arith.cmpi eq, %arg0, %eq3A : i32
    %convert_element_type3A = arith.extui %eq3A_0 : i1 to i32
    %cond3A = arith.constant 0 : i32
    %cond3A_1 = arith.cmpi ne, %convert_element_type3A, %cond3A : i32
    scf.if %cond3A_1 {
      %scan3A = arith.constant 0 : i32
      %scan3A_7 = arith.constant 0 : i32
      %scan3A_8 = arith.constant 128 : i32
      %scan3A_9 = arith.addi %scan3A_7, %scan3A_8 : i32
      %scan3A_10 = arith.constant 1 : i32
      scf.for %scan3A_108 = %scan3A_7 to %scan3A_9 step %scan3A_10  : i32 {
        %broadcast_in_dim3A = arith.constant 0.000000e+00 : f32
        %broadcast_in_dim3A_109 = vector.broadcast %broadcast_in_dim3A : f32 to vector<16xf32>
        %swap3A = arith.index_cast %scan3A_108 : i32 to index
        %swap3A_110 = arith.constant 0 : index
        %swap3A_111 = tpu.vector_load %arg14[%swap3A, %swap3A_110] {strides = array<i32>} : memref<128x64xf32, #tpu.memory_space<vmem>>, vector<16xf32>,
        tpu.vector_store %arg14[%swap3A, %swap3A_110], %broadcast_in_dim3A_109 {strides = array<i32>} : memref<128x64xf32, #tpu.memory_space<vmem>>, vector<16xf32>,
        %broadcast_in_dim3A_112 = arith.constant 0.000000e+00 : f32
        %broadcast_in_dim3A_113 = vector.broadcast %broadcast_in_dim3A_112 : f32 to vector<16xf32>
        %swap3A_114 = arith.index_cast %scan3A_108 : i32 to index
        %swap3A_115 = arith.constant 16 : index
        %swap3A_116 = tpu.vector_load %arg14[%swap3A_114, %swap3A_115] {strides = array<i32>} : memref<128x64xf32, #tpu.memory_space<vmem>>, vector<16xf32>,
        tpu.vector_store %arg14[%swap3A_114, %swap3A_115], %broadcast_in_dim3A_113 {strides = array<i32>} : memref<128x64xf32, #tpu.memory_space<vmem>>, vector<16xf32>,
        %broadcast_in_dim3A_117 = arith.constant 0.000000e+00 : f32
        %broadcast_in_dim3A_118 = vector.broadcast %broadcast_in_dim3A_117 : f32 to vector<16xf32>
        %swap3A_119 = arith.index_cast %scan3A_108 : i32 to index
        %swap3A_120 = arith.constant 32 : index
        %swap3A_121 = tpu.vector_load %arg14[%swap3A_119, %swap3A_120] {strides = array<i32>} : memref<128x64xf32, #tpu.memory_space<vmem>>, vector<16xf32>,
        tpu.vector_store %arg14[%swap3A_119, %swap3A_120], %broadcast_in_dim3A_118 {strides = array<i32>} : memref<128x64xf32, #tpu.memory_space<vmem>>, vector<16xf32>,
        %broadcast_in_dim3A_122 = arith.constant 0.000000e+00 : f32
        %broadcast_in_dim3A_123 = vector.broadcast %broadcast_in_dim3A_122 : f32 to vector<16xf32>
        %swap3A_124 = arith.index_cast %scan3A_108 : i32 to index
        %swap3A_125 = arith.constant 48 : index
        %swap3A_126 = tpu.vector_load %arg14[%swap3A_124, %swap3A_125] {strides = array<i32>} : memref<128x64xf32, #tpu.memory_space<vmem>>, vector<16xf32>,
        tpu.vector_store %arg14[%swap3A_124, %swap3A_125], %broadcast_in_dim3A_123 {strides = array<i32>} : memref<128x64xf32, #tpu.memory_space<vmem>>, vector<16xf32>,
      }
      %scan3A_11 = arith.constant 128 : i32
      %mul3A = arith.constant 640 : i32
      %mul3A_12 = arith.muli %arg1, %mul3A : i32
      %add3A = arith.constant 0 : i32
      %add3A_13 = arith.addi %mul3A_12, %add3A : i32
      "tpu.region"() ({
        %run_scoped3A = tpu.sem_alloc : memref<!tpu.dma_semaphore, #tpu.memory_space<semaphore_mem>>
        %dma_start3A_108 = arith.constant 0 : i32
        %dma_start3A_109 = tpu.memref_slice %arg16[%add3A_13, %dma_start3A_108] : memref<10240x64xf32, #tpu.memory_space<vmem_shared>> -> memref<128x64xf32, #tpu.memory_space<vmem_shared>>
        %dma_start3A_110 = arith.constant 0 : i32
        %dma_start3A_111 = tpu.memref_slice %arg16[%add3A_13, %dma_start3A_110] : memref<10240x64xf32, #tpu.memory_space<vmem_shared>> -> memref<128x64xf32, #tpu.memory_space<vmem_shared>>
        tpu.enqueue_dma source(%arg14 : memref<128x64xf32, #tpu.memory_space<vmem>>) target(%dma_start3A_111 : memref<128x64xf32, #tpu.memory_space<vmem_shared>>) target_semaphore(%run_scoped3A : memref<!tpu.dma_semaphore, #tpu.memory_space<semaphore_mem>>)
        %dma_wait3A = arith.constant 0 : i32
        %dma_wait3A_112 = tpu.memref_slice %arg16[%add3A_13, %dma_wait3A] : memref<10240x64xf32, #tpu.memory_space<vmem_shared>> -> memref<128x64xf32, #tpu.memory_space<vmem_shared>>
        %dma_wait3A_113 = arith.constant 0 : i32
        %dma_wait3A_114 = tpu.memref_slice %arg16[%add3A_13, %dma_wait3A_113] : memref<10240x64xf32, #tpu.memory_space<vmem_shared>> -> memref<128x64xf32, #tpu.memory_space<vmem_shared>>
        tpu.wait_dma2 semaphore(%run_scoped3A : memref<!tpu.dma_semaphore, #tpu.memory_space<semaphore_mem>>) src(%arg14 : memref<128x64xf32, #tpu.memory_space<vmem>>) dst(%dma_wait3A_114 : memref<128x64xf32, #tpu.memory_space<vmem_shared>>)
        tpu.yield
      }) : () -> ()
      %mul3A_14 = arith.constant 640 : i32
      %mul3A_15 = arith.muli %arg1, %mul3A_14 : i32
      %add3A_16 = arith.constant 128 : i32
      %add3A_17 = arith.addi %mul3A_15, %add3A_16 : i32
      "tpu.region"() ({
        %run_scoped3A = tpu.sem_alloc : memref<!tpu.dma_semaphore, #tpu.memory_space<semaphore_mem>>
        %dma_start3A_108 = arith.constant 0 : i32
        %dma_start3A_109 = tpu.memref_slice %arg16[%add3A_17, %dma_start3A_108] : memref<10240x64xf32, #tpu.memory_space<vmem_shared>> -> memref<128x64xf32, #tpu.memory_space<vmem_shared>>
        %dma_start3A_110 = arith.constant 0 : i32
        %dma_start3A_111 = tpu.memref_slice %arg16[%add3A_17, %dma_start3A_110] : memref<10240x64xf32, #tpu.memory_space<vmem_shared>> -> memref<128x64xf32, #tpu.memory_space<vmem_shared>>
        tpu.enqueue_dma source(%arg14 : memref<128x64xf32, #tpu.memory_space<vmem>>) target(%dma_start3A_111 : memref<128x64xf32, #tpu.memory_space<vmem_shared>>) target_semaphore(%run_scoped3A : memref<!tpu.dma_semaphore, #tpu.memory_space<semaphore_mem>>)
        %dma_wait3A = arith.constant 0 : i32
        %dma_wait3A_112 = tpu.memref_slice %arg16[%add3A_17, %dma_wait3A] : memref<10240x64xf32, #tpu.memory_space<vmem_shared>> -> memref<128x64xf32, #tpu.memory_space<vmem_shared>>
        %dma_wait3A_113 = arith.constant 0 : i32
        %dma_wait3A_114 = tpu.memref_slice %arg16[%add3A_17, %dma_wait3A_113] : memref<10240x64xf32, #tpu.memory_space<vmem_shared>> -> memref<128x64xf32, #tpu.memory_space<vmem_shared>>
        tpu.wait_dma2 semaphore(%run_scoped3A : memref<!tpu.dma_semaphore, #tpu.memory_space<semaphore_mem>>) src(%arg14 : memref<128x64xf32, #tpu.memory_space<vmem>>) dst(%dma_wait3A_114 : memref<128x64xf32, #tpu.memory_space<vmem_shared>>)
        tpu.yield
      }) : () -> ()
      %mul3A_18 = arith.constant 640 : i32
      %mul3A_19 = arith.muli %arg1, %mul3A_18 : i32
      %add3A_20 = arith.constant 256 : i32
      %add3A_21 = arith.addi %mul3A_19, %add3A_20 : i32
      "tpu.region"() ({
        %run_scoped3A = tpu.sem_alloc : memref<!tpu.dma_semaphore, #tpu.memory_space<semaphore_mem>>
        %dma_start3A_108 = arith.constant 0 : i32
        %dma_start3A_109 = tpu.memref_slice %arg16[%add3A_21, %dma_start3A_108] : memref<10240x64xf32, #tpu.memory_space<vmem_shared>> -> memref<128x64xf32, #tpu.memory_space<vmem_shared>>
        %dma_start3A_110 = arith.constant 0 : i32
        %dma_start3A_111 = tpu.memref_slice %arg16[%add3A_21, %dma_start3A_110] : memref<10240x64xf32, #tpu.memory_space<vmem_shared>> -> memref<128x64xf32, #tpu.memory_space<vmem_shared>>
        tpu.enqueue_dma source(%arg14 : memref<128x64xf32, #tpu.memory_space<vmem>>) target(%dma_start3A_111 : memref<128x64xf32, #tpu.memory_space<vmem_shared>>) target_semaphore(%run_scoped3A : memref<!tpu.dma_semaphore, #tpu.memory_space<semaphore_mem>>)
        %dma_wait3A = arith.constant 0 : i32
        %dma_wait3A_112 = tpu.memref_slice %arg16[%add3A_21, %dma_wait3A] : memref<10240x64xf32, #tpu.memory_space<vmem_shared>> -> memref<128x64xf32, #tpu.memory_space<vmem_shared>>
        %dma_wait3A_113 = arith.constant 0 : i32
        %dma_wait3A_114 = tpu.memref_slice %arg16[%add3A_21, %dma_wait3A_113] : memref<10240x64xf32, #tpu.memory_space<vmem_shared>> -> memref<128x64xf32, #tpu.memory_space<vmem_shared>>
        tpu.wait_dma2 semaphore(%run_scoped3A : memref<!tpu.dma_semaphore, #tpu.memory_space<semaphore_mem>>) src(%arg14 : memref<128x64xf32, #tpu.memory_space<vmem>>) dst(%dma_wait3A_114 : memref<128x64xf32, #tpu.memory_space<vmem_shared>>)
        tpu.yield
      }) : () -> ()
      %mul3A_22 = arith.constant 640 : i32
      %mul3A_23 = arith.muli %arg1, %mul3A_22 : i32
      %add3A_24 = arith.constant 384 : i32
      %add3A_25 = arith.addi %mul3A_23, %add3A_24 : i32
      "tpu.region"() ({
        %run_scoped3A = tpu.sem_alloc : memref<!tpu.dma_semaphore, #tpu.memory_space<semaphore_mem>>
        %dma_start3A_108 = arith.constant 0 : i32
        %dma_start3A_109 = tpu.memref_slice %arg16[%add3A_25, %dma_start3A_108] : memref<10240x64xf32, #tpu.memory_space<vmem_shared>> -> memref<128x64xf32, #tpu.memory_space<vmem_shared>>
        %dma_start3A_110 = arith.constant 0 : i32
        %dma_start3A_111 = tpu.memref_slice %arg16[%add3A_25, %dma_start3A_110] : memref<10240x64xf32, #tpu.memory_space<vmem_shared>> -> memref<128x64xf32, #tpu.memory_space<vmem_shared>>
        tpu.enqueue_dma source(%arg14 : memref<128x64xf32, #tpu.memory_space<vmem>>) target(%dma_start3A_111 : memref<128x64xf32, #tpu.memory_space<vmem_shared>>) target_semaphore(%run_scoped3A : memref<!tpu.dma_semaphore, #tpu.memory_space<semaphore_mem>>)
        %dma_wait3A = arith.constant 0 : i32
        %dma_wait3A_112 = tpu.memref_slice %arg16[%add3A_25, %dma_wait3A] : memref<10240x64xf32, #tpu.memory_space<vmem_shared>> -> memref<128x64xf32, #tpu.memory_space<vmem_shared>>
        %dma_wait3A_113 = arith.constant 0 : i32
        %dma_wait3A_114 = tpu.memref_slice %arg16[%add3A_25, %dma_wait3A_113] : memref<10240x64xf32, #tpu.memory_space<vmem_shared>> -> memref<128x64xf32, #tpu.memory_space<vmem_shared>>
        tpu.wait_dma2 semaphore(%run_scoped3A : memref<!tpu.dma_semaphore, #tpu.memory_space<semaphore_mem>>) src(%arg14 : memref<128x64xf32, #tpu.memory_space<vmem>>) dst(%dma_wait3A_114 : memref<128x64xf32, #tpu.memory_space<vmem_shared>>)
        tpu.yield
      }) : () -> ()
      %mul3A_26 = arith.constant 640 : i32
      %mul3A_27 = arith.muli %arg1, %mul3A_26 : i32
      %add3A_28 = arith.constant 512 : i32
      %add3A_29 = arith.addi %mul3A_27, %add3A_28 : i32
      "tpu.region"() ({
        %run_scoped3A = tpu.sem_alloc : memref<!tpu.dma_semaphore, #tpu.memory_space<semaphore_mem>>
        %dma_start3A_108 = arith.constant 0 : i32
        %dma_start3A_109 = tpu.memref_slice %arg16[%add3A_29, %dma_start3A_108] : memref<10240x64xf32, #tpu.memory_space<vmem_shared>> -> memref<128x64xf32, #tpu.memory_space<vmem_shared>>
        %dma_start3A_110 = arith.constant 0 : i32
        %dma_start3A_111 = tpu.memref_slice %arg16[%add3A_29, %dma_start3A_110] : memref<10240x64xf32, #tpu.memory_space<vmem_shared>> -> memref<128x64xf32, #tpu.memory_space<vmem_shared>>
        tpu.enqueue_dma source(%arg14 : memref<128x64xf32, #tpu.memory_space<vmem>>) target(%dma_start3A_111 : memref<128x64xf32, #tpu.memory_space<vmem_shared>>) target_semaphore(%run_scoped3A : memref<!tpu.dma_semaphore, #tpu.memory_space<semaphore_mem>>)
        %dma_wait3A = arith.constant 0 : i32
        %dma_wait3A_112 = tpu.memref_slice %arg16[%add3A_29, %dma_wait3A] : memref<10240x64xf32, #tpu.memory_space<vmem_shared>> -> memref<128x64xf32, #tpu.memory_space<vmem_shared>>
        %dma_wait3A_113 = arith.constant 0 : i32
        %dma_wait3A_114 = tpu.memref_slice %arg16[%add3A_29, %dma_wait3A_113] : memref<10240x64xf32, #tpu.memory_space<vmem_shared>> -> memref<128x64xf32, #tpu.memory_space<vmem_shared>>
        tpu.wait_dma2 semaphore(%run_scoped3A : memref<!tpu.dma_semaphore, #tpu.memory_space<semaphore_mem>>) src(%arg14 : memref<128x64xf32, #tpu.memory_space<vmem>>) dst(%dma_wait3A_114 : memref<128x64xf32, #tpu.memory_space<vmem_shared>>)
        tpu.yield
      }) : () -> ()
      %barrier3A = arith.constant 0 : index
      tpu.barrier barrier_id(%barrier3A)
      %dma_start3A = arith.constant 0 : i32
      %dma_start3A_30 = arith.constant 0 : i32
      %dma_start3A_31 = tpu.memref_slice %arg12[%dma_start3A, %dma_start3A_30] : memref<160x128xi32, #tpu.memory_space<vmem>> -> memref<1x128xi32, #tpu.memory_space<vmem>>
      %dma_start3A_32 = tpu.memref_squeeze %dma_start3A_31 : memref<1x128xi32, #tpu.memory_space<vmem>> -> memref<128xi32, #tpu.memory_space<vmem>>
      %dma_start3A_33 = arith.constant 0 : i32
      %dma_start3A_34 = arith.constant 0 : i32
      %dma_start3A_35 = tpu.memref_slice %arg2[%dma_start3A_33, %dma_start3A_34] : memref<10240x64xf32, #tpu.memory_space<hbm>> -> memref<10240x64xf32, #tpu.memory_space<hbm>>
      tpu.enqueue_indirect_dma source(%dma_start3A_35 : memref<10240x64xf32, #tpu.memory_space<hbm>>) target(%arg14 : memref<128x64xf32, #tpu.memory_space<vmem>>) offsets(%dma_start3A_32 : memref<128xi32, #tpu.memory_space<vmem>>) semaphore(%arg17 : memref<!tpu.dma_semaphore, #tpu.memory_space<semaphore_mem>>)
      %dma_start3A_36 = arith.constant 1 : i32
      %dma_start3A_37 = arith.constant 0 : i32
      %dma_start3A_38 = tpu.memref_slice %arg12[%dma_start3A_36, %dma_start3A_37] : memref<160x128xi32, #tpu.memory_space<vmem>> -> memref<1x128xi32, #tpu.memory_space<vmem>>
      %dma_start3A_39 = tpu.memref_squeeze %dma_start3A_38 : memref<1x128xi32, #tpu.memory_space<vmem>> -> memref<128xi32, #tpu.memory_space<vmem>>
      %dma_start3A_40 = arith.constant 0 : i32
      %dma_start3A_41 = arith.constant 0 : i32
      %dma_start3A_42 = tpu.memref_slice %arg2[%dma_start3A_40, %dma_start3A_41] : memref<10240x64xf32, #tpu.memory_space<hbm>> -> memref<10240x64xf32, #tpu.memory_space<hbm>>
      tpu.enqueue_indirect_dma source(%dma_start3A_42 : memref<10240x64xf32, #tpu.memory_space<hbm>>) target(%arg15 : memref<128x64xf32, #tpu.memory_space<vmem>>) offsets(%dma_start3A_39 : memref<128xi32, #tpu.memory_space<vmem>>) semaphore(%arg18 : memref<!tpu.dma_semaphore, #tpu.memory_space<semaphore_mem>>)
      %scan3A_43 = arith.constant 0 : i32
      %scan3A_44 = arith.constant 0 : i32
      %scan3A_45 = arith.constant 80 : i32
      %scan3A_46 = arith.addi %scan3A_44, %scan3A_45 : i32
      %scan3A_47 = arith.constant 1 : i32
      scf.for %scan3A_108 = %scan3A_44 to %scan3A_46 step %scan3A_47  : i32 {
        %mul3A_109 = arith.constant 2 : i32
        %mul3A_110 = arith.muli %mul3A_109, %scan3A_108 : i32
        %dma_wait3A = arith.constant 0 : i32
        %dma_wait3A_111 = tpu.memref_slice %arg12[%mul3A_110, %dma_wait3A] : memref<160x128xi32, #tpu.memory_space<vmem>> -> memref<1x128xi32, #tpu.memory_space<vmem>>
        %dma_wait3A_112 = tpu.memref_squeeze %dma_wait3A_111 : memref<1x128xi32, #tpu.memory_space<vmem>> -> memref<128xi32, #tpu.memory_space<vmem>>
        %dma_wait3A_113 = arith.constant 0 : i32
        %dma_wait3A_114 = arith.constant 0 : i32
        %dma_wait3A_115 = tpu.memref_slice %arg2[%dma_wait3A_113, %dma_wait3A_114] : memref<10240x64xf32, #tpu.memory_space<hbm>> -> memref<10240x64xf32, #tpu.memory_space<hbm>>
        tpu.wait_indirect_dma semaphore(%arg17 : memref<!tpu.dma_semaphore, #tpu.memory_space<semaphore_mem>>) src(%dma_wait3A_115 : memref<10240x64xf32, #tpu.memory_space<hbm>>) dst(%arg14 : memref<128x64xf32, #tpu.memory_space<vmem>>)
        "tpu.region"() ({
          %run_scoped3A = tpu.sem_alloc : memref<!tpu.dma_semaphore, #tpu.memory_space<semaphore_mem>>
          %dma_start3A_139 = arith.constant 0 : i32
          %dma_start3A_140 = tpu.memref_slice %arg13[%mul3A_110, %dma_start3A_139] : memref<160x128xi32, #tpu.memory_space<vmem>> -> memref<1x128xi32, #tpu.memory_space<vmem>>
          %dma_start3A_141 = tpu.memref_squeeze %dma_start3A_140 : memref<1x128xi32, #tpu.memory_space<vmem>> -> memref<128xi32, #tpu.memory_space<vmem>>
          %dma_start3A_142 = arith.constant 0 : i32
          %dma_start3A_143 = arith.constant 0 : i32
          %dma_start3A_144 = tpu.memref_slice %arg16[%dma_start3A_142, %dma_start3A_143] : memref<10240x64xf32, #tpu.memory_space<vmem_shared>> -> memref<10240x64xf32, #tpu.memory_space<vmem_shared>>
          tpu.enqueue_indirect_dma source(%arg14 : memref<128x64xf32, #tpu.memory_space<vmem>>) target(%dma_start3A_144 : memref<10240x64xf32, #tpu.memory_space<vmem_shared>>) offsets(%dma_start3A_141 : memref<128xi32, #tpu.memory_space<vmem>>) semaphore(%run_scoped3A : memref<!tpu.dma_semaphore, #tpu.memory_space<semaphore_mem>>) {add = true}
          %dma_wait3A_145 = arith.constant 0 : i32
          %dma_wait3A_146 = tpu.memref_slice %arg13[%mul3A_110, %dma_wait3A_145] : memref<160x128xi32, #tpu.memory_space<vmem>> -> memref<1x128xi32, #tpu.memory_space<vmem>>
          %dma_wait3A_147 = tpu.memref_squeeze %dma_wait3A_146 : memref<1x128xi32, #tpu.memory_space<vmem>> -> memref<128xi32, #tpu.memory_space<vmem>>
          %dma_wait3A_148 = arith.constant 0 : i32
          %dma_wait3A_149 = arith.constant 0 : i32
          %dma_wait3A_150 = tpu.memref_slice %arg16[%dma_wait3A_148, %dma_wait3A_149] : memref<10240x64xf32, #tpu.memory_space<vmem_shared>> -> memref<10240x64xf32, #tpu.memory_space<vmem_shared>>
          tpu.wait_indirect_dma semaphore(%run_scoped3A : memref<!tpu.dma_semaphore, #tpu.memory_space<semaphore_mem>>) src(%arg14 : memref<128x64xf32, #tpu.memory_space<vmem>>) dst(%dma_wait3A_150 : memref<10240x64xf32, #tpu.memory_space<vmem_shared>>)
          tpu.yield
        }) : () -> ()
        %add3A_116 = arith.constant 2 : i32
        %add3A_117 = arith.addi %mul3A_110, %add3A_116 : i32
        %lt3A = arith.constant 160 : i32
        %lt3A_118 = arith.cmpi slt, %add3A_117, %lt3A : i32
        %convert_element_type3A_119 = arith.extui %lt3A_118 : i1 to i32
        %cond3A_120 = arith.constant 0 : i32
        %cond3A_121 = arith.cmpi ne, %convert_element_type3A_119, %cond3A_120 : i32
        scf.if %cond3A_121 {
          %add3A_139 = arith.constant 2 : i32
          %add3A_140 = arith.addi %mul3A_110, %add3A_139 : i32
          %dma_start3A_141 = arith.constant 0 : i32
          %dma_start3A_142 = tpu.memref_slice %arg12[%add3A_140, %dma_start3A_141] : memref<160x128xi32, #tpu.memory_space<vmem>> -> memref<1x128xi32, #tpu.memory_space<vmem>>
          %dma_start3A_143 = tpu.memref_squeeze %dma_start3A_142 : memref<1x128xi32, #tpu.memory_space<vmem>> -> memref<128xi32, #tpu.memory_space<vmem>>
          %dma_start3A_144 = arith.constant 0 : i32
          %dma_start3A_145 = arith.constant 0 : i32
          %dma_start3A_146 = tpu.memref_slice %arg2[%dma_start3A_144, %dma_start3A_145] : memref<10240x64xf32, #tpu.memory_space<hbm>> -> memref<10240x64xf32, #tpu.memory_space<hbm>>
          tpu.enqueue_indirect_dma source(%dma_start3A_146 : memref<10240x64xf32, #tpu.memory_space<hbm>>) target(%arg14 : memref<128x64xf32, #tpu.memory_space<vmem>>) offsets(%dma_start3A_143 : memref<128xi32, #tpu.memory_space<vmem>>) semaphore(%arg17 : memref<!tpu.dma_semaphore, #tpu.memory_space<semaphore_mem>>)
        } else {
        }
        %add3A_122 = arith.constant 1 : i32
        %add3A_123 = arith.addi %mul3A_110, %add3A_122 : i32
        %dma_wait3A_124 = arith.constant 0 : i32
        %dma_wait3A_125 = tpu.memref_slice %arg12[%add3A_123, %dma_wait3A_124] : memref<160x128xi32, #tpu.memory_space<vmem>> -> memref<1x128xi32, #tpu.memory_space<vmem>>
        %dma_wait3A_126 = tpu.memref_squeeze %dma_wait3A_125 : memref<1x128xi32, #tpu.memory_space<vmem>> -> memref<128xi32, #tpu.memory_space<vmem>>
        %dma_wait3A_127 = arith.constant 0 : i32
        %dma_wait3A_128 = arith.constant 0 : i32
        %dma_wait3A_129 = tpu.memref_slice %arg2[%dma_wait3A_127, %dma_wait3A_128] : memref<10240x64xf32, #tpu.memory_space<hbm>> -> memref<10240x64xf32, #tpu.memory_space<hbm>>
        tpu.wait_indirect_dma semaphore(%arg18 : memref<!tpu.dma_semaphore, #tpu.memory_space<semaphore_mem>>) src(%dma_wait3A_129 : memref<10240x64xf32, #tpu.memory_space<hbm>>) dst(%arg15 : memref<128x64xf32, #tpu.memory_space<vmem>>)
        %add3A_130 = arith.constant 1 : i32
        %add3A_131 = arith.addi %mul3A_110, %add3A_130 : i32
        "tpu.region"() ({
          %run_scoped3A = tpu.sem_alloc : memref<!tpu.dma_semaphore, #tpu.memory_space<semaphore_mem>>
          %dma_start3A_139 = arith.constant 0 : i32
          %dma_start3A_140 = tpu.memref_slice %arg13[%add3A_131, %dma_start3A_139] : memref<160x128xi32, #tpu.memory_space<vmem>> -> memref<1x128xi32, #tpu.memory_space<vmem>>
          %dma_start3A_141 = tpu.memref_squeeze %dma_start3A_140 : memref<1x128xi32, #tpu.memory_space<vmem>> -> memref<128xi32, #tpu.memory_space<vmem>>
          %dma_start3A_142 = arith.constant 0 : i32
          %dma_start3A_143 = arith.constant 0 : i32
          %dma_start3A_144 = tpu.memref_slice %arg16[%dma_start3A_142, %dma_start3A_143] : memref<10240x64xf32, #tpu.memory_space<vmem_shared>> -> memref<10240x64xf32, #tpu.memory_space<vmem_shared>>
          tpu.enqueue_indirect_dma source(%arg15 : memref<128x64xf32, #tpu.memory_space<vmem>>) target(%dma_start3A_144 : memref<10240x64xf32, #tpu.memory_space<vmem_shared>>) offsets(%dma_start3A_141 : memref<128xi32, #tpu.memory_space<vmem>>) semaphore(%run_scoped3A : memref<!tpu.dma_semaphore, #tpu.memory_space<semaphore_mem>>) {add = true}
          %dma_wait3A_145 = arith.constant 0 : i32
          %dma_wait3A_146 = tpu.memref_slice %arg13[%add3A_131, %dma_wait3A_145] : memref<160x128xi32, #tpu.memory_space<vmem>> -> memref<1x128xi32, #tpu.memory_space<vmem>>
          %dma_wait3A_147 = tpu.memref_squeeze %dma_wait3A_146 : memref<1x128xi32, #tpu.memory_space<vmem>> -> memref<128xi32, #tpu.memory_space<vmem>>
          %dma_wait3A_148 = arith.constant 0 : i32
          %dma_wait3A_149 = arith.constant 0 : i32
          %dma_wait3A_150 = tpu.memref_slice %arg16[%dma_wait3A_148, %dma_wait3A_149] : memref<10240x64xf32, #tpu.memory_space<vmem_shared>> -> memref<10240x64xf32, #tpu.memory_space<vmem_shared>>
          tpu.wait_indirect_dma semaphore(%run_scoped3A : memref<!tpu.dma_semaphore, #tpu.memory_space<semaphore_mem>>) src(%arg15 : memref<128x64xf32, #tpu.memory_space<vmem>>) dst(%dma_wait3A_150 : memref<10240x64xf32, #tpu.memory_space<vmem_shared>>)
          tpu.yield
        }) : () -> ()
        %add3A_132 = arith.constant 3 : i32
        %add3A_133 = arith.addi %mul3A_110, %add3A_132 : i32
        %lt3A_134 = arith.constant 160 : i32
        %lt3A_135 = arith.cmpi slt, %add3A_133, %lt3A_134 : i32
        %convert_element_type3A_136 = arith.extui %lt3A_135 : i1 to i32
        %cond3A_137 = arith.constant 0 : i32
        %cond3A_138 = arith.cmpi ne, %convert_element_type3A_136, %cond3A_137 : i32
        scf.if %cond3A_138 {
          %add3A_139 = arith.constant 3 : i32
          %add3A_140 = arith.addi %mul3A_110, %add3A_139 : i32
          %dma_start3A_141 = arith.constant 0 : i32
          %dma_start3A_142 = tpu.memref_slice %arg12[%add3A_140, %dma_start3A_141] : memref<160x128xi32, #tpu.memory_space<vmem>> -> memref<1x128xi32, #tpu.memory_space<vmem>>
          %dma_start3A_143 = tpu.memref_squeeze %dma_start3A_142 : memref<1x128xi32, #tpu.memory_space<vmem>> -> memref<128xi32, #tpu.memory_space<vmem>>
          %dma_start3A_144 = arith.constant 0 : i32
          %dma_start3A_145 = arith.constant 0 : i32
          %dma_start3A_146 = tpu.memref_slice %arg2[%dma_start3A_144, %dma_start3A_145] : memref<10240x64xf32, #tpu.memory_space<hbm>> -> memref<10240x64xf32, #tpu.memory_space<hbm>>
          tpu.enqueue_indirect_dma source(%dma_start3A_146 : memref<10240x64xf32, #tpu.memory_space<hbm>>) target(%arg15 : memref<128x64xf32, #tpu.memory_space<vmem>>) offsets(%dma_start3A_143 : memref<128xi32, #tpu.memory_space<vmem>>) semaphore(%arg18 : memref<!tpu.dma_semaphore, #tpu.memory_space<semaphore_mem>>)
        } else {
        }
      }
      %scan3A_48 = arith.constant 80 : i32
      %barrier3A_49 = arith.constant 0 : index
      tpu.barrier barrier_id(%barrier3A_49)
      %mul3A_50 = arith.constant 640 : i32
      %mul3A_51 = arith.muli %arg1, %mul3A_50 : i32
      %mul3A_52 = arith.constant 640 : i32
      %mul3A_53 = arith.muli %arg1, %mul3A_52 : i32
      "tpu.region"() ({
        %run_scoped3A = tpu.sem_alloc : memref<!tpu.dma_semaphore, #tpu.memory_space<semaphore_mem>>
        %dma_start3A_108 = arith.constant 0 : i32
        %dma_start3A_109 = tpu.memref_slice %arg8[%mul3A_53, %dma_start3A_108] : memref<10240x64xf32, #tpu.memory_space<hbm>> -> memref<640x64xf32, #tpu.memory_space<hbm>>
        %dma_start3A_110 = arith.constant 0 : i32
        %dma_start3A_111 = tpu.memref_slice %arg16[%mul3A_51, %dma_start3A_110] : memref<10240x64xf32, #tpu.memory_space<vmem_shared>> -> memref<640x64xf32, #tpu.memory_space<vmem_shared>>
        tpu.enqueue_dma source(%dma_start3A_111 : memref<640x64xf32, #tpu.memory_space<vmem_shared>>) target(%dma_start3A_109 : memref<640x64xf32, #tpu.memory_space<hbm>>) target_semaphore(%run_scoped3A : memref<!tpu.dma_semaphore, #tpu.memory_space<semaphore_mem>>)
        %dma_wait3A = arith.constant 0 : i32
        %dma_wait3A_112 = tpu.memref_slice %arg8[%mul3A_53, %dma_wait3A] : memref<10240x64xf32, #tpu.memory_space<hbm>> -> memref<640x64xf32, #tpu.memory_space<hbm>>
        %dma_wait3A_113 = arith.constant 0 : i32
        %dma_wait3A_114 = tpu.memref_slice %arg16[%mul3A_51, %dma_wait3A_113] : memref<10240x64xf32, #tpu.memory_space<vmem_shared>> -> memref<640x64xf32, #tpu.memory_space<vmem_shared>>
        tpu.wait_dma2 semaphore(%run_scoped3A : memref<!tpu.dma_semaphore, #tpu.memory_space<semaphore_mem>>) src(%dma_wait3A_114 : memref<640x64xf32, #tpu.memory_space<vmem_shared>>) dst(%dma_wait3A_112 : memref<640x64xf32, #tpu.memory_space<hbm>>)
        tpu.yield
      }) : () -> ()
      %barrier3A_54 = arith.constant 0 : index
      tpu.barrier barrier_id(%barrier3A_54)
      %scan3A_55 = arith.constant 0 : i32
      %scan3A_56 = arith.constant 0 : i32
      %scan3A_57 = arith.constant 128 : i32
      %scan3A_58 = arith.addi %scan3A_56, %scan3A_57 : i32
      %scan3A_59 = arith.constant 1 : i32
      scf.for %scan3A_108 = %scan3A_56 to %scan3A_58 step %scan3A_59  : i32 {
        %broadcast_in_dim3A = arith.constant 0.000000e+00 : f32
        %broadcast_in_dim3A_109 = vector.broadcast %broadcast_in_dim3A : f32 to vector<16xf32>
        %swap3A = arith.index_cast %scan3A_108 : i32 to index
        %swap3A_110 = arith.constant 0 : index
        %swap3A_111 = tpu.vector_load %arg14[%swap3A, %swap3A_110] {strides = array<i32>} : memref<128x64xf32, #tpu.memory_space<vmem>>, vector<16xf32>,
        tpu.vector_store %arg14[%swap3A, %swap3A_110], %broadcast_in_dim3A_109 {strides = array<i32>} : memref<128x64xf32, #tpu.memory_space<vmem>>, vector<16xf32>,
        %broadcast_in_dim3A_112 = arith.constant 0.000000e+00 : f32
        %broadcast_in_dim3A_113 = vector.broadcast %broadcast_in_dim3A_112 : f32 to vector<16xf32>
        %swap3A_114 = arith.index_cast %scan3A_108 : i32 to index
        %swap3A_115 = arith.constant 16 : index
        %swap3A_116 = tpu.vector_load %arg14[%swap3A_114, %swap3A_115] {strides = array<i32>} : memref<128x64xf32, #tpu.memory_space<vmem>>, vector<16xf32>,
        tpu.vector_store %arg14[%swap3A_114, %swap3A_115], %broadcast_in_dim3A_113 {strides = array<i32>} : memref<128x64xf32, #tpu.memory_space<vmem>>, vector<16xf32>,
        %broadcast_in_dim3A_117 = arith.constant 0.000000e+00 : f32
        %broadcast_in_dim3A_118 = vector.broadcast %broadcast_in_dim3A_117 : f32 to vector<16xf32>
        %swap3A_119 = arith.index_cast %scan3A_108 : i32 to index
        %swap3A_120 = arith.constant 32 : index
        %swap3A_121 = tpu.vector_load %arg14[%swap3A_119, %swap3A_120] {strides = array<i32>} : memref<128x64xf32, #tpu.memory_space<vmem>>, vector<16xf32>,
        tpu.vector_store %arg14[%swap3A_119, %swap3A_120], %broadcast_in_dim3A_118 {strides = array<i32>} : memref<128x64xf32, #tpu.memory_space<vmem>>, vector<16xf32>,
        %broadcast_in_dim3A_122 = arith.constant 0.000000e+00 : f32
        %broadcast_in_dim3A_123 = vector.broadcast %broadcast_in_dim3A_122 : f32 to vector<16xf32>
        %swap3A_124 = arith.index_cast %scan3A_108 : i32 to index
        %swap3A_125 = arith.constant 48 : index
        %swap3A_126 = tpu.vector_load %arg14[%swap3A_124, %swap3A_125] {strides = array<i32>} : memref<128x64xf32, #tpu.memory_space<vmem>>, vector<16xf32>,
        tpu.vector_store %arg14[%swap3A_124, %swap3A_125], %broadcast_in_dim3A_123 {strides = array<i32>} : memref<128x64xf32, #tpu.memory_space<vmem>>, vector<16xf32>,
      }
      %scan3A_60 = arith.constant 128 : i32
      %mul3A_61 = arith.constant 640 : i32
      %mul3A_62 = arith.muli %arg1, %mul3A_61 : i32
      %add3A_63 = arith.constant 0 : i32
      %add3A_64 = arith.addi %mul3A_62, %add3A_63 : i32
      "tpu.region"() ({
        %run_scoped3A = tpu.sem_alloc : memref<!tpu.dma_semaphore, #tpu.memory_space<semaphore_mem>>
        %dma_start3A_108 = arith.constant 0 : i32
        %dma_start3A_109 = tpu.memref_slice %arg16[%add3A_64, %dma_start3A_108] : memref<10240x64xf32, #tpu.memory_space<vmem_shared>> -> memref<128x64xf32, #tpu.memory_space<vmem_shared>>
        %dma_start3A_110 = arith.constant 0 : i32
        %dma_start3A_111 = tpu.memref_slice %arg16[%add3A_64, %dma_start3A_110] : memref<10240x64xf32, #tpu.memory_space<vmem_shared>> -> memref<128x64xf32, #tpu.memory_space<vmem_shared>>
        tpu.enqueue_dma source(%arg14 : memref<128x64xf32, #tpu.memory_space<vmem>>) target(%dma_start3A_111 : memref<128x64xf32, #tpu.memory_space<vmem_shared>>) target_semaphore(%run_scoped3A : memref<!tpu.dma_semaphore, #tpu.memory_space<semaphore_mem>>)
        %dma_wait3A = arith.constant 0 : i32
        %dma_wait3A_112 = tpu.memref_slice %arg16[%add3A_64, %dma_wait3A] : memref<10240x64xf32, #tpu.memory_space<vmem_shared>> -> memref<128x64xf32, #tpu.memory_space<vmem_shared>>
        %dma_wait3A_113 = arith.constant 0 : i32
        %dma_wait3A_114 = tpu.memref_slice %arg16[%add3A_64, %dma_wait3A_113] : memref<10240x64xf32, #tpu.memory_space<vmem_shared>> -> memref<128x64xf32, #tpu.memory_space<vmem_shared>>
        tpu.wait_dma2 semaphore(%run_scoped3A : memref<!tpu.dma_semaphore, #tpu.memory_space<semaphore_mem>>) src(%arg14 : memref<128x64xf32, #tpu.memory_space<vmem>>) dst(%dma_wait3A_114 : memref<128x64xf32, #tpu.memory_space<vmem_shared>>)
        tpu.yield
      }) : () -> ()
      %mul3A_65 = arith.constant 640 : i32
      %mul3A_66 = arith.muli %arg1, %mul3A_65 : i32
      %add3A_67 = arith.constant 128 : i32
      %add3A_68 = arith.addi %mul3A_66, %add3A_67 : i32
      "tpu.region"() ({
        %run_scoped3A = tpu.sem_alloc : memref<!tpu.dma_semaphore, #tpu.memory_space<semaphore_mem>>
        %dma_start3A_108 = arith.constant 0 : i32
        %dma_start3A_109 = tpu.memref_slice %arg16[%add3A_68, %dma_start3A_108] : memref<10240x64xf32, #tpu.memory_space<vmem_shared>> -> memref<128x64xf32, #tpu.memory_space<vmem_shared>>
        %dma_start3A_110 = arith.constant 0 : i32
        %dma_start3A_111 = tpu.memref_slice %arg16[%add3A_68, %dma_start3A_110] : memref<10240x64xf32, #tpu.memory_space<vmem_shared>> -> memref<128x64xf32, #tpu.memory_space<vmem_shared>>
        tpu.enqueue_dma source(%arg14 : memref<128x64xf32, #tpu.memory_space<vmem>>) target(%dma_start3A_111 : memref<128x64xf32, #tpu.memory_space<vmem_shared>>) target_semaphore(%run_scoped3A : memref<!tpu.dma_semaphore, #tpu.memory_space<semaphore_mem>>)
        %dma_wait3A = arith.constant 0 : i32
        %dma_wait3A_112 = tpu.memref_slice %arg16[%add3A_68, %dma_wait3A] : memref<10240x64xf32, #tpu.memory_space<vmem_shared>> -> memref<128x64xf32, #tpu.memory_space<vmem_shared>>
        %dma_wait3A_113 = arith.constant 0 : i32
        %dma_wait3A_114 = tpu.memref_slice %arg16[%add3A_68, %dma_wait3A_113] : memref<10240x64xf32, #tpu.memory_space<vmem_shared>> -> memref<128x64xf32, #tpu.memory_space<vmem_shared>>
        tpu.wait_dma2 semaphore(%run_scoped3A : memref<!tpu.dma_semaphore, #tpu.memory_space<semaphore_mem>>) src(%arg14 : memref<128x64xf32, #tpu.memory_space<vmem>>) dst(%dma_wait3A_114 : memref<128x64xf32, #tpu.memory_space<vmem_shared>>)
        tpu.yield
      }) : () -> ()
      %mul3A_69 = arith.constant 640 : i32
      %mul3A_70 = arith.muli %arg1, %mul3A_69 : i32
      %add3A_71 = arith.constant 256 : i32
      %add3A_72 = arith.addi %mul3A_70, %add3A_71 : i32
      "tpu.region"() ({
        %run_scoped3A = tpu.sem_alloc : memref<!tpu.dma_semaphore, #tpu.memory_space<semaphore_mem>>
        %dma_start3A_108 = arith.constant 0 : i32
        %dma_start3A_109 = tpu.memref_slice %arg16[%add3A_72, %dma_start3A_108] : memref<10240x64xf32, #tpu.memory_space<vmem_shared>> -> memref<128x64xf32, #tpu.memory_space<vmem_shared>>
        %dma_start3A_110 = arith.constant 0 : i32
        %dma_start3A_111 = tpu.memref_slice %arg16[%add3A_72, %dma_start3A_110] : memref<10240x64xf32, #tpu.memory_space<vmem_shared>> -> memref<128x64xf32, #tpu.memory_space<vmem_shared>>
        tpu.enqueue_dma source(%arg14 : memref<128x64xf32, #tpu.memory_space<vmem>>) target(%dma_start3A_111 : memref<128x64xf32, #tpu.memory_space<vmem_shared>>) target_semaphore(%run_scoped3A : memref<!tpu.dma_semaphore, #tpu.memory_space<semaphore_mem>>)
        %dma_wait3A = arith.constant 0 : i32
        %dma_wait3A_112 = tpu.memref_slice %arg16[%add3A_72, %dma_wait3A] : memref<10240x64xf32, #tpu.memory_space<vmem_shared>> -> memref<128x64xf32, #tpu.memory_space<vmem_shared>>
        %dma_wait3A_113 = arith.constant 0 : i32
        %dma_wait3A_114 = tpu.memref_slice %arg16[%add3A_72, %dma_wait3A_113] : memref<10240x64xf32, #tpu.memory_space<vmem_shared>> -> memref<128x64xf32, #tpu.memory_space<vmem_shared>>
        tpu.wait_dma2 semaphore(%run_scoped3A : memref<!tpu.dma_semaphore, #tpu.memory_space<semaphore_mem>>) src(%arg14 : memref<128x64xf32, #tpu.memory_space<vmem>>) dst(%dma_wait3A_114 : memref<128x64xf32, #tpu.memory_space<vmem_shared>>)
        tpu.yield
      }) : () -> ()
      %mul3A_73 = arith.constant 640 : i32
      %mul3A_74 = arith.muli %arg1, %mul3A_73 : i32
      %add3A_75 = arith.constant 384 : i32
      %add3A_76 = arith.addi %mul3A_74, %add3A_75 : i32
      "tpu.region"() ({
        %run_scoped3A = tpu.sem_alloc : memref<!tpu.dma_semaphore, #tpu.memory_space<semaphore_mem>>
        %dma_start3A_108 = arith.constant 0 : i32
        %dma_start3A_109 = tpu.memref_slice %arg16[%add3A_76, %dma_start3A_108] : memref<10240x64xf32, #tpu.memory_space<vmem_shared>> -> memref<128x64xf32, #tpu.memory_space<vmem_shared>>
        %dma_start3A_110 = arith.constant 0 : i32
        %dma_start3A_111 = tpu.memref_slice %arg16[%add3A_76, %dma_start3A_110] : memref<10240x64xf32, #tpu.memory_space<vmem_shared>> -> memref<128x64xf32, #tpu.memory_space<vmem_shared>>
        tpu.enqueue_dma source(%arg14 : memref<128x64xf32, #tpu.memory_space<vmem>>) target(%dma_start3A_111 : memref<128x64xf32, #tpu.memory_space<vmem_shared>>) target_semaphore(%run_scoped3A : memref<!tpu.dma_semaphore, #tpu.memory_space<semaphore_mem>>)
        %dma_wait3A = arith.constant 0 : i32
        %dma_wait3A_112 = tpu.memref_slice %arg16[%add3A_76, %dma_wait3A] : memref<10240x64xf32, #tpu.memory_space<vmem_shared>> -> memref<128x64xf32, #tpu.memory_space<vmem_shared>>
        %dma_wait3A_113 = arith.constant 0 : i32
        %dma_wait3A_114 = tpu.memref_slice %arg16[%add3A_76, %dma_wait3A_113] : memref<10240x64xf32, #tpu.memory_space<vmem_shared>> -> memref<128x64xf32, #tpu.memory_space<vmem_shared>>
        tpu.wait_dma2 semaphore(%run_scoped3A : memref<!tpu.dma_semaphore, #tpu.memory_space<semaphore_mem>>) src(%arg14 : memref<128x64xf32, #tpu.memory_space<vmem>>) dst(%dma_wait3A_114 : memref<128x64xf32, #tpu.memory_space<vmem_shared>>)
        tpu.yield
      }) : () -> ()
      %mul3A_77 = arith.constant 640 : i32
      %mul3A_78 = arith.muli %arg1, %mul3A_77 : i32
      %add3A_79 = arith.constant 512 : i32
      %add3A_80 = arith.addi %mul3A_78, %add3A_79 : i32
      "tpu.region"() ({
        %run_scoped3A = tpu.sem_alloc : memref<!tpu.dma_semaphore, #tpu.memory_space<semaphore_mem>>
        %dma_start3A_108 = arith.constant 0 : i32
        %dma_start3A_109 = tpu.memref_slice %arg16[%add3A_80, %dma_start3A_108] : memref<10240x64xf32, #tpu.memory_space<vmem_shared>> -> memref<128x64xf32, #tpu.memory_space<vmem_shared>>
        %dma_start3A_110 = arith.constant 0 : i32
        %dma_start3A_111 = tpu.memref_slice %arg16[%add3A_80, %dma_start3A_110] : memref<10240x64xf32, #tpu.memory_space<vmem_shared>> -> memref<128x64xf32, #tpu.memory_space<vmem_shared>>
        tpu.enqueue_dma source(%arg14 : memref<128x64xf32, #tpu.memory_space<vmem>>) target(%dma_start3A_111 : memref<128x64xf32, #tpu.memory_space<vmem_shared>>) target_semaphore(%run_scoped3A : memref<!tpu.dma_semaphore, #tpu.memory_space<semaphore_mem>>)
        %dma_wait3A = arith.constant 0 : i32
        %dma_wait3A_112 = tpu.memref_slice %arg16[%add3A_80, %dma_wait3A] : memref<10240x64xf32, #tpu.memory_space<vmem_shared>> -> memref<128x64xf32, #tpu.memory_space<vmem_shared>>
        %dma_wait3A_113 = arith.constant 0 : i32
        %dma_wait3A_114 = tpu.memref_slice %arg16[%add3A_80, %dma_wait3A_113] : memref<10240x64xf32, #tpu.memory_space<vmem_shared>> -> memref<128x64xf32, #tpu.memory_space<vmem_shared>>
        tpu.wait_dma2 semaphore(%run_scoped3A : memref<!tpu.dma_semaphore, #tpu.memory_space<semaphore_mem>>) src(%arg14 : memref<128x64xf32, #tpu.memory_space<vmem>>) dst(%dma_wait3A_114 : memref<128x64xf32, #tpu.memory_space<vmem_shared>>)
        tpu.yield
      }) : () -> ()
      %barrier3A_81 = arith.constant 0 : index
      tpu.barrier barrier_id(%barrier3A_81)
      %dma_start3A_82 = arith.constant 0 : i32
      %dma_start3A_83 = arith.constant 0 : i32
      %dma_start3A_84 = tpu.memref_slice %arg12[%dma_start3A_82, %dma_start3A_83] : memref<160x128xi32, #tpu.memory_space<vmem>> -> memref<1x128xi32, #tpu.memory_space<vmem>>
      %dma_start3A_85 = tpu.memref_squeeze %dma_start3A_84 : memref<1x128xi32, #tpu.memory_space<vmem>> -> memref<128xi32, #tpu.memory_space<vmem>>
      %dma_start3A_86 = arith.constant 0 : i32
      %dma_start3A_87 = arith.constant 0 : i32
      %dma_start3A_88 = tpu.memref_slice %arg3[%dma_start3A_86, %dma_start3A_87] : memref<10240x64xf32, #tpu.memory_space<hbm>> -> memref<10240x64xf32, #tpu.memory_space<hbm>>
      tpu.enqueue_indirect_dma source(%dma_start3A_88 : memref<10240x64xf32, #tpu.memory_space<hbm>>) target(%arg14 : memref<128x64xf32, #tpu.memory_space<vmem>>) offsets(%dma_start3A_85 : memref<128xi32, #tpu.memory_space<vmem>>) semaphore(%arg17 : memref<!tpu.dma_semaphore, #tpu.memory_space<semaphore_mem>>)
      %dma_start3A_89 = arith.constant 1 : i32
      %dma_start3A_90 = arith.constant 0 : i32
      %dma_start3A_91 = tpu.memref_slice %arg12[%dma_start3A_89, %dma_start3A_90] : memref<160x128xi32, #tpu.memory_space<vmem>> -> memref<1x128xi32, #tpu.memory_space<vmem>>
      %dma_start3A_92 = tpu.memref_squeeze %dma_start3A_91 : memref<1x128xi32, #tpu.memory_space<vmem>> -> memref<128xi32, #tpu.memory_space<vmem>>
      %dma_start3A_93 = arith.constant 0 : i32
      %dma_start3A_94 = arith.constant 0 : i32
      %dma_start3A_95 = tpu.memref_slice %arg3[%dma_start3A_93, %dma_start3A_94] : memref<10240x64xf32, #tpu.memory_space<hbm>> -> memref<10240x64xf32, #tpu.memory_space<hbm>>
      tpu.enqueue_indirect_dma source(%dma_start3A_95 : memref<10240x64xf32, #tpu.memory_space<hbm>>) target(%arg15 : memref<128x64xf32, #tpu.memory_space<vmem>>) offsets(%dma_start3A_92 : memref<128xi32, #tpu.memory_space<vmem>>) semaphore(%arg18 : memref<!tpu.dma_semaphore, #tpu.memory_space<semaphore_mem>>)
      %scan3A_96 = arith.constant 0 : i32
      %scan3A_97 = arith.constant 0 : i32
      %scan3A_98 = arith.constant 80 : i32
      %scan3A_99 = arith.addi %scan3A_97, %scan3A_98 : i32
      %scan3A_100 = arith.constant 1 : i32
      scf.for %scan3A_108 = %scan3A_97 to %scan3A_99 step %scan3A_100  : i32 {
        %mul3A_109 = arith.constant 2 : i32
        %mul3A_110 = arith.muli %mul3A_109, %scan3A_108 : i32
        %dma_wait3A = arith.constant 0 : i32
        %dma_wait3A_111 = tpu.memref_slice %arg12[%mul3A_110, %dma_wait3A] : memref<160x128xi32, #tpu.memory_space<vmem>> -> memref<1x128xi32, #tpu.memory_space<vmem>>
        %dma_wait3A_112 = tpu.memref_squeeze %dma_wait3A_111 : memref<1x128xi32, #tpu.memory_space<vmem>> -> memref<128xi32, #tpu.memory_space<vmem>>
        %dma_wait3A_113 = arith.constant 0 : i32
        %dma_wait3A_114 = arith.constant 0 : i32
        %dma_wait3A_115 = tpu.memref_slice %arg3[%dma_wait3A_113, %dma_wait3A_114] : memref<10240x64xf32, #tpu.memory_space<hbm>> -> memref<10240x64xf32, #tpu.memory_space<hbm>>
        tpu.wait_indirect_dma semaphore(%arg17 : memref<!tpu.dma_semaphore, #tpu.memory_space<semaphore_mem>>) src(%dma_wait3A_115 : memref<10240x64xf32, #tpu.memory_space<hbm>>) dst(%arg14 : memref<128x64xf32, #tpu.memory_space<vmem>>)
        "tpu.region"() ({
          %run_scoped3A = tpu.sem_alloc : memref<!tpu.dma_semaphore, #tpu.memory_space<semaphore_mem>>
          %dma_start3A_139 = arith.constant 0 : i32
          %dma_start3A_140 = tpu.memref_slice %arg13[%mul3A_110, %dma_start3A_139] : memref<160x128xi32, #tpu.memory_space<vmem>> -> memref<1x128xi32, #tpu.memory_space<vmem>>
          %dma_start3A_141 = tpu.memref_squeeze %dma_start3A_140 : memref<1x128xi32, #tpu.memory_space<vmem>> -> memref<128xi32, #tpu.memory_space<vmem>>
          %dma_start3A_142 = arith.constant 0 : i32
          %dma_start3A_143 = arith.constant 0 : i32
          %dma_start3A_144 = tpu.memref_slice %arg16[%dma_start3A_142, %dma_start3A_143] : memref<10240x64xf32, #tpu.memory_space<vmem_shared>> -> memref<10240x64xf32, #tpu.memory_space<vmem_shared>>
          tpu.enqueue_indirect_dma source(%arg14 : memref<128x64xf32, #tpu.memory_space<vmem>>) target(%dma_start3A_144 : memref<10240x64xf32, #tpu.memory_space<vmem_shared>>) offsets(%dma_start3A_141 : memref<128xi32, #tpu.memory_space<vmem>>) semaphore(%run_scoped3A : memref<!tpu.dma_semaphore, #tpu.memory_space<semaphore_mem>>) {add = true}
          %dma_wait3A_145 = arith.constant 0 : i32
          %dma_wait3A_146 = tpu.memref_slice %arg13[%mul3A_110, %dma_wait3A_145] : memref<160x128xi32, #tpu.memory_space<vmem>> -> memref<1x128xi32, #tpu.memory_space<vmem>>
          %dma_wait3A_147 = tpu.memref_squeeze %dma_wait3A_146 : memref<1x128xi32, #tpu.memory_space<vmem>> -> memref<128xi32, #tpu.memory_space<vmem>>
          %dma_wait3A_148 = arith.constant 0 : i32
          %dma_wait3A_149 = arith.constant 0 : i32
          %dma_wait3A_150 = tpu.memref_slice %arg16[%dma_wait3A_148, %dma_wait3A_149] : memref<10240x64xf32, #tpu.memory_space<vmem_shared>> -> memref<10240x64xf32, #tpu.memory_space<vmem_shared>>
          tpu.wait_indirect_dma semaphore(%run_scoped3A : memref<!tpu.dma_semaphore, #tpu.memory_space<semaphore_mem>>) src(%arg14 : memref<128x64xf32, #tpu.memory_space<vmem>>) dst(%dma_wait3A_150 : memref<10240x64xf32, #tpu.memory_space<vmem_shared>>)
          tpu.yield
        }) : () -> ()
        %add3A_116 = arith.constant 2 : i32
        %add3A_117 = arith.addi %mul3A_110, %add3A_116 : i32
        %lt3A = arith.constant 160 : i32
        %lt3A_118 = arith.cmpi slt, %add3A_117, %lt3A : i32
        %convert_element_type3A_119 = arith.extui %lt3A_118 : i1 to i32
        %cond3A_120 = arith.constant 0 : i32
        %cond3A_121 = arith.cmpi ne, %convert_element_type3A_119, %cond3A_120 : i32
        scf.if %cond3A_121 {
          %add3A_139 = arith.constant 2 : i32
          %add3A_140 = arith.addi %mul3A_110, %add3A_139 : i32
          %dma_start3A_141 = arith.constant 0 : i32
          %dma_start3A_142 = tpu.memref_slice %arg12[%add3A_140, %dma_start3A_141] : memref<160x128xi32, #tpu.memory_space<vmem>> -> memref<1x128xi32, #tpu.memory_space<vmem>>
          %dma_start3A_143 = tpu.memref_squeeze %dma_start3A_142 : memref<1x128xi32, #tpu.memory_space<vmem>> -> memref<128xi32, #tpu.memory_space<vmem>>
          %dma_start3A_144 = arith.constant 0 : i32
          %dma_start3A_145 = arith.constant 0 : i32
          %dma_start3A_146 = tpu.memref_slice %arg3[%dma_start3A_144, %dma_start3A_145] : memref<10240x64xf32, #tpu.memory_space<hbm>> -> memref<10240x64xf32, #tpu.memory_space<hbm>>
          tpu.enqueue_indirect_dma source(%dma_start3A_146 : memref<10240x64xf32, #tpu.memory_space<hbm>>) target(%arg14 : memref<128x64xf32, #tpu.memory_space<vmem>>) offsets(%dma_start3A_143 : memref<128xi32, #tpu.memory_space<vmem>>) semaphore(%arg17 : memref<!tpu.dma_semaphore, #tpu.memory_space<semaphore_mem>>)
        } else {
        }
        %add3A_122 = arith.constant 1 : i32
        %add3A_123 = arith.addi %mul3A_110, %add3A_122 : i32
        %dma_wait3A_124 = arith.constant 0 : i32
        %dma_wait3A_125 = tpu.memref_slice %arg12[%add3A_123, %dma_wait3A_124] : memref<160x128xi32, #tpu.memory_space<vmem>> -> memref<1x128xi32, #tpu.memory_space<vmem>>
        %dma_wait3A_126 = tpu.memref_squeeze %dma_wait3A_125 : memref<1x128xi32, #tpu.memory_space<vmem>> -> memref<128xi32, #tpu.memory_space<vmem>>
        %dma_wait3A_127 = arith.constant 0 : i32
        %dma_wait3A_128 = arith.constant 0 : i32
        %dma_wait3A_129 = tpu.memref_slice %arg3[%dma_wait3A_127, %dma_wait3A_128] : memref<10240x64xf32, #tpu.memory_space<hbm>> -> memref<10240x64xf32, #tpu.memory_space<hbm>>
        tpu.wait_indirect_dma semaphore(%arg18 : memref<!tpu.dma_semaphore, #tpu.memory_space<semaphore_mem>>) src(%dma_wait3A_129 : memref<10240x64xf32, #tpu.memory_space<hbm>>) dst(%arg15 : memref<128x64xf32, #tpu.memory_space<vmem>>)
        %add3A_130 = arith.constant 1 : i32
        %add3A_131 = arith.addi %mul3A_110, %add3A_130 : i32
        "tpu.region"() ({
          %run_scoped3A = tpu.sem_alloc : memref<!tpu.dma_semaphore, #tpu.memory_space<semaphore_mem>>
          %dma_start3A_139 = arith.constant 0 : i32
          %dma_start3A_140 = tpu.memref_slice %arg13[%add3A_131, %dma_start3A_139] : memref<160x128xi32, #tpu.memory_space<vmem>> -> memref<1x128xi32, #tpu.memory_space<vmem>>
          %dma_start3A_141 = tpu.memref_squeeze %dma_start3A_140 : memref<1x128xi32, #tpu.memory_space<vmem>> -> memref<128xi32, #tpu.memory_space<vmem>>
          %dma_start3A_142 = arith.constant 0 : i32
          %dma_start3A_143 = arith.constant 0 : i32
          %dma_start3A_144 = tpu.memref_slice %arg16[%dma_start3A_142, %dma_start3A_143] : memref<10240x64xf32, #tpu.memory_space<vmem_shared>> -> memref<10240x64xf32, #tpu.memory_space<vmem_shared>>
          tpu.enqueue_indirect_dma source(%arg15 : memref<128x64xf32, #tpu.memory_space<vmem>>) target(%dma_start3A_144 : memref<10240x64xf32, #tpu.memory_space<vmem_shared>>) offsets(%dma_start3A_141 : memref<128xi32, #tpu.memory_space<vmem>>) semaphore(%run_scoped3A : memref<!tpu.dma_semaphore, #tpu.memory_space<semaphore_mem>>) {add = true}
          %dma_wait3A_145 = arith.constant 0 : i32
          %dma_wait3A_146 = tpu.memref_slice %arg13[%add3A_131, %dma_wait3A_145] : memref<160x128xi32, #tpu.memory_space<vmem>> -> memref<1x128xi32, #tpu.memory_space<vmem>>
          %dma_wait3A_147 = tpu.memref_squeeze %dma_wait3A_146 : memref<1x128xi32, #tpu.memory_space<vmem>> -> memref<128xi32, #tpu.memory_space<vmem>>
          %dma_wait3A_148 = arith.constant 0 : i32
          %dma_wait3A_149 = arith.constant 0 : i32
          %dma_wait3A_150 = tpu.memref_slice %arg16[%dma_wait3A_148, %dma_wait3A_149] : memref<10240x64xf32, #tpu.memory_space<vmem_shared>> -> memref<10240x64xf32, #tpu.memory_space<vmem_shared>>
          tpu.wait_indirect_dma semaphore(%run_scoped3A : memref<!tpu.dma_semaphore, #tpu.memory_space<semaphore_mem>>) src(%arg15 : memref<128x64xf32, #tpu.memory_space<vmem>>) dst(%dma_wait3A_150 : memref<10240x64xf32, #tpu.memory_space<vmem_shared>>)
          tpu.yield
        }) : () -> ()
        %add3A_132 = arith.constant 3 : i32
        %add3A_133 = arith.addi %mul3A_110, %add3A_132 : i32
        %lt3A_134 = arith.constant 160 : i32
        %lt3A_135 = arith.cmpi slt, %add3A_133, %lt3A_134 : i32
        %convert_element_type3A_136 = arith.extui %lt3A_135 : i1 to i32
        %cond3A_137 = arith.constant 0 : i32
        %cond3A_138 = arith.cmpi ne, %convert_element_type3A_136, %cond3A_137 : i32
        scf.if %cond3A_138 {
          %add3A_139 = arith.constant 3 : i32
          %add3A_140 = arith.addi %mul3A_110, %add3A_139 : i32
          %dma_start3A_141 = arith.constant 0 : i32
          %dma_start3A_142 = tpu.memref_slice %arg12[%add3A_140, %dma_start3A_141] : memref<160x128xi32, #tpu.memory_space<vmem>> -> memref<1x128xi32, #tpu.memory_space<vmem>>
          %dma_start3A_143 = tpu.memref_squeeze %dma_start3A_142 : memref<1x128xi32, #tpu.memory_space<vmem>> -> memref<128xi32, #tpu.memory_space<vmem>>
          %dma_start3A_144 = arith.constant 0 : i32
          %dma_start3A_145 = arith.constant 0 : i32
          %dma_start3A_146 = tpu.memref_slice %arg3[%dma_start3A_144, %dma_start3A_145] : memref<10240x64xf32, #tpu.memory_space<hbm>> -> memref<10240x64xf32, #tpu.memory_space<hbm>>
          tpu.enqueue_indirect_dma source(%dma_start3A_146 : memref<10240x64xf32, #tpu.memory_space<hbm>>) target(%arg15 : memref<128x64xf32, #tpu.memory_space<vmem>>) offsets(%dma_start3A_143 : memref<128xi32, #tpu.memory_space<vmem>>) semaphore(%arg18 : memref<!tpu.dma_semaphore, #tpu.memory_space<semaphore_mem>>)
        } else {
        }
      }
      %scan3A_101 = arith.constant 80 : i32
      %barrier3A_102 = arith.constant 0 : index
      tpu.barrier barrier_id(%barrier3A_102)
      %mul3A_103 = arith.constant 640 : i32
      %mul3A_104 = arith.muli %arg1, %mul3A_103 : i32
      %mul3A_105 = arith.constant 640 : i32
      %mul3A_106 = arith.muli %arg1, %mul3A_105 : i32
      "tpu.region"() ({
        %run_scoped3A = tpu.sem_alloc : memref<!tpu.dma_semaphore, #tpu.memory_space<semaphore_mem>>
        %dma_start3A_108 = arith.constant 0 : i32
        %dma_start3A_109 = tpu.memref_slice %arg9[%mul3A_106, %dma_start3A_108] : memref<10240x64xf32, #tpu.memory_space<hbm>> -> memref<640x64xf32, #tpu.memory_space<hbm>>
        %dma_start3A_110 = arith.constant 0 : i32
        %dma_start3A_111 = tpu.memref_slice %arg16[%mul3A_104, %dma_start3A_110] : memref<10240x64xf32, #tpu.memory_space<vmem_shared>> -> memref<640x64xf32, #tpu.memory_space<vmem_shared>>
        tpu.enqueue_dma source(%dma_start3A_111 : memref<640x64xf32, #tpu.memory_space<vmem_shared>>) target(%dma_start3A_109 : memref<640x64xf32, #tpu.memory_space<hbm>>) target_semaphore(%run_scoped3A : memref<!tpu.dma_semaphore, #tpu.memory_space<semaphore_mem>>)
        %dma_wait3A = arith.constant 0 : i32
        %dma_wait3A_112 = tpu.memref_slice %arg9[%mul3A_106, %dma_wait3A] : memref<10240x64xf32, #tpu.memory_space<hbm>> -> memref<640x64xf32, #tpu.memory_space<hbm>>
        %dma_wait3A_113 = arith.constant 0 : i32
        %dma_wait3A_114 = tpu.memref_slice %arg16[%mul3A_104, %dma_wait3A_113] : memref<10240x64xf32, #tpu.memory_space<vmem_shared>> -> memref<640x64xf32, #tpu.memory_space<vmem_shared>>
        tpu.wait_dma2 semaphore(%run_scoped3A : memref<!tpu.dma_semaphore, #tpu.memory_space<semaphore_mem>>) src(%dma_wait3A_114 : memref<640x64xf32, #tpu.memory_space<vmem_shared>>) dst(%dma_wait3A_112 : memref<640x64xf32, #tpu.memory_space<hbm>>)
        tpu.yield
      }) : () -> ()
      %barrier3A_107 = arith.constant 0 : index
      tpu.barrier barrier_id(%barrier3A_107)
    } else {
    }
    %eq3A_2 = arith.constant 1 : i32
    %eq3A_3 = arith.cmpi eq, %arg0, %eq3A_2 : i32
    %convert_element_type3A_4 = arith.extui %eq3A_3 : i1 to i32
    %cond3A_5 = arith.constant 0 : i32
    %cond3A_6 = arith.cmpi ne, %convert_element_type3A_4, %cond3A_5 : i32
    scf.if %cond3A_6 {
      %scan3A = arith.constant 0 : i32
      %scan3A_7 = arith.constant 0 : i32
      %scan3A_8 = arith.constant 128 : i32
      %scan3A_9 = arith.addi %scan3A_7, %scan3A_8 : i32
      %scan3A_10 = arith.constant 1 : i32
      scf.for %scan3A_108 = %scan3A_7 to %scan3A_9 step %scan3A_10  : i32 {
        %broadcast_in_dim3A = arith.constant 0.000000e+00 : f32
        %broadcast_in_dim3A_109 = vector.broadcast %broadcast_in_dim3A : f32 to vector<16xf32>
        %swap3A = arith.index_cast %scan3A_108 : i32 to index
        %swap3A_110 = arith.constant 0 : index
        %swap3A_111 = tpu.vector_load %arg14[%swap3A, %swap3A_110] {strides = array<i32>} : memref<128x64xf32, #tpu.memory_space<vmem>>, vector<16xf32>,
        tpu.vector_store %arg14[%swap3A, %swap3A_110], %broadcast_in_dim3A_109 {strides = array<i32>} : memref<128x64xf32, #tpu.memory_space<vmem>>, vector<16xf32>,
        %broadcast_in_dim3A_112 = arith.constant 0.000000e+00 : f32
        %broadcast_in_dim3A_113 = vector.broadcast %broadcast_in_dim3A_112 : f32 to vector<16xf32>
        %swap3A_114 = arith.index_cast %scan3A_108 : i32 to index
        %swap3A_115 = arith.constant 16 : index
        %swap3A_116 = tpu.vector_load %arg14[%swap3A_114, %swap3A_115] {strides = array<i32>} : memref<128x64xf32, #tpu.memory_space<vmem>>, vector<16xf32>,
        tpu.vector_store %arg14[%swap3A_114, %swap3A_115], %broadcast_in_dim3A_113 {strides = array<i32>} : memref<128x64xf32, #tpu.memory_space<vmem>>, vector<16xf32>,
        %broadcast_in_dim3A_117 = arith.constant 0.000000e+00 : f32
        %broadcast_in_dim3A_118 = vector.broadcast %broadcast_in_dim3A_117 : f32 to vector<16xf32>
        %swap3A_119 = arith.index_cast %scan3A_108 : i32 to index
        %swap3A_120 = arith.constant 32 : index
        %swap3A_121 = tpu.vector_load %arg14[%swap3A_119, %swap3A_120] {strides = array<i32>} : memref<128x64xf32, #tpu.memory_space<vmem>>, vector<16xf32>,
        tpu.vector_store %arg14[%swap3A_119, %swap3A_120], %broadcast_in_dim3A_118 {strides = array<i32>} : memref<128x64xf32, #tpu.memory_space<vmem>>, vector<16xf32>,
        %broadcast_in_dim3A_122 = arith.constant 0.000000e+00 : f32
        %broadcast_in_dim3A_123 = vector.broadcast %broadcast_in_dim3A_122 : f32 to vector<16xf32>
        %swap3A_124 = arith.index_cast %scan3A_108 : i32 to index
        %swap3A_125 = arith.constant 48 : index
        %swap3A_126 = tpu.vector_load %arg14[%swap3A_124, %swap3A_125] {strides = array<i32>} : memref<128x64xf32, #tpu.memory_space<vmem>>, vector<16xf32>,
        tpu.vector_store %arg14[%swap3A_124, %swap3A_125], %broadcast_in_dim3A_123 {strides = array<i32>} : memref<128x64xf32, #tpu.memory_space<vmem>>, vector<16xf32>,
      }
      %scan3A_11 = arith.constant 128 : i32
      %mul3A = arith.constant 640 : i32
      %mul3A_12 = arith.muli %arg1, %mul3A : i32
      %add3A = arith.constant 0 : i32
      %add3A_13 = arith.addi %mul3A_12, %add3A : i32
      "tpu.region"() ({
        %run_scoped3A = tpu.sem_alloc : memref<!tpu.dma_semaphore, #tpu.memory_space<semaphore_mem>>
        %dma_start3A_108 = arith.constant 0 : i32
        %dma_start3A_109 = tpu.memref_slice %arg16[%add3A_13, %dma_start3A_108] : memref<10240x64xf32, #tpu.memory_space<vmem_shared>> -> memref<128x64xf32, #tpu.memory_space<vmem_shared>>
        %dma_start3A_110 = arith.constant 0 : i32
        %dma_start3A_111 = tpu.memref_slice %arg16[%add3A_13, %dma_start3A_110] : memref<10240x64xf32, #tpu.memory_space<vmem_shared>> -> memref<128x64xf32, #tpu.memory_space<vmem_shared>>
        tpu.enqueue_dma source(%arg14 : memref<128x64xf32, #tpu.memory_space<vmem>>) target(%dma_start3A_111 : memref<128x64xf32, #tpu.memory_space<vmem_shared>>) target_semaphore(%run_scoped3A : memref<!tpu.dma_semaphore, #tpu.memory_space<semaphore_mem>>)
        %dma_wait3A = arith.constant 0 : i32
        %dma_wait3A_112 = tpu.memref_slice %arg16[%add3A_13, %dma_wait3A] : memref<10240x64xf32, #tpu.memory_space<vmem_shared>> -> memref<128x64xf32, #tpu.memory_space<vmem_shared>>
        %dma_wait3A_113 = arith.constant 0 : i32
        %dma_wait3A_114 = tpu.memref_slice %arg16[%add3A_13, %dma_wait3A_113] : memref<10240x64xf32, #tpu.memory_space<vmem_shared>> -> memref<128x64xf32, #tpu.memory_space<vmem_shared>>
        tpu.wait_dma2 semaphore(%run_scoped3A : memref<!tpu.dma_semaphore, #tpu.memory_space<semaphore_mem>>) src(%arg14 : memref<128x64xf32, #tpu.memory_space<vmem>>) dst(%dma_wait3A_114 : memref<128x64xf32, #tpu.memory_space<vmem_shared>>)
        tpu.yield
      }) : () -> ()
      %mul3A_14 = arith.constant 640 : i32
      %mul3A_15 = arith.muli %arg1, %mul3A_14 : i32
      %add3A_16 = arith.constant 128 : i32
      %add3A_17 = arith.addi %mul3A_15, %add3A_16 : i32
      "tpu.region"() ({
        %run_scoped3A = tpu.sem_alloc : memref<!tpu.dma_semaphore, #tpu.memory_space<semaphore_mem>>
        %dma_start3A_108 = arith.constant 0 : i32
        %dma_start3A_109 = tpu.memref_slice %arg16[%add3A_17, %dma_start3A_108] : memref<10240x64xf32, #tpu.memory_space<vmem_shared>> -> memref<128x64xf32, #tpu.memory_space<vmem_shared>>
        %dma_start3A_110 = arith.constant 0 : i32
        %dma_start3A_111 = tpu.memref_slice %arg16[%add3A_17, %dma_start3A_110] : memref<10240x64xf32, #tpu.memory_space<vmem_shared>> -> memref<128x64xf32, #tpu.memory_space<vmem_shared>>
        tpu.enqueue_dma source(%arg14 : memref<128x64xf32, #tpu.memory_space<vmem>>) target(%dma_start3A_111 : memref<128x64xf32, #tpu.memory_space<vmem_shared>>) target_semaphore(%run_scoped3A : memref<!tpu.dma_semaphore, #tpu.memory_space<semaphore_mem>>)
        %dma_wait3A = arith.constant 0 : i32
        %dma_wait3A_112 = tpu.memref_slice %arg16[%add3A_17, %dma_wait3A] : memref<10240x64xf32, #tpu.memory_space<vmem_shared>> -> memref<128x64xf32, #tpu.memory_space<vmem_shared>>
        %dma_wait3A_113 = arith.constant 0 : i32
        %dma_wait3A_114 = tpu.memref_slice %arg16[%add3A_17, %dma_wait3A_113] : memref<10240x64xf32, #tpu.memory_space<vmem_shared>> -> memref<128x64xf32, #tpu.memory_space<vmem_shared>>
        tpu.wait_dma2 semaphore(%run_scoped3A : memref<!tpu.dma_semaphore, #tpu.memory_space<semaphore_mem>>) src(%arg14 : memref<128x64xf32, #tpu.memory_space<vmem>>) dst(%dma_wait3A_114 : memref<128x64xf32, #tpu.memory_space<vmem_shared>>)
        tpu.yield
      }) : () -> ()
      %mul3A_18 = arith.constant 640 : i32
      %mul3A_19 = arith.muli %arg1, %mul3A_18 : i32
      %add3A_20 = arith.constant 256 : i32
      %add3A_21 = arith.addi %mul3A_19, %add3A_20 : i32
      "tpu.region"() ({
        %run_scoped3A = tpu.sem_alloc : memref<!tpu.dma_semaphore, #tpu.memory_space<semaphore_mem>>
        %dma_start3A_108 = arith.constant 0 : i32
        %dma_start3A_109 = tpu.memref_slice %arg16[%add3A_21, %dma_start3A_108] : memref<10240x64xf32, #tpu.memory_space<vmem_shared>> -> memref<128x64xf32, #tpu.memory_space<vmem_shared>>
        %dma_start3A_110 = arith.constant 0 : i32
        %dma_start3A_111 = tpu.memref_slice %arg16[%add3A_21, %dma_start3A_110] : memref<10240x64xf32, #tpu.memory_space<vmem_shared>> -> memref<128x64xf32, #tpu.memory_space<vmem_shared>>
        tpu.enqueue_dma source(%arg14 : memref<128x64xf32, #tpu.memory_space<vmem>>) target(%dma_start3A_111 : memref<128x64xf32, #tpu.memory_space<vmem_shared>>) target_semaphore(%run_scoped3A : memref<!tpu.dma_semaphore, #tpu.memory_space<semaphore_mem>>)
        %dma_wait3A = arith.constant 0 : i32
        %dma_wait3A_112 = tpu.memref_slice %arg16[%add3A_21, %dma_wait3A] : memref<10240x64xf32, #tpu.memory_space<vmem_shared>> -> memref<128x64xf32, #tpu.memory_space<vmem_shared>>
        %dma_wait3A_113 = arith.constant 0 : i32
        %dma_wait3A_114 = tpu.memref_slice %arg16[%add3A_21, %dma_wait3A_113] : memref<10240x64xf32, #tpu.memory_space<vmem_shared>> -> memref<128x64xf32, #tpu.memory_space<vmem_shared>>
        tpu.wait_dma2 semaphore(%run_scoped3A : memref<!tpu.dma_semaphore, #tpu.memory_space<semaphore_mem>>) src(%arg14 : memref<128x64xf32, #tpu.memory_space<vmem>>) dst(%dma_wait3A_114 : memref<128x64xf32, #tpu.memory_space<vmem_shared>>)
        tpu.yield
      }) : () -> ()
      %mul3A_22 = arith.constant 640 : i32
      %mul3A_23 = arith.muli %arg1, %mul3A_22 : i32
      %add3A_24 = arith.constant 384 : i32
      %add3A_25 = arith.addi %mul3A_23, %add3A_24 : i32
      "tpu.region"() ({
        %run_scoped3A = tpu.sem_alloc : memref<!tpu.dma_semaphore, #tpu.memory_space<semaphore_mem>>
        %dma_start3A_108 = arith.constant 0 : i32
        %dma_start3A_109 = tpu.memref_slice %arg16[%add3A_25, %dma_start3A_108] : memref<10240x64xf32, #tpu.memory_space<vmem_shared>> -> memref<128x64xf32, #tpu.memory_space<vmem_shared>>
        %dma_start3A_110 = arith.constant 0 : i32
        %dma_start3A_111 = tpu.memref_slice %arg16[%add3A_25, %dma_start3A_110] : memref<10240x64xf32, #tpu.memory_space<vmem_shared>> -> memref<128x64xf32, #tpu.memory_space<vmem_shared>>
        tpu.enqueue_dma source(%arg14 : memref<128x64xf32, #tpu.memory_space<vmem>>) target(%dma_start3A_111 : memref<128x64xf32, #tpu.memory_space<vmem_shared>>) target_semaphore(%run_scoped3A : memref<!tpu.dma_semaphore, #tpu.memory_space<semaphore_mem>>)
        %dma_wait3A = arith.constant 0 : i32
        %dma_wait3A_112 = tpu.memref_slice %arg16[%add3A_25, %dma_wait3A] : memref<10240x64xf32, #tpu.memory_space<vmem_shared>> -> memref<128x64xf32, #tpu.memory_space<vmem_shared>>
        %dma_wait3A_113 = arith.constant 0 : i32
        %dma_wait3A_114 = tpu.memref_slice %arg16[%add3A_25, %dma_wait3A_113] : memref<10240x64xf32, #tpu.memory_space<vmem_shared>> -> memref<128x64xf32, #tpu.memory_space<vmem_shared>>
        tpu.wait_dma2 semaphore(%run_scoped3A : memref<!tpu.dma_semaphore, #tpu.memory_space<semaphore_mem>>) src(%arg14 : memref<128x64xf32, #tpu.memory_space<vmem>>) dst(%dma_wait3A_114 : memref<128x64xf32, #tpu.memory_space<vmem_shared>>)
        tpu.yield
      }) : () -> ()
      %mul3A_26 = arith.constant 640 : i32
      %mul3A_27 = arith.muli %arg1, %mul3A_26 : i32
      %add3A_28 = arith.constant 512 : i32
      %add3A_29 = arith.addi %mul3A_27, %add3A_28 : i32
      "tpu.region"() ({
        %run_scoped3A = tpu.sem_alloc : memref<!tpu.dma_semaphore, #tpu.memory_space<semaphore_mem>>
        %dma_start3A_108 = arith.constant 0 : i32
        %dma_start3A_109 = tpu.memref_slice %arg16[%add3A_29, %dma_start3A_108] : memref<10240x64xf32, #tpu.memory_space<vmem_shared>> -> memref<128x64xf32, #tpu.memory_space<vmem_shared>>
        %dma_start3A_110 = arith.constant 0 : i32
        %dma_start3A_111 = tpu.memref_slice %arg16[%add3A_29, %dma_start3A_110] : memref<10240x64xf32, #tpu.memory_space<vmem_shared>> -> memref<128x64xf32, #tpu.memory_space<vmem_shared>>
        tpu.enqueue_dma source(%arg14 : memref<128x64xf32, #tpu.memory_space<vmem>>) target(%dma_start3A_111 : memref<128x64xf32, #tpu.memory_space<vmem_shared>>) target_semaphore(%run_scoped3A : memref<!tpu.dma_semaphore, #tpu.memory_space<semaphore_mem>>)
        %dma_wait3A = arith.constant 0 : i32
        %dma_wait3A_112 = tpu.memref_slice %arg16[%add3A_29, %dma_wait3A] : memref<10240x64xf32, #tpu.memory_space<vmem_shared>> -> memref<128x64xf32, #tpu.memory_space<vmem_shared>>
        %dma_wait3A_113 = arith.constant 0 : i32
        %dma_wait3A_114 = tpu.memref_slice %arg16[%add3A_29, %dma_wait3A_113] : memref<10240x64xf32, #tpu.memory_space<vmem_shared>> -> memref<128x64xf32, #tpu.memory_space<vmem_shared>>
        tpu.wait_dma2 semaphore(%run_scoped3A : memref<!tpu.dma_semaphore, #tpu.memory_space<semaphore_mem>>) src(%arg14 : memref<128x64xf32, #tpu.memory_space<vmem>>) dst(%dma_wait3A_114 : memref<128x64xf32, #tpu.memory_space<vmem_shared>>)
        tpu.yield
      }) : () -> ()
      %barrier3A = arith.constant 0 : index
      tpu.barrier barrier_id(%barrier3A)
      %dma_start3A = arith.constant 0 : i32
      %dma_start3A_30 = arith.constant 0 : i32
      %dma_start3A_31 = tpu.memref_slice %arg12[%dma_start3A, %dma_start3A_30] : memref<160x128xi32, #tpu.memory_space<vmem>> -> memref<1x128xi32, #tpu.memory_space<vmem>>
      %dma_start3A_32 = tpu.memref_squeeze %dma_start3A_31 : memref<1x128xi32, #tpu.memory_space<vmem>> -> memref<128xi32, #tpu.memory_space<vmem>>
      %dma_start3A_33 = arith.constant 0 : i32
      %dma_start3A_34 = arith.constant 0 : i32
      %dma_start3A_35 = tpu.memref_slice %arg4[%dma_start3A_33, %dma_start3A_34] : memref<10240x64xf32, #tpu.memory_space<hbm>> -> memref<10240x64xf32, #tpu.memory_space<hbm>>
      tpu.enqueue_indirect_dma source(%dma_start3A_35 : memref<10240x64xf32, #tpu.memory_space<hbm>>) target(%arg14 : memref<128x64xf32, #tpu.memory_space<vmem>>) offsets(%dma_start3A_32 : memref<128xi32, #tpu.memory_space<vmem>>) semaphore(%arg17 : memref<!tpu.dma_semaphore, #tpu.memory_space<semaphore_mem>>)
      %dma_start3A_36 = arith.constant 1 : i32
      %dma_start3A_37 = arith.constant 0 : i32
      %dma_start3A_38 = tpu.memref_slice %arg12[%dma_start3A_36, %dma_start3A_37] : memref<160x128xi32, #tpu.memory_space<vmem>> -> memref<1x128xi32, #tpu.memory_space<vmem>>
      %dma_start3A_39 = tpu.memref_squeeze %dma_start3A_38 : memref<1x128xi32, #tpu.memory_space<vmem>> -> memref<128xi32, #tpu.memory_space<vmem>>
      %dma_start3A_40 = arith.constant 0 : i32
      %dma_start3A_41 = arith.constant 0 : i32
      %dma_start3A_42 = tpu.memref_slice %arg4[%dma_start3A_40, %dma_start3A_41] : memref<10240x64xf32, #tpu.memory_space<hbm>> -> memref<10240x64xf32, #tpu.memory_space<hbm>>
      tpu.enqueue_indirect_dma source(%dma_start3A_42 : memref<10240x64xf32, #tpu.memory_space<hbm>>) target(%arg15 : memref<128x64xf32, #tpu.memory_space<vmem>>) offsets(%dma_start3A_39 : memref<128xi32, #tpu.memory_space<vmem>>) semaphore(%arg18 : memref<!tpu.dma_semaphore, #tpu.memory_space<semaphore_mem>>)
      %scan3A_43 = arith.constant 0 : i32
      %scan3A_44 = arith.constant 0 : i32
      %scan3A_45 = arith.constant 80 : i32
      %scan3A_46 = arith.addi %scan3A_44, %scan3A_45 : i32
      %scan3A_47 = arith.constant 1 : i32
      scf.for %scan3A_108 = %scan3A_44 to %scan3A_46 step %scan3A_47  : i32 {
        %mul3A_109 = arith.constant 2 : i32
        %mul3A_110 = arith.muli %mul3A_109, %scan3A_108 : i32
        %dma_wait3A = arith.constant 0 : i32
        %dma_wait3A_111 = tpu.memref_slice %arg12[%mul3A_110, %dma_wait3A] : memref<160x128xi32, #tpu.memory_space<vmem>> -> memref<1x128xi32, #tpu.memory_space<vmem>>
        %dma_wait3A_112 = tpu.memref_squeeze %dma_wait3A_111 : memref<1x128xi32, #tpu.memory_space<vmem>> -> memref<128xi32, #tpu.memory_space<vmem>>
        %dma_wait3A_113 = arith.constant 0 : i32
        %dma_wait3A_114 = arith.constant 0 : i32
        %dma_wait3A_115 = tpu.memref_slice %arg4[%dma_wait3A_113, %dma_wait3A_114] : memref<10240x64xf32, #tpu.memory_space<hbm>> -> memref<10240x64xf32, #tpu.memory_space<hbm>>
        tpu.wait_indirect_dma semaphore(%arg17 : memref<!tpu.dma_semaphore, #tpu.memory_space<semaphore_mem>>) src(%dma_wait3A_115 : memref<10240x64xf32, #tpu.memory_space<hbm>>) dst(%arg14 : memref<128x64xf32, #tpu.memory_space<vmem>>)
        "tpu.region"() ({
          %run_scoped3A = tpu.sem_alloc : memref<!tpu.dma_semaphore, #tpu.memory_space<semaphore_mem>>
          %dma_start3A_139 = arith.constant 0 : i32
          %dma_start3A_140 = tpu.memref_slice %arg13[%mul3A_110, %dma_start3A_139] : memref<160x128xi32, #tpu.memory_space<vmem>> -> memref<1x128xi32, #tpu.memory_space<vmem>>
          %dma_start3A_141 = tpu.memref_squeeze %dma_start3A_140 : memref<1x128xi32, #tpu.memory_space<vmem>> -> memref<128xi32, #tpu.memory_space<vmem>>
          %dma_start3A_142 = arith.constant 0 : i32
          %dma_start3A_143 = arith.constant 0 : i32
          %dma_start3A_144 = tpu.memref_slice %arg16[%dma_start3A_142, %dma_start3A_143] : memref<10240x64xf32, #tpu.memory_space<vmem_shared>> -> memref<10240x64xf32, #tpu.memory_space<vmem_shared>>
          tpu.enqueue_indirect_dma source(%arg14 : memref<128x64xf32, #tpu.memory_space<vmem>>) target(%dma_start3A_144 : memref<10240x64xf32, #tpu.memory_space<vmem_shared>>) offsets(%dma_start3A_141 : memref<128xi32, #tpu.memory_space<vmem>>) semaphore(%run_scoped3A : memref<!tpu.dma_semaphore, #tpu.memory_space<semaphore_mem>>) {add = true}
          %dma_wait3A_145 = arith.constant 0 : i32
          %dma_wait3A_146 = tpu.memref_slice %arg13[%mul3A_110, %dma_wait3A_145] : memref<160x128xi32, #tpu.memory_space<vmem>> -> memref<1x128xi32, #tpu.memory_space<vmem>>
          %dma_wait3A_147 = tpu.memref_squeeze %dma_wait3A_146 : memref<1x128xi32, #tpu.memory_space<vmem>> -> memref<128xi32, #tpu.memory_space<vmem>>
          %dma_wait3A_148 = arith.constant 0 : i32
          %dma_wait3A_149 = arith.constant 0 : i32
          %dma_wait3A_150 = tpu.memref_slice %arg16[%dma_wait3A_148, %dma_wait3A_149] : memref<10240x64xf32, #tpu.memory_space<vmem_shared>> -> memref<10240x64xf32, #tpu.memory_space<vmem_shared>>
          tpu.wait_indirect_dma semaphore(%run_scoped3A : memref<!tpu.dma_semaphore, #tpu.memory_space<semaphore_mem>>) src(%arg14 : memref<128x64xf32, #tpu.memory_space<vmem>>) dst(%dma_wait3A_150 : memref<10240x64xf32, #tpu.memory_space<vmem_shared>>)
          tpu.yield
        }) : () -> ()
        %add3A_116 = arith.constant 2 : i32
        %add3A_117 = arith.addi %mul3A_110, %add3A_116 : i32
        %lt3A = arith.constant 160 : i32
        %lt3A_118 = arith.cmpi slt, %add3A_117, %lt3A : i32
        %convert_element_type3A_119 = arith.extui %lt3A_118 : i1 to i32
        %cond3A_120 = arith.constant 0 : i32
        %cond3A_121 = arith.cmpi ne, %convert_element_type3A_119, %cond3A_120 : i32
        scf.if %cond3A_121 {
          %add3A_139 = arith.constant 2 : i32
          %add3A_140 = arith.addi %mul3A_110, %add3A_139 : i32
          %dma_start3A_141 = arith.constant 0 : i32
          %dma_start3A_142 = tpu.memref_slice %arg12[%add3A_140, %dma_start3A_141] : memref<160x128xi32, #tpu.memory_space<vmem>> -> memref<1x128xi32, #tpu.memory_space<vmem>>
          %dma_start3A_143 = tpu.memref_squeeze %dma_start3A_142 : memref<1x128xi32, #tpu.memory_space<vmem>> -> memref<128xi32, #tpu.memory_space<vmem>>
          %dma_start3A_144 = arith.constant 0 : i32
          %dma_start3A_145 = arith.constant 0 : i32
          %dma_start3A_146 = tpu.memref_slice %arg4[%dma_start3A_144, %dma_start3A_145] : memref<10240x64xf32, #tpu.memory_space<hbm>> -> memref<10240x64xf32, #tpu.memory_space<hbm>>
          tpu.enqueue_indirect_dma source(%dma_start3A_146 : memref<10240x64xf32, #tpu.memory_space<hbm>>) target(%arg14 : memref<128x64xf32, #tpu.memory_space<vmem>>) offsets(%dma_start3A_143 : memref<128xi32, #tpu.memory_space<vmem>>) semaphore(%arg17 : memref<!tpu.dma_semaphore, #tpu.memory_space<semaphore_mem>>)
        } else {
        }
        %add3A_122 = arith.constant 1 : i32
        %add3A_123 = arith.addi %mul3A_110, %add3A_122 : i32
        %dma_wait3A_124 = arith.constant 0 : i32
        %dma_wait3A_125 = tpu.memref_slice %arg12[%add3A_123, %dma_wait3A_124] : memref<160x128xi32, #tpu.memory_space<vmem>> -> memref<1x128xi32, #tpu.memory_space<vmem>>
        %dma_wait3A_126 = tpu.memref_squeeze %dma_wait3A_125 : memref<1x128xi32, #tpu.memory_space<vmem>> -> memref<128xi32, #tpu.memory_space<vmem>>
        %dma_wait3A_127 = arith.constant 0 : i32
        %dma_wait3A_128 = arith.constant 0 : i32
        %dma_wait3A_129 = tpu.memref_slice %arg4[%dma_wait3A_127, %dma_wait3A_128] : memref<10240x64xf32, #tpu.memory_space<hbm>> -> memref<10240x64xf32, #tpu.memory_space<hbm>>
        tpu.wait_indirect_dma semaphore(%arg18 : memref<!tpu.dma_semaphore, #tpu.memory_space<semaphore_mem>>) src(%dma_wait3A_129 : memref<10240x64xf32, #tpu.memory_space<hbm>>) dst(%arg15 : memref<128x64xf32, #tpu.memory_space<vmem>>)
        %add3A_130 = arith.constant 1 : i32
        %add3A_131 = arith.addi %mul3A_110, %add3A_130 : i32
        "tpu.region"() ({
          %run_scoped3A = tpu.sem_alloc : memref<!tpu.dma_semaphore, #tpu.memory_space<semaphore_mem>>
          %dma_start3A_139 = arith.constant 0 : i32
          %dma_start3A_140 = tpu.memref_slice %arg13[%add3A_131, %dma_start3A_139] : memref<160x128xi32, #tpu.memory_space<vmem>> -> memref<1x128xi32, #tpu.memory_space<vmem>>
          %dma_start3A_141 = tpu.memref_squeeze %dma_start3A_140 : memref<1x128xi32, #tpu.memory_space<vmem>> -> memref<128xi32, #tpu.memory_space<vmem>>
          %dma_start3A_142 = arith.constant 0 : i32
          %dma_start3A_143 = arith.constant 0 : i32
          %dma_start3A_144 = tpu.memref_slice %arg16[%dma_start3A_142, %dma_start3A_143] : memref<10240x64xf32, #tpu.memory_space<vmem_shared>> -> memref<10240x64xf32, #tpu.memory_space<vmem_shared>>
          tpu.enqueue_indirect_dma source(%arg15 : memref<128x64xf32, #tpu.memory_space<vmem>>) target(%dma_start3A_144 : memref<10240x64xf32, #tpu.memory_space<vmem_shared>>) offsets(%dma_start3A_141 : memref<128xi32, #tpu.memory_space<vmem>>) semaphore(%run_scoped3A : memref<!tpu.dma_semaphore, #tpu.memory_space<semaphore_mem>>) {add = true}
          %dma_wait3A_145 = arith.constant 0 : i32
          %dma_wait3A_146 = tpu.memref_slice %arg13[%add3A_131, %dma_wait3A_145] : memref<160x128xi32, #tpu.memory_space<vmem>> -> memref<1x128xi32, #tpu.memory_space<vmem>>
          %dma_wait3A_147 = tpu.memref_squeeze %dma_wait3A_146 : memref<1x128xi32, #tpu.memory_space<vmem>> -> memref<128xi32, #tpu.memory_space<vmem>>
          %dma_wait3A_148 = arith.constant 0 : i32
          %dma_wait3A_149 = arith.constant 0 : i32
          %dma_wait3A_150 = tpu.memref_slice %arg16[%dma_wait3A_148, %dma_wait3A_149] : memref<10240x64xf32, #tpu.memory_space<vmem_shared>> -> memref<10240x64xf32, #tpu.memory_space<vmem_shared>>
          tpu.wait_indirect_dma semaphore(%run_scoped3A : memref<!tpu.dma_semaphore, #tpu.memory_space<semaphore_mem>>) src(%arg15 : memref<128x64xf32, #tpu.memory_space<vmem>>) dst(%dma_wait3A_150 : memref<10240x64xf32, #tpu.memory_space<vmem_shared>>)
          tpu.yield
        }) : () -> ()
        %add3A_132 = arith.constant 3 : i32
        %add3A_133 = arith.addi %mul3A_110, %add3A_132 : i32
        %lt3A_134 = arith.constant 160 : i32
        %lt3A_135 = arith.cmpi slt, %add3A_133, %lt3A_134 : i32
        %convert_element_type3A_136 = arith.extui %lt3A_135 : i1 to i32
        %cond3A_137 = arith.constant 0 : i32
        %cond3A_138 = arith.cmpi ne, %convert_element_type3A_136, %cond3A_137 : i32
        scf.if %cond3A_138 {
          %add3A_139 = arith.constant 3 : i32
          %add3A_140 = arith.addi %mul3A_110, %add3A_139 : i32
          %dma_start3A_141 = arith.constant 0 : i32
          %dma_start3A_142 = tpu.memref_slice %arg12[%add3A_140, %dma_start3A_141] : memref<160x128xi32, #tpu.memory_space<vmem>> -> memref<1x128xi32, #tpu.memory_space<vmem>>
          %dma_start3A_143 = tpu.memref_squeeze %dma_start3A_142 : memref<1x128xi32, #tpu.memory_space<vmem>> -> memref<128xi32, #tpu.memory_space<vmem>>
          %dma_start3A_144 = arith.constant 0 : i32
          %dma_start3A_145 = arith.constant 0 : i32
          %dma_start3A_146 = tpu.memref_slice %arg4[%dma_start3A_144, %dma_start3A_145] : memref<10240x64xf32, #tpu.memory_space<hbm>> -> memref<10240x64xf32, #tpu.memory_space<hbm>>
          tpu.enqueue_indirect_dma source(%dma_start3A_146 : memref<10240x64xf32, #tpu.memory_space<hbm>>) target(%arg15 : memref<128x64xf32, #tpu.memory_space<vmem>>) offsets(%dma_start3A_143 : memref<128xi32, #tpu.memory_space<vmem>>) semaphore(%arg18 : memref<!tpu.dma_semaphore, #tpu.memory_space<semaphore_mem>>)
        } else {
        }
      }
      %scan3A_48 = arith.constant 80 : i32
      %barrier3A_49 = arith.constant 0 : index
      tpu.barrier barrier_id(%barrier3A_49)
      %mul3A_50 = arith.constant 640 : i32
      %mul3A_51 = arith.muli %arg1, %mul3A_50 : i32
      %mul3A_52 = arith.constant 640 : i32
      %mul3A_53 = arith.muli %arg1, %mul3A_52 : i32
      "tpu.region"() ({
        %run_scoped3A = tpu.sem_alloc : memref<!tpu.dma_semaphore, #tpu.memory_space<semaphore_mem>>
        %dma_start3A_108 = arith.constant 0 : i32
        %dma_start3A_109 = tpu.memref_slice %arg10[%mul3A_53, %dma_start3A_108] : memref<10240x64xf32, #tpu.memory_space<hbm>> -> memref<640x64xf32, #tpu.memory_space<hbm>>
        %dma_start3A_110 = arith.constant 0 : i32
        %dma_start3A_111 = tpu.memref_slice %arg16[%mul3A_51, %dma_start3A_110] : memref<10240x64xf32, #tpu.memory_space<vmem_shared>> -> memref<640x64xf32, #tpu.memory_space<vmem_shared>>
        tpu.enqueue_dma source(%dma_start3A_111 : memref<640x64xf32, #tpu.memory_space<vmem_shared>>) target(%dma_start3A_109 : memref<640x64xf32, #tpu.memory_space<hbm>>) target_semaphore(%run_scoped3A : memref<!tpu.dma_semaphore, #tpu.memory_space<semaphore_mem>>)
        %dma_wait3A = arith.constant 0 : i32
        %dma_wait3A_112 = tpu.memref_slice %arg10[%mul3A_53, %dma_wait3A] : memref<10240x64xf32, #tpu.memory_space<hbm>> -> memref<640x64xf32, #tpu.memory_space<hbm>>
        %dma_wait3A_113 = arith.constant 0 : i32
        %dma_wait3A_114 = tpu.memref_slice %arg16[%mul3A_51, %dma_wait3A_113] : memref<10240x64xf32, #tpu.memory_space<vmem_shared>> -> memref<640x64xf32, #tpu.memory_space<vmem_shared>>
        tpu.wait_dma2 semaphore(%run_scoped3A : memref<!tpu.dma_semaphore, #tpu.memory_space<semaphore_mem>>) src(%dma_wait3A_114 : memref<640x64xf32, #tpu.memory_space<vmem_shared>>) dst(%dma_wait3A_112 : memref<640x64xf32, #tpu.memory_space<hbm>>)
        tpu.yield
      }) : () -> ()
      %barrier3A_54 = arith.constant 0 : index
      tpu.barrier barrier_id(%barrier3A_54)
      %scan3A_55 = arith.constant 0 : i32
      %scan3A_56 = arith.constant 0 : i32
      %scan3A_57 = arith.constant 128 : i32
      %scan3A_58 = arith.addi %scan3A_56, %scan3A_57 : i32
      %scan3A_59 = arith.constant 1 : i32
      scf.for %scan3A_108 = %scan3A_56 to %scan3A_58 step %scan3A_59  : i32 {
        %broadcast_in_dim3A = arith.constant 0.000000e+00 : f32
        %broadcast_in_dim3A_109 = vector.broadcast %broadcast_in_dim3A : f32 to vector<16xf32>
        %swap3A = arith.index_cast %scan3A_108 : i32 to index
        %swap3A_110 = arith.constant 0 : index
        %swap3A_111 = tpu.vector_load %arg14[%swap3A, %swap3A_110] {strides = array<i32>} : memref<128x64xf32, #tpu.memory_space<vmem>>, vector<16xf32>,
        tpu.vector_store %arg14[%swap3A, %swap3A_110], %broadcast_in_dim3A_109 {strides = array<i32>} : memref<128x64xf32, #tpu.memory_space<vmem>>, vector<16xf32>,
        %broadcast_in_dim3A_112 = arith.constant 0.000000e+00 : f32
        %broadcast_in_dim3A_113 = vector.broadcast %broadcast_in_dim3A_112 : f32 to vector<16xf32>
        %swap3A_114 = arith.index_cast %scan3A_108 : i32 to index
        %swap3A_115 = arith.constant 16 : index
        %swap3A_116 = tpu.vector_load %arg14[%swap3A_114, %swap3A_115] {strides = array<i32>} : memref<128x64xf32, #tpu.memory_space<vmem>>, vector<16xf32>,
        tpu.vector_store %arg14[%swap3A_114, %swap3A_115], %broadcast_in_dim3A_113 {strides = array<i32>} : memref<128x64xf32, #tpu.memory_space<vmem>>, vector<16xf32>,
        %broadcast_in_dim3A_117 = arith.constant 0.000000e+00 : f32
        %broadcast_in_dim3A_118 = vector.broadcast %broadcast_in_dim3A_117 : f32 to vector<16xf32>
        %swap3A_119 = arith.index_cast %scan3A_108 : i32 to index
        %swap3A_120 = arith.constant 32 : index
        %swap3A_121 = tpu.vector_load %arg14[%swap3A_119, %swap3A_120] {strides = array<i32>} : memref<128x64xf32, #tpu.memory_space<vmem>>, vector<16xf32>,
        tpu.vector_store %arg14[%swap3A_119, %swap3A_120], %broadcast_in_dim3A_118 {strides = array<i32>} : memref<128x64xf32, #tpu.memory_space<vmem>>, vector<16xf32>,
        %broadcast_in_dim3A_122 = arith.constant 0.000000e+00 : f32
        %broadcast_in_dim3A_123 = vector.broadcast %broadcast_in_dim3A_122 : f32 to vector<16xf32>
        %swap3A_124 = arith.index_cast %scan3A_108 : i32 to index
        %swap3A_125 = arith.constant 48 : index
        %swap3A_126 = tpu.vector_load %arg14[%swap3A_124, %swap3A_125] {strides = array<i32>} : memref<128x64xf32, #tpu.memory_space<vmem>>, vector<16xf32>,
        tpu.vector_store %arg14[%swap3A_124, %swap3A_125], %broadcast_in_dim3A_123 {strides = array<i32>} : memref<128x64xf32, #tpu.memory_space<vmem>>, vector<16xf32>,
      }
      %scan3A_60 = arith.constant 128 : i32
      %mul3A_61 = arith.constant 640 : i32
      %mul3A_62 = arith.muli %arg1, %mul3A_61 : i32
      %add3A_63 = arith.constant 0 : i32
      %add3A_64 = arith.addi %mul3A_62, %add3A_63 : i32
      "tpu.region"() ({
        %run_scoped3A = tpu.sem_alloc : memref<!tpu.dma_semaphore, #tpu.memory_space<semaphore_mem>>
        %dma_start3A_108 = arith.constant 0 : i32
        %dma_start3A_109 = tpu.memref_slice %arg16[%add3A_64, %dma_start3A_108] : memref<10240x64xf32, #tpu.memory_space<vmem_shared>> -> memref<128x64xf32, #tpu.memory_space<vmem_shared>>
        %dma_start3A_110 = arith.constant 0 : i32
        %dma_start3A_111 = tpu.memref_slice %arg16[%add3A_64, %dma_start3A_110] : memref<10240x64xf32, #tpu.memory_space<vmem_shared>> -> memref<128x64xf32, #tpu.memory_space<vmem_shared>>
        tpu.enqueue_dma source(%arg14 : memref<128x64xf32, #tpu.memory_space<vmem>>) target(%dma_start3A_111 : memref<128x64xf32, #tpu.memory_space<vmem_shared>>) target_semaphore(%run_scoped3A : memref<!tpu.dma_semaphore, #tpu.memory_space<semaphore_mem>>)
        %dma_wait3A = arith.constant 0 : i32
        %dma_wait3A_112 = tpu.memref_slice %arg16[%add3A_64, %dma_wait3A] : memref<10240x64xf32, #tpu.memory_space<vmem_shared>> -> memref<128x64xf32, #tpu.memory_space<vmem_shared>>
        %dma_wait3A_113 = arith.constant 0 : i32
        %dma_wait3A_114 = tpu.memref_slice %arg16[%add3A_64, %dma_wait3A_113] : memref<10240x64xf32, #tpu.memory_space<vmem_shared>> -> memref<128x64xf32, #tpu.memory_space<vmem_shared>>
        tpu.wait_dma2 semaphore(%run_scoped3A : memref<!tpu.dma_semaphore, #tpu.memory_space<semaphore_mem>>) src(%arg14 : memref<128x64xf32, #tpu.memory_space<vmem>>) dst(%dma_wait3A_114 : memref<128x64xf32, #tpu.memory_space<vmem_shared>>)
        tpu.yield
      }) : () -> ()
      %mul3A_65 = arith.constant 640 : i32
      %mul3A_66 = arith.muli %arg1, %mul3A_65 : i32
      %add3A_67 = arith.constant 128 : i32
      %add3A_68 = arith.addi %mul3A_66, %add3A_67 : i32
      "tpu.region"() ({
        %run_scoped3A = tpu.sem_alloc : memref<!tpu.dma_semaphore, #tpu.memory_space<semaphore_mem>>
        %dma_start3A_108 = arith.constant 0 : i32
        %dma_start3A_109 = tpu.memref_slice %arg16[%add3A_68, %dma_start3A_108] : memref<10240x64xf32, #tpu.memory_space<vmem_shared>> -> memref<128x64xf32, #tpu.memory_space<vmem_shared>>
        %dma_start3A_110 = arith.constant 0 : i32
        %dma_start3A_111 = tpu.memref_slice %arg16[%add3A_68, %dma_start3A_110] : memref<10240x64xf32, #tpu.memory_space<vmem_shared>> -> memref<128x64xf32, #tpu.memory_space<vmem_shared>>
        tpu.enqueue_dma source(%arg14 : memref<128x64xf32, #tpu.memory_space<vmem>>) target(%dma_start3A_111 : memref<128x64xf32, #tpu.memory_space<vmem_shared>>) target_semaphore(%run_scoped3A : memref<!tpu.dma_semaphore, #tpu.memory_space<semaphore_mem>>)
        %dma_wait3A = arith.constant 0 : i32
        %dma_wait3A_112 = tpu.memref_slice %arg16[%add3A_68, %dma_wait3A] : memref<10240x64xf32, #tpu.memory_space<vmem_shared>> -> memref<128x64xf32, #tpu.memory_space<vmem_shared>>
        %dma_wait3A_113 = arith.constant 0 : i32
        %dma_wait3A_114 = tpu.memref_slice %arg16[%add3A_68, %dma_wait3A_113] : memref<10240x64xf32, #tpu.memory_space<vmem_shared>> -> memref<128x64xf32, #tpu.memory_space<vmem_shared>>
        tpu.wait_dma2 semaphore(%run_scoped3A : memref<!tpu.dma_semaphore, #tpu.memory_space<semaphore_mem>>) src(%arg14 : memref<128x64xf32, #tpu.memory_space<vmem>>) dst(%dma_wait3A_114 : memref<128x64xf32, #tpu.memory_space<vmem_shared>>)
        tpu.yield
      }) : () -> ()
      %mul3A_69 = arith.constant 640 : i32
      %mul3A_70 = arith.muli %arg1, %mul3A_69 : i32
      %add3A_71 = arith.constant 256 : i32
      %add3A_72 = arith.addi %mul3A_70, %add3A_71 : i32
      "tpu.region"() ({
        %run_scoped3A = tpu.sem_alloc : memref<!tpu.dma_semaphore, #tpu.memory_space<semaphore_mem>>
        %dma_start3A_108 = arith.constant 0 : i32
        %dma_start3A_109 = tpu.memref_slice %arg16[%add3A_72, %dma_start3A_108] : memref<10240x64xf32, #tpu.memory_space<vmem_shared>> -> memref<128x64xf32, #tpu.memory_space<vmem_shared>>
        %dma_start3A_110 = arith.constant 0 : i32
        %dma_start3A_111 = tpu.memref_slice %arg16[%add3A_72, %dma_start3A_110] : memref<10240x64xf32, #tpu.memory_space<vmem_shared>> -> memref<128x64xf32, #tpu.memory_space<vmem_shared>>
        tpu.enqueue_dma source(%arg14 : memref<128x64xf32, #tpu.memory_space<vmem>>) target(%dma_start3A_111 : memref<128x64xf32, #tpu.memory_space<vmem_shared>>) target_semaphore(%run_scoped3A : memref<!tpu.dma_semaphore, #tpu.memory_space<semaphore_mem>>)
        %dma_wait3A = arith.constant 0 : i32
        %dma_wait3A_112 = tpu.memref_slice %arg16[%add3A_72, %dma_wait3A] : memref<10240x64xf32, #tpu.memory_space<vmem_shared>> -> memref<128x64xf32, #tpu.memory_space<vmem_shared>>
        %dma_wait3A_113 = arith.constant 0 : i32
        %dma_wait3A_114 = tpu.memref_slice %arg16[%add3A_72, %dma_wait3A_113] : memref<10240x64xf32, #tpu.memory_space<vmem_shared>> -> memref<128x64xf32, #tpu.memory_space<vmem_shared>>
        tpu.wait_dma2 semaphore(%run_scoped3A : memref<!tpu.dma_semaphore, #tpu.memory_space<semaphore_mem>>) src(%arg14 : memref<128x64xf32, #tpu.memory_space<vmem>>) dst(%dma_wait3A_114 : memref<128x64xf32, #tpu.memory_space<vmem_shared>>)
        tpu.yield
      }) : () -> ()
      %mul3A_73 = arith.constant 640 : i32
      %mul3A_74 = arith.muli %arg1, %mul3A_73 : i32
      %add3A_75 = arith.constant 384 : i32
      %add3A_76 = arith.addi %mul3A_74, %add3A_75 : i32
      "tpu.region"() ({
        %run_scoped3A = tpu.sem_alloc : memref<!tpu.dma_semaphore, #tpu.memory_space<semaphore_mem>>
        %dma_start3A_108 = arith.constant 0 : i32
        %dma_start3A_109 = tpu.memref_slice %arg16[%add3A_76, %dma_start3A_108] : memref<10240x64xf32, #tpu.memory_space<vmem_shared>> -> memref<128x64xf32, #tpu.memory_space<vmem_shared>>
        %dma_start3A_110 = arith.constant 0 : i32
        %dma_start3A_111 = tpu.memref_slice %arg16[%add3A_76, %dma_start3A_110] : memref<10240x64xf32, #tpu.memory_space<vmem_shared>> -> memref<128x64xf32, #tpu.memory_space<vmem_shared>>
        tpu.enqueue_dma source(%arg14 : memref<128x64xf32, #tpu.memory_space<vmem>>) target(%dma_start3A_111 : memref<128x64xf32, #tpu.memory_space<vmem_shared>>) target_semaphore(%run_scoped3A : memref<!tpu.dma_semaphore, #tpu.memory_space<semaphore_mem>>)
        %dma_wait3A = arith.constant 0 : i32
        %dma_wait3A_112 = tpu.memref_slice %arg16[%add3A_76, %dma_wait3A] : memref<10240x64xf32, #tpu.memory_space<vmem_shared>> -> memref<128x64xf32, #tpu.memory_space<vmem_shared>>
        %dma_wait3A_113 = arith.constant 0 : i32
        %dma_wait3A_114 = tpu.memref_slice %arg16[%add3A_76, %dma_wait3A_113] : memref<10240x64xf32, #tpu.memory_space<vmem_shared>> -> memref<128x64xf32, #tpu.memory_space<vmem_shared>>
        tpu.wait_dma2 semaphore(%run_scoped3A : memref<!tpu.dma_semaphore, #tpu.memory_space<semaphore_mem>>) src(%arg14 : memref<128x64xf32, #tpu.memory_space<vmem>>) dst(%dma_wait3A_114 : memref<128x64xf32, #tpu.memory_space<vmem_shared>>)
        tpu.yield
      }) : () -> ()
      %mul3A_77 = arith.constant 640 : i32
      %mul3A_78 = arith.muli %arg1, %mul3A_77 : i32
      %add3A_79 = arith.constant 512 : i32
      %add3A_80 = arith.addi %mul3A_78, %add3A_79 : i32
      "tpu.region"() ({
        %run_scoped3A = tpu.sem_alloc : memref<!tpu.dma_semaphore, #tpu.memory_space<semaphore_mem>>
        %dma_start3A_108 = arith.constant 0 : i32
        %dma_start3A_109 = tpu.memref_slice %arg16[%add3A_80, %dma_start3A_108] : memref<10240x64xf32, #tpu.memory_space<vmem_shared>> -> memref<128x64xf32, #tpu.memory_space<vmem_shared>>
        %dma_start3A_110 = arith.constant 0 : i32
        %dma_start3A_111 = tpu.memref_slice %arg16[%add3A_80, %dma_start3A_110] : memref<10240x64xf32, #tpu.memory_space<vmem_shared>> -> memref<128x64xf32, #tpu.memory_space<vmem_shared>>
        tpu.enqueue_dma source(%arg14 : memref<128x64xf32, #tpu.memory_space<vmem>>) target(%dma_start3A_111 : memref<128x64xf32, #tpu.memory_space<vmem_shared>>) target_semaphore(%run_scoped3A : memref<!tpu.dma_semaphore, #tpu.memory_space<semaphore_mem>>)
        %dma_wait3A = arith.constant 0 : i32
        %dma_wait3A_112 = tpu.memref_slice %arg16[%add3A_80, %dma_wait3A] : memref<10240x64xf32, #tpu.memory_space<vmem_shared>> -> memref<128x64xf32, #tpu.memory_space<vmem_shared>>
        %dma_wait3A_113 = arith.constant 0 : i32
        %dma_wait3A_114 = tpu.memref_slice %arg16[%add3A_80, %dma_wait3A_113] : memref<10240x64xf32, #tpu.memory_space<vmem_shared>> -> memref<128x64xf32, #tpu.memory_space<vmem_shared>>
        tpu.wait_dma2 semaphore(%run_scoped3A : memref<!tpu.dma_semaphore, #tpu.memory_space<semaphore_mem>>) src(%arg14 : memref<128x64xf32, #tpu.memory_space<vmem>>) dst(%dma_wait3A_114 : memref<128x64xf32, #tpu.memory_space<vmem_shared>>)
        tpu.yield
      }) : () -> ()
      %barrier3A_81 = arith.constant 0 : index
      tpu.barrier barrier_id(%barrier3A_81)
      %dma_start3A_82 = arith.constant 0 : i32
      %dma_start3A_83 = arith.constant 0 : i32
      %dma_start3A_84 = tpu.memref_slice %arg12[%dma_start3A_82, %dma_start3A_83] : memref<160x128xi32, #tpu.memory_space<vmem>> -> memref<1x128xi32, #tpu.memory_space<vmem>>
      %dma_start3A_85 = tpu.memref_squeeze %dma_start3A_84 : memref<1x128xi32, #tpu.memory_space<vmem>> -> memref<128xi32, #tpu.memory_space<vmem>>
      %dma_start3A_86 = arith.constant 0 : i32
      %dma_start3A_87 = arith.constant 0 : i32
      %dma_start3A_88 = tpu.memref_slice %arg5[%dma_start3A_86, %dma_start3A_87] : memref<10240x64xf32, #tpu.memory_space<hbm>> -> memref<10240x64xf32, #tpu.memory_space<hbm>>
      tpu.enqueue_indirect_dma source(%dma_start3A_88 : memref<10240x64xf32, #tpu.memory_space<hbm>>) target(%arg14 : memref<128x64xf32, #tpu.memory_space<vmem>>) offsets(%dma_start3A_85 : memref<128xi32, #tpu.memory_space<vmem>>) semaphore(%arg17 : memref<!tpu.dma_semaphore, #tpu.memory_space<semaphore_mem>>)
      %dma_start3A_89 = arith.constant 1 : i32
      %dma_start3A_90 = arith.constant 0 : i32
      %dma_start3A_91 = tpu.memref_slice %arg12[%dma_start3A_89, %dma_start3A_90] : memref<160x128xi32, #tpu.memory_space<vmem>> -> memref<1x128xi32, #tpu.memory_space<vmem>>
      %dma_start3A_92 = tpu.memref_squeeze %dma_start3A_91 : memref<1x128xi32, #tpu.memory_space<vmem>> -> memref<128xi32, #tpu.memory_space<vmem>>
      %dma_start3A_93 = arith.constant 0 : i32
      %dma_start3A_94 = arith.constant 0 : i32
      %dma_start3A_95 = tpu.memref_slice %arg5[%dma_start3A_93, %dma_start3A_94] : memref<10240x64xf32, #tpu.memory_space<hbm>> -> memref<10240x64xf32, #tpu.memory_space<hbm>>
      tpu.enqueue_indirect_dma source(%dma_start3A_95 : memref<10240x64xf32, #tpu.memory_space<hbm>>) target(%arg15 : memref<128x64xf32, #tpu.memory_space<vmem>>) offsets(%dma_start3A_92 : memref<128xi32, #tpu.memory_space<vmem>>) semaphore(%arg18 : memref<!tpu.dma_semaphore, #tpu.memory_space<semaphore_mem>>)
      %scan3A_96 = arith.constant 0 : i32
      %scan3A_97 = arith.constant 0 : i32
      %scan3A_98 = arith.constant 80 : i32
      %scan3A_99 = arith.addi %scan3A_97, %scan3A_98 : i32
      %scan3A_100 = arith.constant 1 : i32
      scf.for %scan3A_108 = %scan3A_97 to %scan3A_99 step %scan3A_100  : i32 {
        %mul3A_109 = arith.constant 2 : i32
        %mul3A_110 = arith.muli %mul3A_109, %scan3A_108 : i32
        %dma_wait3A = arith.constant 0 : i32
        %dma_wait3A_111 = tpu.memref_slice %arg12[%mul3A_110, %dma_wait3A] : memref<160x128xi32, #tpu.memory_space<vmem>> -> memref<1x128xi32, #tpu.memory_space<vmem>>
        %dma_wait3A_112 = tpu.memref_squeeze %dma_wait3A_111 : memref<1x128xi32, #tpu.memory_space<vmem>> -> memref<128xi32, #tpu.memory_space<vmem>>
        %dma_wait3A_113 = arith.constant 0 : i32
        %dma_wait3A_114 = arith.constant 0 : i32
        %dma_wait3A_115 = tpu.memref_slice %arg5[%dma_wait3A_113, %dma_wait3A_114] : memref<10240x64xf32, #tpu.memory_space<hbm>> -> memref<10240x64xf32, #tpu.memory_space<hbm>>
        tpu.wait_indirect_dma semaphore(%arg17 : memref<!tpu.dma_semaphore, #tpu.memory_space<semaphore_mem>>) src(%dma_wait3A_115 : memref<10240x64xf32, #tpu.memory_space<hbm>>) dst(%arg14 : memref<128x64xf32, #tpu.memory_space<vmem>>)
        "tpu.region"() ({
          %run_scoped3A = tpu.sem_alloc : memref<!tpu.dma_semaphore, #tpu.memory_space<semaphore_mem>>
          %dma_start3A_139 = arith.constant 0 : i32
          %dma_start3A_140 = tpu.memref_slice %arg13[%mul3A_110, %dma_start3A_139] : memref<160x128xi32, #tpu.memory_space<vmem>> -> memref<1x128xi32, #tpu.memory_space<vmem>>
          %dma_start3A_141 = tpu.memref_squeeze %dma_start3A_140 : memref<1x128xi32, #tpu.memory_space<vmem>> -> memref<128xi32, #tpu.memory_space<vmem>>
          %dma_start3A_142 = arith.constant 0 : i32
          %dma_start3A_143 = arith.constant 0 : i32
          %dma_start3A_144 = tpu.memref_slice %arg16[%dma_start3A_142, %dma_start3A_143] : memref<10240x64xf32, #tpu.memory_space<vmem_shared>> -> memref<10240x64xf32, #tpu.memory_space<vmem_shared>>
          tpu.enqueue_indirect_dma source(%arg14 : memref<128x64xf32, #tpu.memory_space<vmem>>) target(%dma_start3A_144 : memref<10240x64xf32, #tpu.memory_space<vmem_shared>>) offsets(%dma_start3A_141 : memref<128xi32, #tpu.memory_space<vmem>>) semaphore(%run_scoped3A : memref<!tpu.dma_semaphore, #tpu.memory_space<semaphore_mem>>) {add = true}
          %dma_wait3A_145 = arith.constant 0 : i32
          %dma_wait3A_146 = tpu.memref_slice %arg13[%mul3A_110, %dma_wait3A_145] : memref<160x128xi32, #tpu.memory_space<vmem>> -> memref<1x128xi32, #tpu.memory_space<vmem>>
          %dma_wait3A_147 = tpu.memref_squeeze %dma_wait3A_146 : memref<1x128xi32, #tpu.memory_space<vmem>> -> memref<128xi32, #tpu.memory_space<vmem>>
          %dma_wait3A_148 = arith.constant 0 : i32
          %dma_wait3A_149 = arith.constant 0 : i32
          %dma_wait3A_150 = tpu.memref_slice %arg16[%dma_wait3A_148, %dma_wait3A_149] : memref<10240x64xf32, #tpu.memory_space<vmem_shared>> -> memref<10240x64xf32, #tpu.memory_space<vmem_shared>>
          tpu.wait_indirect_dma semaphore(%run_scoped3A : memref<!tpu.dma_semaphore, #tpu.memory_space<semaphore_mem>>) src(%arg14 : memref<128x64xf32, #tpu.memory_space<vmem>>) dst(%dma_wait3A_150 : memref<10240x64xf32, #tpu.memory_space<vmem_shared>>)
          tpu.yield
        }) : () -> ()
        %add3A_116 = arith.constant 2 : i32
        %add3A_117 = arith.addi %mul3A_110, %add3A_116 : i32
        %lt3A = arith.constant 160 : i32
        %lt3A_118 = arith.cmpi slt, %add3A_117, %lt3A : i32
        %convert_element_type3A_119 = arith.extui %lt3A_118 : i1 to i32
        %cond3A_120 = arith.constant 0 : i32
        %cond3A_121 = arith.cmpi ne, %convert_element_type3A_119, %cond3A_120 : i32
        scf.if %cond3A_121 {
          %add3A_139 = arith.constant 2 : i32
          %add3A_140 = arith.addi %mul3A_110, %add3A_139 : i32
          %dma_start3A_141 = arith.constant 0 : i32
          %dma_start3A_142 = tpu.memref_slice %arg12[%add3A_140, %dma_start3A_141] : memref<160x128xi32, #tpu.memory_space<vmem>> -> memref<1x128xi32, #tpu.memory_space<vmem>>
          %dma_start3A_143 = tpu.memref_squeeze %dma_start3A_142 : memref<1x128xi32, #tpu.memory_space<vmem>> -> memref<128xi32, #tpu.memory_space<vmem>>
          %dma_start3A_144 = arith.constant 0 : i32
          %dma_start3A_145 = arith.constant 0 : i32
          %dma_start3A_146 = tpu.memref_slice %arg5[%dma_start3A_144, %dma_start3A_145] : memref<10240x64xf32, #tpu.memory_space<hbm>> -> memref<10240x64xf32, #tpu.memory_space<hbm>>
          tpu.enqueue_indirect_dma source(%dma_start3A_146 : memref<10240x64xf32, #tpu.memory_space<hbm>>) target(%arg14 : memref<128x64xf32, #tpu.memory_space<vmem>>) offsets(%dma_start3A_143 : memref<128xi32, #tpu.memory_space<vmem>>) semaphore(%arg17 : memref<!tpu.dma_semaphore, #tpu.memory_space<semaphore_mem>>)
        } else {
        }
        %add3A_122 = arith.constant 1 : i32
        %add3A_123 = arith.addi %mul3A_110, %add3A_122 : i32
        %dma_wait3A_124 = arith.constant 0 : i32
        %dma_wait3A_125 = tpu.memref_slice %arg12[%add3A_123, %dma_wait3A_124] : memref<160x128xi32, #tpu.memory_space<vmem>> -> memref<1x128xi32, #tpu.memory_space<vmem>>
        %dma_wait3A_126 = tpu.memref_squeeze %dma_wait3A_125 : memref<1x128xi32, #tpu.memory_space<vmem>> -> memref<128xi32, #tpu.memory_space<vmem>>
        %dma_wait3A_127 = arith.constant 0 : i32
        %dma_wait3A_128 = arith.constant 0 : i32
        %dma_wait3A_129 = tpu.memref_slice %arg5[%dma_wait3A_127, %dma_wait3A_128] : memref<10240x64xf32, #tpu.memory_space<hbm>> -> memref<10240x64xf32, #tpu.memory_space<hbm>>
        tpu.wait_indirect_dma semaphore(%arg18 : memref<!tpu.dma_semaphore, #tpu.memory_space<semaphore_mem>>) src(%dma_wait3A_129 : memref<10240x64xf32, #tpu.memory_space<hbm>>) dst(%arg15 : memref<128x64xf32, #tpu.memory_space<vmem>>)
        %add3A_130 = arith.constant 1 : i32
        %add3A_131 = arith.addi %mul3A_110, %add3A_130 : i32
        "tpu.region"() ({
          %run_scoped3A = tpu.sem_alloc : memref<!tpu.dma_semaphore, #tpu.memory_space<semaphore_mem>>
          %dma_start3A_139 = arith.constant 0 : i32
          %dma_start3A_140 = tpu.memref_slice %arg13[%add3A_131, %dma_start3A_139] : memref<160x128xi32, #tpu.memory_space<vmem>> -> memref<1x128xi32, #tpu.memory_space<vmem>>
          %dma_start3A_141 = tpu.memref_squeeze %dma_start3A_140 : memref<1x128xi32, #tpu.memory_space<vmem>> -> memref<128xi32, #tpu.memory_space<vmem>>
          %dma_start3A_142 = arith.constant 0 : i32
          %dma_start3A_143 = arith.constant 0 : i32
          %dma_start3A_144 = tpu.memref_slice %arg16[%dma_start3A_142, %dma_start3A_143] : memref<10240x64xf32, #tpu.memory_space<vmem_shared>> -> memref<10240x64xf32, #tpu.memory_space<vmem_shared>>
          tpu.enqueue_indirect_dma source(%arg15 : memref<128x64xf32, #tpu.memory_space<vmem>>) target(%dma_start3A_144 : memref<10240x64xf32, #tpu.memory_space<vmem_shared>>) offsets(%dma_start3A_141 : memref<128xi32, #tpu.memory_space<vmem>>) semaphore(%run_scoped3A : memref<!tpu.dma_semaphore, #tpu.memory_space<semaphore_mem>>) {add = true}
          %dma_wait3A_145 = arith.constant 0 : i32
          %dma_wait3A_146 = tpu.memref_slice %arg13[%add3A_131, %dma_wait3A_145] : memref<160x128xi32, #tpu.memory_space<vmem>> -> memref<1x128xi32, #tpu.memory_space<vmem>>
          %dma_wait3A_147 = tpu.memref_squeeze %dma_wait3A_146 : memref<1x128xi32, #tpu.memory_space<vmem>> -> memref<128xi32, #tpu.memory_space<vmem>>
          %dma_wait3A_148 = arith.constant 0 : i32
          %dma_wait3A_149 = arith.constant 0 : i32
          %dma_wait3A_150 = tpu.memref_slice %arg16[%dma_wait3A_148, %dma_wait3A_149] : memref<10240x64xf32, #tpu.memory_space<vmem_shared>> -> memref<10240x64xf32, #tpu.memory_space<vmem_shared>>
          tpu.wait_indirect_dma semaphore(%run_scoped3A : memref<!tpu.dma_semaphore, #tpu.memory_space<semaphore_mem>>) src(%arg15 : memref<128x64xf32, #tpu.memory_space<vmem>>) dst(%dma_wait3A_150 : memref<10240x64xf32, #tpu.memory_space<vmem_shared>>)
          tpu.yield
        }) : () -> ()
        %add3A_132 = arith.constant 3 : i32
        %add3A_133 = arith.addi %mul3A_110, %add3A_132 : i32
        %lt3A_134 = arith.constant 160 : i32
        %lt3A_135 = arith.cmpi slt, %add3A_133, %lt3A_134 : i32
        %convert_element_type3A_136 = arith.extui %lt3A_135 : i1 to i32
        %cond3A_137 = arith.constant 0 : i32
        %cond3A_138 = arith.cmpi ne, %convert_element_type3A_136, %cond3A_137 : i32
        scf.if %cond3A_138 {
          %add3A_139 = arith.constant 3 : i32
          %add3A_140 = arith.addi %mul3A_110, %add3A_139 : i32
          %dma_start3A_141 = arith.constant 0 : i32
          %dma_start3A_142 = tpu.memref_slice %arg12[%add3A_140, %dma_start3A_141] : memref<160x128xi32, #tpu.memory_space<vmem>> -> memref<1x128xi32, #tpu.memory_space<vmem>>
          %dma_start3A_143 = tpu.memref_squeeze %dma_start3A_142 : memref<1x128xi32, #tpu.memory_space<vmem>> -> memref<128xi32, #tpu.memory_space<vmem>>
          %dma_start3A_144 = arith.constant 0 : i32
          %dma_start3A_145 = arith.constant 0 : i32
          %dma_start3A_146 = tpu.memref_slice %arg5[%dma_start3A_144, %dma_start3A_145] : memref<10240x64xf32, #tpu.memory_space<hbm>> -> memref<10240x64xf32, #tpu.memory_space<hbm>>
          tpu.enqueue_indirect_dma source(%dma_start3A_146 : memref<10240x64xf32, #tpu.memory_space<hbm>>) target(%arg15 : memref<128x64xf32, #tpu.memory_space<vmem>>) offsets(%dma_start3A_143 : memref<128xi32, #tpu.memory_space<vmem>>) semaphore(%arg18 : memref<!tpu.dma_semaphore, #tpu.memory_space<semaphore_mem>>)
        } else {
        }
      }
      %scan3A_101 = arith.constant 80 : i32
      %barrier3A_102 = arith.constant 0 : index
      tpu.barrier barrier_id(%barrier3A_102)
      %mul3A_103 = arith.constant 640 : i32
      %mul3A_104 = arith.muli %arg1, %mul3A_103 : i32
      %mul3A_105 = arith.constant 640 : i32
      %mul3A_106 = arith.muli %arg1, %mul3A_105 : i32
      "tpu.region"() ({
        %run_scoped3A = tpu.sem_alloc : memref<!tpu.dma_semaphore, #tpu.memory_space<semaphore_mem>>
        %dma_start3A_108 = arith.constant 0 : i32
        %dma_start3A_109 = tpu.memref_slice %arg11[%mul3A_106, %dma_start3A_108] : memref<10240x64xf32, #tpu.memory_space<hbm>> -> memref<640x64xf32, #tpu.memory_space<hbm>>
        %dma_start3A_110 = arith.constant 0 : i32
        %dma_start3A_111 = tpu.memref_slice %arg16[%mul3A_104, %dma_start3A_110] : memref<10240x64xf32, #tpu.memory_space<vmem_shared>> -> memref<640x64xf32, #tpu.memory_space<vmem_shared>>
        tpu.enqueue_dma source(%dma_start3A_111 : memref<640x64xf32, #tpu.memory_space<vmem_shared>>) target(%dma_start3A_109 : memref<640x64xf32, #tpu.memory_space<hbm>>) target_semaphore(%run_scoped3A : memref<!tpu.dma_semaphore, #tpu.memory_space<semaphore_mem>>)
        %dma_wait3A = arith.constant 0 : i32
        %dma_wait3A_112 = tpu.memref_slice %arg11[%mul3A_106, %dma_wait3A] : memref<10240x64xf32, #tpu.memory_space<hbm>> -> memref<640x64xf32, #tpu.memory_space<hbm>>
        %dma_wait3A_113 = arith.constant 0 : i32
        %dma_wait3A_114 = tpu.memref_slice %arg16[%mul3A_104, %dma_wait3A_113] : memref<10240x64xf32, #tpu.memory_space<vmem_shared>> -> memref<640x64xf32, #tpu.memory_space<vmem_shared>>
        tpu.wait_dma2 semaphore(%run_scoped3A : memref<!tpu.dma_semaphore, #tpu.memory_space<semaphore_mem>>) src(%dma_wait3A_114 : memref<640x64xf32, #tpu.memory_space<vmem_shared>>) dst(%dma_wait3A_112 : memref<640x64xf32, #tpu.memory_space<hbm>>)
        tpu.yield
      }) : () -> ()
      %barrier3A_107 = arith.constant 0 : index
      tpu.barrier barrier_id(%barrier3A_107)
    } else {
    }
    return
  }
}

#map = affine_map<(d0, d1) -> (0, 0)>
#map1 = affine_map<(d0, d1) -> (0, 0, 0)>
module attributes {stable_mosaic.version = 14 : i64} {
  func.func @_lambda_(%arg0: i32, %arg1: i32, %arg2: memref<10240x64xf32, #tpu.memory_space<hbm>>, %arg3: memref<10240x64xf32, #tpu.memory_space<hbm>>, %arg4: memref<16x160x128xi32, #tpu.memory_space<hbm>>, %arg5: memref<16x160x128xi32, #tpu.memory_space<hbm>>, %arg6: memref<10240x64xf32, #tpu.memory_space<hbm>>, %arg7: memref<10240x64xf32, #tpu.memory_space<hbm>>, %arg8: memref<160x128xi32, #tpu.memory_space<vmem>>, %arg9: memref<160x128xi32, #tpu.memory_space<vmem>>, %arg10: memref<128x64xf32, #tpu.memory_space<vmem>>, %arg11: memref<128x64xf32, #tpu.memory_space<vmem>>, %arg12: memref<10240x64xf32, #tpu.memory_space<vmem_shared>>, %arg13: memref<!tpu.dma_semaphore, #tpu.memory_space<semaphore_mem>>, %arg14: memref<!tpu.dma_semaphore, #tpu.memory_space<semaphore_mem>>) attributes {dimension_semantics = [#tpu.dimension_semantics<core_parallel>, #tpu.dimension_semantics<subcore_parallel>], iteration_bounds = array<i64: 2, 16>, scalar_prefetch = 0 : i64, scratch_operands = 7 : i64, tpu.core_type = #tpu.core_type<sc_vector_subcore>, window_params = [{transform_indices = #map}, {transform_indices = #map}, {transform_indices = #map1}, {transform_indices = #map1}, {transform_indices = #map}, {transform_indices = #map}]} {
    %scan3A = arith.constant 0 : i32
    %scan3A_0 = arith.constant 0 : i32
    %scan3A_1 = arith.constant 128 : i32
    %scan3A_2 = arith.addi %scan3A_0, %scan3A_1 : i32
    %scan3A_3 = arith.constant 1 : i32
    scf.for %scan3A_41 = %scan3A_0 to %scan3A_2 step %scan3A_3  : i32 {
      %broadcast_in_dim3A = arith.constant 0.000000e+00 : f32
      %broadcast_in_dim3A_42 = vector.broadcast %broadcast_in_dim3A : f32 to vector<16xf32>
      %swap3A = arith.index_cast %scan3A_41 : i32 to index
      %swap3A_43 = arith.constant 0 : index
      %swap3A_44 = tpu.vector_load %arg10[%swap3A, %swap3A_43] {strides = array<i32>} : memref<128x64xf32, #tpu.memory_space<vmem>>, vector<16xf32>,
      tpu.vector_store %arg10[%swap3A, %swap3A_43], %broadcast_in_dim3A_42 {strides = array<i32>} : memref<128x64xf32, #tpu.memory_space<vmem>>, vector<16xf32>,
      %broadcast_in_dim3A_45 = arith.constant 0.000000e+00 : f32
      %broadcast_in_dim3A_46 = vector.broadcast %broadcast_in_dim3A_45 : f32 to vector<16xf32>
      %swap3A_47 = arith.index_cast %scan3A_41 : i32 to index
      %swap3A_48 = arith.constant 16 : index
      %swap3A_49 = tpu.vector_load %arg10[%swap3A_47, %swap3A_48] {strides = array<i32>} : memref<128x64xf32, #tpu.memory_space<vmem>>, vector<16xf32>,
      tpu.vector_store %arg10[%swap3A_47, %swap3A_48], %broadcast_in_dim3A_46 {strides = array<i32>} : memref<128x64xf32, #tpu.memory_space<vmem>>, vector<16xf32>,
      %broadcast_in_dim3A_50 = arith.constant 0.000000e+00 : f32
      %broadcast_in_dim3A_51 = vector.broadcast %broadcast_in_dim3A_50 : f32 to vector<16xf32>
      %swap3A_52 = arith.index_cast %scan3A_41 : i32 to index
      %swap3A_53 = arith.constant 32 : index
      %swap3A_54 = tpu.vector_load %arg10[%swap3A_52, %swap3A_53] {strides = array<i32>} : memref<128x64xf32, #tpu.memory_space<vmem>>, vector<16xf32>,
      tpu.vector_store %arg10[%swap3A_52, %swap3A_53], %broadcast_in_dim3A_51 {strides = array<i32>} : memref<128x64xf32, #tpu.memory_space<vmem>>, vector<16xf32>,
      %broadcast_in_dim3A_55 = arith.constant 0.000000e+00 : f32
      %broadcast_in_dim3A_56 = vector.broadcast %broadcast_in_dim3A_55 : f32 to vector<16xf32>
      %swap3A_57 = arith.index_cast %scan3A_41 : i32 to index
      %swap3A_58 = arith.constant 48 : index
      %swap3A_59 = tpu.vector_load %arg10[%swap3A_57, %swap3A_58] {strides = array<i32>} : memref<128x64xf32, #tpu.memory_space<vmem>>, vector<16xf32>,
      tpu.vector_store %arg10[%swap3A_57, %swap3A_58], %broadcast_in_dim3A_56 {strides = array<i32>} : memref<128x64xf32, #tpu.memory_space<vmem>>, vector<16xf32>,
    }
    %scan3A_4 = arith.constant 128 : i32
    %mul3A = arith.constant 640 : i32
    %mul3A_5 = arith.muli %arg1, %mul3A : i32
    %add3A = arith.constant 0 : i32
    %add3A_6 = arith.addi %mul3A_5, %add3A : i32
    "tpu.region"() ({
      %run_scoped3A = tpu.sem_alloc : memref<!tpu.dma_semaphore, #tpu.memory_space<semaphore_mem>>
      %dma_start3A = arith.constant 0 : i32
      %dma_start3A_41 = tpu.memref_slice %arg12[%add3A_6, %dma_start3A] : memref<10240x64xf32, #tpu.memory_space<vmem_shared>> -> memref<128x64xf32, #tpu.memory_space<vmem_shared>>
      %dma_start3A_42 = arith.constant 0 : i32
      %dma_start3A_43 = tpu.memref_slice %arg12[%add3A_6, %dma_start3A_42] : memref<10240x64xf32, #tpu.memory_space<vmem_shared>> -> memref<128x64xf32, #tpu.memory_space<vmem_shared>>
      tpu.enqueue_dma source(%arg10 : memref<128x64xf32, #tpu.memory_space<vmem>>) target(%dma_start3A_43 : memref<128x64xf32, #tpu.memory_space<vmem_shared>>) target_semaphore(%run_scoped3A : memref<!tpu.dma_semaphore, #tpu.memory_space<semaphore_mem>>)
      %dma_wait3A = arith.constant 0 : i32
      %dma_wait3A_44 = tpu.memref_slice %arg12[%add3A_6, %dma_wait3A] : memref<10240x64xf32, #tpu.memory_space<vmem_shared>> -> memref<128x64xf32, #tpu.memory_space<vmem_shared>>
      %dma_wait3A_45 = arith.constant 0 : i32
      %dma_wait3A_46 = tpu.memref_slice %arg12[%add3A_6, %dma_wait3A_45] : memref<10240x64xf32, #tpu.memory_space<vmem_shared>> -> memref<128x64xf32, #tpu.memory_space<vmem_shared>>
      tpu.wait_dma2 semaphore(%run_scoped3A : memref<!tpu.dma_semaphore, #tpu.memory_space<semaphore_mem>>) src(%arg10 : memref<128x64xf32, #tpu.memory_space<vmem>>) dst(%dma_wait3A_46 : memref<128x64xf32, #tpu.memory_space<vmem_shared>>)
      tpu.yield
    }) : () -> ()
    %mul3A_7 = arith.constant 640 : i32
    %mul3A_8 = arith.muli %arg1, %mul3A_7 : i32
    %add3A_9 = arith.constant 128 : i32
    %add3A_10 = arith.addi %mul3A_8, %add3A_9 : i32
    "tpu.region"() ({
      %run_scoped3A = tpu.sem_alloc : memref<!tpu.dma_semaphore, #tpu.memory_space<semaphore_mem>>
      %dma_start3A = arith.constant 0 : i32
      %dma_start3A_41 = tpu.memref_slice %arg12[%add3A_10, %dma_start3A] : memref<10240x64xf32, #tpu.memory_space<vmem_shared>> -> memref<128x64xf32, #tpu.memory_space<vmem_shared>>
      %dma_start3A_42 = arith.constant 0 : i32
      %dma_start3A_43 = tpu.memref_slice %arg12[%add3A_10, %dma_start3A_42] : memref<10240x64xf32, #tpu.memory_space<vmem_shared>> -> memref<128x64xf32, #tpu.memory_space<vmem_shared>>
      tpu.enqueue_dma source(%arg10 : memref<128x64xf32, #tpu.memory_space<vmem>>) target(%dma_start3A_43 : memref<128x64xf32, #tpu.memory_space<vmem_shared>>) target_semaphore(%run_scoped3A : memref<!tpu.dma_semaphore, #tpu.memory_space<semaphore_mem>>)
      %dma_wait3A = arith.constant 0 : i32
      %dma_wait3A_44 = tpu.memref_slice %arg12[%add3A_10, %dma_wait3A] : memref<10240x64xf32, #tpu.memory_space<vmem_shared>> -> memref<128x64xf32, #tpu.memory_space<vmem_shared>>
      %dma_wait3A_45 = arith.constant 0 : i32
      %dma_wait3A_46 = tpu.memref_slice %arg12[%add3A_10, %dma_wait3A_45] : memref<10240x64xf32, #tpu.memory_space<vmem_shared>> -> memref<128x64xf32, #tpu.memory_space<vmem_shared>>
      tpu.wait_dma2 semaphore(%run_scoped3A : memref<!tpu.dma_semaphore, #tpu.memory_space<semaphore_mem>>) src(%arg10 : memref<128x64xf32, #tpu.memory_space<vmem>>) dst(%dma_wait3A_46 : memref<128x64xf32, #tpu.memory_space<vmem_shared>>)
      tpu.yield
    }) : () -> ()
    %mul3A_11 = arith.constant 640 : i32
    %mul3A_12 = arith.muli %arg1, %mul3A_11 : i32
    %add3A_13 = arith.constant 256 : i32
    %add3A_14 = arith.addi %mul3A_12, %add3A_13 : i32
    "tpu.region"() ({
      %run_scoped3A = tpu.sem_alloc : memref<!tpu.dma_semaphore, #tpu.memory_space<semaphore_mem>>
      %dma_start3A = arith.constant 0 : i32
      %dma_start3A_41 = tpu.memref_slice %arg12[%add3A_14, %dma_start3A] : memref<10240x64xf32, #tpu.memory_space<vmem_shared>> -> memref<128x64xf32, #tpu.memory_space<vmem_shared>>
      %dma_start3A_42 = arith.constant 0 : i32
      %dma_start3A_43 = tpu.memref_slice %arg12[%add3A_14, %dma_start3A_42] : memref<10240x64xf32, #tpu.memory_space<vmem_shared>> -> memref<128x64xf32, #tpu.memory_space<vmem_shared>>
      tpu.enqueue_dma source(%arg10 : memref<128x64xf32, #tpu.memory_space<vmem>>) target(%dma_start3A_43 : memref<128x64xf32, #tpu.memory_space<vmem_shared>>) target_semaphore(%run_scoped3A : memref<!tpu.dma_semaphore, #tpu.memory_space<semaphore_mem>>)
      %dma_wait3A = arith.constant 0 : i32
      %dma_wait3A_44 = tpu.memref_slice %arg12[%add3A_14, %dma_wait3A] : memref<10240x64xf32, #tpu.memory_space<vmem_shared>> -> memref<128x64xf32, #tpu.memory_space<vmem_shared>>
      %dma_wait3A_45 = arith.constant 0 : i32
      %dma_wait3A_46 = tpu.memref_slice %arg12[%add3A_14, %dma_wait3A_45] : memref<10240x64xf32, #tpu.memory_space<vmem_shared>> -> memref<128x64xf32, #tpu.memory_space<vmem_shared>>
      tpu.wait_dma2 semaphore(%run_scoped3A : memref<!tpu.dma_semaphore, #tpu.memory_space<semaphore_mem>>) src(%arg10 : memref<128x64xf32, #tpu.memory_space<vmem>>) dst(%dma_wait3A_46 : memref<128x64xf32, #tpu.memory_space<vmem_shared>>)
      tpu.yield
    }) : () -> ()
    %mul3A_15 = arith.constant 640 : i32
    %mul3A_16 = arith.muli %arg1, %mul3A_15 : i32
    %add3A_17 = arith.constant 384 : i32
    %add3A_18 = arith.addi %mul3A_16, %add3A_17 : i32
    "tpu.region"() ({
      %run_scoped3A = tpu.sem_alloc : memref<!tpu.dma_semaphore, #tpu.memory_space<semaphore_mem>>
      %dma_start3A = arith.constant 0 : i32
      %dma_start3A_41 = tpu.memref_slice %arg12[%add3A_18, %dma_start3A] : memref<10240x64xf32, #tpu.memory_space<vmem_shared>> -> memref<128x64xf32, #tpu.memory_space<vmem_shared>>
      %dma_start3A_42 = arith.constant 0 : i32
      %dma_start3A_43 = tpu.memref_slice %arg12[%add3A_18, %dma_start3A_42] : memref<10240x64xf32, #tpu.memory_space<vmem_shared>> -> memref<128x64xf32, #tpu.memory_space<vmem_shared>>
      tpu.enqueue_dma source(%arg10 : memref<128x64xf32, #tpu.memory_space<vmem>>) target(%dma_start3A_43 : memref<128x64xf32, #tpu.memory_space<vmem_shared>>) target_semaphore(%run_scoped3A : memref<!tpu.dma_semaphore, #tpu.memory_space<semaphore_mem>>)
      %dma_wait3A = arith.constant 0 : i32
      %dma_wait3A_44 = tpu.memref_slice %arg12[%add3A_18, %dma_wait3A] : memref<10240x64xf32, #tpu.memory_space<vmem_shared>> -> memref<128x64xf32, #tpu.memory_space<vmem_shared>>
      %dma_wait3A_45 = arith.constant 0 : i32
      %dma_wait3A_46 = tpu.memref_slice %arg12[%add3A_18, %dma_wait3A_45] : memref<10240x64xf32, #tpu.memory_space<vmem_shared>> -> memref<128x64xf32, #tpu.memory_space<vmem_shared>>
      tpu.wait_dma2 semaphore(%run_scoped3A : memref<!tpu.dma_semaphore, #tpu.memory_space<semaphore_mem>>) src(%arg10 : memref<128x64xf32, #tpu.memory_space<vmem>>) dst(%dma_wait3A_46 : memref<128x64xf32, #tpu.memory_space<vmem_shared>>)
      tpu.yield
    }) : () -> ()
    %mul3A_19 = arith.constant 640 : i32
    %mul3A_20 = arith.muli %arg1, %mul3A_19 : i32
    %add3A_21 = arith.constant 512 : i32
    %add3A_22 = arith.addi %mul3A_20, %add3A_21 : i32
    "tpu.region"() ({
      %run_scoped3A = tpu.sem_alloc : memref<!tpu.dma_semaphore, #tpu.memory_space<semaphore_mem>>
      %dma_start3A = arith.constant 0 : i32
      %dma_start3A_41 = tpu.memref_slice %arg12[%add3A_22, %dma_start3A] : memref<10240x64xf32, #tpu.memory_space<vmem_shared>> -> memref<128x64xf32, #tpu.memory_space<vmem_shared>>
      %dma_start3A_42 = arith.constant 0 : i32
      %dma_start3A_43 = tpu.memref_slice %arg12[%add3A_22, %dma_start3A_42] : memref<10240x64xf32, #tpu.memory_space<vmem_shared>> -> memref<128x64xf32, #tpu.memory_space<vmem_shared>>
      tpu.enqueue_dma source(%arg10 : memref<128x64xf32, #tpu.memory_space<vmem>>) target(%dma_start3A_43 : memref<128x64xf32, #tpu.memory_space<vmem_shared>>) target_semaphore(%run_scoped3A : memref<!tpu.dma_semaphore, #tpu.memory_space<semaphore_mem>>)
      %dma_wait3A = arith.constant 0 : i32
      %dma_wait3A_44 = tpu.memref_slice %arg12[%add3A_22, %dma_wait3A] : memref<10240x64xf32, #tpu.memory_space<vmem_shared>> -> memref<128x64xf32, #tpu.memory_space<vmem_shared>>
      %dma_wait3A_45 = arith.constant 0 : i32
      %dma_wait3A_46 = tpu.memref_slice %arg12[%add3A_22, %dma_wait3A_45] : memref<10240x64xf32, #tpu.memory_space<vmem_shared>> -> memref<128x64xf32, #tpu.memory_space<vmem_shared>>
      tpu.wait_dma2 semaphore(%run_scoped3A : memref<!tpu.dma_semaphore, #tpu.memory_space<semaphore_mem>>) src(%arg10 : memref<128x64xf32, #tpu.memory_space<vmem>>) dst(%dma_wait3A_46 : memref<128x64xf32, #tpu.memory_space<vmem_shared>>)
      tpu.yield
    }) : () -> ()
    "tpu.region"() ({
      %run_scoped3A = tpu.sem_alloc : memref<!tpu.dma_semaphore, #tpu.memory_space<semaphore_mem>>
      %dma_start3A = arith.constant 0 : i32
      %dma_start3A_41 = arith.constant 0 : i32
      %dma_start3A_42 = tpu.memref_slice %arg4[%arg1, %dma_start3A, %dma_start3A_41] : memref<16x160x128xi32, #tpu.memory_space<hbm>> -> memref<1x160x128xi32, #tpu.memory_space<hbm>>
      %dma_start3A_43 = tpu.memref_squeeze %dma_start3A_42 : memref<1x160x128xi32, #tpu.memory_space<hbm>> -> memref<160x128xi32, #tpu.memory_space<hbm>>
      %dma_start3A_44 = arith.constant 0 : i32
      %dma_start3A_45 = arith.constant 0 : i32
      %dma_start3A_46 = tpu.memref_slice %arg4[%arg1, %dma_start3A_44, %dma_start3A_45] : memref<16x160x128xi32, #tpu.memory_space<hbm>> -> memref<1x160x128xi32, #tpu.memory_space<hbm>>
      %dma_start3A_47 = tpu.memref_squeeze %dma_start3A_46 : memref<1x160x128xi32, #tpu.memory_space<hbm>> -> memref<160x128xi32, #tpu.memory_space<hbm>>
      tpu.enqueue_dma source(%dma_start3A_47 : memref<160x128xi32, #tpu.memory_space<hbm>>) target(%arg8 : memref<160x128xi32, #tpu.memory_space<vmem>>) target_semaphore(%run_scoped3A : memref<!tpu.dma_semaphore, #tpu.memory_space<semaphore_mem>>)
      %dma_wait3A = arith.constant 0 : i32
      %dma_wait3A_48 = arith.constant 0 : i32
      %dma_wait3A_49 = tpu.memref_slice %arg4[%arg1, %dma_wait3A, %dma_wait3A_48] : memref<16x160x128xi32, #tpu.memory_space<hbm>> -> memref<1x160x128xi32, #tpu.memory_space<hbm>>
      %dma_wait3A_50 = tpu.memref_squeeze %dma_wait3A_49 : memref<1x160x128xi32, #tpu.memory_space<hbm>> -> memref<160x128xi32, #tpu.memory_space<hbm>>
      %dma_wait3A_51 = arith.constant 0 : i32
      %dma_wait3A_52 = arith.constant 0 : i32
      %dma_wait3A_53 = tpu.memref_slice %arg4[%arg1, %dma_wait3A_51, %dma_wait3A_52] : memref<16x160x128xi32, #tpu.memory_space<hbm>> -> memref<1x160x128xi32, #tpu.memory_space<hbm>>
      %dma_wait3A_54 = tpu.memref_squeeze %dma_wait3A_53 : memref<1x160x128xi32, #tpu.memory_space<hbm>> -> memref<160x128xi32, #tpu.memory_space<hbm>>
      tpu.wait_dma2 semaphore(%run_scoped3A : memref<!tpu.dma_semaphore, #tpu.memory_space<semaphore_mem>>) src(%dma_wait3A_54 : memref<160x128xi32, #tpu.memory_space<hbm>>) dst(%arg8 : memref<160x128xi32, #tpu.memory_space<vmem>>)
      tpu.yield
    }) : () -> ()
    "tpu.region"() ({
      %run_scoped3A = tpu.sem_alloc : memref<!tpu.dma_semaphore, #tpu.memory_space<semaphore_mem>>
      %dma_start3A = arith.constant 0 : i32
      %dma_start3A_41 = arith.constant 0 : i32
      %dma_start3A_42 = tpu.memref_slice %arg5[%arg1, %dma_start3A, %dma_start3A_41] : memref<16x160x128xi32, #tpu.memory_space<hbm>> -> memref<1x160x128xi32, #tpu.memory_space<hbm>>
      %dma_start3A_43 = tpu.memref_squeeze %dma_start3A_42 : memref<1x160x128xi32, #tpu.memory_space<hbm>> -> memref<160x128xi32, #tpu.memory_space<hbm>>
      %dma_start3A_44 = arith.constant 0 : i32
      %dma_start3A_45 = arith.constant 0 : i32
      %dma_start3A_46 = tpu.memref_slice %arg5[%arg1, %dma_start3A_44, %dma_start3A_45] : memref<16x160x128xi32, #tpu.memory_space<hbm>> -> memref<1x160x128xi32, #tpu.memory_space<hbm>>
      %dma_start3A_47 = tpu.memref_squeeze %dma_start3A_46 : memref<1x160x128xi32, #tpu.memory_space<hbm>> -> memref<160x128xi32, #tpu.memory_space<hbm>>
      tpu.enqueue_dma source(%dma_start3A_47 : memref<160x128xi32, #tpu.memory_space<hbm>>) target(%arg9 : memref<160x128xi32, #tpu.memory_space<vmem>>) target_semaphore(%run_scoped3A : memref<!tpu.dma_semaphore, #tpu.memory_space<semaphore_mem>>)
      %dma_wait3A = arith.constant 0 : i32
      %dma_wait3A_48 = arith.constant 0 : i32
      %dma_wait3A_49 = tpu.memref_slice %arg5[%arg1, %dma_wait3A, %dma_wait3A_48] : memref<16x160x128xi32, #tpu.memory_space<hbm>> -> memref<1x160x128xi32, #tpu.memory_space<hbm>>
      %dma_wait3A_50 = tpu.memref_squeeze %dma_wait3A_49 : memref<1x160x128xi32, #tpu.memory_space<hbm>> -> memref<160x128xi32, #tpu.memory_space<hbm>>
      %dma_wait3A_51 = arith.constant 0 : i32
      %dma_wait3A_52 = arith.constant 0 : i32
      %dma_wait3A_53 = tpu.memref_slice %arg5[%arg1, %dma_wait3A_51, %dma_wait3A_52] : memref<16x160x128xi32, #tpu.memory_space<hbm>> -> memref<1x160x128xi32, #tpu.memory_space<hbm>>
      %dma_wait3A_54 = tpu.memref_squeeze %dma_wait3A_53 : memref<1x160x128xi32, #tpu.memory_space<hbm>> -> memref<160x128xi32, #tpu.memory_space<hbm>>
      tpu.wait_dma2 semaphore(%run_scoped3A : memref<!tpu.dma_semaphore, #tpu.memory_space<semaphore_mem>>) src(%dma_wait3A_54 : memref<160x128xi32, #tpu.memory_space<hbm>>) dst(%arg9 : memref<160x128xi32, #tpu.memory_space<vmem>>)
      tpu.yield
    }) : () -> ()
    %barrier3A = arith.constant 0 : index
    tpu.barrier barrier_id(%barrier3A)
    %eq3A = arith.constant 0 : i32
    %eq3A_23 = arith.cmpi eq, %arg0, %eq3A : i32
    %convert_element_type3A = arith.extui %eq3A_23 : i1 to i32
    %cond3A = arith.constant 0 : i32
    %cond3A_24 = arith.cmpi ne, %convert_element_type3A, %cond3A : i32
    scf.if %cond3A_24 {
      %dma_start3A = arith.constant 0 : i32
      %dma_start3A_41 = arith.constant 0 : i32
      %dma_start3A_42 = tpu.memref_slice %arg8[%dma_start3A, %dma_start3A_41] : memref<160x128xi32, #tpu.memory_space<vmem>> -> memref<1x128xi32, #tpu.memory_space<vmem>>
      %dma_start3A_43 = tpu.memref_squeeze %dma_start3A_42 : memref<1x128xi32, #tpu.memory_space<vmem>> -> memref<128xi32, #tpu.memory_space<vmem>>
      %dma_start3A_44 = arith.constant 0 : i32
      %dma_start3A_45 = arith.constant 0 : i32
      %dma_start3A_46 = tpu.memref_slice %arg2[%dma_start3A_44, %dma_start3A_45] : memref<10240x64xf32, #tpu.memory_space<hbm>> -> memref<10240x64xf32, #tpu.memory_space<hbm>>
      tpu.enqueue_indirect_dma source(%dma_start3A_46 : memref<10240x64xf32, #tpu.memory_space<hbm>>) target(%arg10 : memref<128x64xf32, #tpu.memory_space<vmem>>) offsets(%dma_start3A_43 : memref<128xi32, #tpu.memory_space<vmem>>) semaphore(%arg13 : memref<!tpu.dma_semaphore, #tpu.memory_space<semaphore_mem>>)
      %dma_start3A_47 = arith.constant 1 : i32
      %dma_start3A_48 = arith.constant 0 : i32
      %dma_start3A_49 = tpu.memref_slice %arg8[%dma_start3A_47, %dma_start3A_48] : memref<160x128xi32, #tpu.memory_space<vmem>> -> memref<1x128xi32, #tpu.memory_space<vmem>>
      %dma_start3A_50 = tpu.memref_squeeze %dma_start3A_49 : memref<1x128xi32, #tpu.memory_space<vmem>> -> memref<128xi32, #tpu.memory_space<vmem>>
      %dma_start3A_51 = arith.constant 0 : i32
      %dma_start3A_52 = arith.constant 0 : i32
      %dma_start3A_53 = tpu.memref_slice %arg2[%dma_start3A_51, %dma_start3A_52] : memref<10240x64xf32, #tpu.memory_space<hbm>> -> memref<10240x64xf32, #tpu.memory_space<hbm>>
      tpu.enqueue_indirect_dma source(%dma_start3A_53 : memref<10240x64xf32, #tpu.memory_space<hbm>>) target(%arg11 : memref<128x64xf32, #tpu.memory_space<vmem>>) offsets(%dma_start3A_50 : memref<128xi32, #tpu.memory_space<vmem>>) semaphore(%arg14 : memref<!tpu.dma_semaphore, #tpu.memory_space<semaphore_mem>>)
      %scan3A_54 = arith.constant 0 : i32
      %scan3A_55 = arith.constant 0 : i32
      %scan3A_56 = arith.constant 80 : i32
      %scan3A_57 = arith.addi %scan3A_55, %scan3A_56 : i32
      %scan3A_58 = arith.constant 1 : i32
      scf.for %scan3A_60 = %scan3A_55 to %scan3A_57 step %scan3A_58  : i32 {
        %mul3A_61 = arith.constant 2 : i32
        %mul3A_62 = arith.muli %mul3A_61, %scan3A_60 : i32
        %dma_wait3A = arith.constant 0 : i32
        %dma_wait3A_63 = tpu.memref_slice %arg8[%mul3A_62, %dma_wait3A] : memref<160x128xi32, #tpu.memory_space<vmem>> -> memref<1x128xi32, #tpu.memory_space<vmem>>
        %dma_wait3A_64 = tpu.memref_squeeze %dma_wait3A_63 : memref<1x128xi32, #tpu.memory_space<vmem>> -> memref<128xi32, #tpu.memory_space<vmem>>
        %dma_wait3A_65 = arith.constant 0 : i32
        %dma_wait3A_66 = arith.constant 0 : i32
        %dma_wait3A_67 = tpu.memref_slice %arg2[%dma_wait3A_65, %dma_wait3A_66] : memref<10240x64xf32, #tpu.memory_space<hbm>> -> memref<10240x64xf32, #tpu.memory_space<hbm>>
        tpu.wait_indirect_dma semaphore(%arg13 : memref<!tpu.dma_semaphore, #tpu.memory_space<semaphore_mem>>) src(%dma_wait3A_67 : memref<10240x64xf32, #tpu.memory_space<hbm>>) dst(%arg10 : memref<128x64xf32, #tpu.memory_space<vmem>>)
        "tpu.region"() ({
          %run_scoped3A = tpu.sem_alloc : memref<!tpu.dma_semaphore, #tpu.memory_space<semaphore_mem>>
          %dma_start3A_91 = arith.constant 0 : i32
          %dma_start3A_92 = tpu.memref_slice %arg9[%mul3A_62, %dma_start3A_91] : memref<160x128xi32, #tpu.memory_space<vmem>> -> memref<1x128xi32, #tpu.memory_space<vmem>>
          %dma_start3A_93 = tpu.memref_squeeze %dma_start3A_92 : memref<1x128xi32, #tpu.memory_space<vmem>> -> memref<128xi32, #tpu.memory_space<vmem>>
          %dma_start3A_94 = arith.constant 0 : i32
          %dma_start3A_95 = arith.constant 0 : i32
          %dma_start3A_96 = tpu.memref_slice %arg12[%dma_start3A_94, %dma_start3A_95] : memref<10240x64xf32, #tpu.memory_space<vmem_shared>> -> memref<10240x64xf32, #tpu.memory_space<vmem_shared>>
          tpu.enqueue_indirect_dma source(%arg10 : memref<128x64xf32, #tpu.memory_space<vmem>>) target(%dma_start3A_96 : memref<10240x64xf32, #tpu.memory_space<vmem_shared>>) offsets(%dma_start3A_93 : memref<128xi32, #tpu.memory_space<vmem>>) semaphore(%run_scoped3A : memref<!tpu.dma_semaphore, #tpu.memory_space<semaphore_mem>>) {add = true}
          %dma_wait3A_97 = arith.constant 0 : i32
          %dma_wait3A_98 = tpu.memref_slice %arg9[%mul3A_62, %dma_wait3A_97] : memref<160x128xi32, #tpu.memory_space<vmem>> -> memref<1x128xi32, #tpu.memory_space<vmem>>
          %dma_wait3A_99 = tpu.memref_squeeze %dma_wait3A_98 : memref<1x128xi32, #tpu.memory_space<vmem>> -> memref<128xi32, #tpu.memory_space<vmem>>
          %dma_wait3A_100 = arith.constant 0 : i32
          %dma_wait3A_101 = arith.constant 0 : i32
          %dma_wait3A_102 = tpu.memref_slice %arg12[%dma_wait3A_100, %dma_wait3A_101] : memref<10240x64xf32, #tpu.memory_space<vmem_shared>> -> memref<10240x64xf32, #tpu.memory_space<vmem_shared>>
          tpu.wait_indirect_dma semaphore(%run_scoped3A : memref<!tpu.dma_semaphore, #tpu.memory_space<semaphore_mem>>) src(%arg10 : memref<128x64xf32, #tpu.memory_space<vmem>>) dst(%dma_wait3A_102 : memref<10240x64xf32, #tpu.memory_space<vmem_shared>>)
          tpu.yield
        }) : () -> ()
        %add3A_68 = arith.constant 2 : i32
        %add3A_69 = arith.addi %mul3A_62, %add3A_68 : i32
        %lt3A = arith.constant 160 : i32
        %lt3A_70 = arith.cmpi slt, %add3A_69, %lt3A : i32
        %convert_element_type3A_71 = arith.extui %lt3A_70 : i1 to i32
        %cond3A_72 = arith.constant 0 : i32
        %cond3A_73 = arith.cmpi ne, %convert_element_type3A_71, %cond3A_72 : i32
        scf.if %cond3A_73 {
          %add3A_91 = arith.constant 2 : i32
          %add3A_92 = arith.addi %mul3A_62, %add3A_91 : i32
          %dma_start3A_93 = arith.constant 0 : i32
          %dma_start3A_94 = tpu.memref_slice %arg8[%add3A_92, %dma_start3A_93] : memref<160x128xi32, #tpu.memory_space<vmem>> -> memref<1x128xi32, #tpu.memory_space<vmem>>
          %dma_start3A_95 = tpu.memref_squeeze %dma_start3A_94 : memref<1x128xi32, #tpu.memory_space<vmem>> -> memref<128xi32, #tpu.memory_space<vmem>>
          %dma_start3A_96 = arith.constant 0 : i32
          %dma_start3A_97 = arith.constant 0 : i32
          %dma_start3A_98 = tpu.memref_slice %arg2[%dma_start3A_96, %dma_start3A_97] : memref<10240x64xf32, #tpu.memory_space<hbm>> -> memref<10240x64xf32, #tpu.memory_space<hbm>>
          tpu.enqueue_indirect_dma source(%dma_start3A_98 : memref<10240x64xf32, #tpu.memory_space<hbm>>) target(%arg10 : memref<128x64xf32, #tpu.memory_space<vmem>>) offsets(%dma_start3A_95 : memref<128xi32, #tpu.memory_space<vmem>>) semaphore(%arg13 : memref<!tpu.dma_semaphore, #tpu.memory_space<semaphore_mem>>)
        } else {
        }
        %add3A_74 = arith.constant 1 : i32
        %add3A_75 = arith.addi %mul3A_62, %add3A_74 : i32
        %dma_wait3A_76 = arith.constant 0 : i32
        %dma_wait3A_77 = tpu.memref_slice %arg8[%add3A_75, %dma_wait3A_76] : memref<160x128xi32, #tpu.memory_space<vmem>> -> memref<1x128xi32, #tpu.memory_space<vmem>>
        %dma_wait3A_78 = tpu.memref_squeeze %dma_wait3A_77 : memref<1x128xi32, #tpu.memory_space<vmem>> -> memref<128xi32, #tpu.memory_space<vmem>>
        %dma_wait3A_79 = arith.constant 0 : i32
        %dma_wait3A_80 = arith.constant 0 : i32
        %dma_wait3A_81 = tpu.memref_slice %arg2[%dma_wait3A_79, %dma_wait3A_80] : memref<10240x64xf32, #tpu.memory_space<hbm>> -> memref<10240x64xf32, #tpu.memory_space<hbm>>
        tpu.wait_indirect_dma semaphore(%arg14 : memref<!tpu.dma_semaphore, #tpu.memory_space<semaphore_mem>>) src(%dma_wait3A_81 : memref<10240x64xf32, #tpu.memory_space<hbm>>) dst(%arg11 : memref<128x64xf32, #tpu.memory_space<vmem>>)
        %add3A_82 = arith.constant 1 : i32
        %add3A_83 = arith.addi %mul3A_62, %add3A_82 : i32
        "tpu.region"() ({
          %run_scoped3A = tpu.sem_alloc : memref<!tpu.dma_semaphore, #tpu.memory_space<semaphore_mem>>
          %dma_start3A_91 = arith.constant 0 : i32
          %dma_start3A_92 = tpu.memref_slice %arg9[%add3A_83, %dma_start3A_91] : memref<160x128xi32, #tpu.memory_space<vmem>> -> memref<1x128xi32, #tpu.memory_space<vmem>>
          %dma_start3A_93 = tpu.memref_squeeze %dma_start3A_92 : memref<1x128xi32, #tpu.memory_space<vmem>> -> memref<128xi32, #tpu.memory_space<vmem>>
          %dma_start3A_94 = arith.constant 0 : i32
          %dma_start3A_95 = arith.constant 0 : i32
          %dma_start3A_96 = tpu.memref_slice %arg12[%dma_start3A_94, %dma_start3A_95] : memref<10240x64xf32, #tpu.memory_space<vmem_shared>> -> memref<10240x64xf32, #tpu.memory_space<vmem_shared>>
          tpu.enqueue_indirect_dma source(%arg11 : memref<128x64xf32, #tpu.memory_space<vmem>>) target(%dma_start3A_96 : memref<10240x64xf32, #tpu.memory_space<vmem_shared>>) offsets(%dma_start3A_93 : memref<128xi32, #tpu.memory_space<vmem>>) semaphore(%run_scoped3A : memref<!tpu.dma_semaphore, #tpu.memory_space<semaphore_mem>>) {add = true}
          %dma_wait3A_97 = arith.constant 0 : i32
          %dma_wait3A_98 = tpu.memref_slice %arg9[%add3A_83, %dma_wait3A_97] : memref<160x128xi32, #tpu.memory_space<vmem>> -> memref<1x128xi32, #tpu.memory_space<vmem>>
          %dma_wait3A_99 = tpu.memref_squeeze %dma_wait3A_98 : memref<1x128xi32, #tpu.memory_space<vmem>> -> memref<128xi32, #tpu.memory_space<vmem>>
          %dma_wait3A_100 = arith.constant 0 : i32
          %dma_wait3A_101 = arith.constant 0 : i32
          %dma_wait3A_102 = tpu.memref_slice %arg12[%dma_wait3A_100, %dma_wait3A_101] : memref<10240x64xf32, #tpu.memory_space<vmem_shared>> -> memref<10240x64xf32, #tpu.memory_space<vmem_shared>>
          tpu.wait_indirect_dma semaphore(%run_scoped3A : memref<!tpu.dma_semaphore, #tpu.memory_space<semaphore_mem>>) src(%arg11 : memref<128x64xf32, #tpu.memory_space<vmem>>) dst(%dma_wait3A_102 : memref<10240x64xf32, #tpu.memory_space<vmem_shared>>)
          tpu.yield
        }) : () -> ()
        %add3A_84 = arith.constant 3 : i32
        %add3A_85 = arith.addi %mul3A_62, %add3A_84 : i32
        %lt3A_86 = arith.constant 160 : i32
        %lt3A_87 = arith.cmpi slt, %add3A_85, %lt3A_86 : i32
        %convert_element_type3A_88 = arith.extui %lt3A_87 : i1 to i32
        %cond3A_89 = arith.constant 0 : i32
        %cond3A_90 = arith.cmpi ne, %convert_element_type3A_88, %cond3A_89 : i32
        scf.if %cond3A_90 {
          %add3A_91 = arith.constant 3 : i32
          %add3A_92 = arith.addi %mul3A_62, %add3A_91 : i32
          %dma_start3A_93 = arith.constant 0 : i32
          %dma_start3A_94 = tpu.memref_slice %arg8[%add3A_92, %dma_start3A_93] : memref<160x128xi32, #tpu.memory_space<vmem>> -> memref<1x128xi32, #tpu.memory_space<vmem>>
          %dma_start3A_95 = tpu.memref_squeeze %dma_start3A_94 : memref<1x128xi32, #tpu.memory_space<vmem>> -> memref<128xi32, #tpu.memory_space<vmem>>
          %dma_start3A_96 = arith.constant 0 : i32
          %dma_start3A_97 = arith.constant 0 : i32
          %dma_start3A_98 = tpu.memref_slice %arg2[%dma_start3A_96, %dma_start3A_97] : memref<10240x64xf32, #tpu.memory_space<hbm>> -> memref<10240x64xf32, #tpu.memory_space<hbm>>
          tpu.enqueue_indirect_dma source(%dma_start3A_98 : memref<10240x64xf32, #tpu.memory_space<hbm>>) target(%arg11 : memref<128x64xf32, #tpu.memory_space<vmem>>) offsets(%dma_start3A_95 : memref<128xi32, #tpu.memory_space<vmem>>) semaphore(%arg14 : memref<!tpu.dma_semaphore, #tpu.memory_space<semaphore_mem>>)
        } else {
        }
      }
      %scan3A_59 = arith.constant 80 : i32
    } else {
    }
    %eq3A_25 = arith.constant 1 : i32
    %eq3A_26 = arith.cmpi eq, %arg0, %eq3A_25 : i32
    %convert_element_type3A_27 = arith.extui %eq3A_26 : i1 to i32
    %cond3A_28 = arith.constant 0 : i32
    %cond3A_29 = arith.cmpi ne, %convert_element_type3A_27, %cond3A_28 : i32
    scf.if %cond3A_29 {
      %dma_start3A = arith.constant 0 : i32
      %dma_start3A_41 = arith.constant 0 : i32
      %dma_start3A_42 = tpu.memref_slice %arg8[%dma_start3A, %dma_start3A_41] : memref<160x128xi32, #tpu.memory_space<vmem>> -> memref<1x128xi32, #tpu.memory_space<vmem>>
      %dma_start3A_43 = tpu.memref_squeeze %dma_start3A_42 : memref<1x128xi32, #tpu.memory_space<vmem>> -> memref<128xi32, #tpu.memory_space<vmem>>
      %dma_start3A_44 = arith.constant 0 : i32
      %dma_start3A_45 = arith.constant 0 : i32
      %dma_start3A_46 = tpu.memref_slice %arg3[%dma_start3A_44, %dma_start3A_45] : memref<10240x64xf32, #tpu.memory_space<hbm>> -> memref<10240x64xf32, #tpu.memory_space<hbm>>
      tpu.enqueue_indirect_dma source(%dma_start3A_46 : memref<10240x64xf32, #tpu.memory_space<hbm>>) target(%arg10 : memref<128x64xf32, #tpu.memory_space<vmem>>) offsets(%dma_start3A_43 : memref<128xi32, #tpu.memory_space<vmem>>) semaphore(%arg13 : memref<!tpu.dma_semaphore, #tpu.memory_space<semaphore_mem>>)
      %dma_start3A_47 = arith.constant 1 : i32
      %dma_start3A_48 = arith.constant 0 : i32
      %dma_start3A_49 = tpu.memref_slice %arg8[%dma_start3A_47, %dma_start3A_48] : memref<160x128xi32, #tpu.memory_space<vmem>> -> memref<1x128xi32, #tpu.memory_space<vmem>>
      %dma_start3A_50 = tpu.memref_squeeze %dma_start3A_49 : memref<1x128xi32, #tpu.memory_space<vmem>> -> memref<128xi32, #tpu.memory_space<vmem>>
      %dma_start3A_51 = arith.constant 0 : i32
      %dma_start3A_52 = arith.constant 0 : i32
      %dma_start3A_53 = tpu.memref_slice %arg3[%dma_start3A_51, %dma_start3A_52] : memref<10240x64xf32, #tpu.memory_space<hbm>> -> memref<10240x64xf32, #tpu.memory_space<hbm>>
      tpu.enqueue_indirect_dma source(%dma_start3A_53 : memref<10240x64xf32, #tpu.memory_space<hbm>>) target(%arg11 : memref<128x64xf32, #tpu.memory_space<vmem>>) offsets(%dma_start3A_50 : memref<128xi32, #tpu.memory_space<vmem>>) semaphore(%arg14 : memref<!tpu.dma_semaphore, #tpu.memory_space<semaphore_mem>>)
      %scan3A_54 = arith.constant 0 : i32
      %scan3A_55 = arith.constant 0 : i32
      %scan3A_56 = arith.constant 80 : i32
      %scan3A_57 = arith.addi %scan3A_55, %scan3A_56 : i32
      %scan3A_58 = arith.constant 1 : i32
      scf.for %scan3A_60 = %scan3A_55 to %scan3A_57 step %scan3A_58  : i32 {
        %mul3A_61 = arith.constant 2 : i32
        %mul3A_62 = arith.muli %mul3A_61, %scan3A_60 : i32
        %dma_wait3A = arith.constant 0 : i32
        %dma_wait3A_63 = tpu.memref_slice %arg8[%mul3A_62, %dma_wait3A] : memref<160x128xi32, #tpu.memory_space<vmem>> -> memref<1x128xi32, #tpu.memory_space<vmem>>
        %dma_wait3A_64 = tpu.memref_squeeze %dma_wait3A_63 : memref<1x128xi32, #tpu.memory_space<vmem>> -> memref<128xi32, #tpu.memory_space<vmem>>
        %dma_wait3A_65 = arith.constant 0 : i32
        %dma_wait3A_66 = arith.constant 0 : i32
        %dma_wait3A_67 = tpu.memref_slice %arg3[%dma_wait3A_65, %dma_wait3A_66] : memref<10240x64xf32, #tpu.memory_space<hbm>> -> memref<10240x64xf32, #tpu.memory_space<hbm>>
        tpu.wait_indirect_dma semaphore(%arg13 : memref<!tpu.dma_semaphore, #tpu.memory_space<semaphore_mem>>) src(%dma_wait3A_67 : memref<10240x64xf32, #tpu.memory_space<hbm>>) dst(%arg10 : memref<128x64xf32, #tpu.memory_space<vmem>>)
        "tpu.region"() ({
          %run_scoped3A = tpu.sem_alloc : memref<!tpu.dma_semaphore, #tpu.memory_space<semaphore_mem>>
          %dma_start3A_91 = arith.constant 0 : i32
          %dma_start3A_92 = tpu.memref_slice %arg9[%mul3A_62, %dma_start3A_91] : memref<160x128xi32, #tpu.memory_space<vmem>> -> memref<1x128xi32, #tpu.memory_space<vmem>>
          %dma_start3A_93 = tpu.memref_squeeze %dma_start3A_92 : memref<1x128xi32, #tpu.memory_space<vmem>> -> memref<128xi32, #tpu.memory_space<vmem>>
          %dma_start3A_94 = arith.constant 0 : i32
          %dma_start3A_95 = arith.constant 0 : i32
          %dma_start3A_96 = tpu.memref_slice %arg12[%dma_start3A_94, %dma_start3A_95] : memref<10240x64xf32, #tpu.memory_space<vmem_shared>> -> memref<10240x64xf32, #tpu.memory_space<vmem_shared>>
          tpu.enqueue_indirect_dma source(%arg10 : memref<128x64xf32, #tpu.memory_space<vmem>>) target(%dma_start3A_96 : memref<10240x64xf32, #tpu.memory_space<vmem_shared>>) offsets(%dma_start3A_93 : memref<128xi32, #tpu.memory_space<vmem>>) semaphore(%run_scoped3A : memref<!tpu.dma_semaphore, #tpu.memory_space<semaphore_mem>>) {add = true}
          %dma_wait3A_97 = arith.constant 0 : i32
          %dma_wait3A_98 = tpu.memref_slice %arg9[%mul3A_62, %dma_wait3A_97] : memref<160x128xi32, #tpu.memory_space<vmem>> -> memref<1x128xi32, #tpu.memory_space<vmem>>
          %dma_wait3A_99 = tpu.memref_squeeze %dma_wait3A_98 : memref<1x128xi32, #tpu.memory_space<vmem>> -> memref<128xi32, #tpu.memory_space<vmem>>
          %dma_wait3A_100 = arith.constant 0 : i32
          %dma_wait3A_101 = arith.constant 0 : i32
          %dma_wait3A_102 = tpu.memref_slice %arg12[%dma_wait3A_100, %dma_wait3A_101] : memref<10240x64xf32, #tpu.memory_space<vmem_shared>> -> memref<10240x64xf32, #tpu.memory_space<vmem_shared>>
          tpu.wait_indirect_dma semaphore(%run_scoped3A : memref<!tpu.dma_semaphore, #tpu.memory_space<semaphore_mem>>) src(%arg10 : memref<128x64xf32, #tpu.memory_space<vmem>>) dst(%dma_wait3A_102 : memref<10240x64xf32, #tpu.memory_space<vmem_shared>>)
          tpu.yield
        }) : () -> ()
        %add3A_68 = arith.constant 2 : i32
        %add3A_69 = arith.addi %mul3A_62, %add3A_68 : i32
        %lt3A = arith.constant 160 : i32
        %lt3A_70 = arith.cmpi slt, %add3A_69, %lt3A : i32
        %convert_element_type3A_71 = arith.extui %lt3A_70 : i1 to i32
        %cond3A_72 = arith.constant 0 : i32
        %cond3A_73 = arith.cmpi ne, %convert_element_type3A_71, %cond3A_72 : i32
        scf.if %cond3A_73 {
          %add3A_91 = arith.constant 2 : i32
          %add3A_92 = arith.addi %mul3A_62, %add3A_91 : i32
          %dma_start3A_93 = arith.constant 0 : i32
          %dma_start3A_94 = tpu.memref_slice %arg8[%add3A_92, %dma_start3A_93] : memref<160x128xi32, #tpu.memory_space<vmem>> -> memref<1x128xi32, #tpu.memory_space<vmem>>
          %dma_start3A_95 = tpu.memref_squeeze %dma_start3A_94 : memref<1x128xi32, #tpu.memory_space<vmem>> -> memref<128xi32, #tpu.memory_space<vmem>>
          %dma_start3A_96 = arith.constant 0 : i32
          %dma_start3A_97 = arith.constant 0 : i32
          %dma_start3A_98 = tpu.memref_slice %arg3[%dma_start3A_96, %dma_start3A_97] : memref<10240x64xf32, #tpu.memory_space<hbm>> -> memref<10240x64xf32, #tpu.memory_space<hbm>>
          tpu.enqueue_indirect_dma source(%dma_start3A_98 : memref<10240x64xf32, #tpu.memory_space<hbm>>) target(%arg10 : memref<128x64xf32, #tpu.memory_space<vmem>>) offsets(%dma_start3A_95 : memref<128xi32, #tpu.memory_space<vmem>>) semaphore(%arg13 : memref<!tpu.dma_semaphore, #tpu.memory_space<semaphore_mem>>)
        } else {
        }
        %add3A_74 = arith.constant 1 : i32
        %add3A_75 = arith.addi %mul3A_62, %add3A_74 : i32
        %dma_wait3A_76 = arith.constant 0 : i32
        %dma_wait3A_77 = tpu.memref_slice %arg8[%add3A_75, %dma_wait3A_76] : memref<160x128xi32, #tpu.memory_space<vmem>> -> memref<1x128xi32, #tpu.memory_space<vmem>>
        %dma_wait3A_78 = tpu.memref_squeeze %dma_wait3A_77 : memref<1x128xi32, #tpu.memory_space<vmem>> -> memref<128xi32, #tpu.memory_space<vmem>>
        %dma_wait3A_79 = arith.constant 0 : i32
        %dma_wait3A_80 = arith.constant 0 : i32
        %dma_wait3A_81 = tpu.memref_slice %arg3[%dma_wait3A_79, %dma_wait3A_80] : memref<10240x64xf32, #tpu.memory_space<hbm>> -> memref<10240x64xf32, #tpu.memory_space<hbm>>
        tpu.wait_indirect_dma semaphore(%arg14 : memref<!tpu.dma_semaphore, #tpu.memory_space<semaphore_mem>>) src(%dma_wait3A_81 : memref<10240x64xf32, #tpu.memory_space<hbm>>) dst(%arg11 : memref<128x64xf32, #tpu.memory_space<vmem>>)
        %add3A_82 = arith.constant 1 : i32
        %add3A_83 = arith.addi %mul3A_62, %add3A_82 : i32
        "tpu.region"() ({
          %run_scoped3A = tpu.sem_alloc : memref<!tpu.dma_semaphore, #tpu.memory_space<semaphore_mem>>
          %dma_start3A_91 = arith.constant 0 : i32
          %dma_start3A_92 = tpu.memref_slice %arg9[%add3A_83, %dma_start3A_91] : memref<160x128xi32, #tpu.memory_space<vmem>> -> memref<1x128xi32, #tpu.memory_space<vmem>>
          %dma_start3A_93 = tpu.memref_squeeze %dma_start3A_92 : memref<1x128xi32, #tpu.memory_space<vmem>> -> memref<128xi32, #tpu.memory_space<vmem>>
          %dma_start3A_94 = arith.constant 0 : i32
          %dma_start3A_95 = arith.constant 0 : i32
          %dma_start3A_96 = tpu.memref_slice %arg12[%dma_start3A_94, %dma_start3A_95] : memref<10240x64xf32, #tpu.memory_space<vmem_shared>> -> memref<10240x64xf32, #tpu.memory_space<vmem_shared>>
          tpu.enqueue_indirect_dma source(%arg11 : memref<128x64xf32, #tpu.memory_space<vmem>>) target(%dma_start3A_96 : memref<10240x64xf32, #tpu.memory_space<vmem_shared>>) offsets(%dma_start3A_93 : memref<128xi32, #tpu.memory_space<vmem>>) semaphore(%run_scoped3A : memref<!tpu.dma_semaphore, #tpu.memory_space<semaphore_mem>>) {add = true}
          %dma_wait3A_97 = arith.constant 0 : i32
          %dma_wait3A_98 = tpu.memref_slice %arg9[%add3A_83, %dma_wait3A_97] : memref<160x128xi32, #tpu.memory_space<vmem>> -> memref<1x128xi32, #tpu.memory_space<vmem>>
          %dma_wait3A_99 = tpu.memref_squeeze %dma_wait3A_98 : memref<1x128xi32, #tpu.memory_space<vmem>> -> memref<128xi32, #tpu.memory_space<vmem>>
          %dma_wait3A_100 = arith.constant 0 : i32
          %dma_wait3A_101 = arith.constant 0 : i32
          %dma_wait3A_102 = tpu.memref_slice %arg12[%dma_wait3A_100, %dma_wait3A_101] : memref<10240x64xf32, #tpu.memory_space<vmem_shared>> -> memref<10240x64xf32, #tpu.memory_space<vmem_shared>>
          tpu.wait_indirect_dma semaphore(%run_scoped3A : memref<!tpu.dma_semaphore, #tpu.memory_space<semaphore_mem>>) src(%arg11 : memref<128x64xf32, #tpu.memory_space<vmem>>) dst(%dma_wait3A_102 : memref<10240x64xf32, #tpu.memory_space<vmem_shared>>)
          tpu.yield
        }) : () -> ()
        %add3A_84 = arith.constant 3 : i32
        %add3A_85 = arith.addi %mul3A_62, %add3A_84 : i32
        %lt3A_86 = arith.constant 160 : i32
        %lt3A_87 = arith.cmpi slt, %add3A_85, %lt3A_86 : i32
        %convert_element_type3A_88 = arith.extui %lt3A_87 : i1 to i32
        %cond3A_89 = arith.constant 0 : i32
        %cond3A_90 = arith.cmpi ne, %convert_element_type3A_88, %cond3A_89 : i32
        scf.if %cond3A_90 {
          %add3A_91 = arith.constant 3 : i32
          %add3A_92 = arith.addi %mul3A_62, %add3A_91 : i32
          %dma_start3A_93 = arith.constant 0 : i32
          %dma_start3A_94 = tpu.memref_slice %arg8[%add3A_92, %dma_start3A_93] : memref<160x128xi32, #tpu.memory_space<vmem>> -> memref<1x128xi32, #tpu.memory_space<vmem>>
          %dma_start3A_95 = tpu.memref_squeeze %dma_start3A_94 : memref<1x128xi32, #tpu.memory_space<vmem>> -> memref<128xi32, #tpu.memory_space<vmem>>
          %dma_start3A_96 = arith.constant 0 : i32
          %dma_start3A_97 = arith.constant 0 : i32
          %dma_start3A_98 = tpu.memref_slice %arg3[%dma_start3A_96, %dma_start3A_97] : memref<10240x64xf32, #tpu.memory_space<hbm>> -> memref<10240x64xf32, #tpu.memory_space<hbm>>
          tpu.enqueue_indirect_dma source(%dma_start3A_98 : memref<10240x64xf32, #tpu.memory_space<hbm>>) target(%arg11 : memref<128x64xf32, #tpu.memory_space<vmem>>) offsets(%dma_start3A_95 : memref<128xi32, #tpu.memory_space<vmem>>) semaphore(%arg14 : memref<!tpu.dma_semaphore, #tpu.memory_space<semaphore_mem>>)
        } else {
        }
      }
      %scan3A_59 = arith.constant 80 : i32
    } else {
    }
    %barrier3A_30 = arith.constant 0 : index
    tpu.barrier barrier_id(%barrier3A_30)
    %eq3A_31 = arith.constant 0 : i32
    %eq3A_32 = arith.cmpi eq, %arg0, %eq3A_31 : i32
    %convert_element_type3A_33 = arith.extui %eq3A_32 : i1 to i32
    %cond3A_34 = arith.constant 0 : i32
    %cond3A_35 = arith.cmpi ne, %convert_element_type3A_33, %cond3A_34 : i32
    scf.if %cond3A_35 {
      %mul3A_41 = arith.constant 640 : i32
      %mul3A_42 = arith.muli %arg1, %mul3A_41 : i32
      %mul3A_43 = arith.constant 640 : i32
      %mul3A_44 = arith.muli %arg1, %mul3A_43 : i32
      "tpu.region"() ({
        %run_scoped3A = tpu.sem_alloc : memref<!tpu.dma_semaphore, #tpu.memory_space<semaphore_mem>>
        %dma_start3A = arith.constant 0 : i32
        %dma_start3A_45 = tpu.memref_slice %arg6[%mul3A_44, %dma_start3A] : memref<10240x64xf32, #tpu.memory_space<hbm>> -> memref<640x64xf32, #tpu.memory_space<hbm>>
        %dma_start3A_46 = arith.constant 0 : i32
        %dma_start3A_47 = tpu.memref_slice %arg12[%mul3A_42, %dma_start3A_46] : memref<10240x64xf32, #tpu.memory_space<vmem_shared>> -> memref<640x64xf32, #tpu.memory_space<vmem_shared>>
        tpu.enqueue_dma source(%dma_start3A_47 : memref<640x64xf32, #tpu.memory_space<vmem_shared>>) target(%dma_start3A_45 : memref<640x64xf32, #tpu.memory_space<hbm>>) target_semaphore(%run_scoped3A : memref<!tpu.dma_semaphore, #tpu.memory_space<semaphore_mem>>)
        %dma_wait3A = arith.constant 0 : i32
        %dma_wait3A_48 = tpu.memref_slice %arg6[%mul3A_44, %dma_wait3A] : memref<10240x64xf32, #tpu.memory_space<hbm>> -> memref<640x64xf32, #tpu.memory_space<hbm>>
        %dma_wait3A_49 = arith.constant 0 : i32
        %dma_wait3A_50 = tpu.memref_slice %arg12[%mul3A_42, %dma_wait3A_49] : memref<10240x64xf32, #tpu.memory_space<vmem_shared>> -> memref<640x64xf32, #tpu.memory_space<vmem_shared>>
        tpu.wait_dma2 semaphore(%run_scoped3A : memref<!tpu.dma_semaphore, #tpu.memory_space<semaphore_mem>>) src(%dma_wait3A_50 : memref<640x64xf32, #tpu.memory_space<vmem_shared>>) dst(%dma_wait3A_48 : memref<640x64xf32, #tpu.memory_space<hbm>>)
        tpu.yield
      }) : () -> ()
    } else {
    }
    %eq3A_36 = arith.constant 1 : i32
    %eq3A_37 = arith.cmpi eq, %arg0, %eq3A_36 : i32
    %convert_element_type3A_38 = arith.extui %eq3A_37 : i1 to i32
    %cond3A_39 = arith.constant 0 : i32
    %cond3A_40 = arith.cmpi ne, %convert_element_type3A_38, %cond3A_39 : i32
    scf.if %cond3A_40 {
      %mul3A_41 = arith.constant 640 : i32
      %mul3A_42 = arith.muli %arg1, %mul3A_41 : i32
      %mul3A_43 = arith.constant 640 : i32
      %mul3A_44 = arith.muli %arg1, %mul3A_43 : i32
      "tpu.region"() ({
        %run_scoped3A = tpu.sem_alloc : memref<!tpu.dma_semaphore, #tpu.memory_space<semaphore_mem>>
        %dma_start3A = arith.constant 0 : i32
        %dma_start3A_45 = tpu.memref_slice %arg7[%mul3A_44, %dma_start3A] : memref<10240x64xf32, #tpu.memory_space<hbm>> -> memref<640x64xf32, #tpu.memory_space<hbm>>
        %dma_start3A_46 = arith.constant 0 : i32
        %dma_start3A_47 = tpu.memref_slice %arg12[%mul3A_42, %dma_start3A_46] : memref<10240x64xf32, #tpu.memory_space<vmem_shared>> -> memref<640x64xf32, #tpu.memory_space<vmem_shared>>
        tpu.enqueue_dma source(%dma_start3A_47 : memref<640x64xf32, #tpu.memory_space<vmem_shared>>) target(%dma_start3A_45 : memref<640x64xf32, #tpu.memory_space<hbm>>) target_semaphore(%run_scoped3A : memref<!tpu.dma_semaphore, #tpu.memory_space<semaphore_mem>>)
        %dma_wait3A = arith.constant 0 : i32
        %dma_wait3A_48 = tpu.memref_slice %arg7[%mul3A_44, %dma_wait3A] : memref<10240x64xf32, #tpu.memory_space<hbm>> -> memref<640x64xf32, #tpu.memory_space<hbm>>
        %dma_wait3A_49 = arith.constant 0 : i32
        %dma_wait3A_50 = tpu.memref_slice %arg12[%mul3A_42, %dma_wait3A_49] : memref<10240x64xf32, #tpu.memory_space<vmem_shared>> -> memref<640x64xf32, #tpu.memory_space<vmem_shared>>
        tpu.wait_dma2 semaphore(%run_scoped3A : memref<!tpu.dma_semaphore, #tpu.memory_space<semaphore_mem>>) src(%dma_wait3A_50 : memref<640x64xf32, #tpu.memory_space<vmem_shared>>) dst(%dma_wait3A_48 : memref<640x64xf32, #tpu.memory_space<hbm>>)
        tpu.yield
      }) : () -> ()
    } else {
    }
    return
  }
}

module attributes {stable_mosaic.version = 14 : i64} {
  func.func @_tc_a_body(%arg0: memref<80x128x128xf32, #tpu.memory_space<vmem>>, %arg1: memref<128x128xf32, #tpu.memory_space<vmem>>, %arg2: memref<80x128xf32, #tpu.memory_space<vmem>>, %arg3: memref<80x128xf32, #tpu.memory_space<vmem>>, %arg4: memref<80x128x64xf32, #tpu.memory_space<vmem>>, %arg5: memref<80x128x64xf32, #tpu.memory_space<vmem>>, %arg6: memref<80x128xf32, #tpu.memory_space<vmem>>) attributes {dimension_semantics = [], scalar_prefetch = 0 : i64, scratch_operands = 0 : i64, tpu.core_type = #tpu.core_type<tc>} {
    %get3A = arith.constant 0 : index
    %get3A_0 = arith.constant 0 : index
    %get3A_1 = arith.constant 0 : index
    %get3A_2 = vector.load %arg0[%get3A, %get3A_0, %get3A_1] : memref<80x128x128xf32, #tpu.memory_space<vmem>>, vector<80x128x128xf32>
    %get3A_3 = arith.constant 0 : index
    %get3A_4 = arith.constant 0 : index
    %get3A_5 = vector.load %arg1[%get3A_3, %get3A_4] : memref<128x128xf32, #tpu.memory_space<vmem>>, vector<128x128xf32>
    %dot_general3A = arith.constant dense<0.000000e+00> : vector<80x128x128xf32>
    %dot_general3A_6 = tpu.matmul %get3A_2, %get3A_5, %dot_general3A {dimension_numbers = #tpu.dot_dimension_numbers<[2], [0], [0, 1], [1], [0, 0, 0, 1, 1, 1], [], []>, transpose_lhs_hint = false} : vector<80x128x128xf32>, vector<128x128xf32>, vector<80x128x128xf32> -> vector<80x128x128xf32>
    %get3A_7 = arith.constant 0 : index
    %get3A_8 = arith.constant 0 : index
    %get3A_9 = vector.load %arg2[%get3A_7, %get3A_8] : memref<80x128xf32, #tpu.memory_space<vmem>>, vector<80x128xf32>
    %add3A = arith.constant 1.000000e+00 : f32
    %add3A_10 = vector.broadcast %add3A : f32 to vector<80x128xf32>
    %add3A_11 = arith.addf %add3A_10, %get3A_9 : vector<80x128xf32>
    %get3A_12 = arith.constant 0 : index
    %get3A_13 = arith.constant 0 : index
    %get3A_14 = vector.load %arg3[%get3A_12, %get3A_13] : memref<80x128xf32, #tpu.memory_space<vmem>>, vector<80x128xf32>
    %add3A_15 = arith.addf %add3A_11, %get3A_14 : vector<80x128xf32>
    %rsqrt3A = math.rsqrt %add3A_15 : vector<80x128xf32>
    %swap3A = arith.constant 0 : index
    %swap3A_16 = arith.constant 0 : index
    %swap3A_17 = vector.load %arg6[%swap3A, %swap3A_16] : memref<80x128xf32, #tpu.memory_space<vmem>>, vector<80x128xf32>
    tpu.vector_store %arg6[%swap3A, %swap3A_16], %rsqrt3A {strides = array<i32>} : memref<80x128xf32, #tpu.memory_space<vmem>>, vector<80x128xf32>,
    %broadcast_in_dim3A = vector.shape_cast %rsqrt3A : vector<80x128xf32> to vector<80x128x1xf32>
    %mul3A = vector.broadcast %broadcast_in_dim3A : vector<80x128x1xf32> to vector<80x128x128xf32>
    %mul3A_18 = arith.mulf %dot_general3A_6, %mul3A : vector<80x128x128xf32>
    %slice3A = vector.extract_strided_slice %mul3A_18 {offsets = [0, 0, 0], sizes = [80, 128, 64], strides = [1, 1, 1]} : vector<80x128x128xf32> to vector<80x128x64xf32>
    %swap3A_19 = arith.constant 0 : index
    %swap3A_20 = arith.constant 0 : index
    %swap3A_21 = arith.constant 0 : index
    %swap3A_22 = vector.load %arg4[%swap3A_19, %swap3A_20, %swap3A_21] : memref<80x128x64xf32, #tpu.memory_space<vmem>>, vector<80x128x64xf32>
    tpu.vector_store %arg4[%swap3A_19, %swap3A_20, %swap3A_21], %slice3A {strides = array<i32>} : memref<80x128x64xf32, #tpu.memory_space<vmem>>, vector<80x128x64xf32>,
    %slice3A_23 = vector.extract_strided_slice %mul3A_18 {offsets = [0, 0, 64], sizes = [80, 128, 64], strides = [1, 1, 1]} : vector<80x128x128xf32> to vector<80x128x64xf32>
    %swap3A_24 = arith.constant 0 : index
    %swap3A_25 = arith.constant 0 : index
    %swap3A_26 = arith.constant 0 : index
    %swap3A_27 = vector.load %arg5[%swap3A_24, %swap3A_25, %swap3A_26] : memref<80x128x64xf32, #tpu.memory_space<vmem>>, vector<80x128x64xf32>
    tpu.vector_store %arg5[%swap3A_24, %swap3A_25, %swap3A_26], %slice3A_23 {strides = array<i32>} : memref<80x128x64xf32, #tpu.memory_space<vmem>>, vector<80x128x64xf32>,
    return
  }
}

module attributes {stable_mosaic.version = 14 : i64} {
  func.func @_tc_d1_body(%arg0: memref<80x128x64xf32, #tpu.memory_space<vmem>>, %arg1: memref<80x128x64xf32, #tpu.memory_space<vmem>>, %arg2: memref<80x128x64xf32, #tpu.memory_space<vmem>>, %arg3: memref<80x128x64xf32, #tpu.memory_space<vmem>>, %arg4: memref<80x128xf32, #tpu.memory_space<vmem>>, %arg5: memref<1x128xf32, #tpu.memory_space<vmem>>, %arg6: memref<1x128xf32, #tpu.memory_space<vmem>>, %arg7: memref<80x128x128xf32, #tpu.memory_space<vmem>>, %arg8: memref<80x128xf32, #tpu.memory_space<vmem>>) attributes {dimension_semantics = [], scalar_prefetch = 0 : i64, scratch_operands = 0 : i64, tpu.core_type = #tpu.core_type<tc>} {
    %get3A = arith.constant 0 : index
    %get3A_0 = arith.constant 0 : index
    %get3A_1 = arith.constant 0 : index
    %get3A_2 = vector.load %arg0[%get3A, %get3A_0, %get3A_1] : memref<80x128x64xf32, #tpu.memory_space<vmem>>, vector<80x128x64xf32>
    %get3A_3 = arith.constant 0 : index
    %get3A_4 = arith.constant 0 : index
    %get3A_5 = arith.constant 0 : index
    %get3A_6 = vector.load %arg1[%get3A_3, %get3A_4, %get3A_5] : memref<80x128x64xf32, #tpu.memory_space<vmem>>, vector<80x128x64xf32>
    %concatenate3A = tpu.concatenate %get3A_2, %get3A_6 in 2 : vector<80x128x64xf32>, vector<80x128x64xf32> -> vector<80x128x128xf32>
    %get3A_7 = arith.constant 0 : index
    %get3A_8 = arith.constant 0 : index
    %get3A_9 = arith.constant 0 : index
    %get3A_10 = vector.load %arg2[%get3A_7, %get3A_8, %get3A_9] : memref<80x128x64xf32, #tpu.memory_space<vmem>>, vector<80x128x64xf32>
    %get3A_11 = arith.constant 0 : index
    %get3A_12 = arith.constant 0 : index
    %get3A_13 = arith.constant 0 : index
    %get3A_14 = vector.load %arg3[%get3A_11, %get3A_12, %get3A_13] : memref<80x128x64xf32, #tpu.memory_space<vmem>>, vector<80x128x64xf32>
    %concatenate3A_15 = tpu.concatenate %get3A_10, %get3A_14 in 2 : vector<80x128x64xf32>, vector<80x128x64xf32> -> vector<80x128x128xf32>
    %get3A_16 = arith.constant 0 : index
    %get3A_17 = arith.constant 0 : index
    %get3A_18 = vector.load %arg4[%get3A_16, %get3A_17] : memref<80x128xf32, #tpu.memory_space<vmem>>, vector<80x128xf32>
    %broadcast_in_dim3A = vector.shape_cast %get3A_18 : vector<80x128xf32> to vector<80x128x1xf32>
    %add3A = arith.addf %concatenate3A_15, %concatenate3A : vector<80x128x128xf32>
    %mul3A = vector.broadcast %broadcast_in_dim3A : vector<80x128x1xf32> to vector<80x128x128xf32>
    %mul3A_19 = arith.mulf %mul3A, %add3A : vector<80x128x128xf32>
    %get3A_20 = arith.constant 0 : index
    %get3A_21 = arith.constant 0 : index
    %get3A_22 = vector.load %arg5[%get3A_20, %get3A_21] : memref<1x128xf32, #tpu.memory_space<vmem>>, vector<1x128xf32>
    %broadcast_in_dim3A_23 = vector.shape_cast %get3A_22 : vector<1x128xf32> to vector<1x1x128xf32>
    %add3A_24 = vector.broadcast %broadcast_in_dim3A_23 : vector<1x1x128xf32> to vector<80x128x128xf32>
    %add3A_25 = arith.addf %mul3A_19, %add3A_24 : vector<80x128x128xf32>
    %max3A = arith.constant 0.000000e+00 : f32
    %max3A_26 = vector.broadcast %max3A : f32 to vector<80x128x128xf32>
    %max3A_27 = arith.maximumf %add3A_25, %max3A_26 : vector<80x128x128xf32>
    %get3A_28 = arith.constant 0 : index
    %get3A_29 = arith.constant 0 : index
    %get3A_30 = vector.load %arg6[%get3A_28, %get3A_29] : memref<1x128xf32, #tpu.memory_space<vmem>>, vector<1x128xf32>
    %mul3A_31 = arith.mulf %get3A_30, %get3A_30 : vector<1x128xf32>
    %reduce_sum3A = vector.shape_cast %mul3A_31 : vector<1x128xf32> to vector<1x1x128xf32>
    %reduce_sum3A_32 = arith.constant dense<0.000000e+00> : vector<1xf32>
    %reduce_sum3A_33 = vector.multi_reduction <add>, %reduce_sum3A, %reduce_sum3A_32 [1, 2] : vector<1x1x128xf32> to vector<1xf32>
    %reduce_sum3A_34 = vector.shape_cast %reduce_sum3A_33 : vector<1xf32> to vector<1x1x1xf32>
    %reduce_sum3A_35 = vector.extract %reduce_sum3A_34[0, 0, 0] : f32 from vector<1x1x1xf32>
    %rsqrt3A = math.rsqrt %reduce_sum3A_35 : f32
    %mul3A_36 = vector.broadcast %rsqrt3A : f32 to vector<1x128xf32>
    %mul3A_37 = arith.mulf %get3A_30, %mul3A_36 : vector<1x128xf32>
    %dot_general3A = arith.constant dense<0.000000e+00> : vector<80x128x1xf32>
    %dot_general3A_38 = tpu.matmul %max3A_27, %mul3A_37, %dot_general3A {dimension_numbers = #tpu.dot_dimension_numbers<[2], [1], [0, 1], [0], [0, 0, 0, 1, 1, 0], [], []>, transpose_lhs_hint = false} : vector<80x128x128xf32>, vector<1x128xf32>, vector<80x128x1xf32> -> vector<80x128x1xf32>
    %squeeze3A = vector.shape_cast %dot_general3A_38 : vector<80x128x1xf32> to vector<80x128xf32>
    %max3A_39 = arith.constant 0.000000e+00 : f32
    %max3A_40 = vector.broadcast %max3A_39 : f32 to vector<80x128xf32>
    %max3A_41 = arith.maximumf %squeeze3A, %max3A_40 : vector<80x128xf32>
    %iota3A = tpu.iota {dimensions = array<i32: 0>} : vector<80x128xi32>
    %iota3A_42 = tpu.iota {dimensions = array<i32: 1>} : vector<80x128xi32>
    %mul3A_43 = arith.constant 128 : i32
    %mul3A_44 = vector.broadcast %mul3A_43 : i32 to vector<80x128xi32>
    %mul3A_45 = arith.muli %iota3A, %mul3A_44 : vector<80x128xi32>
    %add3A_46 = arith.addi %mul3A_45, %iota3A_42 : vector<80x128xi32>
    %lt3A = arith.constant 10000 : i32
    %lt3A_47 = vector.broadcast %lt3A : i32 to vector<80x128xi32>
    %lt3A_48 = arith.cmpi slt, %add3A_46, %lt3A_47 : vector<80x128xi32>
    %jit3A = arith.constant 0.000000e+00 : f32
    %broadcast_in_dim3A_49 = vector.broadcast %jit3A : f32 to vector<80x128xf32>
    %select_n3A = arith.select %lt3A_48, %max3A_41, %broadcast_in_dim3A_49 : vector<80x128xi1>, vector<80x128xf32>
    %bitcast_convert_type3A = tpu.bitcast %select_n3A : vector<80x128xf32> -> vector<80x128xi32>
    %scan3A = arith.constant 0 : i32
    %scan3A_50 = arith.constant 2139095041 : i32
    %scan3A_51 = arith.constant 0 : i32
    %scan3A_52 = arith.constant 31 : i32
    %scan3A_53 = arith.addi %scan3A_51, %scan3A_52 : i32
    %scan3A_54 = arith.constant 1 : i32
    %scan3A_55:2 = scf.for %scan3A_121 = %scan3A_51 to %scan3A_53 step %scan3A_54 iter_args(%scan3A_122 = %scan3A, %scan3A_123 = %scan3A_50) -> (i32, i32)  : i32 {
      %sub3A_124 = arith.subi %scan3A_123, %scan3A_122 : i32
      %jit3A_125 = arith.constant 2 : i32
      %div3A = arith.divsi %sub3A_124, %jit3A_125 : i32
      %sign3A = arith.constant 0 : i32
      %sign3A_126 = arith.cmpi sgt, %sub3A_124, %sign3A : i32
      %sign3A_127 = arith.extui %sign3A_126 : i1 to i32
      %sign3A_128 = arith.constant 0 : i32
      %sign3A_129 = arith.cmpi slt, %sub3A_124, %sign3A_128 : i32
      %sign3A_130 = arith.extui %sign3A_129 : i1 to i32
      %sign3A_131 = arith.subi %sign3A_127, %sign3A_130 : i32
      %sign3A_132 = arith.constant 0 : i32
      %sign3A_133 = arith.cmpi sgt, %jit3A_125, %sign3A_132 : i32
      %sign3A_134 = arith.extui %sign3A_133 : i1 to i32
      %sign3A_135 = arith.constant 0 : i32
      %sign3A_136 = arith.cmpi slt, %jit3A_125, %sign3A_135 : i32
      %sign3A_137 = arith.extui %sign3A_136 : i1 to i32
      %sign3A_138 = arith.subi %sign3A_134, %sign3A_137 : i32
      %ne3A = arith.cmpi ne, %sign3A_131, %sign3A_138 : i32
      %rem3A = arith.remsi %sub3A_124, %jit3A_125 : i32
      %ne3A_139 = arith.constant 0 : i32
      %ne3A_140 = arith.cmpi ne, %rem3A, %ne3A_139 : i32
      %and3A_141 = arith.andi %ne3A, %ne3A_140 : i1
      %sub3A_142 = arith.constant 1 : i32
      %sub3A_143 = arith.subi %div3A, %sub3A_142 : i32
      %select_n3A_144 = arith.select %and3A_141, %sub3A_143, %div3A : i32
      %add3A_145 = arith.addi %scan3A_122, %select_n3A_144 : i32
      %ge3A_146 = vector.broadcast %add3A_145 : i32 to vector<80x128xi32>
      %ge3A_147 = arith.cmpi sge, %bitcast_convert_type3A, %ge3A_146 : vector<80x128xi32>
      %convert_element_type3A_148 = arith.extui %ge3A_147 : vector<80x128xi1> to vector<80x128xi32>
      %reduce_sum3A_149 = vector.shape_cast %convert_element_type3A_148 : vector<80x128xi32> to vector<1x80x128xi32>
      %reduce_sum3A_150 = arith.constant dense<0> : vector<1xi32>
      %reduce_sum3A_151 = vector.multi_reduction <add>, %reduce_sum3A_149, %reduce_sum3A_150 [1, 2] : vector<1x80x128xi32> to vector<1xi32>
      %reduce_sum3A_152 = vector.shape_cast %reduce_sum3A_151 : vector<1xi32> to vector<1x1x1xi32>
      %reduce_sum3A_153 = vector.extract %reduce_sum3A_152[0, 0, 0] : i32 from vector<1x1x1xi32>
      %ge3A_154 = arith.constant 8000 : i32
      %ge3A_155 = arith.cmpi sge, %reduce_sum3A_153, %ge3A_154 : i32
      %select_n3A_156 = arith.select %ge3A_155, %add3A_145, %scan3A_122 : i32
      %select_n3A_157 = arith.select %ge3A_155, %scan3A_123, %add3A_145 : i32
      scf.yield %select_n3A_156, %select_n3A_157 : i32, i32
    }
    %gt3A = arith.constant 0 : i32
    %gt3A_56 = vector.broadcast %gt3A : i32 to vector<80x128xi32>
    %gt3A_57 = arith.cmpi sgt, %bitcast_convert_type3A, %gt3A_56 : vector<80x128xi32>
    %convert_element_type3A = arith.extui %gt3A_57 : vector<80x128xi1> to vector<80x128xi32>
    %reduce_sum3A_58 = vector.shape_cast %convert_element_type3A : vector<80x128xi32> to vector<1x80x128xi32>
    %reduce_sum3A_59 = arith.constant dense<0> : vector<1xi32>
    %reduce_sum3A_60 = vector.multi_reduction <add>, %reduce_sum3A_58, %reduce_sum3A_59 [1, 2] : vector<1x80x128xi32> to vector<1xi32>
    %reduce_sum3A_61 = vector.shape_cast %reduce_sum3A_60 : vector<1xi32> to vector<1x1x1xi32>
    %reduce_sum3A_62 = vector.extract %reduce_sum3A_61[0, 0, 0] : i32 from vector<1x1x1xi32>
    %sub3A = arith.constant 8000 : i32
    %sub3A_63 = arith.subi %sub3A, %reduce_sum3A_62 : i32
    %convert_element_type3A_64 = arith.sitofp %sub3A_63 : i32 to f32
    %eq3A = arith.constant 0 : i32
    %eq3A_65 = vector.broadcast %eq3A : i32 to vector<80x128xi32>
    %eq3A_66 = arith.cmpi eq, %bitcast_convert_type3A, %eq3A_65 : vector<80x128xi32>
    %and3A = arith.andi %eq3A_66, %lt3A_48 : vector<80x128xi1>
    %jit3A_67 = arith.constant 1.000000e+00 : f32
    %jit3A_68 = arith.constant 0.000000e+00 : f32
    %broadcast_in_dim3A_69 = vector.broadcast %jit3A_67 : f32 to vector<80x128xf32>
    %broadcast_in_dim3A_70 = vector.broadcast %jit3A_68 : f32 to vector<80x128xf32>
    %select_n3A_71 = arith.select %and3A, %broadcast_in_dim3A_69, %broadcast_in_dim3A_70 : vector<80x128xi1>, vector<80x128xf32>
    %reduce_sum3A_72 = arith.constant dense<0.000000e+00> : vector<80xf32>
    %reduce_sum3A_73 = vector.multi_reduction <add>, %select_n3A_71, %reduce_sum3A_72 [1] : vector<80x128xf32> to vector<80xf32>
    %broadcast_in_dim3A_74 = vector.shape_cast %reduce_sum3A_73 : vector<80xf32> to vector<80x1xf32>
    %iota3A_75 = tpu.iota {dimensions = array<i32: 0>} : vector<80x80xi32>
    %iota3A_76 = tpu.iota {dimensions = array<i32: 1>} : vector<80x80xi32>
    %gt3A_77 = arith.cmpi sgt, %iota3A_75, %iota3A_76 : vector<80x80xi32>
    %jit3A_78 = arith.constant 1.000000e+00 : f32
    %jit3A_79 = arith.constant 0.000000e+00 : f32
    %broadcast_in_dim3A_80 = vector.broadcast %jit3A_78 : f32 to vector<80x80xf32>
    %broadcast_in_dim3A_81 = vector.broadcast %jit3A_79 : f32 to vector<80x80xf32>
    %select_n3A_82 = arith.select %gt3A_77, %broadcast_in_dim3A_80, %broadcast_in_dim3A_81 : vector<80x80xi1>, vector<80x80xf32>
    %dot_general3A_83 = arith.constant dense<0.000000e+00> : vector<80x1xf32>
    %dot_general3A_84 = tpu.matmul %select_n3A_82, %broadcast_in_dim3A_74, %dot_general3A_83 {dimension_numbers = #tpu.dot_dimension_numbers<[1], [0], [0], [1], [0, 0, 1, 1], [], []>, transpose_lhs_hint = false} : vector<80x80xf32>, vector<80x1xf32>, vector<80x1xf32> -> vector<80x1xf32>
    %iota3A_85 = tpu.iota {dimensions = array<i32: 0>} : vector<128x128xi32>
    %iota3A_86 = tpu.iota {dimensions = array<i32: 1>} : vector<128x128xi32>
    %lt3A_87 = arith.cmpi slt, %iota3A_85, %iota3A_86 : vector<128x128xi32>
    %jit3A_88 = arith.constant 1.000000e+00 : f32
    %jit3A_89 = arith.constant 0.000000e+00 : f32
    %broadcast_in_dim3A_90 = vector.broadcast %jit3A_88 : f32 to vector<128x128xf32>
    %broadcast_in_dim3A_91 = vector.broadcast %jit3A_89 : f32 to vector<128x128xf32>
    %select_n3A_92 = arith.select %lt3A_87, %broadcast_in_dim3A_90, %broadcast_in_dim3A_91 : vector<128x128xi1>, vector<128x128xf32>
    %dot_general3A_93 = arith.constant dense<0.000000e+00> : vector<80x128xf32>
    %dot_general3A_94 = tpu.matmul %select_n3A_71, %select_n3A_92, %dot_general3A_93 {dimension_numbers = #tpu.dot_dimension_numbers<[1], [0], [0], [1], [0, 0, 1, 1], [], []>, transpose_lhs_hint = false} : vector<80x128xf32>, vector<128x128xf32>, vector<80x128xf32> -> vector<80x128xf32>
    %add3A_95 = vector.broadcast %dot_general3A_84 : vector<80x1xf32> to vector<80x128xf32>
    %add3A_96 = arith.addf %add3A_95, %dot_general3A_94 : vector<80x128xf32>
    %max3A_97 = arith.constant 1 : i32
    %max3A_98 = arith.maxsi %scan3A_55#0, %max3A_97 : i32
    %ge3A = vector.broadcast %max3A_98 : i32 to vector<80x128xi32>
    %ge3A_99 = arith.cmpi sge, %bitcast_convert_type3A, %ge3A : vector<80x128xi32>
    %gt3A_100 = arith.constant 0.000000e+00 : f32
    %gt3A_101 = vector.broadcast %gt3A_100 : f32 to vector<80x128xf32>
    %gt3A_102 = arith.cmpf ogt, %select_n3A_71, %gt3A_101 : vector<80x128xf32>
    %lt3A_103 = vector.broadcast %convert_element_type3A_64 : f32 to vector<80x128xf32>
    %lt3A_104 = arith.cmpf olt, %add3A_96, %lt3A_103 : vector<80x128xf32>
    %and3A_105 = arith.andi %gt3A_102, %lt3A_104 : vector<80x128xi1>
    %or3A = arith.ori %ge3A_99, %and3A_105 : vector<80x128xi1>
    %jit3A_106 = arith.constant 1.000000e+00 : f32
    %jit3A_107 = arith.constant 0.000000e+00 : f32
    %broadcast_in_dim3A_108 = vector.broadcast %jit3A_106 : f32 to vector<80x128xf32>
    %broadcast_in_dim3A_109 = vector.broadcast %jit3A_107 : f32 to vector<80x128xf32>
    %select_n3A_110 = arith.select %or3A, %broadcast_in_dim3A_108, %broadcast_in_dim3A_109 : vector<80x128xi1>, vector<80x128xf32>
    %swap3A = arith.constant 0 : index
    %swap3A_111 = arith.constant 0 : index
    %swap3A_112 = vector.load %arg8[%swap3A, %swap3A_111] : memref<80x128xf32, #tpu.memory_space<vmem>>, vector<80x128xf32>
    tpu.vector_store %arg8[%swap3A, %swap3A_111], %select_n3A_110 {strides = array<i32>} : memref<80x128xf32, #tpu.memory_space<vmem>>, vector<80x128xf32>,
    %mul3A_113 = arith.mulf %select_n3A, %select_n3A_110 : vector<80x128xf32>
    %broadcast_in_dim3A_114 = vector.shape_cast %mul3A_113 : vector<80x128xf32> to vector<80x128x1xf32>
    %mul3A_115 = vector.broadcast %broadcast_in_dim3A_114 : vector<80x128x1xf32> to vector<80x128x128xf32>
    %mul3A_116 = arith.mulf %max3A_27, %mul3A_115 : vector<80x128x128xf32>
    %swap3A_117 = arith.constant 0 : index
    %swap3A_118 = arith.constant 0 : index
    %swap3A_119 = arith.constant 0 : index
    %swap3A_120 = vector.load %arg7[%swap3A_117, %swap3A_118, %swap3A_119] : memref<80x128x128xf32, #tpu.memory_space<vmem>>, vector<80x128x128xf32>
    tpu.vector_store %arg7[%swap3A_117, %swap3A_118, %swap3A_119], %mul3A_116 {strides = array<i32>} : memref<80x128x128xf32, #tpu.memory_space<vmem>>, vector<80x128x128xf32>,
    return
  }
}

module attributes {stable_mosaic.version = 14 : i64} {
  func.func @_tc_f_body(%arg0: memref<80x128x128xf32, #tpu.memory_space<vmem>>, %arg1: memref<128x256xf32, #tpu.memory_space<vmem>>, %arg2: memref<80x128xf32, #tpu.memory_space<vmem>>, %arg3: memref<80x128xf32, #tpu.memory_space<vmem>>, %arg4: memref<80x128xf32, #tpu.memory_space<vmem>>, %arg5: memref<80x128x128xf32, #tpu.memory_space<vmem>>, %arg6: memref<80x128x128xf32, #tpu.memory_space<vmem>>, %arg7: memref<80x128xf32, #tpu.memory_space<vmem>>) attributes {dimension_semantics = [], scalar_prefetch = 0 : i64, scratch_operands = 0 : i64, tpu.core_type = #tpu.core_type<tc>} {
    %get3A = arith.constant 0 : index
    %get3A_0 = arith.constant 0 : index
    %get3A_1 = vector.load %arg2[%get3A, %get3A_0] : memref<80x128xf32, #tpu.memory_space<vmem>>, vector<80x128xf32>
    %add3A = arith.constant 1.000000e+00 : f32
    %add3A_2 = vector.broadcast %add3A : f32 to vector<80x128xf32>
    %add3A_3 = arith.addf %add3A_2, %get3A_1 : vector<80x128xf32>
    %get3A_4 = arith.constant 0 : index
    %get3A_5 = arith.constant 0 : index
    %get3A_6 = vector.load %arg3[%get3A_4, %get3A_5] : memref<80x128xf32, #tpu.memory_space<vmem>>, vector<80x128xf32>
    %add3A_7 = arith.addf %add3A_3, %get3A_6 : vector<80x128xf32>
    %rsqrt3A = math.rsqrt %add3A_7 : vector<80x128xf32>
    %get3A_8 = arith.constant 0 : index
    %get3A_9 = arith.constant 0 : index
    %get3A_10 = vector.load %arg4[%get3A_8, %get3A_9] : memref<80x128xf32, #tpu.memory_space<vmem>>, vector<80x128xf32>
    %mul3A = arith.mulf %rsqrt3A, %get3A_10 : vector<80x128xf32>
    %swap3A = arith.constant 0 : index
    %swap3A_11 = arith.constant 0 : index
    %swap3A_12 = vector.load %arg7[%swap3A, %swap3A_11] : memref<80x128xf32, #tpu.memory_space<vmem>>, vector<80x128xf32>
    tpu.vector_store %arg7[%swap3A, %swap3A_11], %mul3A {strides = array<i32>} : memref<80x128xf32, #tpu.memory_space<vmem>>, vector<80x128xf32>,
    %get3A_13 = arith.constant 0 : index
    %get3A_14 = arith.constant 0 : index
    %get3A_15 = arith.constant 0 : index
    %get3A_16 = vector.load %arg0[%get3A_13, %get3A_14, %get3A_15] : memref<80x128x128xf32, #tpu.memory_space<vmem>>, vector<80x128x128xf32>
    %get3A_17 = arith.constant 0 : index
    %get3A_18 = arith.constant 0 : index
    %get3A_19 = vector.load %arg1[%get3A_17, %get3A_18] : memref<128x256xf32, #tpu.memory_space<vmem>>, vector<128x256xf32>
    %slice3A = vector.extract_strided_slice %get3A_19 {offsets = [0, 0], sizes = [128, 128], strides = [1, 1]} : vector<128x256xf32> to vector<128x128xf32>
    %dot_general3A = arith.constant dense<0.000000e+00> : vector<80x128x128xf32>
    %dot_general3A_20 = tpu.matmul %get3A_16, %slice3A, %dot_general3A {dimension_numbers = #tpu.dot_dimension_numbers<[2], [0], [0, 1], [1], [0, 0, 0, 1, 1, 1], [], []>, transpose_lhs_hint = false} : vector<80x128x128xf32>, vector<128x128xf32>, vector<80x128x128xf32> -> vector<80x128x128xf32>
    %broadcast_in_dim3A = vector.shape_cast %mul3A : vector<80x128xf32> to vector<80x128x1xf32>
    %mul3A_21 = vector.broadcast %broadcast_in_dim3A : vector<80x128x1xf32> to vector<80x128x128xf32>
    %mul3A_22 = arith.mulf %dot_general3A_20, %mul3A_21 : vector<80x128x128xf32>
    %swap3A_23 = arith.constant 0 : index
    %swap3A_24 = arith.constant 0 : index
    %swap3A_25 = arith.constant 0 : index
    %swap3A_26 = vector.load %arg5[%swap3A_23, %swap3A_24, %swap3A_25] : memref<80x128x128xf32, #tpu.memory_space<vmem>>, vector<80x128x128xf32>
    tpu.vector_store %arg5[%swap3A_23, %swap3A_24, %swap3A_25], %mul3A_22 {strides = array<i32>} : memref<80x128x128xf32, #tpu.memory_space<vmem>>, vector<80x128x128xf32>,
    %slice3A_27 = vector.extract_strided_slice %get3A_19 {offsets = [0, 128], sizes = [128, 128], strides = [1, 1]} : vector<128x256xf32> to vector<128x128xf32>
    %dot_general3A_28 = arith.constant dense<0.000000e+00> : vector<80x128x128xf32>
    %dot_general3A_29 = tpu.matmul %get3A_16, %slice3A_27, %dot_general3A_28 {dimension_numbers = #tpu.dot_dimension_numbers<[2], [0], [0, 1], [1], [0, 0, 0, 1, 1, 1], [], []>, transpose_lhs_hint = false} : vector<80x128x128xf32>, vector<128x128xf32>, vector<80x128x128xf32> -> vector<80x128x128xf32>
    %broadcast_in_dim3A_30 = vector.shape_cast %mul3A : vector<80x128xf32> to vector<80x128x1xf32>
    %mul3A_31 = vector.broadcast %broadcast_in_dim3A_30 : vector<80x128x1xf32> to vector<80x128x128xf32>
    %mul3A_32 = arith.mulf %dot_general3A_29, %mul3A_31 : vector<80x128x128xf32>
    %swap3A_33 = arith.constant 0 : index
    %swap3A_34 = arith.constant 0 : index
    %swap3A_35 = arith.constant 0 : index
    %swap3A_36 = vector.load %arg6[%swap3A_33, %swap3A_34, %swap3A_35] : memref<80x128x128xf32, #tpu.memory_space<vmem>>, vector<80x128x128xf32>
    tpu.vector_store %arg6[%swap3A_33, %swap3A_34, %swap3A_35], %mul3A_32 {strides = array<i32>} : memref<80x128x128xf32, #tpu.memory_space<vmem>>, vector<80x128x128xf32>,
    return
  }
}

module attributes {stable_mosaic.version = 14 : i64} {
  func.func @_tc_h_body(%arg0: memref<80x128x128xf32, #tpu.memory_space<vmem>>, %arg1: memref<80x128x128xf32, #tpu.memory_space<vmem>>, %arg2: memref<80x128x128xf32, #tpu.memory_space<vmem>>, %arg3: memref<80x128x128xf32, #tpu.memory_space<vmem>>, %arg4: memref<80x128xf32, #tpu.memory_space<vmem>>, %arg5: memref<80x128xf32, #tpu.memory_space<vmem>>, %arg6: memref<1x256xf32, #tpu.memory_space<vmem>>, %arg7: memref<1x256xf32, #tpu.memory_space<vmem>>, %arg8: memref<256x256xf32, #tpu.memory_space<vmem>>, %arg9: memref<1x256xf32, #tpu.memory_space<vmem>>, %arg10: memref<256x128xf32, #tpu.memory_space<vmem>>, %arg11: memref<2x128xf32, #tpu.memory_space<vmem>>, %arg12: memref<1x128xf32, #tpu.memory_space<vmem>>, %arg13: memref<1x128xf32, #tpu.memory_space<vmem>>, %arg14: memref<8x128xf32, #tpu.memory_space<vmem>>, %arg15: memref<8x256xf32, #tpu.memory_space<vmem>>) attributes {dimension_semantics = [], scalar_prefetch = 0 : i64, scratch_operands = 0 : i64, tpu.core_type = #tpu.core_type<tc>} {
    %get3A = arith.constant 0 : index
    %get3A_0 = arith.constant 0 : index
    %get3A_1 = vector.load %arg4[%get3A, %get3A_0] : memref<80x128xf32, #tpu.memory_space<vmem>>, vector<80x128xf32>
    %get3A_2 = arith.constant 0 : index
    %get3A_3 = arith.constant 0 : index
    %get3A_4 = vector.load %arg7[%get3A_2, %get3A_3] : memref<1x256xf32, #tpu.memory_space<vmem>>, vector<1x256xf32>
    %mul3A = arith.mulf %get3A_4, %get3A_4 : vector<1x256xf32>
    %reduce_sum3A = vector.shape_cast %mul3A : vector<1x256xf32> to vector<1x1x256xf32>
    %reduce_sum3A_5 = arith.constant dense<0.000000e+00> : vector<1xf32>
    %reduce_sum3A_6 = vector.multi_reduction <add>, %reduce_sum3A, %reduce_sum3A_5 [1, 2] : vector<1x1x256xf32> to vector<1xf32>
    %reduce_sum3A_7 = vector.shape_cast %reduce_sum3A_6 : vector<1xf32> to vector<1x1x1xf32>
    %reduce_sum3A_8 = vector.extract %reduce_sum3A_7[0, 0, 0] : f32 from vector<1x1x1xf32>
    %rsqrt3A = math.rsqrt %reduce_sum3A_8 : f32
    %mul3A_9 = vector.broadcast %rsqrt3A : f32 to vector<1x256xf32>
    %mul3A_10 = arith.mulf %get3A_4, %mul3A_9 : vector<1x256xf32>
    %broadcast_in_dim3A = arith.constant 0.000000e+00 : f32
    %broadcast_in_dim3A_11 = vector.broadcast %broadcast_in_dim3A : f32 to vector<80x128xf32>
    %slice3A = vector.extract_strided_slice %mul3A_10 {offsets = [0, 0], sizes = [1, 128], strides = [1, 1]} : vector<1x256xf32> to vector<1x128xf32>
    %broadcast_in_dim3A_12 = vector.shape_cast %get3A_1 : vector<80x128xf32> to vector<80x128x1xf32>
    %get3A_13 = arith.constant 0 : index
    %get3A_14 = arith.constant 0 : index
    %get3A_15 = arith.constant 0 : index
    %get3A_16 = vector.load %arg2[%get3A_13, %get3A_14, %get3A_15] : memref<80x128x128xf32, #tpu.memory_space<vmem>>, vector<80x128x128xf32>
    %get3A_17 = arith.constant 0 : index
    %get3A_18 = arith.constant 0 : index
    %get3A_19 = arith.constant 0 : index
    %get3A_20 = vector.load %arg0[%get3A_17, %get3A_18, %get3A_19] : memref<80x128x128xf32, #tpu.memory_space<vmem>>, vector<80x128x128xf32>
    %add3A = arith.addf %get3A_16, %get3A_20 : vector<80x128x128xf32>
    %mul3A_21 = vector.broadcast %broadcast_in_dim3A_12 : vector<80x128x1xf32> to vector<80x128x128xf32>
    %mul3A_22 = arith.mulf %mul3A_21, %add3A : vector<80x128x128xf32>
    %get3A_23 = arith.constant 0 : index
    %get3A_24 = arith.constant 0 : index
    %get3A_25 = vector.load %arg6[%get3A_23, %get3A_24] : memref<1x256xf32, #tpu.memory_space<vmem>>, vector<1x128xf32>
    %broadcast_in_dim3A_26 = vector.shape_cast %get3A_25 : vector<1x128xf32> to vector<1x1x128xf32>
    %add3A_27 = vector.broadcast %broadcast_in_dim3A_26 : vector<1x1x128xf32> to vector<80x128x128xf32>
    %add3A_28 = arith.addf %mul3A_22, %add3A_27 : vector<80x128x128xf32>
    %max3A = arith.constant 0.000000e+00 : f32
    %max3A_29 = vector.broadcast %max3A : f32 to vector<80x128x128xf32>
    %max3A_30 = arith.maximumf %add3A_28, %max3A_29 : vector<80x128x128xf32>
    %dot_general3A = arith.constant dense<0.000000e+00> : vector<80x128x1xf32>
    %dot_general3A_31 = tpu.matmul %max3A_30, %slice3A, %dot_general3A {dimension_numbers = #tpu.dot_dimension_numbers<[2], [1], [0, 1], [0], [0, 0, 0, 1, 1, 0], [], []>, transpose_lhs_hint = false} : vector<80x128x128xf32>, vector<1x128xf32>, vector<80x128x1xf32> -> vector<80x128x1xf32>
    %squeeze3A = vector.shape_cast %dot_general3A_31 : vector<80x128x1xf32> to vector<80x128xf32>
    %add3A_32 = arith.addf %broadcast_in_dim3A_11, %squeeze3A : vector<80x128xf32>
    %slice3A_33 = vector.extract_strided_slice %mul3A_10 {offsets = [0, 128], sizes = [1, 128], strides = [1, 1]} : vector<1x256xf32> to vector<1x128xf32>
    %broadcast_in_dim3A_34 = vector.shape_cast %get3A_1 : vector<80x128xf32> to vector<80x128x1xf32>
    %get3A_35 = arith.constant 0 : index
    %get3A_36 = arith.constant 0 : index
    %get3A_37 = arith.constant 0 : index
    %get3A_38 = vector.load %arg3[%get3A_35, %get3A_36, %get3A_37] : memref<80x128x128xf32, #tpu.memory_space<vmem>>, vector<80x128x128xf32>
    %get3A_39 = arith.constant 0 : index
    %get3A_40 = arith.constant 0 : index
    %get3A_41 = arith.constant 0 : index
    %get3A_42 = vector.load %arg1[%get3A_39, %get3A_40, %get3A_41] : memref<80x128x128xf32, #tpu.memory_space<vmem>>, vector<80x128x128xf32>
    %add3A_43 = arith.addf %get3A_38, %get3A_42 : vector<80x128x128xf32>
    %mul3A_44 = vector.broadcast %broadcast_in_dim3A_34 : vector<80x128x1xf32> to vector<80x128x128xf32>
    %mul3A_45 = arith.mulf %mul3A_44, %add3A_43 : vector<80x128x128xf32>
    %get3A_46 = arith.constant 0 : index
    %get3A_47 = arith.constant 128 : index
    %get3A_48 = vector.load %arg6[%get3A_46, %get3A_47] : memref<1x256xf32, #tpu.memory_space<vmem>>, vector<1x128xf32>
    %broadcast_in_dim3A_49 = vector.shape_cast %get3A_48 : vector<1x128xf32> to vector<1x1x128xf32>
    %add3A_50 = vector.broadcast %broadcast_in_dim3A_49 : vector<1x1x128xf32> to vector<80x128x128xf32>
    %add3A_51 = arith.addf %mul3A_45, %add3A_50 : vector<80x128x128xf32>
    %max3A_52 = arith.constant 0.000000e+00 : f32
    %max3A_53 = vector.broadcast %max3A_52 : f32 to vector<80x128x128xf32>
    %max3A_54 = arith.maximumf %add3A_51, %max3A_53 : vector<80x128x128xf32>
    %dot_general3A_55 = arith.constant dense<0.000000e+00> : vector<80x128x1xf32>
    %dot_general3A_56 = tpu.matmul %max3A_54, %slice3A_33, %dot_general3A_55 {dimension_numbers = #tpu.dot_dimension_numbers<[2], [1], [0, 1], [0], [0, 0, 0, 1, 1, 0], [], []>, transpose_lhs_hint = false} : vector<80x128x128xf32>, vector<1x128xf32>, vector<80x128x1xf32> -> vector<80x128x1xf32>
    %squeeze3A_57 = vector.shape_cast %dot_general3A_56 : vector<80x128x1xf32> to vector<80x128xf32>
    %add3A_58 = arith.addf %add3A_32, %squeeze3A_57 : vector<80x128xf32>
    %max3A_59 = arith.constant 0.000000e+00 : f32
    %max3A_60 = vector.broadcast %max3A_59 : f32 to vector<80x128xf32>
    %max3A_61 = arith.maximumf %add3A_58, %max3A_60 : vector<80x128xf32>
    %get3A_62 = arith.constant 0 : index
    %get3A_63 = arith.constant 0 : index
    %get3A_64 = vector.load %arg5[%get3A_62, %get3A_63] : memref<80x128xf32, #tpu.memory_space<vmem>>, vector<80x128xf32>
    %mul3A_65 = arith.mulf %max3A_61, %get3A_64 : vector<80x128xf32>
    %bitcast_convert_type3A = tpu.bitcast %mul3A_65 : vector<80x128xf32> -> vector<80x128xi32>
    %scan3A = arith.constant 0 : i32
    %scan3A_66 = arith.constant 2139095041 : i32
    %scan3A_67 = arith.constant 0 : i32
    %scan3A_68 = arith.constant 31 : i32
    %scan3A_69 = arith.addi %scan3A_67, %scan3A_68 : i32
    %scan3A_70 = arith.constant 1 : i32
    %scan3A_71:2 = scf.for %scan3A_212 = %scan3A_67 to %scan3A_69 step %scan3A_70 iter_args(%scan3A_213 = %scan3A, %scan3A_214 = %scan3A_66) -> (i32, i32)  : i32 {
      %sub3A_215 = arith.subi %scan3A_214, %scan3A_213 : i32
      %jit3A_216 = arith.constant 2 : i32
      %div3A_217 = arith.divsi %sub3A_215, %jit3A_216 : i32
      %sign3A = arith.constant 0 : i32
      %sign3A_218 = arith.cmpi sgt, %sub3A_215, %sign3A : i32
      %sign3A_219 = arith.extui %sign3A_218 : i1 to i32
      %sign3A_220 = arith.constant 0 : i32
      %sign3A_221 = arith.cmpi slt, %sub3A_215, %sign3A_220 : i32
      %sign3A_222 = arith.extui %sign3A_221 : i1 to i32
      %sign3A_223 = arith.subi %sign3A_219, %sign3A_222 : i32
      %sign3A_224 = arith.constant 0 : i32
      %sign3A_225 = arith.cmpi sgt, %jit3A_216, %sign3A_224 : i32
      %sign3A_226 = arith.extui %sign3A_225 : i1 to i32
      %sign3A_227 = arith.constant 0 : i32
      %sign3A_228 = arith.cmpi slt, %jit3A_216, %sign3A_227 : i32
      %sign3A_229 = arith.extui %sign3A_228 : i1 to i32
      %sign3A_230 = arith.subi %sign3A_226, %sign3A_229 : i32
      %ne3A = arith.cmpi ne, %sign3A_223, %sign3A_230 : i32
      %rem3A = arith.remsi %sub3A_215, %jit3A_216 : i32
      %ne3A_231 = arith.constant 0 : i32
      %ne3A_232 = arith.cmpi ne, %rem3A, %ne3A_231 : i32
      %and3A = arith.andi %ne3A, %ne3A_232 : i1
      %sub3A_233 = arith.constant 1 : i32
      %sub3A_234 = arith.subi %div3A_217, %sub3A_233 : i32
      %select_n3A_235 = arith.select %and3A, %sub3A_234, %div3A_217 : i32
      %add3A_236 = arith.addi %scan3A_213, %select_n3A_235 : i32
      %ge3A_237 = vector.broadcast %add3A_236 : i32 to vector<80x128xi32>
      %ge3A_238 = arith.cmpi sge, %bitcast_convert_type3A, %ge3A_237 : vector<80x128xi32>
      %convert_element_type3A = arith.extui %ge3A_238 : vector<80x128xi1> to vector<80x128xi32>
      %reduce_sum3A_239 = vector.shape_cast %convert_element_type3A : vector<80x128xi32> to vector<1x80x128xi32>
      %reduce_sum3A_240 = arith.constant dense<0> : vector<1xi32>
      %reduce_sum3A_241 = vector.multi_reduction <add>, %reduce_sum3A_239, %reduce_sum3A_240 [1, 2] : vector<1x80x128xi32> to vector<1xi32>
      %reduce_sum3A_242 = vector.shape_cast %reduce_sum3A_241 : vector<1xi32> to vector<1x1x1xi32>
      %reduce_sum3A_243 = vector.extract %reduce_sum3A_242[0, 0, 0] : i32 from vector<1x1x1xi32>
      %ge3A_244 = arith.constant 6400 : i32
      %ge3A_245 = arith.cmpi sge, %reduce_sum3A_243, %ge3A_244 : i32
      %select_n3A_246 = arith.select %ge3A_245, %add3A_236, %scan3A_213 : i32
      %select_n3A_247 = arith.select %ge3A_245, %scan3A_214, %add3A_236 : i32
      scf.yield %select_n3A_246, %select_n3A_247 : i32, i32
    }
    %max3A_72 = arith.constant 1 : i32
    %max3A_73 = arith.maxsi %scan3A_71#0, %max3A_72 : i32
    %ge3A = vector.broadcast %max3A_73 : i32 to vector<80x128xi32>
    %ge3A_74 = arith.cmpi sge, %bitcast_convert_type3A, %ge3A : vector<80x128xi32>
    %jit3A = arith.constant 0.000000e+00 : f32
    %broadcast_in_dim3A_75 = vector.broadcast %jit3A : f32 to vector<80x128xf32>
    %select_n3A = arith.select %ge3A_74, %mul3A_65, %broadcast_in_dim3A_75 : vector<80x128xi1>, vector<80x128xf32>
    %broadcast_in_dim3A_76 = vector.shape_cast %get3A_1 : vector<80x128xf32> to vector<80x128x1xf32>
    %get3A_77 = arith.constant 0 : index
    %get3A_78 = arith.constant 0 : index
    %get3A_79 = arith.constant 0 : index
    %get3A_80 = vector.load %arg2[%get3A_77, %get3A_78, %get3A_79] : memref<80x128x128xf32, #tpu.memory_space<vmem>>, vector<80x128x128xf32>
    %get3A_81 = arith.constant 0 : index
    %get3A_82 = arith.constant 0 : index
    %get3A_83 = arith.constant 0 : index
    %get3A_84 = vector.load %arg0[%get3A_81, %get3A_82, %get3A_83] : memref<80x128x128xf32, #tpu.memory_space<vmem>>, vector<80x128x128xf32>
    %add3A_85 = arith.addf %get3A_80, %get3A_84 : vector<80x128x128xf32>
    %mul3A_86 = vector.broadcast %broadcast_in_dim3A_76 : vector<80x128x1xf32> to vector<80x128x128xf32>
    %mul3A_87 = arith.mulf %mul3A_86, %add3A_85 : vector<80x128x128xf32>
    %get3A_88 = arith.constant 0 : index
    %get3A_89 = arith.constant 0 : index
    %get3A_90 = vector.load %arg6[%get3A_88, %get3A_89] : memref<1x256xf32, #tpu.memory_space<vmem>>, vector<1x128xf32>
    %broadcast_in_dim3A_91 = vector.shape_cast %get3A_90 : vector<1x128xf32> to vector<1x1x128xf32>
    %add3A_92 = vector.broadcast %broadcast_in_dim3A_91 : vector<1x1x128xf32> to vector<80x128x128xf32>
    %add3A_93 = arith.addf %mul3A_87, %add3A_92 : vector<80x128x128xf32>
    %max3A_94 = arith.constant 0.000000e+00 : f32
    %max3A_95 = vector.broadcast %max3A_94 : f32 to vector<80x128x128xf32>
    %max3A_96 = arith.maximumf %add3A_93, %max3A_95 : vector<80x128x128xf32>
    %broadcast_in_dim3A_97 = vector.shape_cast %select_n3A : vector<80x128xf32> to vector<80x128x1xf32>
    %mul3A_98 = vector.broadcast %broadcast_in_dim3A_97 : vector<80x128x1xf32> to vector<80x128x128xf32>
    %mul3A_99 = arith.mulf %max3A_96, %mul3A_98 : vector<80x128x128xf32>
    %reduce_sum3A_100 = arith.constant dense<0.000000e+00> : vector<128x128xf32>
    %reduce_sum3A_101 = vector.multi_reduction <add>, %mul3A_99, %reduce_sum3A_100 [0] : vector<80x128x128xf32> to vector<128x128xf32>
    %reduce_sum3A_102 = arith.constant dense<0.000000e+00> : vector<128xf32>
    %reduce_sum3A_103 = vector.multi_reduction <add>, %reduce_sum3A_101, %reduce_sum3A_102 [0] : vector<128x128xf32> to vector<128xf32>
    %broadcast_in_dim3A_104 = vector.shape_cast %reduce_sum3A_103 : vector<128xf32> to vector<1x128xf32>
    %div3A = arith.constant 6.400000e+03 : f32
    %div3A_105 = vector.broadcast %div3A : f32 to vector<1x128xf32>
    %div3A_106 = arith.divf %broadcast_in_dim3A_104, %div3A_105 : vector<1x128xf32>
    %broadcast_in_dim3A_107 = vector.shape_cast %get3A_1 : vector<80x128xf32> to vector<80x128x1xf32>
    %get3A_108 = arith.constant 0 : index
    %get3A_109 = arith.constant 0 : index
    %get3A_110 = arith.constant 0 : index
    %get3A_111 = vector.load %arg3[%get3A_108, %get3A_109, %get3A_110] : memref<80x128x128xf32, #tpu.memory_space<vmem>>, vector<80x128x128xf32>
    %get3A_112 = arith.constant 0 : index
    %get3A_113 = arith.constant 0 : index
    %get3A_114 = arith.constant 0 : index
    %get3A_115 = vector.load %arg1[%get3A_112, %get3A_113, %get3A_114] : memref<80x128x128xf32, #tpu.memory_space<vmem>>, vector<80x128x128xf32>
    %add3A_116 = arith.addf %get3A_111, %get3A_115 : vector<80x128x128xf32>
    %mul3A_117 = vector.broadcast %broadcast_in_dim3A_107 : vector<80x128x1xf32> to vector<80x128x128xf32>
    %mul3A_118 = arith.mulf %mul3A_117, %add3A_116 : vector<80x128x128xf32>
    %get3A_119 = arith.constant 0 : index
    %get3A_120 = arith.constant 128 : index
    %get3A_121 = vector.load %arg6[%get3A_119, %get3A_120] : memref<1x256xf32, #tpu.memory_space<vmem>>, vector<1x128xf32>
    %broadcast_in_dim3A_122 = vector.shape_cast %get3A_121 : vector<1x128xf32> to vector<1x1x128xf32>
    %add3A_123 = vector.broadcast %broadcast_in_dim3A_122 : vector<1x1x128xf32> to vector<80x128x128xf32>
    %add3A_124 = arith.addf %mul3A_118, %add3A_123 : vector<80x128x128xf32>
    %max3A_125 = arith.constant 0.000000e+00 : f32
    %max3A_126 = vector.broadcast %max3A_125 : f32 to vector<80x128x128xf32>
    %max3A_127 = arith.maximumf %add3A_124, %max3A_126 : vector<80x128x128xf32>
    %broadcast_in_dim3A_128 = vector.shape_cast %select_n3A : vector<80x128xf32> to vector<80x128x1xf32>
    %mul3A_129 = vector.broadcast %broadcast_in_dim3A_128 : vector<80x128x1xf32> to vector<80x128x128xf32>
    %mul3A_130 = arith.mulf %max3A_127, %mul3A_129 : vector<80x128x128xf32>
    %reduce_sum3A_131 = arith.constant dense<0.000000e+00> : vector<128x128xf32>
    %reduce_sum3A_132 = vector.multi_reduction <add>, %mul3A_130, %reduce_sum3A_131 [0] : vector<80x128x128xf32> to vector<128x128xf32>
    %reduce_sum3A_133 = arith.constant dense<0.000000e+00> : vector<128xf32>
    %reduce_sum3A_134 = vector.multi_reduction <add>, %reduce_sum3A_132, %reduce_sum3A_133 [0] : vector<128x128xf32> to vector<128xf32>
    %broadcast_in_dim3A_135 = vector.shape_cast %reduce_sum3A_134 : vector<128xf32> to vector<1x128xf32>
    %div3A_136 = arith.constant 6.400000e+03 : f32
    %div3A_137 = vector.broadcast %div3A_136 : f32 to vector<1x128xf32>
    %div3A_138 = arith.divf %broadcast_in_dim3A_135, %div3A_137 : vector<1x128xf32>
    %concatenate3A = tpu.concatenate %div3A_106, %div3A_138 in 1 : vector<1x128xf32>, vector<1x128xf32> -> vector<1x256xf32>
    %get3A_139 = arith.constant 0 : index
    %get3A_140 = arith.constant 0 : index
    %get3A_141 = vector.load %arg8[%get3A_139, %get3A_140] : memref<256x256xf32, #tpu.memory_space<vmem>>, vector<256x256xf32>
    %dot_general3A_142 = arith.constant dense<0.000000e+00> : vector<1x256xf32>
    %dot_general3A_143 = tpu.matmul %concatenate3A, %get3A_141, %dot_general3A_142 {dimension_numbers = #tpu.dot_dimension_numbers<[1], [0], [0], [1], [0, 0, 1, 1], [], []>, transpose_lhs_hint = false} : vector<1x256xf32>, vector<256x256xf32>, vector<1x256xf32> -> vector<1x256xf32>
    %get3A_144 = arith.constant 0 : index
    %get3A_145 = arith.constant 0 : index
    %get3A_146 = vector.load %arg9[%get3A_144, %get3A_145] : memref<1x256xf32, #tpu.memory_space<vmem>>, vector<1x256xf32>
    %add3A_147 = arith.addf %dot_general3A_143, %get3A_146 : vector<1x256xf32>
    %max3A_148 = arith.constant 0.000000e+00 : f32
    %max3A_149 = vector.broadcast %max3A_148 : f32 to vector<1x256xf32>
    %max3A_150 = arith.maximumf %add3A_147, %max3A_149 : vector<1x256xf32>
    %get3A_151 = arith.constant 0 : index
    %get3A_152 = arith.constant 0 : index
    %get3A_153 = vector.load %arg13[%get3A_151, %get3A_152] : memref<1x128xf32, #tpu.memory_space<vmem>>, vector<1x1xf32>
    %get3A_154 = vector.extract %get3A_153[0, 0] : f32 from vector<1x1xf32>
    %get3A_155 = arith.constant 0 : index
    %get3A_156 = arith.constant 1 : index
    %get3A_157 = vector.load %arg13[%get3A_155, %get3A_156] : memref<1x128xf32, #tpu.memory_space<vmem>>, vector<1x1xf32>
    %get3A_158 = vector.extract %get3A_157[0, 0] : f32 from vector<1x1xf32>
    %get3A_159 = arith.constant 0 : index
    %get3A_160 = arith.constant 0 : index
    %get3A_161 = vector.load %arg10[%get3A_159, %get3A_160] : memref<256x128xf32, #tpu.memory_space<vmem>>, vector<256x128xf32>
    %dot_general3A_162 = arith.constant dense<0.000000e+00> : vector<1x128xf32>
    %dot_general3A_163 = tpu.matmul %max3A_150, %get3A_161, %dot_general3A_162 {dimension_numbers = #tpu.dot_dimension_numbers<[1], [0], [0], [1], [0, 0, 1, 1], [], []>, transpose_lhs_hint = false} : vector<1x256xf32>, vector<256x128xf32>, vector<1x128xf32> -> vector<1x128xf32>
    %get3A_164 = arith.constant 0 : index
    %get3A_165 = arith.constant 0 : index
    %get3A_166 = vector.load %arg11[%get3A_164, %get3A_165] : memref<2x128xf32, #tpu.memory_space<vmem>>, vector<1x128xf32>
    %mul3A_167 = vector.broadcast %get3A_154 : f32 to vector<1x128xf32>
    %mul3A_168 = arith.mulf %mul3A_167, %get3A_166 : vector<1x128xf32>
    %add3A_169 = arith.addf %dot_general3A_163, %mul3A_168 : vector<1x128xf32>
    %get3A_170 = arith.constant 1 : index
    %get3A_171 = arith.constant 0 : index
    %get3A_172 = vector.load %arg11[%get3A_170, %get3A_171] : memref<2x128xf32, #tpu.memory_space<vmem>>, vector<1x128xf32>
    %mul3A_173 = vector.broadcast %get3A_158 : f32 to vector<1x128xf32>
    %mul3A_174 = arith.mulf %mul3A_173, %get3A_172 : vector<1x128xf32>
    %add3A_175 = arith.addf %add3A_169, %mul3A_174 : vector<1x128xf32>
    %get3A_176 = arith.constant 0 : index
    %get3A_177 = arith.constant 0 : index
    %get3A_178 = vector.load %arg12[%get3A_176, %get3A_177] : memref<1x128xf32, #tpu.memory_space<vmem>>, vector<1x128xf32>
    %add3A_179 = arith.addf %add3A_175, %get3A_178 : vector<1x128xf32>
    %iota3A = tpu.iota {dimensions = array<i32: 1>} : vector<1x128xi32>
    %lt3A = arith.constant 5 : i32
    %lt3A_180 = vector.broadcast %lt3A : i32 to vector<1x128xi32>
    %lt3A_181 = arith.cmpi slt, %iota3A, %lt3A_180 : vector<1x128xi32>
    %jit3A_182 = arith.constant -3.000000e+38 : f32
    %broadcast_in_dim3A_183 = vector.broadcast %jit3A_182 : f32 to vector<1x128xf32>
    %select_n3A_184 = arith.select %lt3A_181, %add3A_179, %broadcast_in_dim3A_183 : vector<1x128xi1>, vector<1x128xf32>
    %reduce_max3A = vector.shape_cast %select_n3A_184 : vector<1x128xf32> to vector<1x1x128xf32>
    %reduce_max3A_185 = arith.constant dense<0xFF800000> : vector<1xf32>
    %reduce_max3A_186 = vector.multi_reduction <maximumf>, %reduce_max3A, %reduce_max3A_185 [1, 2] : vector<1x1x128xf32> to vector<1xf32>
    %reduce_max3A_187 = vector.shape_cast %reduce_max3A_186 : vector<1xf32> to vector<1x1x1xf32>
    %reduce_max3A_188 = vector.extract %reduce_max3A_187[0, 0, 0] : f32 from vector<1x1x1xf32>
    %lt3A_189 = arith.constant 5 : i32
    %lt3A_190 = vector.broadcast %lt3A_189 : i32 to vector<1x128xi32>
    %lt3A_191 = arith.cmpi slt, %iota3A, %lt3A_190 : vector<1x128xi32>
    %sub3A = vector.broadcast %reduce_max3A_188 : f32 to vector<1x128xf32>
    %sub3A_192 = arith.subf %select_n3A_184, %sub3A : vector<1x128xf32>
    %exp3A = math.exp %sub3A_192 : vector<1x128xf32>
    %jit3A_193 = arith.constant 0.000000e+00 : f32
    %broadcast_in_dim3A_194 = vector.broadcast %jit3A_193 : f32 to vector<1x128xf32>
    %select_n3A_195 = arith.select %lt3A_191, %exp3A, %broadcast_in_dim3A_194 : vector<1x128xi1>, vector<1x128xf32>
    %reduce_sum3A_196 = vector.shape_cast %select_n3A_195 : vector<1x128xf32> to vector<1x1x128xf32>
    %reduce_sum3A_197 = arith.constant dense<0.000000e+00> : vector<1xf32>
    %reduce_sum3A_198 = vector.multi_reduction <add>, %reduce_sum3A_196, %reduce_sum3A_197 [1, 2] : vector<1x1x128xf32> to vector<1xf32>
    %reduce_sum3A_199 = vector.shape_cast %reduce_sum3A_198 : vector<1xf32> to vector<1x1x1xf32>
    %reduce_sum3A_200 = vector.extract %reduce_sum3A_199[0, 0, 0] : f32 from vector<1x1x1xf32>
    %div3A_201 = vector.broadcast %reduce_sum3A_200 : f32 to vector<1x128xf32>
    %div3A_202 = arith.divf %select_n3A_195, %div3A_201 : vector<1x128xf32>
    %broadcast_in_dim3A_203 = vector.shape_cast %div3A_202 : vector<1x128xf32> to vector<1x128xf32>
    %broadcast_in_dim3A_204 = vector.broadcast %broadcast_in_dim3A_203 : vector<1x128xf32> to vector<8x128xf32>
    %swap3A = arith.constant 0 : index
    %swap3A_205 = arith.constant 0 : index
    %swap3A_206 = vector.load %arg14[%swap3A, %swap3A_205] : memref<8x128xf32, #tpu.memory_space<vmem>>, vector<8x128xf32>
    tpu.vector_store %arg14[%swap3A, %swap3A_205], %broadcast_in_dim3A_204 {strides = array<i32>} : memref<8x128xf32, #tpu.memory_space<vmem>>, vector<8x128xf32>,
    %broadcast_in_dim3A_207 = vector.shape_cast %max3A_150 : vector<1x256xf32> to vector<1x256xf32>
    %broadcast_in_dim3A_208 = vector.broadcast %broadcast_in_dim3A_207 : vector<1x256xf32> to vector<8x256xf32>
    %swap3A_209 = arith.constant 0 : index
    %swap3A_210 = arith.constant 0 : index
    %swap3A_211 = vector.load %arg15[%swap3A_209, %swap3A_210] : memref<8x256xf32, #tpu.memory_space<vmem>>, vector<8x256xf32>
    tpu.vector_store %arg15[%swap3A_209, %swap3A_210], %broadcast_in_dim3A_208 {strides = array<i32>} : memref<8x256xf32, #tpu.memory_space<vmem>>, vector<8x256xf32>,
    return
  }
}

</mosaic_0001>

<sc_bundles>
// kernel: kernel.10.cloned.1.call-start
scs
__scs_entry_jumppad:
0x0: {  	(pc) =	sbr.rel $0x88, $3  }
0x1: {  	(tag) =	ssettag $0x0;
	lr =	simm.s32 $0x1  }
0x2: {  	[smem:$0x3F93] =	sst lr;
	_ =	strace $0xD0000000  }
0x3: {  	_ = 	snop  }
0x4: {  	_ = 	snop  }
0x5: {  	_ = 	snop  }
0x6: {  	_ = 	snop  }
0x7: {  	_ = 	snop  }
__scs_overlays_trampoline_lowered:
0x8: {  	[smem:$0x3FA2] =	sst s0  }
0x9: {  	[smem:$0x3FA3] =	sst s1  }
0xa: {  	[smem:$0x3FA4] =	sst s2  }
0xb: {  	[smem:$0x3FA5] =	sst s3  }
0xc: {  	[smem:$0x3FA6] =	sst s4  }
0xd: {  	[smem:$0x3FA7] =	sst s5  }
0xe: {  	[smem:$0x3FA8] =	sst s6  }
0xf: {  	[smem:$0x3FA9] =	sst s7  }
0x10: {  	[smem:$0x3FAA] =	sst s8  }
0x11: {  	[smem:$0x3FAB] =	sst s9;
	s0 =	simm.s32 @!p0 $0x0  }
0x12: {  	s1 =	sld [smem:$0x3F91];
	s0 =	simm.s32 @p0 $0x1  }
0x13: {  	[smem:$0x3FAC] =	sst s0;
	s0 =	simm.s32 @!p1 $0x0  }
0x14: {  	s2 =	sld [smem:$0x3F90];
	s0 =	simm.s32 @p1 $0x1  }
0x15: {  	[smem:$0x3FAD] =	sst s0;
	s0 =	simm.s32 @!p2 $0x0  }
0x16: {  	s3 =	sld [smem:$0x3FDB];
	s0 =	simm.s32 @p2 $0x1  }
0x17: {  	s4 =	simm.s32 $0x1BF5;
	[smem:$0x3FAF] =	sst s0  }
0x18: {  	s0 =	sld [smem:$0x3F92];
	_ =	swait.ge [sflag:s4], $0x0  }
0x19: {  	s7 =	sld [smem:$0x3F93]  }
0x1a: {  	s8 =	sadd.s32 $0xFFFFE003, lr  }
0x1b: {  	s9 =	sadd.s32 $0xFFFFFEF7, lr;
	s5 =	simm.s32 $0xFFFFFFFF;
	p2 =	slt.u32 s8, $0xFFFFF086  }
0x1c: {  	p1 =	slt.u32 s9, $0xF7A;
	s5 =	simm.s32 @!p2 $0x0  }
0x1d: {  	s5 =	simm.s32 @p1 $0x1;
	p0 =	seq.s32 s7, s2  }
0x1e: {  	s7 =	smul.u32 @!p0 $0xF7A, s2;
	p2 =	seq.s32 @!p0 s5, $0x0  }
0x1f: {  	s9 =	smul.u32 $0xF7A, s1;
	s8 =	simm.s32 @!p0 $0x1BF5;
	p2 =	por !p2, p0  }
0x20: {  	[sflag:s8] =	ssyncset.s32 @!p0 $0xFFFFF086;
	s6 =	sadd.s32 @!p0 s3, s7;
	s7 =	simm.s32 @!p0 $0x108  }
0x21: {  	s3 =	sadd.s32 s3, s9;
	s6 =	sadd.s32 @!p0 $0x88, s6;
	s7 =	simm.s32 @p2 $0x1082  }
0x22: {  	[simem:s7], [sflag:s8] =	dma.local @!p0 [hbm:s6], $0xF7A  }
0x23: {  	s9 =	sor.u32 $0xD0000000, s2;
	s6 =	simm.s32 $0x108;
	_ =	swait.ge @!p0 [sflag:s8], $0x0  }
0x24: {  	s3 =	sadd.s32 $0x88, s3;
	s6 =	simm.s32 @!p1 $0x1082;
	[sflag:s4] =	ssyncset.s32 $0xFFFFF086  }
0x25: {  	[simem:s6], [sflag:s4] =	dma.local [hbm:s3], $0xF7A  }
0x26: {  	[smem:$0x3F93] =	sst s1;
	(tag) =	ssettag s2;
	_ =	strace s9  }
0x27: {  	s1 =	sld [smem:$0x3FA3]  }
0x28: {  	s2 =	sld [smem:$0x3FA4]  }
0x29: {  	s4 =	sld [smem:$0x3FA6]  }
0x2a: {  	p0 =	seq.s32 s5, $0x0;
	s5 =	sld [smem:$0x3FA7]  }
0x2b: {  	s6 =	sld [smem:$0x3FA8]  }
0x2c: {  	s7 =	sld [smem:$0x3FA9]  }
0x2d: {  	s3 =	simm.s32 $0x108;
	s8 =	sld [smem:$0x3FAA]  }
0x2e: {  	s3 =	simm.s32 @!p0 $0x1082;
	s9 =	sld [smem:$0x3FAB]  }
0x2f: {  	lr =	sadd.s32 s0, s3;
	s0 =	sld [smem:$0x3FA2]  }
0x30: {  	s3 =	sld [smem:$0x3FA5]  }
0x31: {  	[smem:$0x3FAE] =	sst s10  }
0x32: {  	s10 =	sld [smem:$0x3FAC];
	_ =	sdelay $0x3  }
0x33: {  	p0 =	seq.s32 s10, $0x1;
	s10 =	sld [smem:$0x3FAE];
	_ =	sdelay $0x3  }
0x34: {  	[smem:$0x3FAE] =	sst s10  }
0x35: {  	s10 =	sld [smem:$0x3FAD];
	_ =	sdelay $0x3  }
0x36: {  	p1 =	seq.s32 s10, $0x1;
	s10 =	sld [smem:$0x3FAE];
	_ =	sdelay $0x3  }
0x37: {  	[smem:$0x3FAE] =	sst s10  }
0x38: {  	s10 =	sld [smem:$0x3FAF]  }
0x39: {  	_ = 	snop;
	(pc) =	sbr.ind lr, $3  }
0x3a: {  	_ = 	snop  }
0x3b: {  	_ = 	snop  }
0x3c: {  	p2 =	seq.s32 s10, $0x1;
	s10 =	sld [smem:$0x3FAE]  }
0x3d: {  	_ =	shalt  }
0x3e: {  	_ =	shalt  }
0x3f: {  	_ =	shalt  }
0x40: {  	_ =	shalt  }
0x41: {  	_ =	shalt  }
0x42: {  	_ =	shalt  }
0x43: {  	_ =	shalt  }
0x44: {  	_ =	shalt  }
0x45: {  	_ =	shalt  }
0x46: {  	_ =	shalt  }
0x47: {  	_ =	shalt  }
0x48: {  	_ =	shalt  }
0x49: {  	_ =	shalt  }
0x4a: {  	_ =	shalt  }
0x4b: {  	_ =	shalt  }
0x4c: {  	_ =	shalt  }
0x4d: {  	_ =	shalt  }
0x4e: {  	_ =	shalt  }
0x4f: {  	_ =	shalt  }
0x50: {  	_ =	shalt  }
0x51: {  	_ =	shalt  }
0x52: {  	_ =	shalt  }
0x53: {  	_ =	shalt  }
0x54: {  	_ =	shalt  }
0x55: {  	_ =	shalt  }
0x56: {  	_ =	shalt  }
0x57: {  	_ =	shalt  }
0x58: {  	_ =	shalt  }
0x59: {  	_ =	shalt  }
0x5a: {  	_ =	shalt  }
0x5b: {  	_ =	shalt  }
0x5c: {  	_ =	shalt  }
0x5d: {  	_ =	shalt  }
0x5e: {  	_ =	shalt  }
0x5f: {  	_ =	shalt  }
0x60: {  	_ =	shalt  }
0x61: {  	_ =	shalt  }
0x62: {  	_ =	shalt  }
0x63: {  	_ =	shalt  }
0x64: {  	_ =	shalt  }
0x65: {  	_ =	shalt  }
0x66: {  	_ =	shalt  }
0x67: {  	_ =	shalt  }
0x68: {  	_ =	shalt  }
0x69: {  	_ =	shalt  }
0x6a: {  	_ =	shalt  }
0x6b: {  	_ =	shalt  }
0x6c: {  	_ =	shalt  }
0x6d: {  	_ =	shalt  }
0x6e: {  	_ =	shalt  }
0x6f: {  	_ =	shalt  }
0x70: {  	_ =	shalt  }
0x71: {  	_ =	shalt  }
0x72: {  	_ =	shalt  }
0x73: {  	_ =	shalt  }
0x74: {  	_ =	shalt  }
0x75: {  	_ =	shalt  }
0x76: {  	_ =	shalt  }
0x77: {  	_ =	shalt  }
0x78: {  	_ =	shalt  }
0x79: {  	_ =	shalt  }
0x7a: {  	_ =	shalt  }
0x7b: {  	_ =	shalt  }
0x7c: {  	_ =	shalt  }
0x7d: {  	_ =	shalt  }
0x7e: {  	_ =	shalt  }
0x7f: {  	_ =	shalt  }
0x80: {  	_ =	shalt  }
0x81: {  	_ =	shalt  }
0x82: {  	_ =	shalt  }
0x83: {  	_ =	shalt  }
0x84: {  	_ =	shalt  }
0x85: {  	_ =	shalt  }
0x86: {  	_ =	shalt  }
0x87: {  	_ =	shalt  }
.Lfunc_end0:
.L_simem_size_0:
called_computation_lowered:
.L_overlay_start_0:
0x88: {  	s2 =	sld [smem:$0x3FD9]  }
0x89: {  	s3 =	sld [smem:$0x3FFE];
	_ =	sdelay $0x1  }
0x8a: {  	s1 =	srdreg.scid  }
0x8b: {  	s0 =	sand.u32 $0x1, s1  }
0x8c: {  	s16 =	sshll.u32 s0, $0xA;
	s2 =	sadd.s32 s3, s2  }
0x8d: {  	s2 =	sadd.s32 s2, s16  }
0x8e: {  	[smem:$0x3FBA] =	sst s2  }
0x8f: {  	_ = 	snop  }
0x90: {  	(tm) =	ssettm $0x1  }
0x91: {  	s17 =	sld [smem:$0x3FFB];
	_ =	sdelay $0x3  }
0x92: {  	_ =	strace s17  }
0x93: {  	s2 =	sld [smem:$0x3FFC];
	_ =	sdelay $0x3  }
0x94: {  	_ =	strace s2  }
0x95: {  	s2 =	sld [smem:$0x3FFD];
	_ =	sdelay $0x3  }
0x96: {  	_ =	strace s2  }
0x97: {  	_ =	strace $0x8FFFFFFF  }
0x98: {  	s18 =	sld [smem:$0x3FDB];
	_ =	sdelay $0x1  }
0x99: {  	s19 =	simm.s32 $_scs_section_size  }
0x9a: {  	s4 =	simm.s32 $_size__tile_overlayer_lowered;
	s5 =	simm.s32 $_tile_overlayer_lowered  }
0x9b: {  	s22 =	simm.s32 $0x1BFF;
	s21 =	sshll.u32 s5, $0x1;
	s2 =	sadd.s32 s19, s18  }
0x9c: {  	s6 =	simm.s32 $0x0;
	s20 =	sshll.u32 s4, $0x1;
	s4 =	sadd.s32 s21, s2  }
0x9d: {  	[timem:s6], [sflag:s22] =	dma.local [hbm:s4], s20  }
0x9e: {  	_ =	swait.ge [sflag:s22], s20  }
0x9f: {  	s3 =	ssub.s32 $0x0, s20;
	[sflag:s22] =	ssyncset.done $0x0  }
0xa0: {  	[sflag:s22] =	ssyncadd.s32 s3;
	_ =	sdelay $0x1  }
0xa1: {  	s23 =	simm.s32 $0x1B8B  }
0xa2: {  	_ =	swait.ge [sflag:s23], $0x1  }
0xa3: {  	[sflag:s23] =	ssyncset.done $0x0  }
0xa4: {  	s25 =	simm.s32 $0x1B8E;
	s24 =	sld [smem:$0x3FFE];
	[sflag:s23] =	ssyncadd.s32 $0xFFFFFFFF  }
0xa5: {  	s26 =	simm.s32 $execute0_lowered;
	[smem:$0x3FD2] =	sst s25  }
0xa6: {  	s4 =	sshll.u32 s26, $0x1;
	_ =	strace $0x80000046;
	[dreg:$0x1] =	wrdreg $0xFFFFFFFF  }
0xa7: {  	s28 =	simm.s32 $_size_execute0_lowered;
	s2 =	sadd.s32 s2, s4;
	[dreg:$0x0] =	wrdreg $0x0  }
0xa8: {  	s4 =	sshll.u32 s28, $0x1;
	[dreg:$0x2] =	wrdreg s2  }
0xa9: {  	[dreg:$0x3] =	wrdreg s4  }
0xaa: {  	[dreg:$0x4] =	wrdreg $0xC0  }
0xab: {  	_ =	task [dreg:s6], $0x5FFFF  }
0xac: {  	[dreg:$0x1] =	wrdreg $0xFFFFFFFF  }
0xad: {  	[dreg:$0x0] =	wrdreg $0x60  }
0xae: {  	[dreg:$0x2] =	wrdreg s24  }
0xaf: {  	[dreg:$0x3] =	wrdreg $0x80000  }
0xb0: {  	[dreg:$0x4] =	wrdreg $0x9  }
0xb1: {  	_ =	task.clear_ibuf [dreg:s6], $0x5FFFF;
	_ =	strace $0x90000046  }
0xb2: {  	s29 =	simm.s32 $0x9;
	_ =	strace $0x80000048  }
0xb3: {  	_ =	swait.ge [sflag:s29], $0x1  }
0xb4: {  	[sflag:s29] =	ssyncadd.s32 $0xFFFFFFFF  }
0xb5: {  	_ =	strace $0x90000048  }
0xb6: {  	_ =	sfence  }
0xb7: {  	s30 =	sld [smem:$0x0];
	_ =	sdelay $0x2  }
0xb8: {  	s31 =	sshll.u32 s1, $0xD;
	s1 =	sshrl.u32 s1, $0x2  }
0xb9: {  	s3 =	sand.u32 $0x4000, s31;
	s1 =	sadd.s32 s1, s30  }
0xba: {  	s0 =	sor.u32 s3, s0;
	s1 =	sshll.u32 s1, $0x11  }
0xbb: {  	s0 =	sor.u32 s1, s0  }
0xbc: {  	s0 =	sadd.s32 $0x8F2B, s0  }
0xbd: {  	[sflag:s0] =	ssyncadd.remote.s32 $0x1  }
0xbe: {  	_ =	sfence.sel $0xFFFF  }
0xbf: {  	[dreg:$0x0] =	wrdreg $0xFFFFFFFF;
	(pc) =	sbr.abs _section_cstart, $3  }
0xc0: {  	[dreg:$0x1] =	wrdreg $0xFFFFFFFF  }
0xc1: {  	_ =	task.clear_ibuf [dreg:s6], $0x2FFFF;
	_ =	strace $0x9FFFFFFF  }
0xc2: {  	(tm) =	ssettm $0x7FFFFFFF  }
0xc3: {  	_ =	shalt  }
tec
execute0_lowered:
.L_overlay_start_1:
0x0: {  	(tag) =	ssettag $0x1  }
0x1: {  	s1 =	srdreg.scid  }
0x2: {  	s0 =	stileid.u32;
	s12 =	rddreg [dreg:$0x0]  }
0x3: {  	s2 =	rddreg [dreg:$0x1];
	s3 =	simm.s32 $0x0;
	s15 =	simm.s32 $0x1D800  }
0x4: {  	s16 =	simm.s32 $0x2800;
	s17 =	simm.s32 $0x5000;
	s18 =	simm.s32 $0x80  }
0x5: {  	s9 =	sand.u32 $0x1, s1;
	s1 =	rddreg [dreg:$0x2];
	s5 =	smul.u32 $0xA000, s0  }
0x6: {  	s31 =	sshll.u32 s0, $0x1;
	[smem:$0x7FF] =	sst s3;
	s13 =	smul.u32 $0x2800, s0  }
0x7: {  	s19 =	sshll.u32 s0, $0x6;
	s4 =	sor.u32 s9, s31;
	_ =	strace $0x80000047  }
0x8: {  	s6 =	ssub.s32 $0x2, s9;
	p0 =	seq.s32 s9, $0x1;
	s19 =	sor.u32 $0x1C01, s19  }
0x9: {  	s4 =	smul.u32 $0x500, s4;
	s7 =	sshrl.u32 s6, $0x1;
	s5 =	sshrl.u32 s5, $0x2  }
0xa: {  	v0 =	vlaneseq.u32;
	s15 =	simm.s32 @!p0 $0x18800;
	s14 =	ssub.s32 s6, s7;
	s10 =	sadd.s32 s5, s2  }
0xb: {  	v0 =	vmul.u32 $0x10, v0;
	s5 =	sadd.s32 s13, s2;
	s13 =	sshrl.u32 s13, $0x3;
	s15 =	sadd.s32 s15, s12  }
0xc: {  	s11 =	sadd.s32 s4, s12;
	s4 =	sadd.s32 $0x4200, s12;
	s6 =	sadd.s32 $0x800, s10  }
0xd: {  	v1 =	vimm.f32 $0.0e+00;
	v2 =	vor.u32 $0x100, v0;
	s7 =	sadd.s32 $0x1000, s10;
	s8 =	sadd.s32 $0x1800, s10;
	s9 =	sadd.s32 $0x2000, s10  }
0xe: {  	v3 =	vor.u32 $0x200, v0;
	v4 =	vor.u32 $0x300, v0;
	v5 =	vor.u32 $0x400, v0;
	s12 =	smax.u32 s14, $0x1;
	s13 =	sadd.s32 s15, s13;
	s14 =	simm.s32 $0x7800  }
0xf: {  	v6 =	vor.u32 $0x500, v0;
	v7 =	vor.u32 $0x600, v0;
	v8 =	vor.u32 $0x700, v0;
	s15 =	simm.s32 $0x1;
	s10 =	sadd.s32 $0xE800, s11;
	s11 =	sadd.s32 $0x4800, s11  }
.LBB2_1:
0x10: {  	s20 =	simm.s32 $0x40;
	s21 =	simm.s32 $0x0  }
.LBB2_2:
0x11: {  	p0 =	sne.s32 s20, $0x1FC0;
	[tilespmem:s21+$0x7800] =	vst v1;
	s21 =	smov.u32 s20;
	s20 =	sadd.s32 $0x40, s20  }
.Ltmp0:
0x12: {  	(pc) =	sbr.rel @p0 .LBB2_2-.Ltmp0, $2  }
0x13: {  	_ =	sdelay $0x2  }
0x14: {  	s21 =	sshra.s32 s21, $0x2  }
0x15: {  	[tilespmem:s21+$0x7800] =	vst v1  }
0x16: {  	[spmem:s5] =	stream.linear.scatter [tilespmem:s14], [sflag:$0x1], $0x800, $0x38;
	[tilespmem:$0xA800] =	vst v63  }
0x17: {  	_ =	swait.ge [sflag:s15], $0x800  }
0x18: {  	[sflag:s15] =	ssyncset.done $0x0  }
0x19: {  	[sflag:s15] =	ssyncadd.s32 $0xFFFFF800  }
0x1a: {  	[spmem:s6] =	stream.linear.scatter [tilespmem:s14], [sflag:$0x1], $0x800, $0x38;
	[tilespmem:$0xA800] =	vst v63  }
0x1b: {  	_ =	swait.ge [sflag:s15], $0x800  }
0x1c: {  	[sflag:s15] =	ssyncset.done $0x0  }
0x1d: {  	[sflag:s15] =	ssyncadd.s32 $0xFFFFF800  }
0x1e: {  	[spmem:s7] =	stream.linear.scatter [tilespmem:s14], [sflag:$0x1], $0x800, $0x38;
	[tilespmem:$0xA800] =	vst v63  }
0x1f: {  	_ =	swait.ge [sflag:s15], $0x800  }
0x20: {  	[sflag:s15] =	ssyncset.done $0x0  }
0x21: {  	[sflag:s15] =	ssyncadd.s32 $0xFFFFF800  }
0x22: {  	[spmem:s8] =	stream.linear.scatter [tilespmem:s14], [sflag:$0x1], $0x800, $0x38;
	[tilespmem:$0xA800] =	vst v63  }
0x23: {  	_ =	swait.ge [sflag:s15], $0x800  }
0x24: {  	[sflag:s15] =	ssyncset.done $0x0  }
0x25: {  	[sflag:s15] =	ssyncadd.s32 $0xFFFFF800  }
0x26: {  	[spmem:s9] =	stream.linear.scatter [tilespmem:s14], [sflag:$0x1], $0x800, $0x38;
	[tilespmem:$0xA800] =	vst v63  }
0x27: {  	_ =	swait.ge [sflag:s15], $0x800  }
0x28: {  	[sflag:s15] =	ssyncset.done $0x0  }
0x29: {  	s20 =	simm.s32 $0x0;
	[sflag:s15] =	ssyncadd.s32 $0xFFFFF800  }
0x2a: {  	[tilespmem:s20], [sflag:$0x1] =	stream.linear.gather [hbm4b:s10+s20], $0x2800, $0x38;
	[tilespmem:$0xA800] =	vst v63  }
0x2b: {  	_ =	swait.ge [sflag:s15], $0x2800  }
0x2c: {  	[sflag:s15] =	ssyncset.done $0x0  }
0x2d: {  	[sflag:s15] =	ssyncadd.s32 $0xFFFFD800  }
0x2e: {  	[tilespmem:s16], [sflag:$0x1] =	stream.linear.gather [hbm4b:s11+s20], $0x2800, $0x38;
	[tilespmem:$0xA800] =	vst v63  }
0x2f: {  	_ =	swait.ge [sflag:s15], $0x2800  }
0x30: {  	[sflag:s15] =	ssyncset.done $0x0  }
0x31: {  	[sflag:s15] =	ssyncadd.s32 $0xFFFFD800  }
0x32: {  	[tilespmem:s17], [sflag:$0x1] =	stream.linear.gather [hbm4b:s4+s20], $0x2800, $0x38;
	[tilespmem:$0xA800] =	vst v63  }
0x33: {  	_ =	swait.ge [sflag:s15], $0x2800  }
0x34: {  	[sflag:s15] =	ssyncset.done $0x0  }
0x35: {  	[sflag:s15] =	ssyncadd.s32 $0xFFFFD800  }
0x36: {  	[bflag:$0x0] =	sbarrier.arrive $0xFFFF  }
.LBB2_4:
0x37: {  	s21 =	sshra.s32 s20, $0x2  }
0x38: {  	v9 =	vld [tilespmem:s21+$0x0]  }
0x39: {  	v10 =	vld [tilespmem:s21+$0x2800];
	_ =	sdelay $0x6  }
0x3a: {  	v9 =	vld.idx.msk [tilespmem:v9+s17+$0x0], $0xffff  }
0x3b: {  	v10 =	vld.idx.msk [tilespmem:v10+s17+$0x0], $0xffff;
	_ =	sdelay $0x4  }
0x3c: {  	v9 =	vmul.f32 v10, v9;
	_ =	sdelay $0x1  }
0x3d: {  	[tilespmem:v0+s14+$0x0] =	vst.idx.msk $0xffff, v9  }
0x3e: {  	v9 =	vld [tilespmem:s21+$0x10]  }
0x3f: {  	v10 =	vld [tilespmem:s21+$0x2810];
	_ =	sdelay $0x6  }
0x40: {  	v9 =	vld.idx.msk [tilespmem:v9+s17+$0x0], $0xffff  }
0x41: {  	v10 =	vld.idx.msk [tilespmem:v10+s17+$0x0], $0xffff;
	_ =	sdelay $0x4  }
0x42: {  	v9 =	vmul.f32 v10, v9;
	_ =	sdelay $0x1  }
0x43: {  	[tilespmem:v2+s14+$0x0] =	vst.idx.msk $0xffff, v9  }
0x44: {  	v9 =	vld [tilespmem:s21+$0x20]  }
0x45: {  	v10 =	vld [tilespmem:s21+$0x2820];
	_ =	sdelay $0x6  }
0x46: {  	v9 =	vld.idx.msk [tilespmem:v9+s17+$0x0], $0xffff  }
0x47: {  	v10 =	vld.idx.msk [tilespmem:v10+s17+$0x0], $0xffff;
	_ =	sdelay $0x4  }
0x48: {  	v9 =	vmul.f32 v10, v9;
	_ =	sdelay $0x1  }
0x49: {  	[tilespmem:v3+s14+$0x0] =	vst.idx.msk $0xffff, v9  }
0x4a: {  	v9 =	vld [tilespmem:s21+$0x30]  }
0x4b: {  	v10 =	vld [tilespmem:s21+$0x2830];
	_ =	sdelay $0x6  }
0x4c: {  	v9 =	vld.idx.msk [tilespmem:v9+s17+$0x0], $0xffff  }
0x4d: {  	v10 =	vld.idx.msk [tilespmem:v10+s17+$0x0], $0xffff;
	_ =	sdelay $0x4  }
0x4e: {  	v9 =	vmul.f32 v10, v9;
	_ =	sdelay $0x1  }
0x4f: {  	[tilespmem:v4+s14+$0x0] =	vst.idx.msk $0xffff, v9  }
0x50: {  	v9 =	vld [tilespmem:s21+$0x40]  }
0x51: {  	v10 =	vld [tilespmem:s21+$0x2840];
	_ =	sdelay $0x6  }
0x52: {  	v9 =	vld.idx.msk [tilespmem:v9+s17+$0x0], $0xffff  }
0x53: {  	v10 =	vld.idx.msk [tilespmem:v10+s17+$0x0], $0xffff;
	_ =	sdelay $0x4  }
0x54: {  	v9 =	vmul.f32 v10, v9;
	_ =	sdelay $0x1  }
0x55: {  	[tilespmem:v5+s14+$0x0] =	vst.idx.msk $0xffff, v9  }
0x56: {  	v9 =	vld [tilespmem:s21+$0x50]  }
0x57: {  	v10 =	vld [tilespmem:s21+$0x2850];
	_ =	sdelay $0x6  }
0x58: {  	v9 =	vld.idx.msk [tilespmem:v9+s17+$0x0], $0xffff  }
0x59: {  	v10 =	vld.idx.msk [tilespmem:v10+s17+$0x0], $0xffff;
	_ =	sdelay $0x4  }
0x5a: {  	v9 =	vmul.f32 v10, v9;
	_ =	sdelay $0x1  }
0x5b: {  	[tilespmem:v6+s14+$0x0] =	vst.idx.msk $0xffff, v9  }
0x5c: {  	v9 =	vld [tilespmem:s21+$0x60]  }
0x5d: {  	v10 =	vld [tilespmem:s21+$0x2860];
	_ =	sdelay $0x6  }
0x5e: {  	v9 =	vld.idx.msk [tilespmem:v9+s17+$0x0], $0xffff  }
0x5f: {  	v10 =	vld.idx.msk [tilespmem:v10+s17+$0x0], $0xffff;
	_ =	sdelay $0x4  }
0x60: {  	v9 =	vmul.f32 v10, v9;
	_ =	sdelay $0x1  }
0x61: {  	[tilespmem:v7+s14+$0x0] =	vst.idx.msk $0xffff, v9  }
0x62: {  	v9 =	vld [tilespmem:s21+$0x70]  }
0x63: {  	v10 =	vld [tilespmem:s21+$0x2870];
	_ =	sdelay $0x6  }
0x64: {  	v9 =	vld.idx.msk [tilespmem:v9+s17+$0x0], $0xffff  }
0x65: {  	v10 =	vld.idx.msk [tilespmem:v10+s17+$0x0], $0xffff;
	_ =	sdelay $0x4  }
0x66: {  	v9 =	vmul.f32 v10, v9  }
0x67: {  	p0 =	sne.s32 s20, $0x9E00  }
.Ltmp1:
0x68: {  	s21 =	sadd.s32 $0x2800, s21;
	[tilespmem:v8+s14+$0x0] =	vst.idx.msk $0xffff, v9;
	(pc) =	sbr.rel @p0 .LBB2_4-.Ltmp1, $4  }
0x69: {  	[spmem:s2] =	stream.indirect.scatter.add.f32 [tilespmem:s14], [sflag:$0x1], $0x10, s21, s18, $0xb8;
	[tilespmem:$0xA800] =	vst v63  }
0x6a: {  	_ =	swait.ge [sflag:s15], $0x800  }
0x6b: {  	[sflag:s15] =	ssyncset.done $0x0  }
0x6c: {  	s20 =	sadd.s32 $0x200, s20;
	[sflag:s15] =	ssyncadd.s32 $0xFFFFF800  }
0x6d: {  	s3 =	sadd.s32 $0x1, s3  }
0x6e: {  	p0 =	sne.s32 s3, s12  }
.Ltmp2:
0x6f: {  	[bflag:$0x0] =	sbarrier.arrive $0xFFFF;
	s20 =	sshrl.u32 s5, $0x3;
	(pc) =	sbr.rel @p0 .LBB2_1-.Ltmp2, $4  }
0x70: {  	[hbm:s13], [sflag:s19] =	dma.local [spmem:s20], $0x500  }
0x71: {  	_ =	swait.ge [sflag:s15], $0x500  }
0x72: {  	[sflag:s15] =	ssyncset.done $0x0  }
0x73: {  	[sflag:s15] =	ssyncadd.s32 $0xFFFFFB00  }
0x74: {  	_ =	sfence.sel $0x180000  }
0x75: {  	[bflag:$0x0] =	sbarrier.arrive $0xFFFF  }
0x76: {  	p0 =	sne.s32 s0, $0x0;
	_ =	strace $0x90000047  }
0x77: {  	s0 =	sadd.s32 @!p0 $0x100000, s1;
	[bflag:$0x2] =	sbarrier.arrive $0xFFFF  }
0x78: {  	[sflag:s0] =	ssyncadd.tile.s32 @!p0 $0x1;
	_ =	shalt  }
.Lfunc_end2:
_tile_overlayer_lowered:
.L_overlay_start_2:
0x79: {  	(tag) =	ssettag $0x2  }
0x7a: {  	s0 =	rddreg [dreg:$0x0];
	s2 =	stileid.u32  }
0x7b: {  	s1 =	rddreg [dreg:$0x1];
	p0 =	sne.s32 s2, $0x0  }
0x7c: {  	s3 =	rddreg [dreg:$0x2];
	[bflag:$0x3] =	sbarrier.arrive $0xFFFF;
	s2 =	simm.s32 @!p0 $0x1C01  }
0x7d: {  	[timem:s3], [sflag:s2] =	dma.local @!p0 [hbm:s0], s1  }
0x7e: {  	s0 =	simm.s32 @!p0 $0x1  }
0x7f: {  	_ =	swait.ge @!p0 [sflag:s0], s1  }
0x80: {  	s1 =	ssub.s32 @!p0 $0x0, s1;
	[sflag:s0] =	ssyncset.done @!p0 $0x0  }
0x81: {  	[sflag:s0] =	ssyncadd.s32 @!p0 s1  }
0x82: {  	[bflag:$0x3] =	sbarrier.arrive $0xFFFF  }
0x83: {  	_ =	shalt  }

// kernel: kernel.13.cloned.1.call-start
scs
__scs_entry_jumppad:
0x0: {  	(pc) =	sbr.rel $0x88, $3  }
0x1: {  	(tag) =	ssettag $0x0;
	lr =	simm.s32 $0x1  }
0x2: {  	[smem:$0x3F93] =	sst lr;
	_ =	strace $0xD0000000  }
0x3: {  	_ = 	snop  }
0x4: {  	_ = 	snop  }
0x5: {  	_ = 	snop  }
0x6: {  	_ = 	snop  }
0x7: {  	_ = 	snop  }
__scs_overlays_trampoline_lowered:
0x8: {  	[smem:$0x3FA2] =	sst s0  }
0x9: {  	[smem:$0x3FA3] =	sst s1  }
0xa: {  	[smem:$0x3FA4] =	sst s2  }
0xb: {  	[smem:$0x3FA5] =	sst s3  }
0xc: {  	[smem:$0x3FA6] =	sst s4  }
0xd: {  	[smem:$0x3FA7] =	sst s5  }
0xe: {  	[smem:$0x3FA8] =	sst s6  }
0xf: {  	[smem:$0x3FA9] =	sst s7  }
0x10: {  	[smem:$0x3FAA] =	sst s8  }
0x11: {  	[smem:$0x3FAB] =	sst s9;
	s0 =	simm.s32 @!p0 $0x0  }
0x12: {  	s1 =	sld [smem:$0x3F91];
	s0 =	simm.s32 @p0 $0x1  }
0x13: {  	[smem:$0x3FAC] =	sst s0;
	s0 =	simm.s32 @!p1 $0x0  }
0x14: {  	s2 =	sld [smem:$0x3F90];
	s0 =	simm.s32 @p1 $0x1  }
0x15: {  	[smem:$0x3FAD] =	sst s0;
	s0 =	simm.s32 @!p2 $0x0  }
0x16: {  	s3 =	sld [smem:$0x3FDB];
	s0 =	simm.s32 @p2 $0x1  }
0x17: {  	s4 =	simm.s32 $0x1BF5;
	[smem:$0x3FAF] =	sst s0  }
0x18: {  	s0 =	sld [smem:$0x3F92];
	_ =	swait.ge [sflag:s4], $0x0  }
0x19: {  	s7 =	sld [smem:$0x3F93]  }
0x1a: {  	s8 =	sadd.s32 $0xFFFFE003, lr  }
0x1b: {  	s9 =	sadd.s32 $0xFFFFFEF7, lr;
	s5 =	simm.s32 $0xFFFFFFFF;
	p2 =	slt.u32 s8, $0xFFFFF086  }
0x1c: {  	p1 =	slt.u32 s9, $0xF7A;
	s5 =	simm.s32 @!p2 $0x0  }
0x1d: {  	s5 =	simm.s32 @p1 $0x1;
	p0 =	seq.s32 s7, s2  }
0x1e: {  	s7 =	smul.u32 @!p0 $0xF7A, s2;
	p2 =	seq.s32 @!p0 s5, $0x0  }
0x1f: {  	s9 =	smul.u32 $0xF7A, s1;
	s8 =	simm.s32 @!p0 $0x1BF5;
	p2 =	por !p2, p0  }
0x20: {  	[sflag:s8] =	ssyncset.s32 @!p0 $0xFFFFF086;
	s6 =	sadd.s32 @!p0 s3, s7;
	s7 =	simm.s32 @!p0 $0x108  }
0x21: {  	s3 =	sadd.s32 s3, s9;
	s6 =	sadd.s32 @!p0 $0x88, s6;
	s7 =	simm.s32 @p2 $0x1082  }
0x22: {  	[simem:s7], [sflag:s8] =	dma.local @!p0 [hbm:s6], $0xF7A  }
0x23: {  	s9 =	sor.u32 $0xD0000000, s2;
	s6 =	simm.s32 $0x108;
	_ =	swait.ge @!p0 [sflag:s8], $0x0  }
0x24: {  	s3 =	sadd.s32 $0x88, s3;
	s6 =	simm.s32 @!p1 $0x1082;
	[sflag:s4] =	ssyncset.s32 $0xFFFFF086  }
0x25: {  	[simem:s6], [sflag:s4] =	dma.local [hbm:s3], $0xF7A  }
0x26: {  	[smem:$0x3F93] =	sst s1;
	(tag) =	ssettag s2;
	_ =	strace s9  }
0x27: {  	s1 =	sld [smem:$0x3FA3]  }
0x28: {  	s2 =	sld [smem:$0x3FA4]  }
0x29: {  	s4 =	sld [smem:$0x3FA6]  }
0x2a: {  	p0 =	seq.s32 s5, $0x0;
	s5 =	sld [smem:$0x3FA7]  }
0x2b: {  	s6 =	sld [smem:$0x3FA8]  }
0x2c: {  	s7 =	sld [smem:$0x3FA9]  }
0x2d: {  	s3 =	simm.s32 $0x108;
	s8 =	sld [smem:$0x3FAA]  }
0x2e: {  	s3 =	simm.s32 @!p0 $0x1082;
	s9 =	sld [smem:$0x3FAB]  }
0x2f: {  	lr =	sadd.s32 s0, s3;
	s0 =	sld [smem:$0x3FA2]  }
0x30: {  	s3 =	sld [smem:$0x3FA5]  }
0x31: {  	[smem:$0x3FAE] =	sst s10  }
0x32: {  	s10 =	sld [smem:$0x3FAC];
	_ =	sdelay $0x3  }
0x33: {  	p0 =	seq.s32 s10, $0x1;
	s10 =	sld [smem:$0x3FAE];
	_ =	sdelay $0x3  }
0x34: {  	[smem:$0x3FAE] =	sst s10  }
0x35: {  	s10 =	sld [smem:$0x3FAD];
	_ =	sdelay $0x3  }
0x36: {  	p1 =	seq.s32 s10, $0x1;
	s10 =	sld [smem:$0x3FAE];
	_ =	sdelay $0x3  }
0x37: {  	[smem:$0x3FAE] =	sst s10  }
0x38: {  	s10 =	sld [smem:$0x3FAF]  }
0x39: {  	_ = 	snop;
	(pc) =	sbr.ind lr, $3  }
0x3a: {  	_ = 	snop  }
0x3b: {  	_ = 	snop  }
0x3c: {  	p2 =	seq.s32 s10, $0x1;
	s10 =	sld [smem:$0x3FAE]  }
0x3d: {  	_ =	shalt  }
0x3e: {  	_ =	shalt  }
0x3f: {  	_ =	shalt  }
0x40: {  	_ =	shalt  }
0x41: {  	_ =	shalt  }
0x42: {  	_ =	shalt  }
0x43: {  	_ =	shalt  }
0x44: {  	_ =	shalt  }
0x45: {  	_ =	shalt  }
0x46: {  	_ =	shalt  }
0x47: {  	_ =	shalt  }
0x48: {  	_ =	shalt  }
0x49: {  	_ =	shalt  }
0x4a: {  	_ =	shalt  }
0x4b: {  	_ =	shalt  }
0x4c: {  	_ =	shalt  }
0x4d: {  	_ =	shalt  }
0x4e: {  	_ =	shalt  }
0x4f: {  	_ =	shalt  }
0x50: {  	_ =	shalt  }
0x51: {  	_ =	shalt  }
0x52: {  	_ =	shalt  }
0x53: {  	_ =	shalt  }
0x54: {  	_ =	shalt  }
0x55: {  	_ =	shalt  }
0x56: {  	_ =	shalt  }
0x57: {  	_ =	shalt  }
0x58: {  	_ =	shalt  }
0x59: {  	_ =	shalt  }
0x5a: {  	_ =	shalt  }
0x5b: {  	_ =	shalt  }
0x5c: {  	_ =	shalt  }
0x5d: {  	_ =	shalt  }
0x5e: {  	_ =	shalt  }
0x5f: {  	_ =	shalt  }
0x60: {  	_ =	shalt  }
0x61: {  	_ =	shalt  }
0x62: {  	_ =	shalt  }
0x63: {  	_ =	shalt  }
0x64: {  	_ =	shalt  }
0x65: {  	_ =	shalt  }
0x66: {  	_ =	shalt  }
0x67: {  	_ =	shalt  }
0x68: {  	_ =	shalt  }
0x69: {  	_ =	shalt  }
0x6a: {  	_ =	shalt  }
0x6b: {  	_ =	shalt  }
0x6c: {  	_ =	shalt  }
0x6d: {  	_ =	shalt  }
0x6e: {  	_ =	shalt  }
0x6f: {  	_ =	shalt  }
0x70: {  	_ =	shalt  }
0x71: {  	_ =	shalt  }
0x72: {  	_ =	shalt  }
0x73: {  	_ =	shalt  }
0x74: {  	_ =	shalt  }
0x75: {  	_ =	shalt  }
0x76: {  	_ =	shalt  }
0x77: {  	_ =	shalt  }
0x78: {  	_ =	shalt  }
0x79: {  	_ =	shalt  }
0x7a: {  	_ =	shalt  }
0x7b: {  	_ =	shalt  }
0x7c: {  	_ =	shalt  }
0x7d: {  	_ =	shalt  }
0x7e: {  	_ =	shalt  }
0x7f: {  	_ =	shalt  }
0x80: {  	_ =	shalt  }
0x81: {  	_ =	shalt  }
0x82: {  	_ =	shalt  }
0x83: {  	_ =	shalt  }
0x84: {  	_ =	shalt  }
0x85: {  	_ =	shalt  }
0x86: {  	_ =	shalt  }
0x87: {  	_ =	shalt  }
.Lfunc_end0:
.L_simem_size_0:
called_computation.1_lowered:
.L_overlay_start_0:
0x88: {  	s2 =	sld [smem:$0x3FD9]  }
0x89: {  	s3 =	sld [smem:$0x3FFE];
	_ =	sdelay $0x1  }
0x8a: {  	s1 =	srdreg.scid  }
0x8b: {  	s0 =	sand.u32 $0x1, s1  }
0x8c: {  	s16 =	sshll.u32 s0, $0xA;
	s2 =	sadd.s32 s3, s2  }
0x8d: {  	s2 =	sadd.s32 s2, s16  }
0x8e: {  	[smem:$0x3FBA] =	sst s2  }
0x8f: {  	_ = 	snop  }
0x90: {  	(tm) =	ssettm $0x1  }
0x91: {  	s17 =	sld [smem:$0x3FFB];
	_ =	sdelay $0x3  }
0x92: {  	_ =	strace s17  }
0x93: {  	s2 =	sld [smem:$0x3FFC];
	_ =	sdelay $0x3  }
0x94: {  	_ =	strace s2  }
0x95: {  	s2 =	sld [smem:$0x3FFD];
	_ =	sdelay $0x3  }
0x96: {  	_ =	strace s2  }
0x97: {  	_ =	strace $0x8FFFFFFF  }
0x98: {  	s18 =	sld [smem:$0x3FDB];
	_ =	sdelay $0x1  }
0x99: {  	s19 =	simm.s32 $_scs_section_size  }
0x9a: {  	s4 =	simm.s32 $_size__tile_overlayer_lowered;
	s5 =	simm.s32 $_tile_overlayer_lowered  }
0x9b: {  	s22 =	simm.s32 $0x1BFF;
	s21 =	sshll.u32 s5, $0x1;
	s2 =	sadd.s32 s19, s18  }
0x9c: {  	s6 =	simm.s32 $0x0;
	s20 =	sshll.u32 s4, $0x1;
	s4 =	sadd.s32 s21, s2  }
0x9d: {  	[timem:s6], [sflag:s22] =	dma.local [hbm:s4], s20  }
0x9e: {  	_ =	swait.ge [sflag:s22], s20  }
0x9f: {  	s3 =	ssub.s32 $0x0, s20;
	[sflag:s22] =	ssyncset.done $0x0  }
0xa0: {  	[sflag:s22] =	ssyncadd.s32 s3;
	_ =	sdelay $0x1  }
0xa1: {  	s23 =	simm.s32 $0x1B8B  }
0xa2: {  	_ =	swait.ge [sflag:s23], $0x1  }
0xa3: {  	[sflag:s23] =	ssyncset.done $0x0  }
0xa4: {  	s25 =	simm.s32 $0x1B8E;
	s24 =	sld [smem:$0x3FFE];
	[sflag:s23] =	ssyncadd.s32 $0xFFFFFFFF  }
0xa5: {  	s26 =	simm.s32 $execute0_lowered;
	[smem:$0x3FD2] =	sst s25  }
0xa6: {  	s4 =	sshll.u32 s26, $0x1;
	_ =	strace $0x80000049;
	[dreg:$0x1] =	wrdreg $0xFFFFFFFF  }
0xa7: {  	s28 =	simm.s32 $_size_execute0_lowered;
	s2 =	sadd.s32 s2, s4;
	[dreg:$0x0] =	wrdreg $0x0  }
0xa8: {  	s4 =	sshll.u32 s28, $0x1;
	[dreg:$0x2] =	wrdreg s2  }
0xa9: {  	[dreg:$0x3] =	wrdreg s4  }
0xaa: {  	[dreg:$0x4] =	wrdreg $0xC0  }
0xab: {  	_ =	task [dreg:s6], $0x5FFFF  }
0xac: {  	[dreg:$0x1] =	wrdreg $0xFFFFFFFF  }
0xad: {  	[dreg:$0x0] =	wrdreg $0x60  }
0xae: {  	[dreg:$0x2] =	wrdreg s24  }
0xaf: {  	[dreg:$0x3] =	wrdreg $0xE0000  }
0xb0: {  	[dreg:$0x4] =	wrdreg $0x9  }
0xb1: {  	_ =	task.clear_ibuf [dreg:s6], $0x5FFFF;
	_ =	strace $0x90000049  }
0xb2: {  	s29 =	simm.s32 $0x9;
	_ =	strace $0x8000004B  }
0xb3: {  	_ =	swait.ge [sflag:s29], $0x1  }
0xb4: {  	[sflag:s29] =	ssyncadd.s32 $0xFFFFFFFF  }
0xb5: {  	_ =	strace $0x9000004B  }
0xb6: {  	_ =	sfence  }
0xb7: {  	s30 =	sld [smem:$0x0];
	_ =	sdelay $0x2  }
0xb8: {  	s31 =	sshll.u32 s1, $0xD;
	s1 =	sshrl.u32 s1, $0x2  }
0xb9: {  	s3 =	sand.u32 $0x4000, s31;
	s1 =	sadd.s32 s1, s30  }
0xba: {  	s0 =	sor.u32 s3, s0;
	s1 =	sshll.u32 s1, $0x11  }
0xbb: {  	s0 =	sor.u32 s1, s0  }
0xbc: {  	s0 =	sadd.s32 $0x8F2B, s0  }
0xbd: {  	[sflag:s0] =	ssyncadd.remote.s32 $0x1  }
0xbe: {  	_ =	sfence.sel $0xFFFF  }
0xbf: {  	[dreg:$0x0] =	wrdreg $0xFFFFFFFF;
	(pc) =	sbr.abs _section_cstart, $3  }
0xc0: {  	[dreg:$0x1] =	wrdreg $0xFFFFFFFF  }
0xc1: {  	_ =	task.clear_ibuf [dreg:s6], $0x2FFFF;
	_ =	strace $0x9FFFFFFF  }
0xc2: {  	(tm) =	ssettm $0x7FFFFFFF  }
0xc3: {  	_ =	shalt  }
tec
execute0_lowered:
.L_overlay_start_1:
0x0: {  	(tag) =	ssettag $0x1  }
0x1: {  	s7 =	rddreg [dreg:$0x0]  }
0x2: {  	s2 =	rddreg [dreg:$0x1]  }
0x3: {  	s0 =	rddreg [dreg:$0x2];
	s3 =	simm.s32 $0x0  }
0x4: {  	s1 =	stileid.u32;
	s8 =	srdreg.scid;
	s18 =	simm.s32 $0x3  }
0x5: {  	s19 =	simm.s32 $0x5000;
	s20 =	simm.s32 $0x80;
	s21 =	simm.s32 $0xC000  }
0x6: {  	s22 =	simm.s32 $0x1;
	s23 =	simm.s32 $0x2;
	s24 =	simm.s32 $0x9F00  }
0x7: {  	s25 =	simm.s32 $0x9F80;
	s26 =	simm.s32 $0x0;
	s6 =	smul.u32 $0xA00, s1  }
0x8: {  	[smem:$0x7FF] =	sst s3;
	s4 =	sadd.s32 $0x2C800, s7;
	s9 =	smul.u32 $0x28000, s1  }
0x9: {  	s5 =	sadd.s32 $0x18800, s7;
	s17 =	sand.u32 $0x1, s8;
	s15 =	smul.u32 $0xA000, s1  }
0xa: {  	_ =	strace $0x8000004A;
	s8 =	ssub.s32 $0x2, s17;
	p0 =	sne.s32 s17, $0x0  }
0xb: {  	s17 =	simm.s32 $0xA000;
	s14 =	sadd.s32 s6, s7;
	s6 =	sadd.s32 $0x40800, s7  }
.Ltmp0:
0xc: {  	s9 =	sshrl.u32 s9, $0x2;
	s10 =	sshrl.u32 s8, $0x1;
	(pc) =	sbr.rel .LBB2_1-.Ltmp0, $4  }
0xd: {  	s7 =	sadd.s32 $0x54800, s7;
	s12 =	sadd.s32 s9, s2;
	s16 =	ssub.s32 s8, s10  }
0xe: {  	s8 =	sadd.s32 s15, s2;
	s13 =	sadd.s32 $0xE800, s14;
	s14 =	sadd.s32 $0x4800, s14  }
0xf: {  	s15 =	sshrl.u32 s15, $0x3;
	s9 =	sadd.s32 $0x2000, s12;
	s10 =	sadd.s32 $0x4000, s12  }
0x10: {  	v0 =	vimm.f32 $0.0e+00;
	s11 =	sadd.s32 $0x6000, s12;
	s12 =	sadd.s32 $0x8000, s12;
	s16 =	smax.u32 s16, $0x1  }
.LBB2_9:
0x11: {  	[tilespmem:s21], [sflag:$0x2] =	stream.indirect.gather [hbm4b:s5+s20], $0x40, s29, s20, $0xb8;
	[tilespmem:$0x18000] =	vst v63  }
0x12: {  	s28 =	smov.u32 s7  }
.LBB2_10:
0x13: {  	_ =	swait.ge [sflag:s22], $0x2000  }
0x14: {  	[sflag:s22] =	ssyncset.done $0x0  }
0x15: {  	[sflag:s22] =	ssyncadd.s32 $0xFFFFE000  }
0x16: {  	[spmem:s2] =	stream.indirect.scatter.add.f32 [tilespmem:s17], [sflag:$0x3], $0x40, s24, s20, $0xb8;
	[tilespmem:$0x18000] =	vst v63  }
0x17: {  	_ =	swait.ge [sflag:s18], $0x2000  }
0x18: {  	[sflag:s18] =	ssyncset.done $0x0  }
0x19: {  	[sflag:s18] =	ssyncadd.s32 $0xFFFFE000  }
0x1a: {  	_ =	swait.ge [sflag:s23], $0x2000  }
0x1b: {  	[sflag:s23] =	ssyncset.done $0x0  }
0x1c: {  	[sflag:s23] =	ssyncadd.s32 $0xFFFFE000  }
0x1d: {  	[spmem:s2] =	stream.indirect.scatter.add.f32 [tilespmem:s21], [sflag:$0x3], $0x40, s25, s20, $0xb8;
	[tilespmem:$0x18000] =	vst v63  }
0x1e: {  	s28 =	sadd.s32 s28, s15;
	_ =	swait.ge [sflag:s18], $0x2000  }
0x1f: {  	s29 =	sshll.u32 s1, $0x6;
	s26 =	sadd.s32 $0x1, s26;
	[sflag:s18] =	ssyncset.done $0x0  }
0x20: {  	s30 =	sshrl.u32 s8, $0x3;
	p1 =	sne.s32 s26, s16;
	[sflag:s18] =	ssyncadd.s32 $0xFFFFE000  }
.Ltmp1:
0x21: {  	s29 =	sor.u32 $0x1C03, s29;
	[bflag:$0x0] =	sbarrier.arrive $0xFFFF;
	(pc) =	sbr.rel @!p1 .LBB2_11-.Ltmp1, $4  }
0x22: {  	[hbm:s28], [sflag:s29] =	dma.local [spmem:s30], $0x1400  }
0x23: {  	_ =	swait.ge [sflag:s18], $0x1400  }
0x24: {  	[sflag:s18] =	ssyncset.done $0x0  }
0x25: {  	[sflag:s18] =	ssyncadd.s32 $0xFFFFEC00  }
.LBB2_1:
0x26: {  	s29 =	simm.s32 $0x100;
	s28 =	simm.s32 $0x0  }
.LBB2_2:
0x27: {  	p1 =	sne.s32 s29, $0x7F00;
	[tilespmem:s28+$0xA030] =	vst v0;
	s30 =	smov.u32 s29;
	s29 =	sadd.s32 $0x100, s29  }
.Ltmp2:
0x28: {  	[tilespmem:s28+$0xA020] =	vst v0;
	(pc) =	sbr.rel @p1 .LBB2_2-.Ltmp2, $3  }
0x29: {  	[tilespmem:s28+$0xA000] =	vst v0  }
0x2a: {  	[tilespmem:s28+$0xA010] =	vst v0;
	_ =	sdelay $0x1  }
0x2b: {  	s28 =	sshra.s32 s30, $0x2  }
0x2c: {  	[tilespmem:s28+$0xA030] =	vst v0  }
0x2d: {  	[tilespmem:s28+$0xA020] =	vst v0  }
0x2e: {  	[tilespmem:s28+$0xA000] =	vst v0  }
0x2f: {  	[tilespmem:s28+$0xA010] =	vst v0  }
0x30: {  	[spmem:s8] =	stream.linear.scatter [tilespmem:s17], [sflag:$0x3], $0x2000, $0x38;
	[tilespmem:$0x18000] =	vst v63  }
0x31: {  	_ =	swait.ge [sflag:s18], $0x2000  }
0x32: {  	[sflag:s18] =	ssyncset.done $0x0  }
0x33: {  	[sflag:s18] =	ssyncadd.s32 $0xFFFFE000  }
0x34: {  	[spmem:s9] =	stream.linear.scatter [tilespmem:s17], [sflag:$0x3], $0x2000, $0x38;
	[tilespmem:$0x18000] =	vst v63  }
0x35: {  	_ =	swait.ge [sflag:s18], $0x2000  }
0x36: {  	[sflag:s18] =	ssyncset.done $0x0  }
0x37: {  	[sflag:s18] =	ssyncadd.s32 $0xFFFFE000  }
0x38: {  	[spmem:s10] =	stream.linear.scatter [tilespmem:s17], [sflag:$0x3], $0x2000, $0x38;
	[tilespmem:$0x18000] =	vst v63  }
0x39: {  	_ =	swait.ge [sflag:s18], $0x2000  }
0x3a: {  	[sflag:s18] =	ssyncset.done $0x0  }
0x3b: {  	[sflag:s18] =	ssyncadd.s32 $0xFFFFE000  }
0x3c: {  	[spmem:s11] =	stream.linear.scatter [tilespmem:s17], [sflag:$0x3], $0x2000, $0x38;
	[tilespmem:$0x18000] =	vst v63  }
0x3d: {  	_ =	swait.ge [sflag:s18], $0x2000  }
0x3e: {  	[sflag:s18] =	ssyncset.done $0x0  }
0x3f: {  	[sflag:s18] =	ssyncadd.s32 $0xFFFFE000  }
0x40: {  	[spmem:s12] =	stream.linear.scatter [tilespmem:s17], [sflag:$0x3], $0x2000, $0x38;
	[tilespmem:$0x18000] =	vst v63  }
0x41: {  	_ =	swait.ge [sflag:s18], $0x2000  }
0x42: {  	[sflag:s18] =	ssyncset.done $0x0  }
0x43: {  	[sflag:s18] =	ssyncadd.s32 $0xFFFFE000  }
0x44: {  	[tilespmem:s3], [sflag:$0x3] =	stream.linear.gather [hbm4b:s13+s3], $0x5000, $0x38;
	[tilespmem:$0x18000] =	vst v63  }
0x45: {  	_ =	swait.ge [sflag:s18], $0x5000  }
0x46: {  	[sflag:s18] =	ssyncset.done $0x0  }
0x47: {  	[sflag:s18] =	ssyncadd.s32 $0xFFFFB000  }
0x48: {  	[tilespmem:s19], [sflag:$0x3] =	stream.linear.gather [hbm4b:s14+s3], $0x5000, $0x38;
	[tilespmem:$0x18000] =	vst v63  }
.Ltmp3:
0x49: {  	_ =	swait.ge [sflag:s18], $0x5000;
	(pc) =	sbr.rel @p0 .LBB2_7-.Ltmp3, $4  }
0x4a: {  	[sflag:s18] =	ssyncset.done $0x0  }
0x4b: {  	[sflag:s18] =	ssyncadd.s32 $0xFFFFB000  }
0x4c: {  	[bflag:$0x0] =	sbarrier.arrive $0xFFFF  }
0x4d: {  	s28 =	simm.s32 $0x0  }
0x4e: {  	[tilespmem:s17], [sflag:$0x1] =	stream.indirect.gather [hbm4b:s4+s20], $0x40, s28, s20, $0xb8;
	[tilespmem:$0x18000] =	vst v63  }
0x4f: {  	_ = 	snop  }
0x50: {  	[tilespmem:s21], [sflag:$0x2] =	stream.indirect.gather [hbm4b:s4+s20], $0x40, s20, s20, $0xb8;
	[tilespmem:$0x18000] =	vst v63  }
0x51: {  	_ =	swait.ge [sflag:s22], $0x2000  }
0x52: {  	[sflag:s22] =	ssyncset.done $0x0  }
0x53: {  	s28 =	simm.s32 $0x5000;
	[sflag:s22] =	ssyncadd.s32 $0xFFFFE000  }
0x54: {  	[spmem:s2] =	stream.indirect.scatter.add.f32 [tilespmem:s17], [sflag:$0x3], $0x40, s28, s20, $0xb8;
	[tilespmem:$0x18000] =	vst v63  }
0x55: {  	_ =	swait.ge [sflag:s18], $0x2000  }
0x56: {  	[sflag:s18] =	ssyncset.done $0x0  }
0x57: {  	s28 =	simm.s32 $0x100;
	[sflag:s18] =	ssyncadd.s32 $0xFFFFE000  }
0x58: {  	[tilespmem:s17], [sflag:$0x1] =	stream.indirect.gather [hbm4b:s4+s20], $0x40, s28, s20, $0xb8;
	[tilespmem:$0x18000] =	vst v63  }
0x59: {  	_ =	swait.ge [sflag:s23], $0x2000  }
0x5a: {  	[sflag:s23] =	ssyncset.done $0x0  }
0x5b: {  	s28 =	simm.s32 $0x5080;
	[sflag:s23] =	ssyncadd.s32 $0xFFFFE000  }
0x5c: {  	[spmem:s2] =	stream.indirect.scatter.add.f32 [tilespmem:s21], [sflag:$0x3], $0x40, s28, s20, $0xb8;
	[tilespmem:$0x18000] =	vst v63  }
0x5d: {  	_ =	swait.ge [sflag:s18], $0x2000  }
0x5e: {  	[sflag:s18] =	ssyncset.done $0x0  }
0x5f: {  	s29 =	simm.s32 $0x180;
	s28 =	simm.s32 $0x400;
	[sflag:s18] =	ssyncadd.s32 $0xFFFFE000  }
.LBB2_5:
0x60: {  	[tilespmem:s21], [sflag:$0x2] =	stream.indirect.gather [hbm4b:s4+s20], $0x40, s29, s20, $0xb8;
	[tilespmem:$0x18000] =	vst v63  }
0x61: {  	s29 =	smov.u32 s28  }
0x62: {  	p1 =	seq.s32 s28, $0x13800;
	s28 =	sadd.s32 $0x400, s28;
	_ =	swait.ge [sflag:s22], $0x2000  }
0x63: {  	s29 =	sshra.s32 s29, $0x2;
	[sflag:s22] =	ssyncset.done $0x0  }
0x64: {  	s30 =	sadd.s32 $0x5000, s29;
	[sflag:s22] =	ssyncadd.s32 $0xFFFFE000  }
0x65: {  	[spmem:s2] =	stream.indirect.scatter.add.f32 [tilespmem:s17], [sflag:$0x3], $0x40, s30, s20, $0xb8;
	[tilespmem:$0x18000] =	vst v63  }
0x66: {  	_ =	swait.ge [sflag:s18], $0x2000  }
0x67: {  	[sflag:s18] =	ssyncset.done $0x0  }
0x68: {  	s30 =	sadd.s32 $0x100, s29;
	[sflag:s18] =	ssyncadd.s32 $0xFFFFE000  }
0x69: {  	[tilespmem:s17], [sflag:$0x1] =	stream.indirect.gather [hbm4b:s4+s20], $0x40, s30, s20, $0xb8;
	[tilespmem:$0x18000] =	vst v63  }
0x6a: {  	_ =	swait.ge [sflag:s23], $0x2000  }
0x6b: {  	[sflag:s23] =	ssyncset.done $0x0  }
.Ltmp4:
0x6c: {  	s30 =	sadd.s32 $0x5080, s29;
	[sflag:s23] =	ssyncadd.s32 $0xFFFFE000;
	(pc) =	sbr.rel @!p1 .LBB2_5-.Ltmp4, $4  }
0x6d: {  	[spmem:s2] =	stream.indirect.scatter.add.f32 [tilespmem:s21], [sflag:$0x3], $0x40, s30, s20, $0xb8;
	[tilespmem:$0x18000] =	vst v63  }
0x6e: {  	_ =	swait.ge [sflag:s18], $0x2000  }
0x6f: {  	[sflag:s18] =	ssyncset.done $0x0  }
0x70: {  	s29 =	sadd.s32 $0x180, s29;
	[sflag:s18] =	ssyncadd.s32 $0xFFFFE000  }
.Ltmp5:
0x71: {  	(pc) =	sbr.rel .LBB2_10-.Ltmp5, $3  }
0x72: {  	_ =	sdelay $0x1  }
0x73: {  	[tilespmem:s21], [sflag:$0x2] =	stream.indirect.gather [hbm4b:s4+s20], $0x40, s29, s20, $0xb8;
	[tilespmem:$0x18000] =	vst v63  }
0x74: {  	s28 =	smov.u32 s6  }
.LBB2_7:
0x75: {  	[tilespmem:s17], [sflag:$0x1] =	stream.indirect.gather [hbm4b:s5+s20], $0x40, s28, s20, $0xb8;
	[tilespmem:$0x18000] =	vst v63  }
0x76: {  	_ = 	snop  }
0x77: {  	[tilespmem:s21], [sflag:$0x2] =	stream.indirect.gather [hbm4b:s5+s20], $0x40, s20, s20, $0xb8;
	[tilespmem:$0x18000] =	vst v63  }
0x78: {  	_ =	swait.ge [sflag:s22], $0x2000  }
0x79: {  	[sflag:s22] =	ssyncset.done $0x0  }
0x7a: {  	s28 =	simm.s32 $0x5000;
	[sflag:s22] =	ssyncadd.s32 $0xFFFFE000  }
0x7b: {  	[spmem:s2] =	stream.indirect.scatter.add.f32 [tilespmem:s17], [sflag:$0x3], $0x40, s28, s20, $0xb8;
	[tilespmem:$0x18000] =	vst v63  }
0x7c: {  	_ =	swait.ge [sflag:s18], $0x2000  }
0x7d: {  	[sflag:s18] =	ssyncset.done $0x0  }
0x7e: {  	s28 =	simm.s32 $0x100;
	[sflag:s18] =	ssyncadd.s32 $0xFFFFE000  }
0x7f: {  	[tilespmem:s17], [sflag:$0x1] =	stream.indirect.gather [hbm4b:s5+s20], $0x40, s28, s20, $0xb8;
	[tilespmem:$0x18000] =	vst v63  }
0x80: {  	_ =	swait.ge [sflag:s23], $0x2000  }
0x81: {  	[sflag:s23] =	ssyncset.done $0x0  }
0x82: {  	s28 =	simm.s32 $0x5080;
	[sflag:s23] =	ssyncadd.s32 $0xFFFFE000  }
0x83: {  	[spmem:s2] =	stream.indirect.scatter.add.f32 [tilespmem:s21], [sflag:$0x3], $0x40, s28, s20, $0xb8;
	[tilespmem:$0x18000] =	vst v63  }
0x84: {  	_ =	swait.ge [sflag:s18], $0x2000  }
0x85: {  	[sflag:s18] =	ssyncset.done $0x0  }
0x86: {  	s29 =	simm.s32 $0x180;
	s28 =	simm.s32 $0x400;
	[sflag:s18] =	ssyncadd.s32 $0xFFFFE000  }
.LBB2_8:
0x87: {  	[tilespmem:s21], [sflag:$0x2] =	stream.indirect.gather [hbm4b:s5+s20], $0x40, s29, s20, $0xb8;
	[tilespmem:$0x18000] =	vst v63  }
0x88: {  	s29 =	smov.u32 s28  }
0x89: {  	p1 =	sne.s32 s28, $0x13800;
	s28 =	sadd.s32 $0x400, s28;
	_ =	swait.ge [sflag:s22], $0x2000  }
0x8a: {  	s29 =	sshra.s32 s29, $0x2;
	[sflag:s22] =	ssyncset.done $0x0  }
0x8b: {  	s30 =	sadd.s32 $0x5000, s29;
	[sflag:s22] =	ssyncadd.s32 $0xFFFFE000  }
0x8c: {  	[spmem:s2] =	stream.indirect.scatter.add.f32 [tilespmem:s17], [sflag:$0x3], $0x40, s30, s20, $0xb8;
	[tilespmem:$0x18000] =	vst v63  }
0x8d: {  	_ =	swait.ge [sflag:s18], $0x2000  }
0x8e: {  	[sflag:s18] =	ssyncset.done $0x0  }
0x8f: {  	s30 =	sadd.s32 $0x100, s29;
	[sflag:s18] =	ssyncadd.s32 $0xFFFFE000  }
0x90: {  	[tilespmem:s17], [sflag:$0x1] =	stream.indirect.gather [hbm4b:s5+s20], $0x40, s30, s20, $0xb8;
	[tilespmem:$0x18000] =	vst v63  }
0x91: {  	_ =	swait.ge [sflag:s23], $0x2000  }
0x92: {  	[sflag:s23] =	ssyncset.done $0x0  }
.Ltmp6:
0x93: {  	s30 =	sadd.s32 $0x5080, s29;
	[sflag:s23] =	ssyncadd.s32 $0xFFFFE000;
	(pc) =	sbr.rel @p1 .LBB2_8-.Ltmp6, $4  }
0x94: {  	[spmem:s2] =	stream.indirect.scatter.add.f32 [tilespmem:s21], [sflag:$0x3], $0x40, s30, s20, $0xb8;
	[tilespmem:$0x18000] =	vst v63  }
0x95: {  	_ =	swait.ge [sflag:s18], $0x2000  }
0x96: {  	[sflag:s18] =	ssyncset.done $0x0  }
0x97: {  	s29 =	sadd.s32 $0x180, s29;
	[sflag:s18] =	ssyncadd.s32 $0xFFFFE000  }
.Ltmp7:
0x98: {  	_ = 	snop;
	(pc) =	sbr.rel .LBB2_9-.Ltmp7, $1  }
0x99: {  	_ =	sdelay $0x3  }
.LBB2_11:
0x9a: {  	_ =	sfence.sel $0x180000  }
0x9b: {  	[bflag:$0x0] =	sbarrier.arrive $0xFFFF  }
0x9c: {  	p0 =	sne.s32 s1, $0x0;
	_ =	strace $0x9000004A  }
0x9d: {  	s0 =	sadd.s32 @!p0 $0x100000, s0;
	[bflag:$0x2] =	sbarrier.arrive $0xFFFF  }
0x9e: {  	[sflag:s0] =	ssyncadd.tile.s32 @!p0 $0x1;
	_ =	shalt  }
.Lfunc_end2:
_tile_overlayer_lowered:
.L_overlay_start_2:
0x9f: {  	(tag) =	ssettag $0x2  }
0xa0: {  	s0 =	rddreg [dreg:$0x0];
	s2 =	stileid.u32  }
0xa1: {  	s1 =	rddreg [dreg:$0x1];
	p0 =	sne.s32 s2, $0x0  }
0xa2: {  	s3 =	rddreg [dreg:$0x2];
	[bflag:$0x3] =	sbarrier.arrive $0xFFFF;
	s2 =	simm.s32 @!p0 $0x1C03  }
0xa3: {  	[timem:s3], [sflag:s2] =	dma.local @!p0 [hbm:s0], s1  }
0xa4: {  	s0 =	simm.s32 @!p0 $0x3  }
0xa5: {  	_ =	swait.ge @!p0 [sflag:s0], s1  }
0xa6: {  	s1 =	ssub.s32 @!p0 $0x0, s1;
	[sflag:s0] =	ssyncset.done @!p0 $0x0  }
0xa7: {  	[sflag:s0] =	ssyncadd.s32 @!p0 s1  }
0xa8: {  	[bflag:$0x3] =	sbarrier.arrive $0xFFFF  }
0xa9: {  	_ =	shalt  }

// kernel: kernel.16.cloned.1.call-start
scs
__scs_entry_jumppad:
0x0: {  	(pc) =	sbr.rel $0x88, $3  }
0x1: {  	(tag) =	ssettag $0x0;
	lr =	simm.s32 $0x1  }
0x2: {  	[smem:$0x3F93] =	sst lr;
	_ =	strace $0xD0000000  }
0x3: {  	_ = 	snop  }
0x4: {  	_ = 	snop  }
0x5: {  	_ = 	snop  }
0x6: {  	_ = 	snop  }
0x7: {  	_ = 	snop  }
__scs_overlays_trampoline_lowered:
0x8: {  	[smem:$0x3FA2] =	sst s0  }
0x9: {  	[smem:$0x3FA3] =	sst s1  }
0xa: {  	[smem:$0x3FA4] =	sst s2  }
0xb: {  	[smem:$0x3FA5] =	sst s3  }
0xc: {  	[smem:$0x3FA6] =	sst s4  }
0xd: {  	[smem:$0x3FA7] =	sst s5  }
0xe: {  	[smem:$0x3FA8] =	sst s6  }
0xf: {  	[smem:$0x3FA9] =	sst s7  }
0x10: {  	[smem:$0x3FAA] =	sst s8  }
0x11: {  	[smem:$0x3FAB] =	sst s9;
	s0 =	simm.s32 @!p0 $0x0  }
0x12: {  	s1 =	sld [smem:$0x3F91];
	s0 =	simm.s32 @p0 $0x1  }
0x13: {  	[smem:$0x3FAC] =	sst s0;
	s0 =	simm.s32 @!p1 $0x0  }
0x14: {  	s2 =	sld [smem:$0x3F90];
	s0 =	simm.s32 @p1 $0x1  }
0x15: {  	[smem:$0x3FAD] =	sst s0;
	s0 =	simm.s32 @!p2 $0x0  }
0x16: {  	s3 =	sld [smem:$0x3FDB];
	s0 =	simm.s32 @p2 $0x1  }
0x17: {  	s4 =	simm.s32 $0x1BF5;
	[smem:$0x3FAF] =	sst s0  }
0x18: {  	s0 =	sld [smem:$0x3F92];
	_ =	swait.ge [sflag:s4], $0x0  }
0x19: {  	s7 =	sld [smem:$0x3F93]  }
0x1a: {  	s8 =	sadd.s32 $0xFFFFE003, lr  }
0x1b: {  	s9 =	sadd.s32 $0xFFFFFEF7, lr;
	s5 =	simm.s32 $0xFFFFFFFF;
	p2 =	slt.u32 s8, $0xFFFFF086  }
0x1c: {  	p1 =	slt.u32 s9, $0xF7A;
	s5 =	simm.s32 @!p2 $0x0  }
0x1d: {  	s5 =	simm.s32 @p1 $0x1;
	p0 =	seq.s32 s7, s2  }
0x1e: {  	s7 =	smul.u32 @!p0 $0xF7A, s2;
	p2 =	seq.s32 @!p0 s5, $0x0  }
0x1f: {  	s9 =	smul.u32 $0xF7A, s1;
	s8 =	simm.s32 @!p0 $0x1BF5;
	p2 =	por !p2, p0  }
0x20: {  	[sflag:s8] =	ssyncset.s32 @!p0 $0xFFFFF086;
	s6 =	sadd.s32 @!p0 s3, s7;
	s7 =	simm.s32 @!p0 $0x108  }
0x21: {  	s3 =	sadd.s32 s3, s9;
	s6 =	sadd.s32 @!p0 $0x88, s6;
	s7 =	simm.s32 @p2 $0x1082  }
0x22: {  	[simem:s7], [sflag:s8] =	dma.local @!p0 [hbm:s6], $0xF7A  }
0x23: {  	s9 =	sor.u32 $0xD0000000, s2;
	s6 =	simm.s32 $0x108;
	_ =	swait.ge @!p0 [sflag:s8], $0x0  }
0x24: {  	s3 =	sadd.s32 $0x88, s3;
	s6 =	simm.s32 @!p1 $0x1082;
	[sflag:s4] =	ssyncset.s32 $0xFFFFF086  }
0x25: {  	[simem:s6], [sflag:s4] =	dma.local [hbm:s3], $0xF7A  }
0x26: {  	[smem:$0x3F93] =	sst s1;
	(tag) =	ssettag s2;
	_ =	strace s9  }
0x27: {  	s1 =	sld [smem:$0x3FA3]  }
0x28: {  	s2 =	sld [smem:$0x3FA4]  }
0x29: {  	s4 =	sld [smem:$0x3FA6]  }
0x2a: {  	p0 =	seq.s32 s5, $0x0;
	s5 =	sld [smem:$0x3FA7]  }
0x2b: {  	s6 =	sld [smem:$0x3FA8]  }
0x2c: {  	s7 =	sld [smem:$0x3FA9]  }
0x2d: {  	s3 =	simm.s32 $0x108;
	s8 =	sld [smem:$0x3FAA]  }
0x2e: {  	s3 =	simm.s32 @!p0 $0x1082;
	s9 =	sld [smem:$0x3FAB]  }
0x2f: {  	lr =	sadd.s32 s0, s3;
	s0 =	sld [smem:$0x3FA2]  }
0x30: {  	s3 =	sld [smem:$0x3FA5]  }
0x31: {  	[smem:$0x3FAE] =	sst s10  }
0x32: {  	s10 =	sld [smem:$0x3FAC];
	_ =	sdelay $0x3  }
0x33: {  	p0 =	seq.s32 s10, $0x1;
	s10 =	sld [smem:$0x3FAE];
	_ =	sdelay $0x3  }
0x34: {  	[smem:$0x3FAE] =	sst s10  }
0x35: {  	s10 =	sld [smem:$0x3FAD];
	_ =	sdelay $0x3  }
0x36: {  	p1 =	seq.s32 s10, $0x1;
	s10 =	sld [smem:$0x3FAE];
	_ =	sdelay $0x3  }
0x37: {  	[smem:$0x3FAE] =	sst s10  }
0x38: {  	s10 =	sld [smem:$0x3FAF]  }
0x39: {  	_ = 	snop;
	(pc) =	sbr.ind lr, $3  }
0x3a: {  	_ = 	snop  }
0x3b: {  	_ = 	snop  }
0x3c: {  	p2 =	seq.s32 s10, $0x1;
	s10 =	sld [smem:$0x3FAE]  }
0x3d: {  	_ =	shalt  }
0x3e: {  	_ =	shalt  }
0x3f: {  	_ =	shalt  }
0x40: {  	_ =	shalt  }
0x41: {  	_ =	shalt  }
0x42: {  	_ =	shalt  }
0x43: {  	_ =	shalt  }
0x44: {  	_ =	shalt  }
0x45: {  	_ =	shalt  }
0x46: {  	_ =	shalt  }
0x47: {  	_ =	shalt  }
0x48: {  	_ =	shalt  }
0x49: {  	_ =	shalt  }
0x4a: {  	_ =	shalt  }
0x4b: {  	_ =	shalt  }
0x4c: {  	_ =	shalt  }
0x4d: {  	_ =	shalt  }
0x4e: {  	_ =	shalt  }
0x4f: {  	_ =	shalt  }
0x50: {  	_ =	shalt  }
0x51: {  	_ =	shalt  }
0x52: {  	_ =	shalt  }
0x53: {  	_ =	shalt  }
0x54: {  	_ =	shalt  }
0x55: {  	_ =	shalt  }
0x56: {  	_ =	shalt  }
0x57: {  	_ =	shalt  }
0x58: {  	_ =	shalt  }
0x59: {  	_ =	shalt  }
0x5a: {  	_ =	shalt  }
0x5b: {  	_ =	shalt  }
0x5c: {  	_ =	shalt  }
0x5d: {  	_ =	shalt  }
0x5e: {  	_ =	shalt  }
0x5f: {  	_ =	shalt  }
0x60: {  	_ =	shalt  }
0x61: {  	_ =	shalt  }
0x62: {  	_ =	shalt  }
0x63: {  	_ =	shalt  }
0x64: {  	_ =	shalt  }
0x65: {  	_ =	shalt  }
0x66: {  	_ =	shalt  }
0x67: {  	_ =	shalt  }
0x68: {  	_ =	shalt  }
0x69: {  	_ =	shalt  }
0x6a: {  	_ =	shalt  }
0x6b: {  	_ =	shalt  }
0x6c: {  	_ =	shalt  }
0x6d: {  	_ =	shalt  }
0x6e: {  	_ =	shalt  }
0x6f: {  	_ =	shalt  }
0x70: {  	_ =	shalt  }
0x71: {  	_ =	shalt  }
0x72: {  	_ =	shalt  }
0x73: {  	_ =	shalt  }
0x74: {  	_ =	shalt  }
0x75: {  	_ =	shalt  }
0x76: {  	_ =	shalt  }
0x77: {  	_ =	shalt  }
0x78: {  	_ =	shalt  }
0x79: {  	_ =	shalt  }
0x7a: {  	_ =	shalt  }
0x7b: {  	_ =	shalt  }
0x7c: {  	_ =	shalt  }
0x7d: {  	_ =	shalt  }
0x7e: {  	_ =	shalt  }
0x7f: {  	_ =	shalt  }
0x80: {  	_ =	shalt  }
0x81: {  	_ =	shalt  }
0x82: {  	_ =	shalt  }
0x83: {  	_ =	shalt  }
0x84: {  	_ =	shalt  }
0x85: {  	_ =	shalt  }
0x86: {  	_ =	shalt  }
0x87: {  	_ =	shalt  }
.Lfunc_end0:
.L_simem_size_0:
called_computation.2_lowered:
.L_overlay_start_0:
0x88: {  	s2 =	sld [smem:$0x3FD9]  }
0x89: {  	s3 =	sld [smem:$0x3FFE];
	_ =	sdelay $0x1  }
0x8a: {  	s1 =	srdreg.scid  }
0x8b: {  	s0 =	sand.u32 $0x1, s1  }
0x8c: {  	s16 =	sshll.u32 s0, $0xA;
	s2 =	sadd.s32 s3, s2  }
0x8d: {  	s2 =	sadd.s32 s2, s16  }
0x8e: {  	[smem:$0x3FBA] =	sst s2  }
0x8f: {  	_ = 	snop  }
0x90: {  	(tm) =	ssettm $0x1  }
0x91: {  	s17 =	sld [smem:$0x3FFB];
	_ =	sdelay $0x3  }
0x92: {  	_ =	strace s17  }
0x93: {  	s2 =	sld [smem:$0x3FFC];
	_ =	sdelay $0x3  }
0x94: {  	_ =	strace s2  }
0x95: {  	s2 =	sld [smem:$0x3FFD];
	_ =	sdelay $0x3  }
0x96: {  	_ =	strace s2  }
0x97: {  	_ =	strace $0x8FFFFFFF  }
0x98: {  	s18 =	sld [smem:$0x3FDB];
	_ =	sdelay $0x1  }
0x99: {  	s19 =	simm.s32 $_scs_section_size  }
0x9a: {  	s4 =	simm.s32 $_size__tile_overlayer_lowered;
	s5 =	simm.s32 $_tile_overlayer_lowered  }
0x9b: {  	s22 =	simm.s32 $0x1BFF;
	s21 =	sshll.u32 s5, $0x1;
	s2 =	sadd.s32 s19, s18  }
0x9c: {  	s6 =	simm.s32 $0x0;
	s20 =	sshll.u32 s4, $0x1;
	s4 =	sadd.s32 s21, s2  }
0x9d: {  	[timem:s6], [sflag:s22] =	dma.local [hbm:s4], s20  }
0x9e: {  	_ =	swait.ge [sflag:s22], s20  }
0x9f: {  	s3 =	ssub.s32 $0x0, s20;
	[sflag:s22] =	ssyncset.done $0x0  }
0xa0: {  	[sflag:s22] =	ssyncadd.s32 s3;
	_ =	sdelay $0x1  }
0xa1: {  	s23 =	simm.s32 $0x1B8B  }
0xa2: {  	_ =	swait.ge [sflag:s23], $0x1  }
0xa3: {  	[sflag:s23] =	ssyncset.done $0x0  }
0xa4: {  	s25 =	simm.s32 $0x1B8E;
	s24 =	sld [smem:$0x3FFE];
	[sflag:s23] =	ssyncadd.s32 $0xFFFFFFFF  }
0xa5: {  	s26 =	simm.s32 $execute0_lowered;
	[smem:$0x3FD2] =	sst s25  }
0xa6: {  	s4 =	sshll.u32 s26, $0x1;
	_ =	strace $0x8000004C;
	[dreg:$0x1] =	wrdreg $0xFFFFFFFF  }
0xa7: {  	s28 =	simm.s32 $_size_execute0_lowered;
	s2 =	sadd.s32 s2, s4;
	[dreg:$0x0] =	wrdreg $0x0  }
0xa8: {  	s4 =	sshll.u32 s28, $0x1;
	[dreg:$0x2] =	wrdreg s2  }
0xa9: {  	[dreg:$0x3] =	wrdreg s4  }
0xaa: {  	[dreg:$0x4] =	wrdreg $0xC0  }
0xab: {  	_ =	task [dreg:s6], $0x5FFFF  }
0xac: {  	[dreg:$0x1] =	wrdreg $0xFFFFFFFF  }
0xad: {  	[dreg:$0x0] =	wrdreg $0x60  }
0xae: {  	[dreg:$0x2] =	wrdreg s24  }
0xaf: {  	[dreg:$0x3] =	wrdreg $0x80000  }
0xb0: {  	[dreg:$0x4] =	wrdreg $0x9  }
0xb1: {  	_ =	task.clear_ibuf [dreg:s6], $0x5FFFF;
	_ =	strace $0x9000004C  }
0xb2: {  	s29 =	simm.s32 $0x9;
	_ =	strace $0x8000004E  }
0xb3: {  	_ =	swait.ge [sflag:s29], $0x1  }
0xb4: {  	[sflag:s29] =	ssyncadd.s32 $0xFFFFFFFF  }
0xb5: {  	_ =	strace $0x9000004E  }
0xb6: {  	_ =	sfence  }
0xb7: {  	s30 =	sld [smem:$0x0];
	_ =	sdelay $0x2  }
0xb8: {  	s31 =	sshll.u32 s1, $0xD;
	s1 =	sshrl.u32 s1, $0x2  }
0xb9: {  	s3 =	sand.u32 $0x4000, s31;
	s1 =	sadd.s32 s1, s30  }
0xba: {  	s0 =	sor.u32 s3, s0;
	s1 =	sshll.u32 s1, $0x11  }
0xbb: {  	s0 =	sor.u32 s1, s0  }
0xbc: {  	s0 =	sadd.s32 $0x8F2B, s0  }
0xbd: {  	[sflag:s0] =	ssyncadd.remote.s32 $0x1  }
0xbe: {  	_ =	sfence.sel $0xFFFF  }
0xbf: {  	[dreg:$0x0] =	wrdreg $0xFFFFFFFF;
	(pc) =	sbr.abs _section_cstart, $3  }
0xc0: {  	[dreg:$0x1] =	wrdreg $0xFFFFFFFF  }
0xc1: {  	_ =	task.clear_ibuf [dreg:s6], $0x2FFFF;
	_ =	strace $0x9FFFFFFF  }
0xc2: {  	(tm) =	ssettm $0x7FFFFFFF  }
0xc3: {  	_ =	shalt  }
tec
execute0_lowered:
.L_overlay_start_1:
0x0: {  	(tag) =	ssettag $0x1  }
0x1: {  	s1 =	srdreg.scid  }
0x2: {  	s0 =	stileid.u32;
	s12 =	rddreg [dreg:$0x0]  }
0x3: {  	s2 =	rddreg [dreg:$0x1];
	s3 =	simm.s32 $0x0;
	s15 =	simm.s32 $0x1D800  }
0x4: {  	s16 =	simm.s32 $0x2800;
	s17 =	simm.s32 $0x5000;
	s18 =	simm.s32 $0x80  }
0x5: {  	s9 =	sand.u32 $0x1, s1;
	s1 =	rddreg [dreg:$0x2];
	s5 =	smul.u32 $0xA000, s0  }
0x6: {  	s31 =	sshll.u32 s0, $0x1;
	[smem:$0x7FF] =	sst s3;
	s13 =	smul.u32 $0x2800, s0  }
0x7: {  	s19 =	sshll.u32 s0, $0x6;
	s4 =	sor.u32 s9, s31;
	_ =	strace $0x8000004D  }
0x8: {  	s6 =	ssub.s32 $0x2, s9;
	p0 =	seq.s32 s9, $0x1;
	s19 =	sor.u32 $0x1C01, s19  }
0x9: {  	s4 =	smul.u32 $0x500, s4;
	s7 =	sshrl.u32 s6, $0x1;
	s5 =	sshrl.u32 s5, $0x2  }
0xa: {  	v0 =	vlaneseq.u32;
	s15 =	simm.s32 @!p0 $0x18800;
	s14 =	ssub.s32 s6, s7;
	s10 =	sadd.s32 s5, s2  }
0xb: {  	v0 =	vmul.u32 $0x10, v0;
	s5 =	sadd.s32 s13, s2;
	s13 =	sshrl.u32 s13, $0x3;
	s15 =	sadd.s32 s15, s12  }
0xc: {  	s11 =	sadd.s32 s4, s12;
	s4 =	sadd.s32 $0x4200, s12;
	s6 =	sadd.s32 $0x800, s10  }
0xd: {  	v1 =	vimm.f32 $0.0e+00;
	v2 =	vor.u32 $0x100, v0;
	s7 =	sadd.s32 $0x1000, s10;
	s8 =	sadd.s32 $0x1800, s10;
	s9 =	sadd.s32 $0x2000, s10  }
0xe: {  	v3 =	vor.u32 $0x200, v0;
	v4 =	vor.u32 $0x300, v0;
	v5 =	vor.u32 $0x400, v0;
	s12 =	smax.u32 s14, $0x1;
	s13 =	sadd.s32 s15, s13;
	s14 =	simm.s32 $0x7800  }
0xf: {  	v6 =	vor.u32 $0x500, v0;
	v7 =	vor.u32 $0x600, v0;
	v8 =	vor.u32 $0x700, v0;
	s15 =	simm.s32 $0x1;
	s10 =	sadd.s32 $0xE800, s11;
	s11 =	sadd.s32 $0x4800, s11  }
.LBB2_1:
0x10: {  	s20 =	simm.s32 $0x40;
	s21 =	simm.s32 $0x0  }
.LBB2_2:
0x11: {  	p0 =	sne.s32 s20, $0x1FC0;
	[tilespmem:s21+$0x7800] =	vst v1;
	s21 =	smov.u32 s20;
	s20 =	sadd.s32 $0x40, s20  }
.Ltmp0:
0x12: {  	(pc) =	sbr.rel @p0 .LBB2_2-.Ltmp0, $2  }
0x13: {  	_ =	sdelay $0x2  }
0x14: {  	s21 =	sshra.s32 s21, $0x2  }
0x15: {  	[tilespmem:s21+$0x7800] =	vst v1  }
0x16: {  	[spmem:s5] =	stream.linear.scatter [tilespmem:s14], [sflag:$0x1], $0x800, $0x38;
	[tilespmem:$0xA800] =	vst v63  }
0x17: {  	_ =	swait.ge [sflag:s15], $0x800  }
0x18: {  	[sflag:s15] =	ssyncset.done $0x0  }
0x19: {  	[sflag:s15] =	ssyncadd.s32 $0xFFFFF800  }
0x1a: {  	[spmem:s6] =	stream.linear.scatter [tilespmem:s14], [sflag:$0x1], $0x800, $0x38;
	[tilespmem:$0xA800] =	vst v63  }
0x1b: {  	_ =	swait.ge [sflag:s15], $0x800  }
0x1c: {  	[sflag:s15] =	ssyncset.done $0x0  }
0x1d: {  	[sflag:s15] =	ssyncadd.s32 $0xFFFFF800  }
0x1e: {  	[spmem:s7] =	stream.linear.scatter [tilespmem:s14], [sflag:$0x1], $0x800, $0x38;
	[tilespmem:$0xA800] =	vst v63  }
0x1f: {  	_ =	swait.ge [sflag:s15], $0x800  }
0x20: {  	[sflag:s15] =	ssyncset.done $0x0  }
0x21: {  	[sflag:s15] =	ssyncadd.s32 $0xFFFFF800  }
0x22: {  	[spmem:s8] =	stream.linear.scatter [tilespmem:s14], [sflag:$0x1], $0x800, $0x38;
	[tilespmem:$0xA800] =	vst v63  }
0x23: {  	_ =	swait.ge [sflag:s15], $0x800  }
0x24: {  	[sflag:s15] =	ssyncset.done $0x0  }
0x25: {  	[sflag:s15] =	ssyncadd.s32 $0xFFFFF800  }
0x26: {  	[spmem:s9] =	stream.linear.scatter [tilespmem:s14], [sflag:$0x1], $0x800, $0x38;
	[tilespmem:$0xA800] =	vst v63  }
0x27: {  	_ =	swait.ge [sflag:s15], $0x800  }
0x28: {  	[sflag:s15] =	ssyncset.done $0x0  }
0x29: {  	s20 =	simm.s32 $0x0;
	[sflag:s15] =	ssyncadd.s32 $0xFFFFF800  }
0x2a: {  	[tilespmem:s20], [sflag:$0x1] =	stream.linear.gather [hbm4b:s10+s20], $0x2800, $0x38;
	[tilespmem:$0xA800] =	vst v63  }
0x2b: {  	_ =	swait.ge [sflag:s15], $0x2800  }
0x2c: {  	[sflag:s15] =	ssyncset.done $0x0  }
0x2d: {  	[sflag:s15] =	ssyncadd.s32 $0xFFFFD800  }
0x2e: {  	[tilespmem:s16], [sflag:$0x1] =	stream.linear.gather [hbm4b:s11+s20], $0x2800, $0x38;
	[tilespmem:$0xA800] =	vst v63  }
0x2f: {  	_ =	swait.ge [sflag:s15], $0x2800  }
0x30: {  	[sflag:s15] =	ssyncset.done $0x0  }
0x31: {  	[sflag:s15] =	ssyncadd.s32 $0xFFFFD800  }
0x32: {  	[tilespmem:s17], [sflag:$0x1] =	stream.linear.gather [hbm4b:s4+s20], $0x2800, $0x38;
	[tilespmem:$0xA800] =	vst v63  }
0x33: {  	_ =	swait.ge [sflag:s15], $0x2800  }
0x34: {  	[sflag:s15] =	ssyncset.done $0x0  }
0x35: {  	[sflag:s15] =	ssyncadd.s32 $0xFFFFD800  }
0x36: {  	[bflag:$0x0] =	sbarrier.arrive $0xFFFF  }
.LBB2_4:
0x37: {  	s21 =	sshra.s32 s20, $0x2  }
0x38: {  	v9 =	vld [tilespmem:s21+$0x0]  }
0x39: {  	v10 =	vld [tilespmem:s21+$0x2800];
	_ =	sdelay $0x6  }
0x3a: {  	v9 =	vld.idx.msk [tilespmem:v9+s17+$0x0], $0xffff  }
0x3b: {  	v10 =	vld.idx.msk [tilespmem:v10+s17+$0x0], $0xffff;
	_ =	sdelay $0x4  }
0x3c: {  	v9 =	vmul.f32 v10, v9;
	_ =	sdelay $0x1  }
0x3d: {  	[tilespmem:v0+s14+$0x0] =	vst.idx.msk $0xffff, v9  }
0x3e: {  	v9 =	vld [tilespmem:s21+$0x10]  }
0x3f: {  	v10 =	vld [tilespmem:s21+$0x2810];
	_ =	sdelay $0x6  }
0x40: {  	v9 =	vld.idx.msk [tilespmem:v9+s17+$0x0], $0xffff  }
0x41: {  	v10 =	vld.idx.msk [tilespmem:v10+s17+$0x0], $0xffff;
	_ =	sdelay $0x4  }
0x42: {  	v9 =	vmul.f32 v10, v9;
	_ =	sdelay $0x1  }
0x43: {  	[tilespmem:v2+s14+$0x0] =	vst.idx.msk $0xffff, v9  }
0x44: {  	v9 =	vld [tilespmem:s21+$0x20]  }
0x45: {  	v10 =	vld [tilespmem:s21+$0x2820];
	_ =	sdelay $0x6  }
0x46: {  	v9 =	vld.idx.msk [tilespmem:v9+s17+$0x0], $0xffff  }
0x47: {  	v10 =	vld.idx.msk [tilespmem:v10+s17+$0x0], $0xffff;
	_ =	sdelay $0x4  }
0x48: {  	v9 =	vmul.f32 v10, v9;
	_ =	sdelay $0x1  }
0x49: {  	[tilespmem:v3+s14+$0x0] =	vst.idx.msk $0xffff, v9  }
0x4a: {  	v9 =	vld [tilespmem:s21+$0x30]  }
0x4b: {  	v10 =	vld [tilespmem:s21+$0x2830];
	_ =	sdelay $0x6  }
0x4c: {  	v9 =	vld.idx.msk [tilespmem:v9+s17+$0x0], $0xffff  }
0x4d: {  	v10 =	vld.idx.msk [tilespmem:v10+s17+$0x0], $0xffff;
	_ =	sdelay $0x4  }
0x4e: {  	v9 =	vmul.f32 v10, v9;
	_ =	sdelay $0x1  }
0x4f: {  	[tilespmem:v4+s14+$0x0] =	vst.idx.msk $0xffff, v9  }
0x50: {  	v9 =	vld [tilespmem:s21+$0x40]  }
0x51: {  	v10 =	vld [tilespmem:s21+$0x2840];
	_ =	sdelay $0x6  }
0x52: {  	v9 =	vld.idx.msk [tilespmem:v9+s17+$0x0], $0xffff  }
0x53: {  	v10 =	vld.idx.msk [tilespmem:v10+s17+$0x0], $0xffff;
	_ =	sdelay $0x4  }
0x54: {  	v9 =	vmul.f32 v10, v9;
	_ =	sdelay $0x1  }
0x55: {  	[tilespmem:v5+s14+$0x0] =	vst.idx.msk $0xffff, v9  }
0x56: {  	v9 =	vld [tilespmem:s21+$0x50]  }
0x57: {  	v10 =	vld [tilespmem:s21+$0x2850];
	_ =	sdelay $0x6  }
0x58: {  	v9 =	vld.idx.msk [tilespmem:v9+s17+$0x0], $0xffff  }
0x59: {  	v10 =	vld.idx.msk [tilespmem:v10+s17+$0x0], $0xffff;
	_ =	sdelay $0x4  }
0x5a: {  	v9 =	vmul.f32 v10, v9;
	_ =	sdelay $0x1  }
0x5b: {  	[tilespmem:v6+s14+$0x0] =	vst.idx.msk $0xffff, v9  }
0x5c: {  	v9 =	vld [tilespmem:s21+$0x60]  }
0x5d: {  	v10 =	vld [tilespmem:s21+$0x2860];
	_ =	sdelay $0x6  }
0x5e: {  	v9 =	vld.idx.msk [tilespmem:v9+s17+$0x0], $0xffff  }
0x5f: {  	v10 =	vld.idx.msk [tilespmem:v10+s17+$0x0], $0xffff;
	_ =	sdelay $0x4  }
0x60: {  	v9 =	vmul.f32 v10, v9;
	_ =	sdelay $0x1  }
0x61: {  	[tilespmem:v7+s14+$0x0] =	vst.idx.msk $0xffff, v9  }
0x62: {  	v9 =	vld [tilespmem:s21+$0x70]  }
0x63: {  	v10 =	vld [tilespmem:s21+$0x2870];
	_ =	sdelay $0x6  }
0x64: {  	v9 =	vld.idx.msk [tilespmem:v9+s17+$0x0], $0xffff  }
0x65: {  	v10 =	vld.idx.msk [tilespmem:v10+s17+$0x0], $0xffff;
	_ =	sdelay $0x4  }
0x66: {  	v9 =	vmul.f32 v10, v9  }
0x67: {  	p0 =	sne.s32 s20, $0x9E00  }
.Ltmp1:
0x68: {  	s21 =	sadd.s32 $0x2800, s21;
	[tilespmem:v8+s14+$0x0] =	vst.idx.msk $0xffff, v9;
	(pc) =	sbr.rel @p0 .LBB2_4-.Ltmp1, $4  }
0x69: {  	[spmem:s2] =	stream.indirect.scatter.add.f32 [tilespmem:s14], [sflag:$0x1], $0x10, s21, s18, $0xb8;
	[tilespmem:$0xA800] =	vst v63  }
0x6a: {  	_ =	swait.ge [sflag:s15], $0x800  }
0x6b: {  	[sflag:s15] =	ssyncset.done $0x0  }
0x6c: {  	s20 =	sadd.s32 $0x200, s20;
	[sflag:s15] =	ssyncadd.s32 $0xFFFFF800  }
0x6d: {  	s3 =	sadd.s32 $0x1, s3  }
0x6e: {  	p0 =	sne.s32 s3, s12  }
.Ltmp2:
0x6f: {  	[bflag:$0x0] =	sbarrier.arrive $0xFFFF;
	s20 =	sshrl.u32 s5, $0x3;
	(pc) =	sbr.rel @p0 .LBB2_1-.Ltmp2, $4  }
0x70: {  	[hbm:s13], [sflag:s19] =	dma.local [spmem:s20], $0x500  }
0x71: {  	_ =	swait.ge [sflag:s15], $0x500  }
0x72: {  	[sflag:s15] =	ssyncset.done $0x0  }
0x73: {  	[sflag:s15] =	ssyncadd.s32 $0xFFFFFB00  }
0x74: {  	_ =	sfence.sel $0x180000  }
0x75: {  	[bflag:$0x0] =	sbarrier.arrive $0xFFFF  }
0x76: {  	p0 =	sne.s32 s0, $0x0;
	_ =	strace $0x9000004D  }
0x77: {  	s0 =	sadd.s32 @!p0 $0x100000, s1;
	[bflag:$0x2] =	sbarrier.arrive $0xFFFF  }
0x78: {  	[sflag:s0] =	ssyncadd.tile.s32 @!p0 $0x1;
	_ =	shalt  }
.Lfunc_end2:
_tile_overlayer_lowered:
.L_overlay_start_2:
0x79: {  	(tag) =	ssettag $0x2  }
0x7a: {  	s0 =	rddreg [dreg:$0x0];
	s2 =	stileid.u32  }
0x7b: {  	s1 =	rddreg [dreg:$0x1];
	p0 =	sne.s32 s2, $0x0  }
0x7c: {  	s3 =	rddreg [dreg:$0x2];
	[bflag:$0x3] =	sbarrier.arrive $0xFFFF;
	s2 =	simm.s32 @!p0 $0x1C01  }
0x7d: {  	[timem:s3], [sflag:s2] =	dma.local @!p0 [hbm:s0], s1  }
0x7e: {  	s0 =	simm.s32 @!p0 $0x1  }
0x7f: {  	_ =	swait.ge @!p0 [sflag:s0], s1  }
0x80: {  	s1 =	ssub.s32 @!p0 $0x0, s1;
	[sflag:s0] =	ssyncset.done @!p0 $0x0  }
0x81: {  	[sflag:s0] =	ssyncadd.s32 @!p0 s1  }
0x82: {  	[bflag:$0x3] =	sbarrier.arrive $0xFFFF  }
0x83: {  	_ =	shalt  }

// kernel: kernel.19.cloned.1.call-start
scs
__scs_entry_jumppad:
0x0: {  	(pc) =	sbr.rel $0x88, $3  }
0x1: {  	(tag) =	ssettag $0x0;
	lr =	simm.s32 $0x1  }
0x2: {  	[smem:$0x3F93] =	sst lr;
	_ =	strace $0xD0000000  }
0x3: {  	_ = 	snop  }
0x4: {  	_ = 	snop  }
0x5: {  	_ = 	snop  }
0x6: {  	_ = 	snop  }
0x7: {  	_ = 	snop  }
__scs_overlays_trampoline_lowered:
0x8: {  	[smem:$0x3FA2] =	sst s0  }
0x9: {  	[smem:$0x3FA3] =	sst s1  }
0xa: {  	[smem:$0x3FA4] =	sst s2  }
0xb: {  	[smem:$0x3FA5] =	sst s3  }
0xc: {  	[smem:$0x3FA6] =	sst s4  }
0xd: {  	[smem:$0x3FA7] =	sst s5  }
0xe: {  	[smem:$0x3FA8] =	sst s6  }
0xf: {  	[smem:$0x3FA9] =	sst s7  }
0x10: {  	[smem:$0x3FAA] =	sst s8  }
0x11: {  	[smem:$0x3FAB] =	sst s9;
	s0 =	simm.s32 @!p0 $0x0  }
0x12: {  	s1 =	sld [smem:$0x3F91];
	s0 =	simm.s32 @p0 $0x1  }
0x13: {  	[smem:$0x3FAC] =	sst s0;
	s0 =	simm.s32 @!p1 $0x0  }
0x14: {  	s2 =	sld [smem:$0x3F90];
	s0 =	simm.s32 @p1 $0x1  }
0x15: {  	[smem:$0x3FAD] =	sst s0;
	s0 =	simm.s32 @!p2 $0x0  }
0x16: {  	s3 =	sld [smem:$0x3FDB];
	s0 =	simm.s32 @p2 $0x1  }
0x17: {  	s4 =	simm.s32 $0x1BF5;
	[smem:$0x3FAF] =	sst s0  }
0x18: {  	s0 =	sld [smem:$0x3F92];
	_ =	swait.ge [sflag:s4], $0x0  }
0x19: {  	s7 =	sld [smem:$0x3F93]  }
0x1a: {  	s8 =	sadd.s32 $0xFFFFE003, lr  }
0x1b: {  	s9 =	sadd.s32 $0xFFFFFEF7, lr;
	s5 =	simm.s32 $0xFFFFFFFF;
	p2 =	slt.u32 s8, $0xFFFFF086  }
0x1c: {  	p1 =	slt.u32 s9, $0xF7A;
	s5 =	simm.s32 @!p2 $0x0  }
0x1d: {  	s5 =	simm.s32 @p1 $0x1;
	p0 =	seq.s32 s7, s2  }
0x1e: {  	s7 =	smul.u32 @!p0 $0xF7A, s2;
	p2 =	seq.s32 @!p0 s5, $0x0  }
0x1f: {  	s9 =	smul.u32 $0xF7A, s1;
	s8 =	simm.s32 @!p0 $0x1BF5;
	p2 =	por !p2, p0  }
0x20: {  	[sflag:s8] =	ssyncset.s32 @!p0 $0xFFFFF086;
	s6 =	sadd.s32 @!p0 s3, s7;
	s7 =	simm.s32 @!p0 $0x108  }
0x21: {  	s3 =	sadd.s32 s3, s9;
	s6 =	sadd.s32 @!p0 $0x88, s6;
	s7 =	simm.s32 @p2 $0x1082  }
0x22: {  	[simem:s7], [sflag:s8] =	dma.local @!p0 [hbm:s6], $0xF7A  }
0x23: {  	s9 =	sor.u32 $0xD0000000, s2;
	s6 =	simm.s32 $0x108;
	_ =	swait.ge @!p0 [sflag:s8], $0x0  }
0x24: {  	s3 =	sadd.s32 $0x88, s3;
	s6 =	simm.s32 @!p1 $0x1082;
	[sflag:s4] =	ssyncset.s32 $0xFFFFF086  }
0x25: {  	[simem:s6], [sflag:s4] =	dma.local [hbm:s3], $0xF7A  }
0x26: {  	[smem:$0x3F93] =	sst s1;
	(tag) =	ssettag s2;
	_ =	strace s9  }
0x27: {  	s1 =	sld [smem:$0x3FA3]  }
0x28: {  	s2 =	sld [smem:$0x3FA4]  }
0x29: {  	s4 =	sld [smem:$0x3FA6]  }
0x2a: {  	p0 =	seq.s32 s5, $0x0;
	s5 =	sld [smem:$0x3FA7]  }
0x2b: {  	s6 =	sld [smem:$0x3FA8]  }
0x2c: {  	s7 =	sld [smem:$0x3FA9]  }
0x2d: {  	s3 =	simm.s32 $0x108;
	s8 =	sld [smem:$0x3FAA]  }
0x2e: {  	s3 =	simm.s32 @!p0 $0x1082;
	s9 =	sld [smem:$0x3FAB]  }
0x2f: {  	lr =	sadd.s32 s0, s3;
	s0 =	sld [smem:$0x3FA2]  }
0x30: {  	s3 =	sld [smem:$0x3FA5]  }
0x31: {  	[smem:$0x3FAE] =	sst s10  }
0x32: {  	s10 =	sld [smem:$0x3FAC];
	_ =	sdelay $0x3  }
0x33: {  	p0 =	seq.s32 s10, $0x1;
	s10 =	sld [smem:$0x3FAE];
	_ =	sdelay $0x3  }
0x34: {  	[smem:$0x3FAE] =	sst s10  }
0x35: {  	s10 =	sld [smem:$0x3FAD];
	_ =	sdelay $0x3  }
0x36: {  	p1 =	seq.s32 s10, $0x1;
	s10 =	sld [smem:$0x3FAE];
	_ =	sdelay $0x3  }
0x37: {  	[smem:$0x3FAE] =	sst s10  }
0x38: {  	s10 =	sld [smem:$0x3FAF]  }
0x39: {  	_ = 	snop;
	(pc) =	sbr.ind lr, $3  }
0x3a: {  	_ = 	snop  }
0x3b: {  	_ = 	snop  }
0x3c: {  	p2 =	seq.s32 s10, $0x1;
	s10 =	sld [smem:$0x3FAE]  }
0x3d: {  	_ =	shalt  }
0x3e: {  	_ =	shalt  }
0x3f: {  	_ =	shalt  }
0x40: {  	_ =	shalt  }
0x41: {  	_ =	shalt  }
0x42: {  	_ =	shalt  }
0x43: {  	_ =	shalt  }
0x44: {  	_ =	shalt  }
0x45: {  	_ =	shalt  }
0x46: {  	_ =	shalt  }
0x47: {  	_ =	shalt  }
0x48: {  	_ =	shalt  }
0x49: {  	_ =	shalt  }
0x4a: {  	_ =	shalt  }
0x4b: {  	_ =	shalt  }
0x4c: {  	_ =	shalt  }
0x4d: {  	_ =	shalt  }
0x4e: {  	_ =	shalt  }
0x4f: {  	_ =	shalt  }
0x50: {  	_ =	shalt  }
0x51: {  	_ =	shalt  }
0x52: {  	_ =	shalt  }
0x53: {  	_ =	shalt  }
0x54: {  	_ =	shalt  }
0x55: {  	_ =	shalt  }
0x56: {  	_ =	shalt  }
0x57: {  	_ =	shalt  }
0x58: {  	_ =	shalt  }
0x59: {  	_ =	shalt  }
0x5a: {  	_ =	shalt  }
0x5b: {  	_ =	shalt  }
0x5c: {  	_ =	shalt  }
0x5d: {  	_ =	shalt  }
0x5e: {  	_ =	shalt  }
0x5f: {  	_ =	shalt  }
0x60: {  	_ =	shalt  }
0x61: {  	_ =	shalt  }
0x62: {  	_ =	shalt  }
0x63: {  	_ =	shalt  }
0x64: {  	_ =	shalt  }
0x65: {  	_ =	shalt  }
0x66: {  	_ =	shalt  }
0x67: {  	_ =	shalt  }
0x68: {  	_ =	shalt  }
0x69: {  	_ =	shalt  }
0x6a: {  	_ =	shalt  }
0x6b: {  	_ =	shalt  }
0x6c: {  	_ =	shalt  }
0x6d: {  	_ =	shalt  }
0x6e: {  	_ =	shalt  }
0x6f: {  	_ =	shalt  }
0x70: {  	_ =	shalt  }
0x71: {  	_ =	shalt  }
0x72: {  	_ =	shalt  }
0x73: {  	_ =	shalt  }
0x74: {  	_ =	shalt  }
0x75: {  	_ =	shalt  }
0x76: {  	_ =	shalt  }
0x77: {  	_ =	shalt  }
0x78: {  	_ =	shalt  }
0x79: {  	_ =	shalt  }
0x7a: {  	_ =	shalt  }
0x7b: {  	_ =	shalt  }
0x7c: {  	_ =	shalt  }
0x7d: {  	_ =	shalt  }
0x7e: {  	_ =	shalt  }
0x7f: {  	_ =	shalt  }
0x80: {  	_ =	shalt  }
0x81: {  	_ =	shalt  }
0x82: {  	_ =	shalt  }
0x83: {  	_ =	shalt  }
0x84: {  	_ =	shalt  }
0x85: {  	_ =	shalt  }
0x86: {  	_ =	shalt  }
0x87: {  	_ =	shalt  }
.Lfunc_end0:
.L_simem_size_0:
called_computation.3_lowered:
.L_overlay_start_0:
0x88: {  	s2 =	sld [smem:$0x3FD9]  }
0x89: {  	s3 =	sld [smem:$0x3FFE];
	_ =	sdelay $0x1  }
0x8a: {  	s1 =	srdreg.scid  }
0x8b: {  	s0 =	sand.u32 $0x1, s1  }
0x8c: {  	s16 =	sshll.u32 s0, $0xA;
	s2 =	sadd.s32 s3, s2  }
0x8d: {  	s2 =	sadd.s32 s2, s16  }
0x8e: {  	[smem:$0x3FBA] =	sst s2  }
0x8f: {  	_ = 	snop  }
0x90: {  	(tm) =	ssettm $0x1  }
0x91: {  	s17 =	sld [smem:$0x3FFB];
	_ =	sdelay $0x3  }
0x92: {  	_ =	strace s17  }
0x93: {  	s2 =	sld [smem:$0x3FFC];
	_ =	sdelay $0x3  }
0x94: {  	_ =	strace s2  }
0x95: {  	s2 =	sld [smem:$0x3FFD];
	_ =	sdelay $0x3  }
0x96: {  	_ =	strace s2  }
0x97: {  	_ =	strace $0x8FFFFFFF  }
0x98: {  	s18 =	sld [smem:$0x3FDB];
	_ =	sdelay $0x1  }
0x99: {  	s19 =	simm.s32 $_scs_section_size  }
0x9a: {  	s4 =	simm.s32 $_size__tile_overlayer_lowered;
	s5 =	simm.s32 $_tile_overlayer_lowered  }
0x9b: {  	s22 =	simm.s32 $0x1BFF;
	s21 =	sshll.u32 s5, $0x1;
	s2 =	sadd.s32 s19, s18  }
0x9c: {  	s6 =	simm.s32 $0x0;
	s20 =	sshll.u32 s4, $0x1;
	s4 =	sadd.s32 s21, s2  }
0x9d: {  	[timem:s6], [sflag:s22] =	dma.local [hbm:s4], s20  }
0x9e: {  	_ =	swait.ge [sflag:s22], s20  }
0x9f: {  	s3 =	ssub.s32 $0x0, s20;
	[sflag:s22] =	ssyncset.done $0x0  }
0xa0: {  	[sflag:s22] =	ssyncadd.s32 s3;
	_ =	sdelay $0x1  }
0xa1: {  	s23 =	simm.s32 $0x1B8B  }
0xa2: {  	_ =	swait.ge [sflag:s23], $0x1  }
0xa3: {  	[sflag:s23] =	ssyncset.done $0x0  }
0xa4: {  	s25 =	simm.s32 $0x1B8E;
	s24 =	sld [smem:$0x3FFE];
	[sflag:s23] =	ssyncadd.s32 $0xFFFFFFFF  }
0xa5: {  	s26 =	simm.s32 $execute0_lowered;
	[smem:$0x3FD2] =	sst s25  }
0xa6: {  	s4 =	sshll.u32 s26, $0x1;
	_ =	strace $0x8000004F;
	[dreg:$0x1] =	wrdreg $0xFFFFFFFF  }
0xa7: {  	s28 =	simm.s32 $_size_execute0_lowered;
	s2 =	sadd.s32 s2, s4;
	[dreg:$0x0] =	wrdreg $0x0  }
0xa8: {  	s4 =	sshll.u32 s28, $0x1;
	[dreg:$0x2] =	wrdreg s2  }
0xa9: {  	[dreg:$0x3] =	wrdreg s4  }
0xaa: {  	[dreg:$0x4] =	wrdreg $0xC0  }
0xab: {  	_ =	task [dreg:s6], $0x5FFFF  }
0xac: {  	[dreg:$0x1] =	wrdreg $0xFFFFFFFF  }
0xad: {  	[dreg:$0x0] =	wrdreg $0x60  }
0xae: {  	[dreg:$0x2] =	wrdreg s24  }
0xaf: {  	[dreg:$0x3] =	wrdreg $0xE0000  }
0xb0: {  	[dreg:$0x4] =	wrdreg $0x9  }
0xb1: {  	_ =	task.clear_ibuf [dreg:s6], $0x5FFFF;
	_ =	strace $0x9000004F  }
0xb2: {  	s29 =	simm.s32 $0x9;
	_ =	strace $0x80000051  }
0xb3: {  	_ =	swait.ge [sflag:s29], $0x1  }
0xb4: {  	[sflag:s29] =	ssyncadd.s32 $0xFFFFFFFF  }
0xb5: {  	_ =	strace $0x90000051  }
0xb6: {  	_ =	sfence  }
0xb7: {  	s30 =	sld [smem:$0x0];
	_ =	sdelay $0x2  }
0xb8: {  	s31 =	sshll.u32 s1, $0xD;
	s1 =	sshrl.u32 s1, $0x2  }
0xb9: {  	s3 =	sand.u32 $0x4000, s31;
	s1 =	sadd.s32 s1, s30  }
0xba: {  	s0 =	sor.u32 s3, s0;
	s1 =	sshll.u32 s1, $0x11  }
0xbb: {  	s0 =	sor.u32 s1, s0  }
0xbc: {  	s0 =	sadd.s32 $0x8F2B, s0  }
0xbd: {  	[sflag:s0] =	ssyncadd.remote.s32 $0x1  }
0xbe: {  	_ =	sfence.sel $0xFFFF  }
0xbf: {  	[dreg:$0x0] =	wrdreg $0xFFFFFFFF;
	(pc) =	sbr.abs _section_cstart, $3  }
0xc0: {  	[dreg:$0x1] =	wrdreg $0xFFFFFFFF  }
0xc1: {  	_ =	task.clear_ibuf [dreg:s6], $0x2FFFF;
	_ =	strace $0x9FFFFFFF  }
0xc2: {  	(tm) =	ssettm $0x7FFFFFFF  }
0xc3: {  	_ =	shalt  }
tec
execute0_lowered:
.L_overlay_start_1:
0x0: {  	(tag) =	ssettag $0x1  }
0x1: {  	s0 =	rddreg [dreg:$0x0]  }
0x2: {  	s1 =	rddreg [dreg:$0x1];
	s3 =	simm.s32 $0x0  }
0x3: {  	s2 =	stileid.u32;
	s9 =	srdreg.scid;
	s21 =	simm.s32 $0x3  }
0x4: {  	s23 =	simm.s32 $0xA000;
	s24 =	simm.s32 $0x80;
	s28 =	simm.s32 $0x2  }
0x5: {  	s29 =	simm.s32 $0x9F00;
	s30 =	simm.s32 $0x9F80;
	s31 =	simm.s32 $0x0  }
0x6: {  	[smem:$0x7FF] =	sst s3;
	s4 =	sadd.s32 $0x54800, s0;
	s5 =	sadd.s32 $0x40800, s0  }
0x7: {  	s6 =	sadd.s32 $0x2C800, s0;
	s8 =	smul.u32 $0xA00, s2;
	s7 =	sadd.s32 $0x18800, s0  }
0x8: {  	s13 =	smul.u32 $0xA000, s2;
	s10 =	sadd.s32 $0x90800, s0;
	s14 =	sand.u32 $0x1, s9  }
0x9: {  	s12 =	smul.u32 $0x28000, s2;
	_ =	strace $0x80000050;
	[dreg:$0x3] =	wrdreg s10  }
0xa: {  	s11 =	ssub.s32 $0x2, s14;
	p0 =	seq.s32 s14, $0x1;
	s8 =	sadd.s32 s8, s0  }
0xb: {  	s9 =	sshrl.u32 s13, $0x3;
	s25 =	sshrl.u32 s11, $0x1;
	s15 =	sshrl.u32 s12, $0x2  }
0xc: {  	s13 =	sadd.s32 s13, s1;
	s19 =	sadd.s32 s9, s0;
	s0 =	sadd.s32 $0x68800, s0  }
.Ltmp0:
0xd: {  	s12 =	sadd.s32 $0x4800, s8;
	s26 =	sadd.s32 s15, s1;
	(pc) =	sbr.rel .LBB2_1-.Ltmp0, $4  }
0xe: {  	[dreg:$0x4] =	wrdreg s0;
	s0 =	ssub.s32 s11, s25;
	s11 =	sadd.s32 $0xE800, s8  }
0xf: {  	s14 =	sadd.s32 $0x2000, s26;
	s15 =	sadd.s32 $0x4000, s26;
	s16 =	sadd.s32 $0x6000, s26  }
0x10: {  	s17 =	sadd.s32 $0x8000, s26;
	s18 =	sadd.s32 $0xA4800, s19;
	s19 =	sadd.s32 $0x7C800, s19  }
0x11: {  	v0 =	vimm.f32 $0.0e+00;
	s25 =	simm.s32 $0xC000;
	s26 =	simm.s32 $0x1;
	s20 =	smax.u32 s0, $0x1  }
.LBB2_19:
0x12: {  	[tilespmem:s25], [sflag:$0x2] =	stream.indirect.gather [hbm4b:s7+s24], $0x40, s8, s24, $0xb8;
	[tilespmem:$0x18000] =	vst v63  }
0x13: {  	s8 =	rddreg [dreg:$0x4]  }
.LBB2_20:
0x14: {  	_ =	swait.ge [sflag:s26], $0x2000  }
0x15: {  	[sflag:s26] =	ssyncset.done $0x0  }
0x16: {  	[sflag:s26] =	ssyncadd.s32 $0xFFFFE000  }
0x17: {  	[spmem:s1] =	stream.indirect.scatter.add.f32 [tilespmem:s23], [sflag:$0x3], $0x40, s29, s24, $0xb8;
	[tilespmem:$0x18000] =	vst v63  }
0x18: {  	_ =	swait.ge [sflag:s21], $0x2000  }
0x19: {  	[sflag:s21] =	ssyncset.done $0x0  }
0x1a: {  	[sflag:s21] =	ssyncadd.s32 $0xFFFFE000  }
0x1b: {  	_ =	swait.ge [sflag:s28], $0x2000  }
0x1c: {  	[sflag:s28] =	ssyncset.done $0x0  }
0x1d: {  	[sflag:s28] =	ssyncadd.s32 $0xFFFFE000  }
0x1e: {  	[spmem:s1] =	stream.indirect.scatter.add.f32 [tilespmem:s25], [sflag:$0x3], $0x40, s30, s24, $0xb8;
	[tilespmem:$0x18000] =	vst v63  }
0x1f: {  	_ =	swait.ge [sflag:s21], $0x2000  }
0x20: {  	[sflag:s21] =	ssyncset.done $0x0  }
0x21: {  	s8 =	sadd.s32 s8, s9;
	s31 =	sadd.s32 $0x1, s31;
	[sflag:s21] =	ssyncadd.s32 $0xFFFFE000  }
0x22: {  	s10 =	sshrl.u32 s13, $0x3;
	p1 =	sne.s32 s31, s20;
	[bflag:$0x0] =	sbarrier.arrive $0xFFFF  }
0x23: {  	[hbm:s8], [sflag:s0] =	dma.local [spmem:s10], $0x1400  }
.Ltmp1:
0x24: {  	_ =	swait.ge [sflag:s21], $0x1400;
	(pc) =	sbr.rel @!p1 .LBB2_21-.Ltmp1, $3  }
0x25: {  	[sflag:s21] =	ssyncset.done $0x0  }
0x26: {  	[sflag:s21] =	ssyncadd.s32 $0xFFFFEC00  }
0x27: {  	[bflag:$0x0] =	sbarrier.arrive $0xFFFF;
	_ =	sdelay $0x1  }
.LBB2_1:
0x28: {  	[tilespmem:s3], [sflag:$0x3] =	stream.linear.gather [hbm4b:s11+s3], $0x5000, $0x38;
	[tilespmem:$0x18000] =	vst v63  }
0x29: {  	_ =	swait.ge [sflag:s21], $0x5000  }
0x2a: {  	[sflag:s21] =	ssyncset.done $0x0  }
.Ltmp2:
0x2b: {  	s0 =	simm.s32 $0x5000;
	[sflag:s21] =	ssyncadd.s32 $0xFFFFB000;
	(pc) =	sbr.rel @!p0 .LBB2_2-.Ltmp2, $4  }
0x2c: {  	[tilespmem:s0], [sflag:$0x3] =	stream.linear.gather [hbm4b:s12+s3], $0x5000, $0x38;
	[tilespmem:$0x18000] =	vst v63  }
0x2d: {  	_ =	swait.ge [sflag:s21], $0x5000  }
0x2e: {  	[sflag:s21] =	ssyncset.done $0x0  }
0x2f: {  	[sflag:s21] =	ssyncadd.s32 $0xFFFFB000  }
0x30: {  	s8 =	simm.s32 $0x100;
	s0 =	simm.s32 $0x0  }
.LBB2_12:
0x31: {  	p1 =	sne.s32 s8, $0x7F00;
	[tilespmem:s0+$0xA030] =	vst v0;
	s10 =	smov.u32 s8;
	s8 =	sadd.s32 $0x100, s8  }
.Ltmp3:
0x32: {  	[tilespmem:s0+$0xA020] =	vst v0;
	(pc) =	sbr.rel @p1 .LBB2_12-.Ltmp3, $3  }
0x33: {  	[tilespmem:s0+$0xA000] =	vst v0  }
0x34: {  	[tilespmem:s0+$0xA010] =	vst v0;
	_ =	sdelay $0x1  }
0x35: {  	s0 =	sshra.s32 s10, $0x2  }
0x36: {  	[tilespmem:s0+$0xA030] =	vst v0  }
0x37: {  	[tilespmem:s0+$0xA020] =	vst v0  }
0x38: {  	[tilespmem:s0+$0xA000] =	vst v0  }
0x39: {  	[tilespmem:s0+$0xA010] =	vst v0  }
0x3a: {  	[spmem:s13] =	stream.linear.scatter [tilespmem:s23], [sflag:$0x3], $0x2000, $0x38;
	[tilespmem:$0x18000] =	vst v63  }
0x3b: {  	_ =	swait.ge [sflag:s21], $0x2000  }
0x3c: {  	[sflag:s21] =	ssyncset.done $0x0  }
0x3d: {  	[sflag:s21] =	ssyncadd.s32 $0xFFFFE000  }
0x3e: {  	[spmem:s14] =	stream.linear.scatter [tilespmem:s23], [sflag:$0x3], $0x2000, $0x38;
	[tilespmem:$0x18000] =	vst v63  }
0x3f: {  	_ =	swait.ge [sflag:s21], $0x2000  }
0x40: {  	[sflag:s21] =	ssyncset.done $0x0  }
0x41: {  	[sflag:s21] =	ssyncadd.s32 $0xFFFFE000  }
0x42: {  	[spmem:s15] =	stream.linear.scatter [tilespmem:s23], [sflag:$0x3], $0x2000, $0x38;
	[tilespmem:$0x18000] =	vst v63  }
0x43: {  	_ =	swait.ge [sflag:s21], $0x2000  }
0x44: {  	[sflag:s21] =	ssyncset.done $0x0  }
0x45: {  	[sflag:s21] =	ssyncadd.s32 $0xFFFFE000  }
0x46: {  	[spmem:s16] =	stream.linear.scatter [tilespmem:s23], [sflag:$0x3], $0x2000, $0x38;
	[tilespmem:$0x18000] =	vst v63  }
0x47: {  	_ =	swait.ge [sflag:s21], $0x2000  }
0x48: {  	[sflag:s21] =	ssyncset.done $0x0  }
0x49: {  	[sflag:s21] =	ssyncadd.s32 $0xFFFFE000  }
0x4a: {  	[spmem:s17] =	stream.linear.scatter [tilespmem:s23], [sflag:$0x3], $0x2000, $0x38;
	[tilespmem:$0x18000] =	vst v63  }
0x4b: {  	_ =	swait.ge [sflag:s21], $0x2000  }
0x4c: {  	[sflag:s21] =	ssyncset.done $0x0  }
0x4d: {  	[sflag:s21] =	ssyncadd.s32 $0xFFFFE000  }
0x4e: {  	s22 =	simm.s32 $0x0;
	[bflag:$0x0] =	sbarrier.arrive $0xFFFF  }
0x4f: {  	[tilespmem:s23], [sflag:$0x1] =	stream.indirect.gather [hbm4b:s6+s24], $0x40, s22, s24, $0xb8;
	[tilespmem:$0x18000] =	vst v63  }
0x50: {  	_ = 	snop  }
0x51: {  	[tilespmem:s25], [sflag:$0x2] =	stream.indirect.gather [hbm4b:s6+s24], $0x40, s24, s24, $0xb8;
	[tilespmem:$0x18000] =	vst v63  }
0x52: {  	_ =	swait.ge [sflag:s26], $0x2000  }
0x53: {  	[sflag:s26] =	ssyncset.done $0x0  }
0x54: {  	s8 =	simm.s32 $0x5000;
	[sflag:s26] =	ssyncadd.s32 $0xFFFFE000  }
0x55: {  	[spmem:s1] =	stream.indirect.scatter.add.f32 [tilespmem:s23], [sflag:$0x3], $0x40, s8, s24, $0xb8;
	[tilespmem:$0x18000] =	vst v63  }
0x56: {  	_ =	swait.ge [sflag:s21], $0x2000  }
0x57: {  	[sflag:s21] =	ssyncset.done $0x0  }
0x58: {  	s10 =	simm.s32 $0x100;
	[sflag:s21] =	ssyncadd.s32 $0xFFFFE000  }
0x59: {  	[tilespmem:s23], [sflag:$0x1] =	stream.indirect.gather [hbm4b:s6+s24], $0x40, s10, s24, $0xb8;
	[tilespmem:$0x18000] =	vst v63  }
0x5a: {  	_ =	swait.ge [sflag:s28], $0x2000  }
0x5b: {  	[sflag:s28] =	ssyncset.done $0x0  }
0x5c: {  	s22 =	simm.s32 $0x5080;
	[sflag:s28] =	ssyncadd.s32 $0xFFFFE000  }
0x5d: {  	[spmem:s1] =	stream.indirect.scatter.add.f32 [tilespmem:s25], [sflag:$0x3], $0x40, s22, s24, $0xb8;
	[tilespmem:$0x18000] =	vst v63  }
0x5e: {  	_ =	swait.ge [sflag:s21], $0x2000  }
0x5f: {  	[sflag:s21] =	ssyncset.done $0x0  }
0x60: {  	s0 =	simm.s32 $0x400;
	s8 =	simm.s32 $0x180;
	[sflag:s21] =	ssyncadd.s32 $0xFFFFE000  }
.LBB2_14:
0x61: {  	[tilespmem:s25], [sflag:$0x2] =	stream.indirect.gather [hbm4b:s6+s24], $0x40, s8, s24, $0xb8;
	[tilespmem:$0x18000] =	vst v63  }
0x62: {  	s8 =	smov.u32 s0  }
0x63: {  	p1 =	sne.s32 s0, $0x13800;
	s0 =	sadd.s32 $0x400, s0;
	_ =	swait.ge [sflag:s26], $0x2000  }
0x64: {  	s8 =	sshra.s32 s8, $0x2;
	[sflag:s26] =	ssyncset.done $0x0  }
0x65: {  	s10 =	sadd.s32 $0x5000, s8;
	[sflag:s26] =	ssyncadd.s32 $0xFFFFE000  }
0x66: {  	[spmem:s1] =	stream.indirect.scatter.add.f32 [tilespmem:s23], [sflag:$0x3], $0x40, s10, s24, $0xb8;
	[tilespmem:$0x18000] =	vst v63  }
0x67: {  	_ =	swait.ge [sflag:s21], $0x2000  }
0x68: {  	[sflag:s21] =	ssyncset.done $0x0  }
0x69: {  	s10 =	sadd.s32 $0x100, s8;
	[sflag:s21] =	ssyncadd.s32 $0xFFFFE000  }
0x6a: {  	[tilespmem:s23], [sflag:$0x1] =	stream.indirect.gather [hbm4b:s6+s24], $0x40, s10, s24, $0xb8;
	[tilespmem:$0x18000] =	vst v63  }
0x6b: {  	_ =	swait.ge [sflag:s28], $0x2000  }
0x6c: {  	[sflag:s28] =	ssyncset.done $0x0  }
.Ltmp4:
0x6d: {  	s10 =	sadd.s32 $0x5080, s8;
	[sflag:s28] =	ssyncadd.s32 $0xFFFFE000;
	(pc) =	sbr.rel @p1 .LBB2_14-.Ltmp4, $4  }
0x6e: {  	[spmem:s1] =	stream.indirect.scatter.add.f32 [tilespmem:s25], [sflag:$0x3], $0x40, s10, s24, $0xb8;
	[tilespmem:$0x18000] =	vst v63  }
0x6f: {  	_ =	swait.ge [sflag:s21], $0x2000  }
0x70: {  	[sflag:s21] =	ssyncset.done $0x0  }
0x71: {  	s8 =	sadd.s32 $0x180, s8;
	[sflag:s21] =	ssyncadd.s32 $0xFFFFE000  }
0x72: {  	[tilespmem:s25], [sflag:$0x2] =	stream.indirect.gather [hbm4b:s6+s24], $0x40, s8, s24, $0xb8;
	[tilespmem:$0x18000] =	vst v63  }
0x73: {  	_ =	swait.ge [sflag:s26], $0x2000  }
0x74: {  	[sflag:s26] =	ssyncset.done $0x0  }
0x75: {  	[sflag:s26] =	ssyncadd.s32 $0xFFFFE000  }
0x76: {  	[spmem:s1] =	stream.indirect.scatter.add.f32 [tilespmem:s23], [sflag:$0x3], $0x40, s29, s24, $0xb8;
	[tilespmem:$0x18000] =	vst v63  }
0x77: {  	_ =	swait.ge [sflag:s21], $0x2000  }
0x78: {  	[sflag:s21] =	ssyncset.done $0x0  }
0x79: {  	[sflag:s21] =	ssyncadd.s32 $0xFFFFE000  }
0x7a: {  	_ =	swait.ge [sflag:s28], $0x2000  }
0x7b: {  	[sflag:s28] =	ssyncset.done $0x0  }
0x7c: {  	[sflag:s28] =	ssyncadd.s32 $0xFFFFE000  }
0x7d: {  	[spmem:s1] =	stream.indirect.scatter.add.f32 [tilespmem:s25], [sflag:$0x3], $0x40, s30, s24, $0xb8;
	[tilespmem:$0x18000] =	vst v63  }
0x7e: {  	_ =	swait.ge [sflag:s21], $0x2000  }
0x7f: {  	[sflag:s21] =	ssyncset.done $0x0  }
0x80: {  	s0 =	sshll.u32 s2, $0x6;
	[sflag:s21] =	ssyncadd.s32 $0xFFFFE000  }
0x81: {  	s22 =	sshrl.u32 s13, $0x3;
	s0 =	sor.u32 $0x1C03, s0;
	[bflag:$0x0] =	sbarrier.arrive $0xFFFF  }
0x82: {  	[hbm:s19], [sflag:s0] =	dma.local [spmem:s22], $0x1400  }
0x83: {  	_ =	swait.ge [sflag:s21], $0x1400  }
0x84: {  	[sflag:s21] =	ssyncset.done $0x0  }
0x85: {  	[sflag:s21] =	ssyncadd.s32 $0xFFFFEC00  }
0x86: {  	s8 =	simm.s32 $0x100;
	s22 =	simm.s32 $0x0;
	[bflag:$0x0] =	sbarrier.arrive $0xFFFF  }
.LBB2_16:
0x87: {  	p1 =	sne.s32 s8, $0x7F00;
	[tilespmem:s22+$0xA030] =	vst v0;
	s10 =	smov.u32 s8;
	s8 =	sadd.s32 $0x100, s8  }
.Ltmp5:
0x88: {  	[tilespmem:s22+$0xA020] =	vst v0;
	(pc) =	sbr.rel @p1 .LBB2_16-.Ltmp5, $3  }
0x89: {  	[tilespmem:s22+$0xA000] =	vst v0  }
0x8a: {  	[tilespmem:s22+$0xA010] =	vst v0;
	_ =	sdelay $0x1  }
0x8b: {  	s22 =	sshra.s32 s10, $0x2  }
0x8c: {  	[tilespmem:s22+$0xA030] =	vst v0  }
0x8d: {  	[tilespmem:s22+$0xA020] =	vst v0  }
0x8e: {  	[tilespmem:s22+$0xA000] =	vst v0  }
0x8f: {  	[tilespmem:s22+$0xA010] =	vst v0  }
0x90: {  	[spmem:s13] =	stream.linear.scatter [tilespmem:s23], [sflag:$0x3], $0x2000, $0x38;
	[tilespmem:$0x18000] =	vst v63  }
0x91: {  	_ =	swait.ge [sflag:s21], $0x2000  }
0x92: {  	[sflag:s21] =	ssyncset.done $0x0  }
0x93: {  	[sflag:s21] =	ssyncadd.s32 $0xFFFFE000  }
0x94: {  	[spmem:s14] =	stream.linear.scatter [tilespmem:s23], [sflag:$0x3], $0x2000, $0x38;
	[tilespmem:$0x18000] =	vst v63  }
0x95: {  	_ =	swait.ge [sflag:s21], $0x2000  }
0x96: {  	[sflag:s21] =	ssyncset.done $0x0  }
0x97: {  	[sflag:s21] =	ssyncadd.s32 $0xFFFFE000  }
0x98: {  	[spmem:s15] =	stream.linear.scatter [tilespmem:s23], [sflag:$0x3], $0x2000, $0x38;
	[tilespmem:$0x18000] =	vst v63  }
0x99: {  	_ =	swait.ge [sflag:s21], $0x2000  }
0x9a: {  	[sflag:s21] =	ssyncset.done $0x0  }
0x9b: {  	[sflag:s21] =	ssyncadd.s32 $0xFFFFE000  }
0x9c: {  	[spmem:s16] =	stream.linear.scatter [tilespmem:s23], [sflag:$0x3], $0x2000, $0x38;
	[tilespmem:$0x18000] =	vst v63  }
0x9d: {  	_ =	swait.ge [sflag:s21], $0x2000  }
0x9e: {  	[sflag:s21] =	ssyncset.done $0x0  }
0x9f: {  	[sflag:s21] =	ssyncadd.s32 $0xFFFFE000  }
0xa0: {  	[spmem:s17] =	stream.linear.scatter [tilespmem:s23], [sflag:$0x3], $0x2000, $0x38;
	[tilespmem:$0x18000] =	vst v63  }
0xa1: {  	_ =	swait.ge [sflag:s21], $0x2000  }
0xa2: {  	[sflag:s21] =	ssyncset.done $0x0  }
0xa3: {  	[sflag:s21] =	ssyncadd.s32 $0xFFFFE000  }
0xa4: {  	s8 =	simm.s32 $0x0;
	[bflag:$0x0] =	sbarrier.arrive $0xFFFF  }
0xa5: {  	[tilespmem:s23], [sflag:$0x1] =	stream.indirect.gather [hbm4b:s7+s24], $0x40, s8, s24, $0xb8;
	[tilespmem:$0x18000] =	vst v63  }
0xa6: {  	_ = 	snop  }
0xa7: {  	[tilespmem:s25], [sflag:$0x2] =	stream.indirect.gather [hbm4b:s7+s24], $0x40, s24, s24, $0xb8;
	[tilespmem:$0x18000] =	vst v63  }
0xa8: {  	_ =	swait.ge [sflag:s26], $0x2000  }
0xa9: {  	[sflag:s26] =	ssyncset.done $0x0  }
0xaa: {  	s22 =	simm.s32 $0x5000;
	[sflag:s26] =	ssyncadd.s32 $0xFFFFE000  }
0xab: {  	[spmem:s1] =	stream.indirect.scatter.add.f32 [tilespmem:s23], [sflag:$0x3], $0x40, s22, s24, $0xb8;
	[tilespmem:$0x18000] =	vst v63  }
0xac: {  	_ =	swait.ge [sflag:s21], $0x2000  }
0xad: {  	[sflag:s21] =	ssyncset.done $0x0  }
0xae: {  	s10 =	simm.s32 $0x100;
	[sflag:s21] =	ssyncadd.s32 $0xFFFFE000  }
0xaf: {  	[tilespmem:s23], [sflag:$0x1] =	stream.indirect.gather [hbm4b:s7+s24], $0x40, s10, s24, $0xb8;
	[tilespmem:$0x18000] =	vst v63  }
0xb0: {  	_ =	swait.ge [sflag:s28], $0x2000  }
0xb1: {  	[sflag:s28] =	ssyncset.done $0x0  }
0xb2: {  	s22 =	simm.s32 $0x5080;
	[sflag:s28] =	ssyncadd.s32 $0xFFFFE000  }
0xb3: {  	[spmem:s1] =	stream.indirect.scatter.add.f32 [tilespmem:s25], [sflag:$0x3], $0x40, s22, s24, $0xb8;
	[tilespmem:$0x18000] =	vst v63  }
0xb4: {  	_ =	swait.ge [sflag:s21], $0x2000  }
0xb5: {  	[sflag:s21] =	ssyncset.done $0x0  }
0xb6: {  	s8 =	simm.s32 $0x180;
	s22 =	simm.s32 $0x400;
	[sflag:s21] =	ssyncadd.s32 $0xFFFFE000  }
.LBB2_18:
0xb7: {  	[tilespmem:s25], [sflag:$0x2] =	stream.indirect.gather [hbm4b:s7+s24], $0x40, s8, s24, $0xb8;
	[tilespmem:$0x18000] =	vst v63  }
0xb8: {  	s8 =	smov.u32 s22  }
0xb9: {  	p1 =	sne.s32 s22, $0x13800;
	s22 =	sadd.s32 $0x400, s22;
	_ =	swait.ge [sflag:s26], $0x2000  }
0xba: {  	s8 =	sshra.s32 s8, $0x2;
	[sflag:s26] =	ssyncset.done $0x0  }
0xbb: {  	s10 =	sadd.s32 $0x5000, s8;
	[sflag:s26] =	ssyncadd.s32 $0xFFFFE000  }
0xbc: {  	[spmem:s1] =	stream.indirect.scatter.add.f32 [tilespmem:s23], [sflag:$0x3], $0x40, s10, s24, $0xb8;
	[tilespmem:$0x18000] =	vst v63  }
0xbd: {  	_ =	swait.ge [sflag:s21], $0x2000  }
0xbe: {  	[sflag:s21] =	ssyncset.done $0x0  }
0xbf: {  	s10 =	sadd.s32 $0x100, s8;
	[sflag:s21] =	ssyncadd.s32 $0xFFFFE000  }
0xc0: {  	[tilespmem:s23], [sflag:$0x1] =	stream.indirect.gather [hbm4b:s7+s24], $0x40, s10, s24, $0xb8;
	[tilespmem:$0x18000] =	vst v63  }
0xc1: {  	_ =	swait.ge [sflag:s28], $0x2000  }
0xc2: {  	[sflag:s28] =	ssyncset.done $0x0  }
.Ltmp6:
0xc3: {  	s10 =	sadd.s32 $0x5080, s8;
	[sflag:s28] =	ssyncadd.s32 $0xFFFFE000;
	(pc) =	sbr.rel @p1 .LBB2_18-.Ltmp6, $4  }
0xc4: {  	[spmem:s1] =	stream.indirect.scatter.add.f32 [tilespmem:s25], [sflag:$0x3], $0x40, s10, s24, $0xb8;
	[tilespmem:$0x18000] =	vst v63  }
0xc5: {  	_ =	swait.ge [sflag:s21], $0x2000  }
0xc6: {  	[sflag:s21] =	ssyncset.done $0x0  }
0xc7: {  	s8 =	sadd.s32 $0x180, s8;
	[sflag:s21] =	ssyncadd.s32 $0xFFFFE000  }
.Ltmp7:
0xc8: {  	_ = 	snop;
	(pc) =	sbr.rel .LBB2_19-.Ltmp7, $1  }
0xc9: {  	_ =	sdelay $0x3  }
.LBB2_2:
0xca: {  	s22 =	simm.s32 $0x100;
	s0 =	simm.s32 $0x0  }
.LBB2_3:
0xcb: {  	p1 =	sne.s32 s22, $0x7F00;
	[tilespmem:s0+$0xA030] =	vst v0;
	s8 =	smov.u32 s22;
	s22 =	sadd.s32 $0x100, s22  }
.Ltmp8:
0xcc: {  	[tilespmem:s0+$0xA020] =	vst v0;
	(pc) =	sbr.rel @p1 .LBB2_3-.Ltmp8, $3  }
0xcd: {  	[tilespmem:s0+$0xA000] =	vst v0  }
0xce: {  	[tilespmem:s0+$0xA010] =	vst v0;
	_ =	sdelay $0x1  }
0xcf: {  	s0 =	sshra.s32 s8, $0x2  }
0xd0: {  	[tilespmem:s0+$0xA030] =	vst v0  }
0xd1: {  	[tilespmem:s0+$0xA020] =	vst v0  }
0xd2: {  	[tilespmem:s0+$0xA000] =	vst v0  }
0xd3: {  	[tilespmem:s0+$0xA010] =	vst v0  }
0xd4: {  	[spmem:s13] =	stream.linear.scatter [tilespmem:s23], [sflag:$0x3], $0x2000, $0x38;
	[tilespmem:$0x18000] =	vst v63  }
0xd5: {  	_ =	swait.ge [sflag:s21], $0x2000  }
0xd6: {  	[sflag:s21] =	ssyncset.done $0x0  }
0xd7: {  	[sflag:s21] =	ssyncadd.s32 $0xFFFFE000  }
0xd8: {  	[spmem:s14] =	stream.linear.scatter [tilespmem:s23], [sflag:$0x3], $0x2000, $0x38;
	[tilespmem:$0x18000] =	vst v63  }
0xd9: {  	_ =	swait.ge [sflag:s21], $0x2000  }
0xda: {  	[sflag:s21] =	ssyncset.done $0x0  }
0xdb: {  	[sflag:s21] =	ssyncadd.s32 $0xFFFFE000  }
0xdc: {  	[spmem:s15] =	stream.linear.scatter [tilespmem:s23], [sflag:$0x3], $0x2000, $0x38;
	[tilespmem:$0x18000] =	vst v63  }
0xdd: {  	_ =	swait.ge [sflag:s21], $0x2000  }
0xde: {  	[sflag:s21] =	ssyncset.done $0x0  }
0xdf: {  	[sflag:s21] =	ssyncadd.s32 $0xFFFFE000  }
0xe0: {  	[spmem:s16] =	stream.linear.scatter [tilespmem:s23], [sflag:$0x3], $0x2000, $0x38;
	[tilespmem:$0x18000] =	vst v63  }
0xe1: {  	_ =	swait.ge [sflag:s21], $0x2000  }
0xe2: {  	[sflag:s21] =	ssyncset.done $0x0  }
0xe3: {  	[sflag:s21] =	ssyncadd.s32 $0xFFFFE000  }
0xe4: {  	[spmem:s17] =	stream.linear.scatter [tilespmem:s23], [sflag:$0x3], $0x2000, $0x38;
	[tilespmem:$0x18000] =	vst v63  }
0xe5: {  	_ =	swait.ge [sflag:s21], $0x2000  }
0xe6: {  	[sflag:s21] =	ssyncset.done $0x0  }
0xe7: {  	[sflag:s21] =	ssyncadd.s32 $0xFFFFE000  }
0xe8: {  	s22 =	simm.s32 $0x0;
	[bflag:$0x0] =	sbarrier.arrive $0xFFFF  }
0xe9: {  	[tilespmem:s23], [sflag:$0x1] =	stream.indirect.gather [hbm4b:s4+s24], $0x40, s22, s24, $0xb8;
	[tilespmem:$0x18000] =	vst v63  }
0xea: {  	_ = 	snop  }
0xeb: {  	[tilespmem:s25], [sflag:$0x2] =	stream.indirect.gather [hbm4b:s4+s24], $0x40, s24, s24, $0xb8;
	[tilespmem:$0x18000] =	vst v63  }
0xec: {  	_ =	swait.ge [sflag:s26], $0x2000  }
0xed: {  	[sflag:s26] =	ssyncset.done $0x0  }
0xee: {  	s8 =	simm.s32 $0x5000;
	[sflag:s26] =	ssyncadd.s32 $0xFFFFE000  }
0xef: {  	[spmem:s1] =	stream.indirect.scatter.add.f32 [tilespmem:s23], [sflag:$0x3], $0x40, s8, s24, $0xb8;
	[tilespmem:$0x18000] =	vst v63  }
0xf0: {  	_ =	swait.ge [sflag:s21], $0x2000  }
0xf1: {  	[sflag:s21] =	ssyncset.done $0x0  }
0xf2: {  	s10 =	simm.s32 $0x100;
	[sflag:s21] =	ssyncadd.s32 $0xFFFFE000  }
0xf3: {  	[tilespmem:s23], [sflag:$0x1] =	stream.indirect.gather [hbm4b:s4+s24], $0x40, s10, s24, $0xb8;
	[tilespmem:$0x18000] =	vst v63  }
0xf4: {  	_ =	swait.ge [sflag:s28], $0x2000  }
0xf5: {  	[sflag:s28] =	ssyncset.done $0x0  }
0xf6: {  	s22 =	simm.s32 $0x5080;
	[sflag:s28] =	ssyncadd.s32 $0xFFFFE000  }
0xf7: {  	[spmem:s1] =	stream.indirect.scatter.add.f32 [tilespmem:s25], [sflag:$0x3], $0x40, s22, s24, $0xb8;
	[tilespmem:$0x18000] =	vst v63  }
0xf8: {  	_ =	swait.ge [sflag:s21], $0x2000  }
0xf9: {  	[sflag:s21] =	ssyncset.done $0x0  }
0xfa: {  	s0 =	simm.s32 $0x400;
	s8 =	simm.s32 $0x180;
	[sflag:s21] =	ssyncadd.s32 $0xFFFFE000  }
.LBB2_5:
0xfb: {  	[tilespmem:s25], [sflag:$0x2] =	stream.indirect.gather [hbm4b:s4+s24], $0x40, s8, s24, $0xb8;
	[tilespmem:$0x18000] =	vst v63  }
0xfc: {  	s8 =	smov.u32 s0  }
0xfd: {  	p1 =	sne.s32 s0, $0x13800;
	s0 =	sadd.s32 $0x400, s0;
	_ =	swait.ge [sflag:s26], $0x2000  }
0xfe: {  	s8 =	sshra.s32 s8, $0x2;
	[sflag:s26] =	ssyncset.done $0x0  }
0xff: {  	s22 =	sadd.s32 $0x5000, s8;
	[sflag:s26] =	ssyncadd.s32 $0xFFFFE000  }
0x100: {  	[spmem:s1] =	stream.indirect.scatter.add.f32 [tilespmem:s23], [sflag:$0x3], $0x40, s22, s24, $0xb8;
	[tilespmem:$0x18000] =	vst v63  }
0x101: {  	_ =	swait.ge [sflag:s21], $0x2000  }
0x102: {  	[sflag:s21] =	ssyncset.done $0x0  }
0x103: {  	s22 =	sadd.s32 $0x100, s8;
	[sflag:s21] =	ssyncadd.s32 $0xFFFFE000  }
0x104: {  	[tilespmem:s23], [sflag:$0x1] =	stream.indirect.gather [hbm4b:s4+s24], $0x40, s22, s24, $0xb8;
	[tilespmem:$0x18000] =	vst v63  }
0x105: {  	_ =	swait.ge [sflag:s28], $0x2000  }
0x106: {  	[sflag:s28] =	ssyncset.done $0x0  }
.Ltmp9:
0x107: {  	s22 =	sadd.s32 $0x5080, s8;
	[sflag:s28] =	ssyncadd.s32 $0xFFFFE000;
	(pc) =	sbr.rel @p1 .LBB2_5-.Ltmp9, $4  }
0x108: {  	[spmem:s1] =	stream.indirect.scatter.add.f32 [tilespmem:s25], [sflag:$0x3], $0x40, s22, s24, $0xb8;
	[tilespmem:$0x18000] =	vst v63  }
0x109: {  	_ =	swait.ge [sflag:s21], $0x2000  }
0x10a: {  	[sflag:s21] =	ssyncset.done $0x0  }
0x10b: {  	s8 =	sadd.s32 $0x180, s8;
	[sflag:s21] =	ssyncadd.s32 $0xFFFFE000  }
0x10c: {  	[tilespmem:s25], [sflag:$0x2] =	stream.indirect.gather [hbm4b:s4+s24], $0x40, s8, s24, $0xb8;
	[tilespmem:$0x18000] =	vst v63  }
0x10d: {  	_ =	swait.ge [sflag:s26], $0x2000  }
0x10e: {  	[sflag:s26] =	ssyncset.done $0x0  }
0x10f: {  	[sflag:s26] =	ssyncadd.s32 $0xFFFFE000  }
0x110: {  	[spmem:s1] =	stream.indirect.scatter.add.f32 [tilespmem:s23], [sflag:$0x3], $0x40, s29, s24, $0xb8;
	[tilespmem:$0x18000] =	vst v63  }
0x111: {  	_ =	swait.ge [sflag:s21], $0x2000  }
0x112: {  	[sflag:s21] =	ssyncset.done $0x0  }
0x113: {  	[sflag:s21] =	ssyncadd.s32 $0xFFFFE000  }
0x114: {  	_ =	swait.ge [sflag:s28], $0x2000  }
0x115: {  	[sflag:s28] =	ssyncset.done $0x0  }
0x116: {  	[sflag:s28] =	ssyncadd.s32 $0xFFFFE000  }
0x117: {  	[spmem:s1] =	stream.indirect.scatter.add.f32 [tilespmem:s25], [sflag:$0x3], $0x40, s30, s24, $0xb8;
	[tilespmem:$0x18000] =	vst v63  }
0x118: {  	_ =	swait.ge [sflag:s21], $0x2000  }
0x119: {  	[sflag:s21] =	ssyncset.done $0x0  }
0x11a: {  	s0 =	sshll.u32 s2, $0x6;
	[sflag:s21] =	ssyncadd.s32 $0xFFFFE000  }
0x11b: {  	s22 =	sshrl.u32 s13, $0x3;
	s0 =	sor.u32 $0x1C03, s0;
	[bflag:$0x0] =	sbarrier.arrive $0xFFFF  }
0x11c: {  	[hbm:s18], [sflag:s0] =	dma.local [spmem:s22], $0x1400  }
0x11d: {  	_ =	swait.ge [sflag:s21], $0x1400  }
0x11e: {  	[sflag:s21] =	ssyncset.done $0x0  }
0x11f: {  	[sflag:s21] =	ssyncadd.s32 $0xFFFFEC00  }
0x120: {  	s8 =	simm.s32 $0x100;
	s22 =	simm.s32 $0x0;
	[bflag:$0x0] =	sbarrier.arrive $0xFFFF  }
.LBB2_7:
0x121: {  	p1 =	sne.s32 s8, $0x7F00;
	[tilespmem:s22+$0xA030] =	vst v0;
	s10 =	smov.u32 s8;
	s8 =	sadd.s32 $0x100, s8  }
.Ltmp10:
0x122: {  	[tilespmem:s22+$0xA020] =	vst v0;
	(pc) =	sbr.rel @p1 .LBB2_7-.Ltmp10, $3  }
0x123: {  	[tilespmem:s22+$0xA000] =	vst v0  }
0x124: {  	[tilespmem:s22+$0xA010] =	vst v0;
	_ =	sdelay $0x1  }
0x125: {  	s22 =	sshra.s32 s10, $0x2  }
0x126: {  	[tilespmem:s22+$0xA030] =	vst v0  }
0x127: {  	[tilespmem:s22+$0xA020] =	vst v0  }
0x128: {  	[tilespmem:s22+$0xA000] =	vst v0  }
0x129: {  	[tilespmem:s22+$0xA010] =	vst v0  }
0x12a: {  	[spmem:s13] =	stream.linear.scatter [tilespmem:s23], [sflag:$0x3], $0x2000, $0x38;
	[tilespmem:$0x18000] =	vst v63  }
0x12b: {  	_ =	swait.ge [sflag:s21], $0x2000  }
0x12c: {  	[sflag:s21] =	ssyncset.done $0x0  }
0x12d: {  	[sflag:s21] =	ssyncadd.s32 $0xFFFFE000  }
0x12e: {  	[spmem:s14] =	stream.linear.scatter [tilespmem:s23], [sflag:$0x3], $0x2000, $0x38;
	[tilespmem:$0x18000] =	vst v63  }
0x12f: {  	_ =	swait.ge [sflag:s21], $0x2000  }
0x130: {  	[sflag:s21] =	ssyncset.done $0x0  }
0x131: {  	[sflag:s21] =	ssyncadd.s32 $0xFFFFE000  }
0x132: {  	[spmem:s15] =	stream.linear.scatter [tilespmem:s23], [sflag:$0x3], $0x2000, $0x38;
	[tilespmem:$0x18000] =	vst v63  }
0x133: {  	_ =	swait.ge [sflag:s21], $0x2000  }
0x134: {  	[sflag:s21] =	ssyncset.done $0x0  }
0x135: {  	[sflag:s21] =	ssyncadd.s32 $0xFFFFE000  }
0x136: {  	[spmem:s16] =	stream.linear.scatter [tilespmem:s23], [sflag:$0x3], $0x2000, $0x38;
	[tilespmem:$0x18000] =	vst v63  }
0x137: {  	_ =	swait.ge [sflag:s21], $0x2000  }
0x138: {  	[sflag:s21] =	ssyncset.done $0x0  }
0x139: {  	[sflag:s21] =	ssyncadd.s32 $0xFFFFE000  }
0x13a: {  	[spmem:s17] =	stream.linear.scatter [tilespmem:s23], [sflag:$0x3], $0x2000, $0x38;
	[tilespmem:$0x18000] =	vst v63  }
0x13b: {  	_ =	swait.ge [sflag:s21], $0x2000  }
0x13c: {  	[sflag:s21] =	ssyncset.done $0x0  }
0x13d: {  	[sflag:s21] =	ssyncadd.s32 $0xFFFFE000  }
0x13e: {  	s8 =	simm.s32 $0x0;
	[bflag:$0x0] =	sbarrier.arrive $0xFFFF  }
0x13f: {  	[tilespmem:s23], [sflag:$0x1] =	stream.indirect.gather [hbm4b:s5+s24], $0x40, s8, s24, $0xb8;
	[tilespmem:$0x18000] =	vst v63  }
0x140: {  	_ = 	snop  }
0x141: {  	[tilespmem:s25], [sflag:$0x2] =	stream.indirect.gather [hbm4b:s5+s24], $0x40, s24, s24, $0xb8;
	[tilespmem:$0x18000] =	vst v63  }
0x142: {  	_ =	swait.ge [sflag:s26], $0x2000  }
0x143: {  	[sflag:s26] =	ssyncset.done $0x0  }
0x144: {  	s22 =	simm.s32 $0x5000;
	[sflag:s26] =	ssyncadd.s32 $0xFFFFE000  }
0x145: {  	[spmem:s1] =	stream.indirect.scatter.add.f32 [tilespmem:s23], [sflag:$0x3], $0x40, s22, s24, $0xb8;
	[tilespmem:$0x18000] =	vst v63  }
0x146: {  	_ =	swait.ge [sflag:s21], $0x2000  }
0x147: {  	[sflag:s21] =	ssyncset.done $0x0  }
0x148: {  	s10 =	simm.s32 $0x100;
	[sflag:s21] =	ssyncadd.s32 $0xFFFFE000  }
0x149: {  	[tilespmem:s23], [sflag:$0x1] =	stream.indirect.gather [hbm4b:s5+s24], $0x40, s10, s24, $0xb8;
	[tilespmem:$0x18000] =	vst v63  }
0x14a: {  	_ =	swait.ge [sflag:s28], $0x2000  }
0x14b: {  	[sflag:s28] =	ssyncset.done $0x0  }
0x14c: {  	s22 =	simm.s32 $0x5080;
	[sflag:s28] =	ssyncadd.s32 $0xFFFFE000  }
0x14d: {  	[spmem:s1] =	stream.indirect.scatter.add.f32 [tilespmem:s25], [sflag:$0x3], $0x40, s22, s24, $0xb8;
	[tilespmem:$0x18000] =	vst v63  }
0x14e: {  	_ =	swait.ge [sflag:s21], $0x2000  }
0x14f: {  	[sflag:s21] =	ssyncset.done $0x0  }
0x150: {  	s8 =	simm.s32 $0x180;
	s22 =	simm.s32 $0x400;
	[sflag:s21] =	ssyncadd.s32 $0xFFFFE000  }
.LBB2_9:
0x151: {  	[tilespmem:s25], [sflag:$0x2] =	stream.indirect.gather [hbm4b:s5+s24], $0x40, s8, s24, $0xb8;
	[tilespmem:$0x18000] =	vst v63  }
0x152: {  	s8 =	smov.u32 s22  }
0x153: {  	p1 =	seq.s32 s22, $0x13800;
	s22 =	sadd.s32 $0x400, s22;
	_ =	swait.ge [sflag:s26], $0x2000  }
0x154: {  	s8 =	sshra.s32 s8, $0x2;
	[sflag:s26] =	ssyncset.done $0x0  }
0x155: {  	s10 =	sadd.s32 $0x5000, s8;
	[sflag:s26] =	ssyncadd.s32 $0xFFFFE000  }
0x156: {  	[spmem:s1] =	stream.indirect.scatter.add.f32 [tilespmem:s23], [sflag:$0x3], $0x40, s10, s24, $0xb8;
	[tilespmem:$0x18000] =	vst v63  }
0x157: {  	_ =	swait.ge [sflag:s21], $0x2000  }
0x158: {  	[sflag:s21] =	ssyncset.done $0x0  }
0x159: {  	s10 =	sadd.s32 $0x100, s8;
	[sflag:s21] =	ssyncadd.s32 $0xFFFFE000  }
0x15a: {  	[tilespmem:s23], [sflag:$0x1] =	stream.indirect.gather [hbm4b:s5+s24], $0x40, s10, s24, $0xb8;
	[tilespmem:$0x18000] =	vst v63  }
0x15b: {  	_ =	swait.ge [sflag:s28], $0x2000  }
0x15c: {  	[sflag:s28] =	ssyncset.done $0x0  }
.Ltmp11:
0x15d: {  	s10 =	sadd.s32 $0x5080, s8;
	[sflag:s28] =	ssyncadd.s32 $0xFFFFE000;
	(pc) =	sbr.rel @!p1 .LBB2_9-.Ltmp11, $4  }
0x15e: {  	[spmem:s1] =	stream.indirect.scatter.add.f32 [tilespmem:s25], [sflag:$0x3], $0x40, s10, s24, $0xb8;
	[tilespmem:$0x18000] =	vst v63  }
0x15f: {  	_ =	swait.ge [sflag:s21], $0x2000  }
0x160: {  	[sflag:s21] =	ssyncset.done $0x0  }
0x161: {  	s8 =	sadd.s32 $0x180, s8;
	[sflag:s21] =	ssyncadd.s32 $0xFFFFE000  }
.Ltmp12:
0x162: {  	(pc) =	sbr.rel .LBB2_20-.Ltmp12, $3  }
0x163: {  	_ =	sdelay $0x1  }
0x164: {  	[tilespmem:s25], [sflag:$0x2] =	stream.indirect.gather [hbm4b:s5+s24], $0x40, s8, s24, $0xb8;
	[tilespmem:$0x18000] =	vst v63  }
0x165: {  	s8 =	rddreg [dreg:$0x3]  }
.LBB2_21:
0x166: {  	_ =	sfence.sel $0x180000  }
0x167: {  	[bflag:$0x0] =	sbarrier.arrive $0xFFFF  }
0x168: {  	_ =	strace $0x90000050  }
0x169: {  	[bflag:$0x2] =	sbarrier.arrive $0xFFFF  }
0x16a: {  	p0 =	sne.s32 s2, $0x0;
	s0 =	rddreg [dreg:$0x2]  }
0x16b: {  	s0 =	sadd.s32 @!p0 $0x100000, s0  }
0x16c: {  	[sflag:s0] =	ssyncadd.tile.s32 @!p0 $0x1;
	_ =	shalt  }
.Lfunc_end2:
_tile_overlayer_lowered:
.L_overlay_start_2:
0x16d: {  	(tag) =	ssettag $0x2  }
0x16e: {  	s0 =	rddreg [dreg:$0x0];
	s2 =	stileid.u32  }
0x16f: {  	s1 =	rddreg [dreg:$0x1];
	p0 =	sne.s32 s2, $0x0  }
0x170: {  	s3 =	rddreg [dreg:$0x2];
	[bflag:$0x3] =	sbarrier.arrive $0xFFFF;
	s2 =	simm.s32 @!p0 $0x1C03  }
0x171: {  	[timem:s3], [sflag:s2] =	dma.local @!p0 [hbm:s0], s1  }
0x172: {  	s0 =	simm.s32 @!p0 $0x3  }
0x173: {  	_ =	swait.ge @!p0 [sflag:s0], s1  }
0x174: {  	s1 =	ssub.s32 @!p0 $0x0, s1;
	[sflag:s0] =	ssyncset.done @!p0 $0x0  }
0x175: {  	[sflag:s0] =	ssyncadd.s32 @!p0 s1  }
0x176: {  	[bflag:$0x3] =	sbarrier.arrive $0xFFFF  }
0x177: {  	_ =	shalt  }

</sc_bundles>
